<compile_context>
chip_gen: v7x
topology: tpu7x:2x2x1
jax: 0.10.2.dev20260603
libtpu: 0.0.44.dev20260713+nightly
codegen_flags: <defaults>
</compile_context>

<pallas_src>
import functools

import jax
import jax.numpy as jnp
from jax import lax
from jax.experimental import pallas as pl
from jax.experimental.pallas import tpu as pltpu
from jax.experimental.pallas import tpu_sc as plsc

N = 10000
E = 160000
D = 256
H = 128
N_PAD = 10112
E_PAD = 163840
CH = 128
CHUNKS = E_PAD // (16 * CH)
ROWS_Z = N_PAD // 16
ROWS_W = 632
ROWS_W_LAST = N - 15 * ROWS_W
HN = CHUNKS // 2
RB = 400
GRID = N // RB

_f32 = jnp.float32



def _dot_t(a, w):
    return lax.dot_general(a, w, (((1,), (1,)), ((), ())),
                           preferred_element_type=_f32)


def _mm1_body(x_ref, w1l_ref, w1r_ref, b1_ref, y0_ref, y1_ref, z1_ref):
    xb = x_ref[...]
    yl = _dot_t(xb, w1l_ref[...])
    y0_ref[...] = yl[:, :H]
    y1_ref[...] = yl[:, H:]
    z1_ref[...] = _dot_t(xb, w1r_ref[...]) + b1_ref[...]


def _mm1(x, w1l, w1r, b1r):
    return pl.pallas_call(
        _mm1_body,
        grid=(GRID,),
        in_specs=[
            pl.BlockSpec((RB, D), lambda i: (i, 0)),
            pl.BlockSpec((D, D), lambda i: (0, 0)),
            pl.BlockSpec((D, D), lambda i: (0, 0)),
            pl.BlockSpec((1, D), lambda i: (0, 0)),
        ],
        out_specs=[
            pl.BlockSpec((RB, H), lambda i: (i, 0)),
            pl.BlockSpec((RB, H), lambda i: (i, 0)),
            pl.BlockSpec((RB, D), lambda i: (i, 0)),
        ],
        out_shape=[
            jax.ShapeDtypeStruct((N, H), _f32),
            jax.ShapeDtypeStruct((N, H), _f32),
            jax.ShapeDtypeStruct((N, D), _f32),
        ],
    )(x, w1l, w1r, b1r)


def _mm2_body(a0_ref, a1_ref, z1_ref, deg_ref, w2l_ref, w2r_ref, b2_ref,
              y0_ref, y1_ref, z2_ref):
    dinv = 1.0 / jnp.maximum(deg_ref[...], 1.0)
    z1 = z1_ref[...]
    h0 = jnp.maximum(a0_ref[...] * dinv + z1[:, :H], 0.0)
    h1 = jnp.maximum(a1_ref[...] * dinv + z1[:, H:], 0.0)
    w2l = w2l_ref[...]
    w2r = w2r_ref[...]
    yl = _dot_t(h0, w2l[:, :H]) + _dot_t(h1, w2l[:, H:])
    y0_ref[...] = yl[:, :H]
    y1_ref[...] = yl[:, H:]
    z2_ref[...] = _dot_t(h0, w2r[:, :H]) + _dot_t(h1, w2r[:, H:]) + b2_ref[...]


def _mm2(a0, a1, z1, deg16, w2l, w2r, b2r):
    return pl.pallas_call(
        _mm2_body,
        grid=(GRID,),
        in_specs=[
            pl.BlockSpec((RB, H), lambda i: (i, 0)),
            pl.BlockSpec((RB, H), lambda i: (i, 0)),
            pl.BlockSpec((RB, D), lambda i: (i, 0)),
            pl.BlockSpec((RB, 1), lambda i: (i, 0)),
            pl.BlockSpec((D, D), lambda i: (0, 0)),
            pl.BlockSpec((D, D), lambda i: (0, 0)),
            pl.BlockSpec((1, D), lambda i: (0, 0)),
        ],
        out_specs=[
            pl.BlockSpec((RB, H), lambda i: (i, 0)),
            pl.BlockSpec((RB, H), lambda i: (i, 0)),
            pl.BlockSpec((RB, D), lambda i: (i, 0)),
        ],
        out_shape=[
            jax.ShapeDtypeStruct((N, H), _f32),
            jax.ShapeDtypeStruct((N, H), _f32),
            jax.ShapeDtypeStruct((N, D), _f32),
        ],
    )(a0, a1, z1, deg16, w2l, w2r, b2r)


def _mm3_body(a0_ref, a1_ref, z2_ref, deg_ref, out_ref):
    dinv = 1.0 / jnp.maximum(deg_ref[...], 1.0)
    z2 = z2_ref[...]
    out_ref[...] = jnp.concatenate(
        [a0_ref[...] * dinv + z2[:, :H], a1_ref[...] * dinv + z2[:, H:]],
        axis=1)


def _mm3(a0, a1, z2, deg16):
    return pl.pallas_call(
        _mm3_body,
        grid=(GRID,),
        in_specs=[
            pl.BlockSpec((RB, H), lambda i: (i, 0)),
            pl.BlockSpec((RB, H), lambda i: (i, 0)),
            pl.BlockSpec((RB, D), lambda i: (i, 0)),
            pl.BlockSpec((RB, 1), lambda i: (i, 0)),
        ],
        out_specs=pl.BlockSpec((RB, D), lambda i: (i, 0)),
        out_shape=jax.ShapeDtypeStruct((N, D), _f32),
    )(a0, a1, z2, deg16)



def _make_sc(with_deg: bool):
    mesh = plsc.VectorSubcoreMesh(core_axis_name="c", subcore_axis_name="s")
    out_type = [
        jax.ShapeDtypeStruct((N, H), _f32),
        jax.ShapeDtypeStruct((N, H), _f32),
    ]
    if with_deg:
        out_type.append(jax.ShapeDtypeStruct((N,), _f32))
    scratch = [
        pltpu.VMEM((HN + 8, CH), jnp.int32),
        pltpu.VMEM((HN, CH), jnp.int32),
        pltpu.VMEM((CH, H), _f32),
        pltpu.VMEM((CH, H), _f32),
        pltpu.VMEM((ROWS_Z + 8,), _f32),
        pltpu.VMEM((CH,), _f32),
        pltpu.VMEM_SHARED((N_PAD, H), _f32),
        pltpu.VMEM_SHARED((N_PAD,), _f32),
        pltpu.SemaphoreType.DMA,
        pltpu.SemaphoreType.DMA,
        pltpu.SemaphoreType.DMA,
        pltpu.SemaphoreType.DMA,
        pltpu.SemaphoreType.DMA,
        pltpu.SemaphoreType.DMA,
    ]

    def body(y0_hbm, y1_hbm, src_hbm, dst_hbm, agg0_hbm, agg1_hbm, *rest):
        if with_deg:
            deg_hbm = rest[0]
            rest = rest[1:]
        (src_all, dst_all, rows0, rows1, dbnc, ones_v,
         acc, dacc, gsem0, gsem1, ssem0, ssem1, dsem0, dsem1) = rest
        rows = rows0

        c = lax.axis_index("c")
        s = lax.axis_index("s")

        def zrow(r, carry):
            for j in range(H // 16):
                rows[r, pl.ds(j * 16, 16)] = jnp.zeros((16,), _f32)
            return carry

        lax.fori_loop(0, CH, zrow, 0)

        def zflat(r, carry):
            dbnc[pl.ds(r * 16, 16)] = jnp.zeros((16,), _f32)
            return carry

        lax.fori_loop(0, (ROWS_Z + 8) // 16, zflat, 0)

        z0 = s * ROWS_Z
        for k in range(ROWS_Z // CH):
            pltpu.sync_copy(rows, acc.at[pl.ds(z0 + k * CH, CH), :])
        zr = ROWS_Z % CH
        pltpu.sync_copy(rows.at[pl.ds(0, zr), :],
                        acc.at[pl.ds(z0 + (ROWS_Z // CH) * CH, zr), :])
        if with_deg:
            pltpu.sync_copy(dbnc.at[pl.ds(0, ROWS_Z)],
                            dacc.at[pl.ds(z0, ROWS_Z)])

            def onerow(r, carry):
                ones_v[pl.ds(r * 16, 16)] = jnp.full((16,), 1.0, _f32)
                return carry

            lax.fori_loop(0, CH // 16, onerow, 0)
        plsc.subcore_barrier()

        def gather_start(i_s, rbuf, gsem):
            @pl.when(c == 0)
            def _():
                pltpu.async_copy(y0_hbm.at[i_s], rbuf, gsem)

            @pl.when(c == 1)
            def _():
                pltpu.async_copy(y1_hbm.at[i_s], rbuf, gsem)

        def gather_wait(i_s, rbuf, gsem):
            pltpu.make_async_copy(y0_hbm.at[i_s], rbuf, gsem).wait()

        def scat_start(rbuf, i_d, ssem, dsem):
            pltpu.async_copy(rbuf, acc.at[i_d], ssem, add=True)
            if with_deg:
                @pl.when(c == 1)
                def _():
                    pltpu.async_copy(ones_v, dacc.at[i_d], dsem, add=True)

        def scat_wait(rbuf, i_d, ssem, dsem):
            pltpu.make_async_copy(rbuf, acc.at[i_d], ssem).wait()
            if with_deg:
                @pl.when(c == 1)
                def _():
                    pltpu.make_async_copy(ones_v, dacc.at[i_d], dsem).wait()

        def pair(g, carry):
            l1 = 2 * g + 1

            @pl.when(g > 0)
            def _():
                scat_wait(rows1, dst_all.at[0], ssem1, dsem1)

            gather_start(src_all.at[l1], rows1, gsem1)

            gather_wait(src_all.at[0], rows0, gsem0)
            scat_start(rows0, dst_all.at[2 * g], ssem0, dsem0)

            scat_wait(rows0, dst_all.at[0], ssem0, dsem0)
            gather_start(src_all.at[l1 + 1], rows0, gsem0)

            gather_wait(src_all.at[0], rows1, gsem1)
            scat_start(rows1, dst_all.at[l1], ssem1, dsem1)
            return carry

        for h in range(CHUNKS // HN):
            hbase = s * CHUNKS + h * HN
            pltpu.sync_copy(src_hbm.at[pl.ds(hbase, HN + 8), :], src_all)
            pltpu.sync_copy(dst_hbm.at[pl.ds(hbase, HN), :], dst_all)
            gather_start(src_all.at[0], rows0, gsem0)
            lax.fori_loop(0, HN // 2, pair, 0)
            gather_wait(src_all.at[0], rows0, gsem0)
            scat_wait(rows1, dst_all.at[0], ssem1, dsem1)
        plsc.subcore_barrier()

        w0 = s * ROWS_W

        def wb_chunk(off, rows_n):
            pltpu.sync_copy(acc.at[pl.ds(w0 + off, rows_n), :],
                            rows.at[pl.ds(0, rows_n), :])

            @pl.when(c == 0)
            def _():
                pltpu.sync_copy(rows.at[pl.ds(0, rows_n), :],
                                agg0_hbm.at[pl.ds(w0 + off, rows_n), :])

            @pl.when(c == 1)
            def _():
                pltpu.sync_copy(rows.at[pl.ds(0, rows_n), :],
                                agg1_hbm.at[pl.ds(w0 + off, rows_n), :])

        for k in range(4):
            wb_chunk(k * CH, CH)

        @pl.when(s < 15)
        def _():
            wb_chunk(4 * CH, ROWS_W - 4 * CH)

        @pl.when(s == 15)
        def _():
            wb_chunk(4 * CH, ROWS_W_LAST - 4 * CH)

        if with_deg:
            @pl.when(c == 1)
            def _():
                def wb_deg(rows_n):
                    pltpu.sync_copy(dacc.at[pl.ds(w0, rows_n)],
                                    dbnc.at[pl.ds(0, rows_n)])
                    pltpu.sync_copy(dbnc.at[pl.ds(0, rows_n)],
                                    deg_hbm.at[pl.ds(w0, rows_n)])

                @pl.when(s < 15)
                def _():
                    wb_deg(ROWS_W)

                @pl.when(s == 15)
                def _():
                    wb_deg(ROWS_W_LAST)

    return pl.kernel(body, out_type=out_type, mesh=mesh,
                     scratch_types=scratch)


_sc_deg = _make_sc(with_deg=True)
_sc_plain = _make_sc(with_deg=False)



@jax.jit
def kernel(x, edge_index, W1l, W1r, b1, W2l, W2r, b2):
    src = edge_index[0].astype(jnp.int32)
    dst = edge_index[1].astype(jnp.int32)
    pad = (16 * CHUNKS + 48) * CH - E
    src = jnp.concatenate([src, jnp.zeros((pad,), jnp.int32)]).reshape(-1, CH)
    dst = jnp.concatenate([dst, jnp.full((E_PAD - E,), N, jnp.int32)]).reshape(-1, CH)
    b1r = b1.reshape(1, D)
    b2r = b2.reshape(1, D)

    y0, y1, z1 = _mm1(x, W1l, W1r, b1r)
    a0, a1, deg = _sc_deg(y0, y1, src, dst)
    deg16 = deg.reshape(N, 1)
    y20, y21, z2 = _mm2(a0, a1, z1, deg16, W2l, W2r, b2r)
    a20, a21 = _sc_plain(y20, y21, src, dst)
    return _mm3(a20, a21, z2, deg16)

# --- scband reference (transcript-rebuilt; emitter-appended) ---
"""Pipeline reference for scband-gnn-16724602651115 (READ-ONLY COPY).

The authoritative reference and input builder live on the scoring server;
editing this copy changes nothing except your own understanding.
"""

import jax, jax.numpy as jnp
import numpy as np

N_NODES = 10000
N_EDGES = 160000
D = 256

def setup_inputs(seed: int = 0) -> dict:
    key = jax.random.key(seed)
    k = jax.random.split(key, 8)
    x = jax.random.normal(k[0], (N_NODES, D), dtype=jnp.float32)
    edge_index = jax.random.randint(k[1], (2, N_EDGES), 0, N_NODES, dtype=jnp.int64)
    W1l = jax.random.normal(k[2], (D, D), dtype=jnp.float32) * 0.05
    W1r = jax.random.normal(k[3], (D, D), dtype=jnp.float32) * 0.05
    b1 = jnp.zeros((D,), dtype=jnp.float32)
    W2l = jax.random.normal(k[4], (D, D), dtype=jnp.float32) * 0.05
    W2r = jax.random.normal(k[5], (D, D), dtype=jnp.float32) * 0.05
    b2 = jnp.zeros((D,), dtype=jnp.float32)
    return {"x": x, "edge_index": edge_index, "W1l": W1l, "W1r": W1r, "b1": b1, "W2l": W2l, "W2r": W2r, "b2": b2}

def _sage_conv(x, src, dst, deg_inv, Wl, Wr, b):
    # PyG SAGEConv with mean aggregation:
    # out = lin_l(mean_{j in N(i)} x_j) + lin_r(x_i) + bias
    msg = jnp.take(x, src, axis=0)                       # gather [E, D]
    agg = jax.ops.segment_sum(msg, dst, num_segments=N_NODES)  # scatter-add [N, D]
    agg = agg * deg_inv[:, None]                         # mean
    return agg @ Wl.T + x @ Wr.T + b

def reference(x, edge_index, W1l, W1r, b1, W2l, W2r, b2):
    src = edge_index[0]
    dst = edge_index[1]
    deg = jax.ops.segment_sum(jnp.ones((N_EDGES,), dtype=jnp.float32), dst, num_segments=N_NODES)
    deg_inv = 1.0 / jnp.maximum(deg, 1.0)
    h = _sage_conv(x, src, dst, deg_inv, W1l, W1r, b1)
    h = jax.nn.relu(h)
    out = _sage_conv(h, src, dst, deg_inv, W2l, W2r, b2)
    return out

if __name__ == "__main__":
    import jax
    _d = setup_inputs()
    print(jax.jit(kernel)(*tuple(_d.values())))

</pallas_src>

<mosaic_0001>
#map = affine_map<(d0, d1) -> (0, 0)>
#map1 = affine_map<(d0, d1) -> (0)>
module attributes {stable_mosaic.version = 14 : i64} {
  func.func @body(%arg0: i32, %arg1: i32, %arg2: memref<10000x128xf32, #tpu.memory_space<hbm>>, %arg3: memref<10000x128xf32, #tpu.memory_space<hbm>>, %arg4: memref<1328x128xi32, #tpu.memory_space<hbm>>, %arg5: memref<1280x128xi32, #tpu.memory_space<hbm>>, %arg6: memref<10000x128xf32, #tpu.memory_space<hbm>>, %arg7: memref<10000x128xf32, #tpu.memory_space<hbm>>, %arg8: memref<10000xf32, #tpu.memory_space<hbm>>, %arg9: memref<48x128xi32, #tpu.memory_space<vmem>>, %arg10: memref<40x128xi32, #tpu.memory_space<vmem>>, %arg11: memref<128x128xf32, #tpu.memory_space<vmem>>, %arg12: memref<128x128xf32, #tpu.memory_space<vmem>>, %arg13: memref<640xf32, #tpu.memory_space<vmem>>, %arg14: memref<128xf32, #tpu.memory_space<vmem>>, %arg15: memref<10112x128xf32, #tpu.memory_space<vmem_shared>>, %arg16: memref<10112xf32, #tpu.memory_space<vmem_shared>>, %arg17: memref<!tpu.dma_semaphore, #tpu.memory_space<semaphore_mem>>, %arg18: memref<!tpu.dma_semaphore, #tpu.memory_space<semaphore_mem>>, %arg19: memref<!tpu.dma_semaphore, #tpu.memory_space<semaphore_mem>>, %arg20: memref<!tpu.dma_semaphore, #tpu.memory_space<semaphore_mem>>, %arg21: memref<!tpu.dma_semaphore, #tpu.memory_space<semaphore_mem>>, %arg22: memref<!tpu.dma_semaphore, #tpu.memory_space<semaphore_mem>>) attributes {dimension_semantics = [#tpu.dimension_semantics<core_parallel>, #tpu.dimension_semantics<subcore_parallel>], iteration_bounds = array<i64: 2, 16>, scalar_prefetch = 0 : i64, scratch_operands = 14 : i64, tpu.core_type = #tpu.core_type<sc_vector_subcore>, window_params = [{transform_indices = #map}, {transform_indices = #map}, {transform_indices = #map}, {transform_indices = #map}, {transform_indices = #map}, {transform_indices = #map}, {transform_indices = #map1}]} {
    %scan3A = arith.constant 0 : i32
    %scan3A_0 = arith.constant 0 : i32
    %scan3A_1 = arith.constant 128 : i32
    %scan3A_2 = arith.addi %scan3A_0, %scan3A_1 : i32
    %scan3A_3 = arith.constant 1 : i32
    scf.for %scan3A_172 = %scan3A_0 to %scan3A_2 step %scan3A_3  : i32 {
      %broadcast_in_dim3A = arith.constant 0.000000e+00 : f32
      %broadcast_in_dim3A_173 = vector.broadcast %broadcast_in_dim3A : f32 to vector<16xf32>
      %swap3A = arith.index_cast %scan3A_172 : i32 to index
      %swap3A_174 = arith.constant 0 : index
      %swap3A_175 = tpu.vector_load %arg11[%swap3A, %swap3A_174] {strides = array<i32>} : memref<128x128xf32, #tpu.memory_space<vmem>>, vector<1x16xf32>,
      %swap3A_176 = vector.shape_cast %swap3A_175 : vector<1x16xf32> to vector<16xf32>
      %swap3A_177 = vector.shape_cast %broadcast_in_dim3A_173 : vector<16xf32> to vector<1x16xf32>
      tpu.vector_store %arg11[%swap3A, %swap3A_174], %swap3A_177 {strides = array<i32>} : memref<128x128xf32, #tpu.memory_space<vmem>>, vector<1x16xf32>,
      %broadcast_in_dim3A_178 = arith.constant 0.000000e+00 : f32
      %broadcast_in_dim3A_179 = vector.broadcast %broadcast_in_dim3A_178 : f32 to vector<16xf32>
      %swap3A_180 = arith.index_cast %scan3A_172 : i32 to index
      %swap3A_181 = arith.constant 16 : index
      %swap3A_182 = tpu.vector_load %arg11[%swap3A_180, %swap3A_181] {strides = array<i32>} : memref<128x128xf32, #tpu.memory_space<vmem>>, vector<1x16xf32>,
      %swap3A_183 = vector.shape_cast %swap3A_182 : vector<1x16xf32> to vector<16xf32>
      %swap3A_184 = vector.shape_cast %broadcast_in_dim3A_179 : vector<16xf32> to vector<1x16xf32>
      tpu.vector_store %arg11[%swap3A_180, %swap3A_181], %swap3A_184 {strides = array<i32>} : memref<128x128xf32, #tpu.memory_space<vmem>>, vector<1x16xf32>,
      %broadcast_in_dim3A_185 = arith.constant 0.000000e+00 : f32
      %broadcast_in_dim3A_186 = vector.broadcast %broadcast_in_dim3A_185 : f32 to vector<16xf32>
      %swap3A_187 = arith.index_cast %scan3A_172 : i32 to index
      %swap3A_188 = arith.constant 32 : index
      %swap3A_189 = tpu.vector_load %arg11[%swap3A_187, %swap3A_188] {strides = array<i32>} : memref<128x128xf32, #tpu.memory_space<vmem>>, vector<1x16xf32>,
      %swap3A_190 = vector.shape_cast %swap3A_189 : vector<1x16xf32> to vector<16xf32>
      %swap3A_191 = vector.shape_cast %broadcast_in_dim3A_186 : vector<16xf32> to vector<1x16xf32>
      tpu.vector_store %arg11[%swap3A_187, %swap3A_188], %swap3A_191 {strides = array<i32>} : memref<128x128xf32, #tpu.memory_space<vmem>>, vector<1x16xf32>,
      %broadcast_in_dim3A_192 = arith.constant 0.000000e+00 : f32
      %broadcast_in_dim3A_193 = vector.broadcast %broadcast_in_dim3A_192 : f32 to vector<16xf32>
      %swap3A_194 = arith.index_cast %scan3A_172 : i32 to index
      %swap3A_195 = arith.constant 48 : index
      %swap3A_196 = tpu.vector_load %arg11[%swap3A_194, %swap3A_195] {strides = array<i32>} : memref<128x128xf32, #tpu.memory_space<vmem>>, vector<1x16xf32>,
      %swap3A_197 = vector.shape_cast %swap3A_196 : vector<1x16xf32> to vector<16xf32>
      %swap3A_198 = vector.shape_cast %broadcast_in_dim3A_193 : vector<16xf32> to vector<1x16xf32>
      tpu.vector_store %arg11[%swap3A_194, %swap3A_195], %swap3A_198 {strides = array<i32>} : memref<128x128xf32, #tpu.memory_space<vmem>>, vector<1x16xf32>,
      %broadcast_in_dim3A_199 = arith.constant 0.000000e+00 : f32
      %broadcast_in_dim3A_200 = vector.broadcast %broadcast_in_dim3A_199 : f32 to vector<16xf32>
      %swap3A_201 = arith.index_cast %scan3A_172 : i32 to index
      %swap3A_202 = arith.constant 64 : index
      %swap3A_203 = tpu.vector_load %arg11[%swap3A_201, %swap3A_202] {strides = array<i32>} : memref<128x128xf32, #tpu.memory_space<vmem>>, vector<1x16xf32>,
      %swap3A_204 = vector.shape_cast %swap3A_203 : vector<1x16xf32> to vector<16xf32>
      %swap3A_205 = vector.shape_cast %broadcast_in_dim3A_200 : vector<16xf32> to vector<1x16xf32>
      tpu.vector_store %arg11[%swap3A_201, %swap3A_202], %swap3A_205 {strides = array<i32>} : memref<128x128xf32, #tpu.memory_space<vmem>>, vector<1x16xf32>,
      %broadcast_in_dim3A_206 = arith.constant 0.000000e+00 : f32
      %broadcast_in_dim3A_207 = vector.broadcast %broadcast_in_dim3A_206 : f32 to vector<16xf32>
      %swap3A_208 = arith.index_cast %scan3A_172 : i32 to index
      %swap3A_209 = arith.constant 80 : index
      %swap3A_210 = tpu.vector_load %arg11[%swap3A_208, %swap3A_209] {strides = array<i32>} : memref<128x128xf32, #tpu.memory_space<vmem>>, vector<1x16xf32>,
      %swap3A_211 = vector.shape_cast %swap3A_210 : vector<1x16xf32> to vector<16xf32>
      %swap3A_212 = vector.shape_cast %broadcast_in_dim3A_207 : vector<16xf32> to vector<1x16xf32>
      tpu.vector_store %arg11[%swap3A_208, %swap3A_209], %swap3A_212 {strides = array<i32>} : memref<128x128xf32, #tpu.memory_space<vmem>>, vector<1x16xf32>,
      %broadcast_in_dim3A_213 = arith.constant 0.000000e+00 : f32
      %broadcast_in_dim3A_214 = vector.broadcast %broadcast_in_dim3A_213 : f32 to vector<16xf32>
      %swap3A_215 = arith.index_cast %scan3A_172 : i32 to index
      %swap3A_216 = arith.constant 96 : index
      %swap3A_217 = tpu.vector_load %arg11[%swap3A_215, %swap3A_216] {strides = array<i32>} : memref<128x128xf32, #tpu.memory_space<vmem>>, vector<1x16xf32>,
      %swap3A_218 = vector.shape_cast %swap3A_217 : vector<1x16xf32> to vector<16xf32>
      %swap3A_219 = vector.shape_cast %broadcast_in_dim3A_214 : vector<16xf32> to vector<1x16xf32>
      tpu.vector_store %arg11[%swap3A_215, %swap3A_216], %swap3A_219 {strides = array<i32>} : memref<128x128xf32, #tpu.memory_space<vmem>>, vector<1x16xf32>,
      %broadcast_in_dim3A_220 = arith.constant 0.000000e+00 : f32
      %broadcast_in_dim3A_221 = vector.broadcast %broadcast_in_dim3A_220 : f32 to vector<16xf32>
      %swap3A_222 = arith.index_cast %scan3A_172 : i32 to index
      %swap3A_223 = arith.constant 112 : index
      %swap3A_224 = tpu.vector_load %arg11[%swap3A_222, %swap3A_223] {strides = array<i32>} : memref<128x128xf32, #tpu.memory_space<vmem>>, vector<1x16xf32>,
      %swap3A_225 = vector.shape_cast %swap3A_224 : vector<1x16xf32> to vector<16xf32>
      %swap3A_226 = vector.shape_cast %broadcast_in_dim3A_221 : vector<16xf32> to vector<1x16xf32>
      tpu.vector_store %arg11[%swap3A_222, %swap3A_223], %swap3A_226 {strides = array<i32>} : memref<128x128xf32, #tpu.memory_space<vmem>>, vector<1x16xf32>,
    }
    %scan3A_4 = arith.constant 128 : i32
    %scan3A_5 = arith.constant 0 : i32
    %scan3A_6 = arith.constant 0 : i32
    %scan3A_7 = arith.constant 40 : i32
    %scan3A_8 = arith.addi %scan3A_6, %scan3A_7 : i32
    %scan3A_9 = arith.constant 1 : i32
    scf.for %scan3A_172 = %scan3A_6 to %scan3A_8 step %scan3A_9  : i32 {
      %broadcast_in_dim3A = arith.constant 0.000000e+00 : f32
      %broadcast_in_dim3A_173 = vector.broadcast %broadcast_in_dim3A : f32 to vector<16xf32>
      %mul3A_174 = arith.constant 16 : i32
      %mul3A_175 = arith.muli %scan3A_172, %mul3A_174 : i32
      %swap3A = arith.index_cast %mul3A_175 : i32 to index
      %swap3A_176 = tpu.vector_load %arg13[%swap3A] {strides = array<i32>} : memref<640xf32, #tpu.memory_space<vmem>>, vector<16xf32>,
      %swap3A_177 = vector.shape_cast %swap3A_176 : vector<16xf32> to vector<16xf32>
      %swap3A_178 = vector.shape_cast %broadcast_in_dim3A_173 : vector<16xf32> to vector<16xf32>
      tpu.vector_store %arg13[%swap3A], %swap3A_178 {strides = array<i32>} : memref<640xf32, #tpu.memory_space<vmem>>, vector<16xf32>,
    }
    %scan3A_10 = arith.constant 40 : i32
    %mul3A = arith.constant 632 : i32
    %mul3A_11 = arith.muli %arg1, %mul3A : i32
    %add3A = arith.constant 0 : i32
    %add3A_12 = arith.addi %mul3A_11, %add3A : i32
    "tpu.region"() ({
      %run_scoped3A = tpu.sem_alloc : memref<!tpu.dma_semaphore, #tpu.memory_space<semaphore_mem>>
      %dma_start3A = arith.constant 0 : i32
      %dma_start3A_172 = tpu.memref_slice %arg15[%add3A_12, %dma_start3A] : memref<10112x128xf32, #tpu.memory_space<vmem_shared>> -> memref<128x128xf32, #tpu.memory_space<vmem_shared>>
      %dma_start3A_173 = arith.constant 0 : i32
      %dma_start3A_174 = tpu.memref_slice %arg15[%add3A_12, %dma_start3A_173] : memref<10112x128xf32, #tpu.memory_space<vmem_shared>> -> memref<128x128xf32, #tpu.memory_space<vmem_shared>>
      tpu.enqueue_dma source(%arg11 : memref<128x128xf32, #tpu.memory_space<vmem>>) target(%dma_start3A_174 : memref<128x128xf32, #tpu.memory_space<vmem_shared>>) target_semaphore(%run_scoped3A : memref<!tpu.dma_semaphore, #tpu.memory_space<semaphore_mem>>)
      %dma_wait3A_175 = arith.constant 0 : i32
      %dma_wait3A_176 = tpu.memref_slice %arg15[%add3A_12, %dma_wait3A_175] : memref<10112x128xf32, #tpu.memory_space<vmem_shared>> -> memref<128x128xf32, #tpu.memory_space<vmem_shared>>
      %dma_wait3A_177 = arith.constant 0 : i32
      %dma_wait3A_178 = tpu.memref_slice %arg15[%add3A_12, %dma_wait3A_177] : memref<10112x128xf32, #tpu.memory_space<vmem_shared>> -> memref<128x128xf32, #tpu.memory_space<vmem_shared>>
      tpu.wait_dma2 semaphore(%run_scoped3A : memref<!tpu.dma_semaphore, #tpu.memory_space<semaphore_mem>>) src(%arg11 : memref<128x128xf32, #tpu.memory_space<vmem>>) dst(%dma_wait3A_178 : memref<128x128xf32, #tpu.memory_space<vmem_shared>>)
      tpu.yield
    }) : () -> ()
    %add3A_13 = arith.constant 128 : i32
    %add3A_14 = arith.addi %mul3A_11, %add3A_13 : i32
    "tpu.region"() ({
      %run_scoped3A = tpu.sem_alloc : memref<!tpu.dma_semaphore, #tpu.memory_space<semaphore_mem>>
      %dma_start3A = arith.constant 0 : i32
      %dma_start3A_172 = tpu.memref_slice %arg15[%add3A_14, %dma_start3A] : memref<10112x128xf32, #tpu.memory_space<vmem_shared>> -> memref<128x128xf32, #tpu.memory_space<vmem_shared>>
      %dma_start3A_173 = arith.constant 0 : i32
      %dma_start3A_174 = tpu.memref_slice %arg15[%add3A_14, %dma_start3A_173] : memref<10112x128xf32, #tpu.memory_space<vmem_shared>> -> memref<128x128xf32, #tpu.memory_space<vmem_shared>>
      tpu.enqueue_dma source(%arg11 : memref<128x128xf32, #tpu.memory_space<vmem>>) target(%dma_start3A_174 : memref<128x128xf32, #tpu.memory_space<vmem_shared>>) target_semaphore(%run_scoped3A : memref<!tpu.dma_semaphore, #tpu.memory_space<semaphore_mem>>)
      %dma_wait3A_175 = arith.constant 0 : i32
      %dma_wait3A_176 = tpu.memref_slice %arg15[%add3A_14, %dma_wait3A_175] : memref<10112x128xf32, #tpu.memory_space<vmem_shared>> -> memref<128x128xf32, #tpu.memory_space<vmem_shared>>
      %dma_wait3A_177 = arith.constant 0 : i32
      %dma_wait3A_178 = tpu.memref_slice %arg15[%add3A_14, %dma_wait3A_177] : memref<10112x128xf32, #tpu.memory_space<vmem_shared>> -> memref<128x128xf32, #tpu.memory_space<vmem_shared>>
      tpu.wait_dma2 semaphore(%run_scoped3A : memref<!tpu.dma_semaphore, #tpu.memory_space<semaphore_mem>>) src(%arg11 : memref<128x128xf32, #tpu.memory_space<vmem>>) dst(%dma_wait3A_178 : memref<128x128xf32, #tpu.memory_space<vmem_shared>>)
      tpu.yield
    }) : () -> ()
    %add3A_15 = arith.constant 256 : i32
    %add3A_16 = arith.addi %mul3A_11, %add3A_15 : i32
    "tpu.region"() ({
      %run_scoped3A = tpu.sem_alloc : memref<!tpu.dma_semaphore, #tpu.memory_space<semaphore_mem>>
      %dma_start3A = arith.constant 0 : i32
      %dma_start3A_172 = tpu.memref_slice %arg15[%add3A_16, %dma_start3A] : memref<10112x128xf32, #tpu.memory_space<vmem_shared>> -> memref<128x128xf32, #tpu.memory_space<vmem_shared>>
      %dma_start3A_173 = arith.constant 0 : i32
      %dma_start3A_174 = tpu.memref_slice %arg15[%add3A_16, %dma_start3A_173] : memref<10112x128xf32, #tpu.memory_space<vmem_shared>> -> memref<128x128xf32, #tpu.memory_space<vmem_shared>>
      tpu.enqueue_dma source(%arg11 : memref<128x128xf32, #tpu.memory_space<vmem>>) target(%dma_start3A_174 : memref<128x128xf32, #tpu.memory_space<vmem_shared>>) target_semaphore(%run_scoped3A : memref<!tpu.dma_semaphore, #tpu.memory_space<semaphore_mem>>)
      %dma_wait3A_175 = arith.constant 0 : i32
      %dma_wait3A_176 = tpu.memref_slice %arg15[%add3A_16, %dma_wait3A_175] : memref<10112x128xf32, #tpu.memory_space<vmem_shared>> -> memref<128x128xf32, #tpu.memory_space<vmem_shared>>
      %dma_wait3A_177 = arith.constant 0 : i32
      %dma_wait3A_178 = tpu.memref_slice %arg15[%add3A_16, %dma_wait3A_177] : memref<10112x128xf32, #tpu.memory_space<vmem_shared>> -> memref<128x128xf32, #tpu.memory_space<vmem_shared>>
      tpu.wait_dma2 semaphore(%run_scoped3A : memref<!tpu.dma_semaphore, #tpu.memory_space<semaphore_mem>>) src(%arg11 : memref<128x128xf32, #tpu.memory_space<vmem>>) dst(%dma_wait3A_178 : memref<128x128xf32, #tpu.memory_space<vmem_shared>>)
      tpu.yield
    }) : () -> ()
    %add3A_17 = arith.constant 384 : i32
    %add3A_18 = arith.addi %mul3A_11, %add3A_17 : i32
    "tpu.region"() ({
      %run_scoped3A = tpu.sem_alloc : memref<!tpu.dma_semaphore, #tpu.memory_space<semaphore_mem>>
      %dma_start3A = arith.constant 0 : i32
      %dma_start3A_172 = tpu.memref_slice %arg15[%add3A_18, %dma_start3A] : memref<10112x128xf32, #tpu.memory_space<vmem_shared>> -> memref<128x128xf32, #tpu.memory_space<vmem_shared>>
      %dma_start3A_173 = arith.constant 0 : i32
      %dma_start3A_174 = tpu.memref_slice %arg15[%add3A_18, %dma_start3A_173] : memref<10112x128xf32, #tpu.memory_space<vmem_shared>> -> memref<128x128xf32, #tpu.memory_space<vmem_shared>>
      tpu.enqueue_dma source(%arg11 : memref<128x128xf32, #tpu.memory_space<vmem>>) target(%dma_start3A_174 : memref<128x128xf32, #tpu.memory_space<vmem_shared>>) target_semaphore(%run_scoped3A : memref<!tpu.dma_semaphore, #tpu.memory_space<semaphore_mem>>)
      %dma_wait3A_175 = arith.constant 0 : i32
      %dma_wait3A_176 = tpu.memref_slice %arg15[%add3A_18, %dma_wait3A_175] : memref<10112x128xf32, #tpu.memory_space<vmem_shared>> -> memref<128x128xf32, #tpu.memory_space<vmem_shared>>
      %dma_wait3A_177 = arith.constant 0 : i32
      %dma_wait3A_178 = tpu.memref_slice %arg15[%add3A_18, %dma_wait3A_177] : memref<10112x128xf32, #tpu.memory_space<vmem_shared>> -> memref<128x128xf32, #tpu.memory_space<vmem_shared>>
      tpu.wait_dma2 semaphore(%run_scoped3A : memref<!tpu.dma_semaphore, #tpu.memory_space<semaphore_mem>>) src(%arg11 : memref<128x128xf32, #tpu.memory_space<vmem>>) dst(%dma_wait3A_178 : memref<128x128xf32, #tpu.memory_space<vmem_shared>>)
      tpu.yield
    }) : () -> ()
    %add3A_19 = arith.constant 512 : i32
    %add3A_20 = arith.addi %mul3A_11, %add3A_19 : i32
    "tpu.region"() ({
      %run_scoped3A = tpu.sem_alloc : memref<!tpu.dma_semaphore, #tpu.memory_space<semaphore_mem>>
      %dma_start3A = arith.constant 0 : i32
      %dma_start3A_172 = arith.constant 0 : i32
      %dma_start3A_173 = tpu.memref_slice %arg11[%dma_start3A, %dma_start3A_172] : memref<128x128xf32, #tpu.memory_space<vmem>> -> memref<120x128xf32, #tpu.memory_space<vmem>>
      %dma_start3A_174 = arith.constant 0 : i32
      %dma_start3A_175 = tpu.memref_slice %arg15[%add3A_20, %dma_start3A_174] : memref<10112x128xf32, #tpu.memory_space<vmem_shared>> -> memref<120x128xf32, #tpu.memory_space<vmem_shared>>
      %dma_start3A_176 = arith.constant 0 : i32
      %dma_start3A_177 = tpu.memref_slice %arg15[%add3A_20, %dma_start3A_176] : memref<10112x128xf32, #tpu.memory_space<vmem_shared>> -> memref<120x128xf32, #tpu.memory_space<vmem_shared>>
      %dma_start3A_178 = arith.constant 0 : i32
      %dma_start3A_179 = arith.constant 0 : i32
      %dma_start3A_180 = tpu.memref_slice %arg11[%dma_start3A_178, %dma_start3A_179] : memref<128x128xf32, #tpu.memory_space<vmem>> -> memref<120x128xf32, #tpu.memory_space<vmem>>
      tpu.enqueue_dma source(%dma_start3A_180 : memref<120x128xf32, #tpu.memory_space<vmem>>) target(%dma_start3A_177 : memref<120x128xf32, #tpu.memory_space<vmem_shared>>) target_semaphore(%run_scoped3A : memref<!tpu.dma_semaphore, #tpu.memory_space<semaphore_mem>>)
      %dma_wait3A_181 = arith.constant 0 : i32
      %dma_wait3A_182 = arith.constant 0 : i32
      %dma_wait3A_183 = tpu.memref_slice %arg11[%dma_wait3A_181, %dma_wait3A_182] : memref<128x128xf32, #tpu.memory_space<vmem>> -> memref<120x128xf32, #tpu.memory_space<vmem>>
      %dma_wait3A_184 = arith.constant 0 : i32
      %dma_wait3A_185 = tpu.memref_slice %arg15[%add3A_20, %dma_wait3A_184] : memref<10112x128xf32, #tpu.memory_space<vmem_shared>> -> memref<120x128xf32, #tpu.memory_space<vmem_shared>>
      %dma_wait3A_186 = arith.constant 0 : i32
      %dma_wait3A_187 = tpu.memref_slice %arg15[%add3A_20, %dma_wait3A_186] : memref<10112x128xf32, #tpu.memory_space<vmem_shared>> -> memref<120x128xf32, #tpu.memory_space<vmem_shared>>
      %dma_wait3A_188 = arith.constant 0 : i32
      %dma_wait3A_189 = arith.constant 0 : i32
      %dma_wait3A_190 = tpu.memref_slice %arg11[%dma_wait3A_188, %dma_wait3A_189] : memref<128x128xf32, #tpu.memory_space<vmem>> -> memref<120x128xf32, #tpu.memory_space<vmem>>
      tpu.wait_dma2 semaphore(%run_scoped3A : memref<!tpu.dma_semaphore, #tpu.memory_space<semaphore_mem>>) src(%dma_wait3A_190 : memref<120x128xf32, #tpu.memory_space<vmem>>) dst(%dma_wait3A_187 : memref<120x128xf32, #tpu.memory_space<vmem_shared>>)
      tpu.yield
    }) : () -> ()
    "tpu.region"() ({
      %run_scoped3A = tpu.sem_alloc : memref<!tpu.dma_semaphore, #tpu.memory_space<semaphore_mem>>
      %dma_start3A = arith.constant 0 : i32
      %dma_start3A_172 = tpu.memref_slice %arg13[%dma_start3A] : memref<640xf32, #tpu.memory_space<vmem>> -> memref<632xf32, #tpu.memory_space<vmem>>
      %dma_start3A_173 = tpu.memref_slice %arg16[%mul3A_11] : memref<10112xf32, #tpu.memory_space<vmem_shared>> -> memref<632xf32, #tpu.memory_space<vmem_shared>>
      %dma_start3A_174 = tpu.memref_slice %arg16[%mul3A_11] : memref<10112xf32, #tpu.memory_space<vmem_shared>> -> memref<632xf32, #tpu.memory_space<vmem_shared>>
      %dma_start3A_175 = arith.constant 0 : i32
      %dma_start3A_176 = tpu.memref_slice %arg13[%dma_start3A_175] : memref<640xf32, #tpu.memory_space<vmem>> -> memref<632xf32, #tpu.memory_space<vmem>>
      tpu.enqueue_dma source(%dma_start3A_176 : memref<632xf32, #tpu.memory_space<vmem>>) target(%dma_start3A_174 : memref<632xf32, #tpu.memory_space<vmem_shared>>) target_semaphore(%run_scoped3A : memref<!tpu.dma_semaphore, #tpu.memory_space<semaphore_mem>>)
      %dma_wait3A_177 = arith.constant 0 : i32
      %dma_wait3A_178 = tpu.memref_slice %arg13[%dma_wait3A_177] : memref<640xf32, #tpu.memory_space<vmem>> -> memref<632xf32, #tpu.memory_space<vmem>>
      %dma_wait3A_179 = tpu.memref_slice %arg16[%mul3A_11] : memref<10112xf32, #tpu.memory_space<vmem_shared>> -> memref<632xf32, #tpu.memory_space<vmem_shared>>
      %dma_wait3A_180 = tpu.memref_slice %arg16[%mul3A_11] : memref<10112xf32, #tpu.memory_space<vmem_shared>> -> memref<632xf32, #tpu.memory_space<vmem_shared>>
      %dma_wait3A_181 = arith.constant 0 : i32
      %dma_wait3A_182 = tpu.memref_slice %arg13[%dma_wait3A_181] : memref<640xf32, #tpu.memory_space<vmem>> -> memref<632xf32, #tpu.memory_space<vmem>>
      tpu.wait_dma2 semaphore(%run_scoped3A : memref<!tpu.dma_semaphore, #tpu.memory_space<semaphore_mem>>) src(%dma_wait3A_182 : memref<632xf32, #tpu.memory_space<vmem>>) dst(%dma_wait3A_180 : memref<632xf32, #tpu.memory_space<vmem_shared>>)
      tpu.yield
    }) : () -> ()
    %scan3A_21 = arith.constant 0 : i32
    %scan3A_22 = arith.constant 0 : i32
    %scan3A_23 = arith.constant 8 : i32
    %scan3A_24 = arith.addi %scan3A_22, %scan3A_23 : i32
    %scan3A_25 = arith.constant 1 : i32
    scf.for %scan3A_172 = %scan3A_22 to %scan3A_24 step %scan3A_25  : i32 {
      %broadcast_in_dim3A = arith.constant 1.000000e+00 : f32
      %broadcast_in_dim3A_173 = vector.broadcast %broadcast_in_dim3A : f32 to vector<16xf32>
      %mul3A_174 = arith.constant 16 : i32
      %mul3A_175 = arith.muli %scan3A_172, %mul3A_174 : i32
      %swap3A = arith.index_cast %mul3A_175 : i32 to index
      %swap3A_176 = tpu.vector_load %arg14[%swap3A] {strides = array<i32>} : memref<128xf32, #tpu.memory_space<vmem>>, vector<16xf32>,
      %swap3A_177 = vector.shape_cast %swap3A_176 : vector<16xf32> to vector<16xf32>
      %swap3A_178 = vector.shape_cast %broadcast_in_dim3A_173 : vector<16xf32> to vector<16xf32>
      tpu.vector_store %arg14[%swap3A], %swap3A_178 {strides = array<i32>} : memref<128xf32, #tpu.memory_space<vmem>>, vector<16xf32>,
    }
    %scan3A_26 = arith.constant 8 : i32
    %barrier3A = arith.constant 0 : index
    tpu.barrier barrier_id(%barrier3A)
    %mul3A_27 = arith.constant 80 : i32
    %mul3A_28 = arith.muli %arg1, %mul3A_27 : i32
    %add3A_29 = arith.constant 0 : i32
    %add3A_30 = arith.addi %mul3A_28, %add3A_29 : i32
    "tpu.region"() ({
      %run_scoped3A = tpu.sem_alloc : memref<!tpu.dma_semaphore, #tpu.memory_space<semaphore_mem>>
      %dma_start3A = arith.constant 0 : i32
      %dma_start3A_172 = tpu.memref_slice %arg4[%add3A_30, %dma_start3A] : memref<1328x128xi32, #tpu.memory_space<hbm>> -> memref<48x128xi32, #tpu.memory_space<hbm>>
      %dma_start3A_173 = arith.constant 0 : i32
      %dma_start3A_174 = tpu.memref_slice %arg4[%add3A_30, %dma_start3A_173] : memref<1328x128xi32, #tpu.memory_space<hbm>> -> memref<48x128xi32, #tpu.memory_space<hbm>>
      tpu.enqueue_dma source(%dma_start3A_174 : memref<48x128xi32, #tpu.memory_space<hbm>>) target(%arg9 : memref<48x128xi32, #tpu.memory_space<vmem>>) target_semaphore(%run_scoped3A : memref<!tpu.dma_semaphore, #tpu.memory_space<semaphore_mem>>)
      %dma_wait3A_175 = arith.constant 0 : i32
      %dma_wait3A_176 = tpu.memref_slice %arg4[%add3A_30, %dma_wait3A_175] : memref<1328x128xi32, #tpu.memory_space<hbm>> -> memref<48x128xi32, #tpu.memory_space<hbm>>
      %dma_wait3A_177 = arith.constant 0 : i32
      %dma_wait3A_178 = tpu.memref_slice %arg4[%add3A_30, %dma_wait3A_177] : memref<1328x128xi32, #tpu.memory_space<hbm>> -> memref<48x128xi32, #tpu.memory_space<hbm>>
      tpu.wait_dma2 semaphore(%run_scoped3A : memref<!tpu.dma_semaphore, #tpu.memory_space<semaphore_mem>>) src(%dma_wait3A_178 : memref<48x128xi32, #tpu.memory_space<hbm>>) dst(%arg9 : memref<48x128xi32, #tpu.memory_space<vmem>>)
      tpu.yield
    }) : () -> ()
    "tpu.region"() ({
      %run_scoped3A = tpu.sem_alloc : memref<!tpu.dma_semaphore, #tpu.memory_space<semaphore_mem>>
      %dma_start3A = arith.constant 0 : i32
      %dma_start3A_172 = tpu.memref_slice %arg5[%add3A_30, %dma_start3A] : memref<1280x128xi32, #tpu.memory_space<hbm>> -> memref<40x128xi32, #tpu.memory_space<hbm>>
      %dma_start3A_173 = arith.constant 0 : i32
      %dma_start3A_174 = tpu.memref_slice %arg5[%add3A_30, %dma_start3A_173] : memref<1280x128xi32, #tpu.memory_space<hbm>> -> memref<40x128xi32, #tpu.memory_space<hbm>>
      tpu.enqueue_dma source(%dma_start3A_174 : memref<40x128xi32, #tpu.memory_space<hbm>>) target(%arg10 : memref<40x128xi32, #tpu.memory_space<vmem>>) target_semaphore(%run_scoped3A : memref<!tpu.dma_semaphore, #tpu.memory_space<semaphore_mem>>)
      %dma_wait3A_175 = arith.constant 0 : i32
      %dma_wait3A_176 = tpu.memref_slice %arg5[%add3A_30, %dma_wait3A_175] : memref<1280x128xi32, #tpu.memory_space<hbm>> -> memref<40x128xi32, #tpu.memory_space<hbm>>
      %dma_wait3A_177 = arith.constant 0 : i32
      %dma_wait3A_178 = tpu.memref_slice %arg5[%add3A_30, %dma_wait3A_177] : memref<1280x128xi32, #tpu.memory_space<hbm>> -> memref<40x128xi32, #tpu.memory_space<hbm>>
      tpu.wait_dma2 semaphore(%run_scoped3A : memref<!tpu.dma_semaphore, #tpu.memory_space<semaphore_mem>>) src(%dma_wait3A_178 : memref<40x128xi32, #tpu.memory_space<hbm>>) dst(%arg10 : memref<40x128xi32, #tpu.memory_space<vmem>>)
      tpu.yield
    }) : () -> ()
    %eq3A = arith.constant 0 : i32
    %eq3A_31 = arith.cmpi eq, %arg0, %eq3A : i32
    %convert_element_type3A = arith.extui %eq3A_31 : i1 to i32
    %cond3A = arith.constant 0 : i32
    %cond3A_32 = arith.constant 0 : i32
    %cond3A_33 = arith.cmpi ne, %convert_element_type3A, %cond3A_32 : i32
    scf.if %cond3A_33 {
      %dma_start3A = arith.constant 0 : i32
      %dma_start3A_172 = tpu.memref_slice %arg9[%cond3A, %dma_start3A] : memref<48x128xi32, #tpu.memory_space<vmem>> -> memref<1x128xi32, #tpu.memory_space<vmem>>
      %dma_start3A_173 = tpu.memref_squeeze %dma_start3A_172 : memref<1x128xi32, #tpu.memory_space<vmem>> -> memref<128xi32, #tpu.memory_space<vmem>>
      %dma_start3A_174 = arith.constant 0 : i32
      %dma_start3A_175 = arith.constant 0 : i32
      %dma_start3A_176 = tpu.memref_slice %arg2[%dma_start3A_174, %dma_start3A_175] : memref<10000x128xf32, #tpu.memory_space<hbm>> -> memref<10000x128xf32, #tpu.memory_space<hbm>>
      tpu.enqueue_indirect_dma source(%dma_start3A_176 : memref<10000x128xf32, #tpu.memory_space<hbm>>) target(%arg11 : memref<128x128xf32, #tpu.memory_space<vmem>>) offsets(%dma_start3A_173 : memref<128xi32, #tpu.memory_space<vmem>>) semaphore(%arg17 : memref<!tpu.dma_semaphore, #tpu.memory_space<semaphore_mem>>)
    } else {
    }
    %eq3A_34 = arith.constant 1 : i32
    %eq3A_35 = arith.cmpi eq, %arg0, %eq3A_34 : i32
    %convert_element_type3A_36 = arith.extui %eq3A_35 : i1 to i32
    %cond3A_37 = arith.constant 0 : i32
    %cond3A_38 = arith.constant 0 : i32
    %cond3A_39 = arith.cmpi ne, %convert_element_type3A_36, %cond3A_38 : i32
    scf.if %cond3A_39 {
      %dma_start3A = arith.constant 0 : i32
      %dma_start3A_172 = tpu.memref_slice %arg9[%cond3A_37, %dma_start3A] : memref<48x128xi32, #tpu.memory_space<vmem>> -> memref<1x128xi32, #tpu.memory_space<vmem>>
      %dma_start3A_173 = tpu.memref_squeeze %dma_start3A_172 : memref<1x128xi32, #tpu.memory_space<vmem>> -> memref<128xi32, #tpu.memory_space<vmem>>
      %dma_start3A_174 = arith.constant 0 : i32
      %dma_start3A_175 = arith.constant 0 : i32
      %dma_start3A_176 = tpu.memref_slice %arg3[%dma_start3A_174, %dma_start3A_175] : memref<10000x128xf32, #tpu.memory_space<hbm>> -> memref<10000x128xf32, #tpu.memory_space<hbm>>
      tpu.enqueue_indirect_dma source(%dma_start3A_176 : memref<10000x128xf32, #tpu.memory_space<hbm>>) target(%arg11 : memref<128x128xf32, #tpu.memory_space<vmem>>) offsets(%dma_start3A_173 : memref<128xi32, #tpu.memory_space<vmem>>) semaphore(%arg17 : memref<!tpu.dma_semaphore, #tpu.memory_space<semaphore_mem>>)
    } else {
    }
    %scan3A_40 = arith.constant 0 : i32
    %scan3A_41 = arith.constant 0 : i32
    %scan3A_42 = arith.constant 20 : i32
    %scan3A_43 = arith.addi %scan3A_41, %scan3A_42 : i32
    %scan3A_44 = arith.constant 1 : i32
    scf.for %scan3A_172 = %scan3A_41 to %scan3A_43 step %scan3A_44  : i32 {
      %mul3A_173 = arith.constant 2 : i32
      %mul3A_174 = arith.muli %mul3A_173, %scan3A_172 : i32
      %add3A_175 = arith.constant 1 : i32
      %add3A_176 = arith.addi %mul3A_174, %add3A_175 : i32
      %gt3A = arith.constant 0 : i32
      %gt3A_177 = arith.cmpi sgt, %scan3A_172, %gt3A : i32
      %convert_element_type3A_178 = arith.extui %gt3A_177 : i1 to i32
      %cond3A_179 = arith.constant 0 : i32
      %cond3A_180 = arith.cmpi ne, %convert_element_type3A_178, %cond3A_179 : i32
      scf.if %cond3A_180 {
        %dma_wait3A_253 = arith.constant 0 : i32
        %dma_wait3A_254 = arith.constant 0 : i32
        %dma_wait3A_255 = tpu.memref_slice %arg10[%dma_wait3A_253, %dma_wait3A_254] : memref<40x128xi32, #tpu.memory_space<vmem>> -> memref<1x128xi32, #tpu.memory_space<vmem>>
        %dma_wait3A_256 = tpu.memref_squeeze %dma_wait3A_255 : memref<1x128xi32, #tpu.memory_space<vmem>> -> memref<128xi32, #tpu.memory_space<vmem>>
        %dma_wait3A_257 = arith.constant 0 : i32
        %dma_wait3A_258 = arith.constant 0 : i32
        %dma_wait3A_259 = tpu.memref_slice %arg15[%dma_wait3A_257, %dma_wait3A_258] : memref<10112x128xf32, #tpu.memory_space<vmem_shared>> -> memref<10112x128xf32, #tpu.memory_space<vmem_shared>>
        tpu.wait_indirect_dma semaphore(%arg20 : memref<!tpu.dma_semaphore, #tpu.memory_space<semaphore_mem>>) src(%arg12 : memref<128x128xf32, #tpu.memory_space<vmem>>) dst(%dma_wait3A_259 : memref<10112x128xf32, #tpu.memory_space<vmem_shared>>)
        %eq3A_260 = arith.constant 1 : i32
        %eq3A_261 = arith.cmpi eq, %arg0, %eq3A_260 : i32
        %convert_element_type3A_262 = arith.extui %eq3A_261 : i1 to i32
        %cond3A_263 = arith.constant 0 : i32
        %cond3A_264 = arith.constant 0 : i32
        %cond3A_265 = arith.cmpi ne, %convert_element_type3A_262, %cond3A_264 : i32
        scf.if %cond3A_265 {
          %dma_wait3A_266 = arith.constant 0 : i32
          %dma_wait3A_267 = tpu.memref_slice %arg10[%cond3A_263, %dma_wait3A_266] : memref<40x128xi32, #tpu.memory_space<vmem>> -> memref<1x128xi32, #tpu.memory_space<vmem>>
          %dma_wait3A_268 = tpu.memref_squeeze %dma_wait3A_267 : memref<1x128xi32, #tpu.memory_space<vmem>> -> memref<128xi32, #tpu.memory_space<vmem>>
          %dma_wait3A_269 = arith.constant 0 : i32
          %dma_wait3A_270 = tpu.memref_slice %arg16[%dma_wait3A_269] : memref<10112xf32, #tpu.memory_space<vmem_shared>> -> memref<10112xf32, #tpu.memory_space<vmem_shared>>
          tpu.wait_indirect_dma semaphore(%arg22 : memref<!tpu.dma_semaphore, #tpu.memory_space<semaphore_mem>>) src(%arg14 : memref<128xf32, #tpu.memory_space<vmem>>) dst(%dma_wait3A_270 : memref<10112xf32, #tpu.memory_space<vmem_shared>>)
        } else {
        }
      } else {
      }
      %eq3A_181 = arith.constant 0 : i32
      %eq3A_182 = arith.cmpi eq, %arg0, %eq3A_181 : i32
      %convert_element_type3A_183 = arith.extui %eq3A_182 : i1 to i32
      %cond3A_184 = arith.constant 0 : i32
      %cond3A_185 = arith.cmpi ne, %convert_element_type3A_183, %cond3A_184 : i32
      scf.if %cond3A_185 {
        %dma_start3A_253 = arith.constant 0 : i32
        %dma_start3A_254 = tpu.memref_slice %arg9[%add3A_176, %dma_start3A_253] : memref<48x128xi32, #tpu.memory_space<vmem>> -> memref<1x128xi32, #tpu.memory_space<vmem>>
        %dma_start3A_255 = tpu.memref_squeeze %dma_start3A_254 : memref<1x128xi32, #tpu.memory_space<vmem>> -> memref<128xi32, #tpu.memory_space<vmem>>
        %dma_start3A_256 = arith.constant 0 : i32
        %dma_start3A_257 = arith.constant 0 : i32
        %dma_start3A_258 = tpu.memref_slice %arg2[%dma_start3A_256, %dma_start3A_257] : memref<10000x128xf32, #tpu.memory_space<hbm>> -> memref<10000x128xf32, #tpu.memory_space<hbm>>
        tpu.enqueue_indirect_dma source(%dma_start3A_258 : memref<10000x128xf32, #tpu.memory_space<hbm>>) target(%arg12 : memref<128x128xf32, #tpu.memory_space<vmem>>) offsets(%dma_start3A_255 : memref<128xi32, #tpu.memory_space<vmem>>) semaphore(%arg18 : memref<!tpu.dma_semaphore, #tpu.memory_space<semaphore_mem>>)
      } else {
      }
      %eq3A_186 = arith.constant 1 : i32
      %eq3A_187 = arith.cmpi eq, %arg0, %eq3A_186 : i32
      %convert_element_type3A_188 = arith.extui %eq3A_187 : i1 to i32
      %cond3A_189 = arith.constant 0 : i32
      %cond3A_190 = arith.cmpi ne, %convert_element_type3A_188, %cond3A_189 : i32
      scf.if %cond3A_190 {
        %dma_start3A_253 = arith.constant 0 : i32
        %dma_start3A_254 = tpu.memref_slice %arg9[%add3A_176, %dma_start3A_253] : memref<48x128xi32, #tpu.memory_space<vmem>> -> memref<1x128xi32, #tpu.memory_space<vmem>>
        %dma_start3A_255 = tpu.memref_squeeze %dma_start3A_254 : memref<1x128xi32, #tpu.memory_space<vmem>> -> memref<128xi32, #tpu.memory_space<vmem>>
        %dma_start3A_256 = arith.constant 0 : i32
        %dma_start3A_257 = arith.constant 0 : i32
        %dma_start3A_258 = tpu.memref_slice %arg3[%dma_start3A_256, %dma_start3A_257] : memref<10000x128xf32, #tpu.memory_space<hbm>> -> memref<10000x128xf32, #tpu.memory_space<hbm>>
        tpu.enqueue_indirect_dma source(%dma_start3A_258 : memref<10000x128xf32, #tpu.memory_space<hbm>>) target(%arg12 : memref<128x128xf32, #tpu.memory_space<vmem>>) offsets(%dma_start3A_255 : memref<128xi32, #tpu.memory_space<vmem>>) semaphore(%arg18 : memref<!tpu.dma_semaphore, #tpu.memory_space<semaphore_mem>>)
      } else {
      }
      %dma_wait3A_191 = arith.constant 0 : i32
      %dma_wait3A_192 = arith.constant 0 : i32
      %dma_wait3A_193 = tpu.memref_slice %arg9[%dma_wait3A_191, %dma_wait3A_192] : memref<48x128xi32, #tpu.memory_space<vmem>> -> memref<1x128xi32, #tpu.memory_space<vmem>>
      %dma_wait3A_194 = tpu.memref_squeeze %dma_wait3A_193 : memref<1x128xi32, #tpu.memory_space<vmem>> -> memref<128xi32, #tpu.memory_space<vmem>>
      %dma_wait3A_195 = arith.constant 0 : i32
      %dma_wait3A_196 = arith.constant 0 : i32
      %dma_wait3A_197 = tpu.memref_slice %arg2[%dma_wait3A_195, %dma_wait3A_196] : memref<10000x128xf32, #tpu.memory_space<hbm>> -> memref<10000x128xf32, #tpu.memory_space<hbm>>
      tpu.wait_indirect_dma semaphore(%arg17 : memref<!tpu.dma_semaphore, #tpu.memory_space<semaphore_mem>>) src(%dma_wait3A_197 : memref<10000x128xf32, #tpu.memory_space<hbm>>) dst(%arg11 : memref<128x128xf32, #tpu.memory_space<vmem>>)
      %mul3A_198 = arith.constant 2 : i32
      %mul3A_199 = arith.muli %mul3A_198, %scan3A_172 : i32
      %dma_start3A = arith.constant 0 : i32
      %dma_start3A_200 = tpu.memref_slice %arg10[%mul3A_199, %dma_start3A] : memref<40x128xi32, #tpu.memory_space<vmem>> -> memref<1x128xi32, #tpu.memory_space<vmem>>
      %dma_start3A_201 = tpu.memref_squeeze %dma_start3A_200 : memref<1x128xi32, #tpu.memory_space<vmem>> -> memref<128xi32, #tpu.memory_space<vmem>>
      %dma_start3A_202 = arith.constant 0 : i32
      %dma_start3A_203 = arith.constant 0 : i32
      %dma_start3A_204 = tpu.memref_slice %arg15[%dma_start3A_202, %dma_start3A_203] : memref<10112x128xf32, #tpu.memory_space<vmem_shared>> -> memref<10112x128xf32, #tpu.memory_space<vmem_shared>>
      tpu.enqueue_indirect_dma source(%arg11 : memref<128x128xf32, #tpu.memory_space<vmem>>) target(%dma_start3A_204 : memref<10112x128xf32, #tpu.memory_space<vmem_shared>>) offsets(%dma_start3A_201 : memref<128xi32, #tpu.memory_space<vmem>>) semaphore(%arg19 : memref<!tpu.dma_semaphore, #tpu.memory_space<semaphore_mem>>) {add = true}
      %eq3A_205 = arith.constant 1 : i32
      %eq3A_206 = arith.cmpi eq, %arg0, %eq3A_205 : i32
      %convert_element_type3A_207 = arith.extui %eq3A_206 : i1 to i32
      %cond3A_208 = arith.constant 0 : i32
      %cond3A_209 = arith.cmpi ne, %convert_element_type3A_207, %cond3A_208 : i32
      scf.if %cond3A_209 {
        %dma_start3A_253 = arith.constant 0 : i32
        %dma_start3A_254 = tpu.memref_slice %arg10[%mul3A_199, %dma_start3A_253] : memref<40x128xi32, #tpu.memory_space<vmem>> -> memref<1x128xi32, #tpu.memory_space<vmem>>
        %dma_start3A_255 = tpu.memref_squeeze %dma_start3A_254 : memref<1x128xi32, #tpu.memory_space<vmem>> -> memref<128xi32, #tpu.memory_space<vmem>>
        %dma_start3A_256 = arith.constant 0 : i32
        %dma_start3A_257 = tpu.memref_slice %arg16[%dma_start3A_256] : memref<10112xf32, #tpu.memory_space<vmem_shared>> -> memref<10112xf32, #tpu.memory_space<vmem_shared>>
        tpu.enqueue_indirect_dma source(%arg14 : memref<128xf32, #tpu.memory_space<vmem>>) target(%dma_start3A_257 : memref<10112xf32, #tpu.memory_space<vmem_shared>>) offsets(%dma_start3A_255 : memref<128xi32, #tpu.memory_space<vmem>>) semaphore(%arg21 : memref<!tpu.dma_semaphore, #tpu.memory_space<semaphore_mem>>) {add = true}
      } else {
      }
      %dma_wait3A_210 = arith.constant 0 : i32
      %dma_wait3A_211 = arith.constant 0 : i32
      %dma_wait3A_212 = tpu.memref_slice %arg10[%dma_wait3A_210, %dma_wait3A_211] : memref<40x128xi32, #tpu.memory_space<vmem>> -> memref<1x128xi32, #tpu.memory_space<vmem>>
      %dma_wait3A_213 = tpu.memref_squeeze %dma_wait3A_212 : memref<1x128xi32, #tpu.memory_space<vmem>> -> memref<128xi32, #tpu.memory_space<vmem>>
      %dma_wait3A_214 = arith.constant 0 : i32
      %dma_wait3A_215 = arith.constant 0 : i32
      %dma_wait3A_216 = tpu.memref_slice %arg15[%dma_wait3A_214, %dma_wait3A_215] : memref<10112x128xf32, #tpu.memory_space<vmem_shared>> -> memref<10112x128xf32, #tpu.memory_space<vmem_shared>>
      tpu.wait_indirect_dma semaphore(%arg19 : memref<!tpu.dma_semaphore, #tpu.memory_space<semaphore_mem>>) src(%arg11 : memref<128x128xf32, #tpu.memory_space<vmem>>) dst(%dma_wait3A_216 : memref<10112x128xf32, #tpu.memory_space<vmem_shared>>)
      %eq3A_217 = arith.constant 1 : i32
      %eq3A_218 = arith.cmpi eq, %arg0, %eq3A_217 : i32
      %convert_element_type3A_219 = arith.extui %eq3A_218 : i1 to i32
      %cond3A_220 = arith.constant 0 : i32
      %cond3A_221 = arith.constant 0 : i32
      %cond3A_222 = arith.cmpi ne, %convert_element_type3A_219, %cond3A_221 : i32
      scf.if %cond3A_222 {
        %dma_wait3A_253 = arith.constant 0 : i32
        %dma_wait3A_254 = tpu.memref_slice %arg10[%cond3A_220, %dma_wait3A_253] : memref<40x128xi32, #tpu.memory_space<vmem>> -> memref<1x128xi32, #tpu.memory_space<vmem>>
        %dma_wait3A_255 = tpu.memref_squeeze %dma_wait3A_254 : memref<1x128xi32, #tpu.memory_space<vmem>> -> memref<128xi32, #tpu.memory_space<vmem>>
        %dma_wait3A_256 = arith.constant 0 : i32
        %dma_wait3A_257 = tpu.memref_slice %arg16[%dma_wait3A_256] : memref<10112xf32, #tpu.memory_space<vmem_shared>> -> memref<10112xf32, #tpu.memory_space<vmem_shared>>
        tpu.wait_indirect_dma semaphore(%arg21 : memref<!tpu.dma_semaphore, #tpu.memory_space<semaphore_mem>>) src(%arg14 : memref<128xf32, #tpu.memory_space<vmem>>) dst(%dma_wait3A_257 : memref<10112xf32, #tpu.memory_space<vmem_shared>>)
      } else {
      }
      %add3A_223 = arith.constant 1 : i32
      %add3A_224 = arith.addi %add3A_176, %add3A_223 : i32
      %eq3A_225 = arith.constant 0 : i32
      %eq3A_226 = arith.cmpi eq, %arg0, %eq3A_225 : i32
      %convert_element_type3A_227 = arith.extui %eq3A_226 : i1 to i32
      %cond3A_228 = arith.constant 0 : i32
      %cond3A_229 = arith.cmpi ne, %convert_element_type3A_227, %cond3A_228 : i32
      scf.if %cond3A_229 {
        %dma_start3A_253 = arith.constant 0 : i32
        %dma_start3A_254 = tpu.memref_slice %arg9[%add3A_224, %dma_start3A_253] : memref<48x128xi32, #tpu.memory_space<vmem>> -> memref<1x128xi32, #tpu.memory_space<vmem>>
        %dma_start3A_255 = tpu.memref_squeeze %dma_start3A_254 : memref<1x128xi32, #tpu.memory_space<vmem>> -> memref<128xi32, #tpu.memory_space<vmem>>
        %dma_start3A_256 = arith.constant 0 : i32
        %dma_start3A_257 = arith.constant 0 : i32
        %dma_start3A_258 = tpu.memref_slice %arg2[%dma_start3A_256, %dma_start3A_257] : memref<10000x128xf32, #tpu.memory_space<hbm>> -> memref<10000x128xf32, #tpu.memory_space<hbm>>
        tpu.enqueue_indirect_dma source(%dma_start3A_258 : memref<10000x128xf32, #tpu.memory_space<hbm>>) target(%arg11 : memref<128x128xf32, #tpu.memory_space<vmem>>) offsets(%dma_start3A_255 : memref<128xi32, #tpu.memory_space<vmem>>) semaphore(%arg17 : memref<!tpu.dma_semaphore, #tpu.memory_space<semaphore_mem>>)
      } else {
      }
      %eq3A_230 = arith.constant 1 : i32
      %eq3A_231 = arith.cmpi eq, %arg0, %eq3A_230 : i32
      %convert_element_type3A_232 = arith.extui %eq3A_231 : i1 to i32
      %cond3A_233 = arith.constant 0 : i32
      %cond3A_234 = arith.cmpi ne, %convert_element_type3A_232, %cond3A_233 : i32
      scf.if %cond3A_234 {
        %dma_start3A_253 = arith.constant 0 : i32
        %dma_start3A_254 = tpu.memref_slice %arg9[%add3A_224, %dma_start3A_253] : memref<48x128xi32, #tpu.memory_space<vmem>> -> memref<1x128xi32, #tpu.memory_space<vmem>>
        %dma_start3A_255 = tpu.memref_squeeze %dma_start3A_254 : memref<1x128xi32, #tpu.memory_space<vmem>> -> memref<128xi32, #tpu.memory_space<vmem>>
        %dma_start3A_256 = arith.constant 0 : i32
        %dma_start3A_257 = arith.constant 0 : i32
        %dma_start3A_258 = tpu.memref_slice %arg3[%dma_start3A_256, %dma_start3A_257] : memref<10000x128xf32, #tpu.memory_space<hbm>> -> memref<10000x128xf32, #tpu.memory_space<hbm>>
        tpu.enqueue_indirect_dma source(%dma_start3A_258 : memref<10000x128xf32, #tpu.memory_space<hbm>>) target(%arg11 : memref<128x128xf32, #tpu.memory_space<vmem>>) offsets(%dma_start3A_255 : memref<128xi32, #tpu.memory_space<vmem>>) semaphore(%arg17 : memref<!tpu.dma_semaphore, #tpu.memory_space<semaphore_mem>>)
      } else {
      }
      %dma_wait3A_235 = arith.constant 0 : i32
      %dma_wait3A_236 = arith.constant 0 : i32
      %dma_wait3A_237 = tpu.memref_slice %arg9[%dma_wait3A_235, %dma_wait3A_236] : memref<48x128xi32, #tpu.memory_space<vmem>> -> memref<1x128xi32, #tpu.memory_space<vmem>>
      %dma_wait3A_238 = tpu.memref_squeeze %dma_wait3A_237 : memref<1x128xi32, #tpu.memory_space<vmem>> -> memref<128xi32, #tpu.memory_space<vmem>>
      %dma_wait3A_239 = arith.constant 0 : i32
      %dma_wait3A_240 = arith.constant 0 : i32
      %dma_wait3A_241 = tpu.memref_slice %arg2[%dma_wait3A_239, %dma_wait3A_240] : memref<10000x128xf32, #tpu.memory_space<hbm>> -> memref<10000x128xf32, #tpu.memory_space<hbm>>
      tpu.wait_indirect_dma semaphore(%arg18 : memref<!tpu.dma_semaphore, #tpu.memory_space<semaphore_mem>>) src(%dma_wait3A_241 : memref<10000x128xf32, #tpu.memory_space<hbm>>) dst(%arg12 : memref<128x128xf32, #tpu.memory_space<vmem>>)
      %dma_start3A_242 = arith.constant 0 : i32
      %dma_start3A_243 = tpu.memref_slice %arg10[%add3A_176, %dma_start3A_242] : memref<40x128xi32, #tpu.memory_space<vmem>> -> memref<1x128xi32, #tpu.memory_space<vmem>>
      %dma_start3A_244 = tpu.memref_squeeze %dma_start3A_243 : memref<1x128xi32, #tpu.memory_space<vmem>> -> memref<128xi32, #tpu.memory_space<vmem>>
      %dma_start3A_245 = arith.constant 0 : i32
      %dma_start3A_246 = arith.constant 0 : i32
      %dma_start3A_247 = tpu.memref_slice %arg15[%dma_start3A_245, %dma_start3A_246] : memref<10112x128xf32, #tpu.memory_space<vmem_shared>> -> memref<10112x128xf32, #tpu.memory_space<vmem_shared>>
      tpu.enqueue_indirect_dma source(%arg12 : memref<128x128xf32, #tpu.memory_space<vmem>>) target(%dma_start3A_247 : memref<10112x128xf32, #tpu.memory_space<vmem_shared>>) offsets(%dma_start3A_244 : memref<128xi32, #tpu.memory_space<vmem>>) semaphore(%arg20 : memref<!tpu.dma_semaphore, #tpu.memory_space<semaphore_mem>>) {add = true}
      %eq3A_248 = arith.constant 1 : i32
      %eq3A_249 = arith.cmpi eq, %arg0, %eq3A_248 : i32
      %convert_element_type3A_250 = arith.extui %eq3A_249 : i1 to i32
      %cond3A_251 = arith.constant 0 : i32
      %cond3A_252 = arith.cmpi ne, %convert_element_type3A_250, %cond3A_251 : i32
      scf.if %cond3A_252 {
        %dma_start3A_253 = arith.constant 0 : i32
        %dma_start3A_254 = tpu.memref_slice %arg10[%add3A_176, %dma_start3A_253] : memref<40x128xi32, #tpu.memory_space<vmem>> -> memref<1x128xi32, #tpu.memory_space<vmem>>
        %dma_start3A_255 = tpu.memref_squeeze %dma_start3A_254 : memref<1x128xi32, #tpu.memory_space<vmem>> -> memref<128xi32, #tpu.memory_space<vmem>>
        %dma_start3A_256 = arith.constant 0 : i32
        %dma_start3A_257 = tpu.memref_slice %arg16[%dma_start3A_256] : memref<10112xf32, #tpu.memory_space<vmem_shared>> -> memref<10112xf32, #tpu.memory_space<vmem_shared>>
        tpu.enqueue_indirect_dma source(%arg14 : memref<128xf32, #tpu.memory_space<vmem>>) target(%dma_start3A_257 : memref<10112xf32, #tpu.memory_space<vmem_shared>>) offsets(%dma_start3A_255 : memref<128xi32, #tpu.memory_space<vmem>>) semaphore(%arg22 : memref<!tpu.dma_semaphore, #tpu.memory_space<semaphore_mem>>) {add = true}
      } else {
      }
    }
    %scan3A_45 = arith.constant 20 : i32
    %dma_wait3A = arith.constant 0 : i32
    %dma_wait3A_46 = arith.constant 0 : i32
    %dma_wait3A_47 = tpu.memref_slice %arg9[%dma_wait3A, %dma_wait3A_46] : memref<48x128xi32, #tpu.memory_space<vmem>> -> memref<1x128xi32, #tpu.memory_space<vmem>>
    %dma_wait3A_48 = tpu.memref_squeeze %dma_wait3A_47 : memref<1x128xi32, #tpu.memory_space<vmem>> -> memref<128xi32, #tpu.memory_space<vmem>>
    %dma_wait3A_49 = arith.constant 0 : i32
    %dma_wait3A_50 = arith.constant 0 : i32
    %dma_wait3A_51 = tpu.memref_slice %arg2[%dma_wait3A_49, %dma_wait3A_50] : memref<10000x128xf32, #tpu.memory_space<hbm>> -> memref<10000x128xf32, #tpu.memory_space<hbm>>
    tpu.wait_indirect_dma semaphore(%arg17 : memref<!tpu.dma_semaphore, #tpu.memory_space<semaphore_mem>>) src(%dma_wait3A_51 : memref<10000x128xf32, #tpu.memory_space<hbm>>) dst(%arg11 : memref<128x128xf32, #tpu.memory_space<vmem>>)
    %dma_wait3A_52 = arith.constant 0 : i32
    %dma_wait3A_53 = arith.constant 0 : i32
    %dma_wait3A_54 = tpu.memref_slice %arg10[%dma_wait3A_52, %dma_wait3A_53] : memref<40x128xi32, #tpu.memory_space<vmem>> -> memref<1x128xi32, #tpu.memory_space<vmem>>
    %dma_wait3A_55 = tpu.memref_squeeze %dma_wait3A_54 : memref<1x128xi32, #tpu.memory_space<vmem>> -> memref<128xi32, #tpu.memory_space<vmem>>
    %dma_wait3A_56 = arith.constant 0 : i32
    %dma_wait3A_57 = arith.constant 0 : i32
    %dma_wait3A_58 = tpu.memref_slice %arg15[%dma_wait3A_56, %dma_wait3A_57] : memref<10112x128xf32, #tpu.memory_space<vmem_shared>> -> memref<10112x128xf32, #tpu.memory_space<vmem_shared>>
    tpu.wait_indirect_dma semaphore(%arg20 : memref<!tpu.dma_semaphore, #tpu.memory_space<semaphore_mem>>) src(%arg12 : memref<128x128xf32, #tpu.memory_space<vmem>>) dst(%dma_wait3A_58 : memref<10112x128xf32, #tpu.memory_space<vmem_shared>>)
    %eq3A_59 = arith.constant 1 : i32
    %eq3A_60 = arith.cmpi eq, %arg0, %eq3A_59 : i32
    %convert_element_type3A_61 = arith.extui %eq3A_60 : i1 to i32
    %cond3A_62 = arith.constant 0 : i32
    %cond3A_63 = arith.constant 0 : i32
    %cond3A_64 = arith.cmpi ne, %convert_element_type3A_61, %cond3A_63 : i32
    scf.if %cond3A_64 {
      %dma_wait3A_172 = arith.constant 0 : i32
      %dma_wait3A_173 = tpu.memref_slice %arg10[%cond3A_62, %dma_wait3A_172] : memref<40x128xi32, #tpu.memory_space<vmem>> -> memref<1x128xi32, #tpu.memory_space<vmem>>
      %dma_wait3A_174 = tpu.memref_squeeze %dma_wait3A_173 : memref<1x128xi32, #tpu.memory_space<vmem>> -> memref<128xi32, #tpu.memory_space<vmem>>
      %dma_wait3A_175 = arith.constant 0 : i32
      %dma_wait3A_176 = tpu.memref_slice %arg16[%dma_wait3A_175] : memref<10112xf32, #tpu.memory_space<vmem_shared>> -> memref<10112xf32, #tpu.memory_space<vmem_shared>>
      tpu.wait_indirect_dma semaphore(%arg22 : memref<!tpu.dma_semaphore, #tpu.memory_space<semaphore_mem>>) src(%arg14 : memref<128xf32, #tpu.memory_space<vmem>>) dst(%dma_wait3A_176 : memref<10112xf32, #tpu.memory_space<vmem_shared>>)
    } else {
    }
    %mul3A_65 = arith.constant 80 : i32
    %mul3A_66 = arith.muli %arg1, %mul3A_65 : i32
    %add3A_67 = arith.constant 40 : i32
    %add3A_68 = arith.addi %mul3A_66, %add3A_67 : i32
    "tpu.region"() ({
      %run_scoped3A = tpu.sem_alloc : memref<!tpu.dma_semaphore, #tpu.memory_space<semaphore_mem>>
      %dma_start3A = arith.constant 0 : i32
      %dma_start3A_172 = tpu.memref_slice %arg4[%add3A_68, %dma_start3A] : memref<1328x128xi32, #tpu.memory_space<hbm>> -> memref<48x128xi32, #tpu.memory_space<hbm>>
      %dma_start3A_173 = arith.constant 0 : i32
      %dma_start3A_174 = tpu.memref_slice %arg4[%add3A_68, %dma_start3A_173] : memref<1328x128xi32, #tpu.memory_space<hbm>> -> memref<48x128xi32, #tpu.memory_space<hbm>>
      tpu.enqueue_dma source(%dma_start3A_174 : memref<48x128xi32, #tpu.memory_space<hbm>>) target(%arg9 : memref<48x128xi32, #tpu.memory_space<vmem>>) target_semaphore(%run_scoped3A : memref<!tpu.dma_semaphore, #tpu.memory_space<semaphore_mem>>)
      %dma_wait3A_175 = arith.constant 0 : i32
      %dma_wait3A_176 = tpu.memref_slice %arg4[%add3A_68, %dma_wait3A_175] : memref<1328x128xi32, #tpu.memory_space<hbm>> -> memref<48x128xi32, #tpu.memory_space<hbm>>
      %dma_wait3A_177 = arith.constant 0 : i32
      %dma_wait3A_178 = tpu.memref_slice %arg4[%add3A_68, %dma_wait3A_177] : memref<1328x128xi32, #tpu.memory_space<hbm>> -> memref<48x128xi32, #tpu.memory_space<hbm>>
      tpu.wait_dma2 semaphore(%run_scoped3A : memref<!tpu.dma_semaphore, #tpu.memory_space<semaphore_mem>>) src(%dma_wait3A_178 : memref<48x128xi32, #tpu.memory_space<hbm>>) dst(%arg9 : memref<48x128xi32, #tpu.memory_space<vmem>>)
      tpu.yield
    }) : () -> ()
    "tpu.region"() ({
      %run_scoped3A = tpu.sem_alloc : memref<!tpu.dma_semaphore, #tpu.memory_space<semaphore_mem>>
      %dma_start3A = arith.constant 0 : i32
      %dma_start3A_172 = tpu.memref_slice %arg5[%add3A_68, %dma_start3A] : memref<1280x128xi32, #tpu.memory_space<hbm>> -> memref<40x128xi32, #tpu.memory_space<hbm>>
      %dma_start3A_173 = arith.constant 0 : i32
      %dma_start3A_174 = tpu.memref_slice %arg5[%add3A_68, %dma_start3A_173] : memref<1280x128xi32, #tpu.memory_space<hbm>> -> memref<40x128xi32, #tpu.memory_space<hbm>>
      tpu.enqueue_dma source(%dma_start3A_174 : memref<40x128xi32, #tpu.memory_space<hbm>>) target(%arg10 : memref<40x128xi32, #tpu.memory_space<vmem>>) target_semaphore(%run_scoped3A : memref<!tpu.dma_semaphore, #tpu.memory_space<semaphore_mem>>)
      %dma_wait3A_175 = arith.constant 0 : i32
      %dma_wait3A_176 = tpu.memref_slice %arg5[%add3A_68, %dma_wait3A_175] : memref<1280x128xi32, #tpu.memory_space<hbm>> -> memref<40x128xi32, #tpu.memory_space<hbm>>
      %dma_wait3A_177 = arith.constant 0 : i32
      %dma_wait3A_178 = tpu.memref_slice %arg5[%add3A_68, %dma_wait3A_177] : memref<1280x128xi32, #tpu.memory_space<hbm>> -> memref<40x128xi32, #tpu.memory_space<hbm>>
      tpu.wait_dma2 semaphore(%run_scoped3A : memref<!tpu.dma_semaphore, #tpu.memory_space<semaphore_mem>>) src(%dma_wait3A_178 : memref<40x128xi32, #tpu.memory_space<hbm>>) dst(%arg10 : memref<40x128xi32, #tpu.memory_space<vmem>>)
      tpu.yield
    }) : () -> ()
    %eq3A_69 = arith.constant 0 : i32
    %eq3A_70 = arith.cmpi eq, %arg0, %eq3A_69 : i32
    %convert_element_type3A_71 = arith.extui %eq3A_70 : i1 to i32
    %cond3A_72 = arith.constant 0 : i32
    %cond3A_73 = arith.constant 0 : i32
    %cond3A_74 = arith.cmpi ne, %convert_element_type3A_71, %cond3A_73 : i32
    scf.if %cond3A_74 {
      %dma_start3A = arith.constant 0 : i32
      %dma_start3A_172 = tpu.memref_slice %arg9[%cond3A_72, %dma_start3A] : memref<48x128xi32, #tpu.memory_space<vmem>> -> memref<1x128xi32, #tpu.memory_space<vmem>>
      %dma_start3A_173 = tpu.memref_squeeze %dma_start3A_172 : memref<1x128xi32, #tpu.memory_space<vmem>> -> memref<128xi32, #tpu.memory_space<vmem>>
      %dma_start3A_174 = arith.constant 0 : i32
      %dma_start3A_175 = arith.constant 0 : i32
      %dma_start3A_176 = tpu.memref_slice %arg2[%dma_start3A_174, %dma_start3A_175] : memref<10000x128xf32, #tpu.memory_space<hbm>> -> memref<10000x128xf32, #tpu.memory_space<hbm>>
      tpu.enqueue_indirect_dma source(%dma_start3A_176 : memref<10000x128xf32, #tpu.memory_space<hbm>>) target(%arg11 : memref<128x128xf32, #tpu.memory_space<vmem>>) offsets(%dma_start3A_173 : memref<128xi32, #tpu.memory_space<vmem>>) semaphore(%arg17 : memref<!tpu.dma_semaphore, #tpu.memory_space<semaphore_mem>>)
    } else {
    }
    %eq3A_75 = arith.constant 1 : i32
    %eq3A_76 = arith.cmpi eq, %arg0, %eq3A_75 : i32
    %convert_element_type3A_77 = arith.extui %eq3A_76 : i1 to i32
    %cond3A_78 = arith.constant 0 : i32
    %cond3A_79 = arith.constant 0 : i32
    %cond3A_80 = arith.cmpi ne, %convert_element_type3A_77, %cond3A_79 : i32
    scf.if %cond3A_80 {
      %dma_start3A = arith.constant 0 : i32
      %dma_start3A_172 = tpu.memref_slice %arg9[%cond3A_78, %dma_start3A] : memref<48x128xi32, #tpu.memory_space<vmem>> -> memref<1x128xi32, #tpu.memory_space<vmem>>
      %dma_start3A_173 = tpu.memref_squeeze %dma_start3A_172 : memref<1x128xi32, #tpu.memory_space<vmem>> -> memref<128xi32, #tpu.memory_space<vmem>>
      %dma_start3A_174 = arith.constant 0 : i32
      %dma_start3A_175 = arith.constant 0 : i32
      %dma_start3A_176 = tpu.memref_slice %arg3[%dma_start3A_174, %dma_start3A_175] : memref<10000x128xf32, #tpu.memory_space<hbm>> -> memref<10000x128xf32, #tpu.memory_space<hbm>>
      tpu.enqueue_indirect_dma source(%dma_start3A_176 : memref<10000x128xf32, #tpu.memory_space<hbm>>) target(%arg11 : memref<128x128xf32, #tpu.memory_space<vmem>>) offsets(%dma_start3A_173 : memref<128xi32, #tpu.memory_space<vmem>>) semaphore(%arg17 : memref<!tpu.dma_semaphore, #tpu.memory_space<semaphore_mem>>)
    } else {
    }
    %scan3A_81 = arith.constant 0 : i32
    %scan3A_82 = arith.constant 0 : i32
    %scan3A_83 = arith.constant 20 : i32
    %scan3A_84 = arith.addi %scan3A_82, %scan3A_83 : i32
    %scan3A_85 = arith.constant 1 : i32
    scf.for %scan3A_172 = %scan3A_82 to %scan3A_84 step %scan3A_85  : i32 {
      %mul3A_173 = arith.constant 2 : i32
      %mul3A_174 = arith.muli %mul3A_173, %scan3A_172 : i32
      %add3A_175 = arith.constant 1 : i32
      %add3A_176 = arith.addi %mul3A_174, %add3A_175 : i32
      %gt3A = arith.constant 0 : i32
      %gt3A_177 = arith.cmpi sgt, %scan3A_172, %gt3A : i32
      %convert_element_type3A_178 = arith.extui %gt3A_177 : i1 to i32
      %cond3A_179 = arith.constant 0 : i32
      %cond3A_180 = arith.cmpi ne, %convert_element_type3A_178, %cond3A_179 : i32
      scf.if %cond3A_180 {
        %dma_wait3A_253 = arith.constant 0 : i32
        %dma_wait3A_254 = arith.constant 0 : i32
        %dma_wait3A_255 = tpu.memref_slice %arg10[%dma_wait3A_253, %dma_wait3A_254] : memref<40x128xi32, #tpu.memory_space<vmem>> -> memref<1x128xi32, #tpu.memory_space<vmem>>
        %dma_wait3A_256 = tpu.memref_squeeze %dma_wait3A_255 : memref<1x128xi32, #tpu.memory_space<vmem>> -> memref<128xi32, #tpu.memory_space<vmem>>
        %dma_wait3A_257 = arith.constant 0 : i32
        %dma_wait3A_258 = arith.constant 0 : i32
        %dma_wait3A_259 = tpu.memref_slice %arg15[%dma_wait3A_257, %dma_wait3A_258] : memref<10112x128xf32, #tpu.memory_space<vmem_shared>> -> memref<10112x128xf32, #tpu.memory_space<vmem_shared>>
        tpu.wait_indirect_dma semaphore(%arg20 : memref<!tpu.dma_semaphore, #tpu.memory_space<semaphore_mem>>) src(%arg12 : memref<128x128xf32, #tpu.memory_space<vmem>>) dst(%dma_wait3A_259 : memref<10112x128xf32, #tpu.memory_space<vmem_shared>>)
        %eq3A_260 = arith.constant 1 : i32
        %eq3A_261 = arith.cmpi eq, %arg0, %eq3A_260 : i32
        %convert_element_type3A_262 = arith.extui %eq3A_261 : i1 to i32
        %cond3A_263 = arith.constant 0 : i32
        %cond3A_264 = arith.constant 0 : i32
        %cond3A_265 = arith.cmpi ne, %convert_element_type3A_262, %cond3A_264 : i32
        scf.if %cond3A_265 {
          %dma_wait3A_266 = arith.constant 0 : i32
          %dma_wait3A_267 = tpu.memref_slice %arg10[%cond3A_263, %dma_wait3A_266] : memref<40x128xi32, #tpu.memory_space<vmem>> -> memref<1x128xi32, #tpu.memory_space<vmem>>
          %dma_wait3A_268 = tpu.memref_squeeze %dma_wait3A_267 : memref<1x128xi32, #tpu.memory_space<vmem>> -> memref<128xi32, #tpu.memory_space<vmem>>
          %dma_wait3A_269 = arith.constant 0 : i32
          %dma_wait3A_270 = tpu.memref_slice %arg16[%dma_wait3A_269] : memref<10112xf32, #tpu.memory_space<vmem_shared>> -> memref<10112xf32, #tpu.memory_space<vmem_shared>>
          tpu.wait_indirect_dma semaphore(%arg22 : memref<!tpu.dma_semaphore, #tpu.memory_space<semaphore_mem>>) src(%arg14 : memref<128xf32, #tpu.memory_space<vmem>>) dst(%dma_wait3A_270 : memref<10112xf32, #tpu.memory_space<vmem_shared>>)
        } else {
        }
      } else {
      }
      %eq3A_181 = arith.constant 0 : i32
      %eq3A_182 = arith.cmpi eq, %arg0, %eq3A_181 : i32
      %convert_element_type3A_183 = arith.extui %eq3A_182 : i1 to i32
      %cond3A_184 = arith.constant 0 : i32
      %cond3A_185 = arith.cmpi ne, %convert_element_type3A_183, %cond3A_184 : i32
      scf.if %cond3A_185 {
        %dma_start3A_253 = arith.constant 0 : i32
        %dma_start3A_254 = tpu.memref_slice %arg9[%add3A_176, %dma_start3A_253] : memref<48x128xi32, #tpu.memory_space<vmem>> -> memref<1x128xi32, #tpu.memory_space<vmem>>
        %dma_start3A_255 = tpu.memref_squeeze %dma_start3A_254 : memref<1x128xi32, #tpu.memory_space<vmem>> -> memref<128xi32, #tpu.memory_space<vmem>>
        %dma_start3A_256 = arith.constant 0 : i32
        %dma_start3A_257 = arith.constant 0 : i32
        %dma_start3A_258 = tpu.memref_slice %arg2[%dma_start3A_256, %dma_start3A_257] : memref<10000x128xf32, #tpu.memory_space<hbm>> -> memref<10000x128xf32, #tpu.memory_space<hbm>>
        tpu.enqueue_indirect_dma source(%dma_start3A_258 : memref<10000x128xf32, #tpu.memory_space<hbm>>) target(%arg12 : memref<128x128xf32, #tpu.memory_space<vmem>>) offsets(%dma_start3A_255 : memref<128xi32, #tpu.memory_space<vmem>>) semaphore(%arg18 : memref<!tpu.dma_semaphore, #tpu.memory_space<semaphore_mem>>)
      } else {
      }
      %eq3A_186 = arith.constant 1 : i32
      %eq3A_187 = arith.cmpi eq, %arg0, %eq3A_186 : i32
      %convert_element_type3A_188 = arith.extui %eq3A_187 : i1 to i32
      %cond3A_189 = arith.constant 0 : i32
      %cond3A_190 = arith.cmpi ne, %convert_element_type3A_188, %cond3A_189 : i32
      scf.if %cond3A_190 {
        %dma_start3A_253 = arith.constant 0 : i32
        %dma_start3A_254 = tpu.memref_slice %arg9[%add3A_176, %dma_start3A_253] : memref<48x128xi32, #tpu.memory_space<vmem>> -> memref<1x128xi32, #tpu.memory_space<vmem>>
        %dma_start3A_255 = tpu.memref_squeeze %dma_start3A_254 : memref<1x128xi32, #tpu.memory_space<vmem>> -> memref<128xi32, #tpu.memory_space<vmem>>
        %dma_start3A_256 = arith.constant 0 : i32
        %dma_start3A_257 = arith.constant 0 : i32
        %dma_start3A_258 = tpu.memref_slice %arg3[%dma_start3A_256, %dma_start3A_257] : memref<10000x128xf32, #tpu.memory_space<hbm>> -> memref<10000x128xf32, #tpu.memory_space<hbm>>
        tpu.enqueue_indirect_dma source(%dma_start3A_258 : memref<10000x128xf32, #tpu.memory_space<hbm>>) target(%arg12 : memref<128x128xf32, #tpu.memory_space<vmem>>) offsets(%dma_start3A_255 : memref<128xi32, #tpu.memory_space<vmem>>) semaphore(%arg18 : memref<!tpu.dma_semaphore, #tpu.memory_space<semaphore_mem>>)
      } else {
      }
      %dma_wait3A_191 = arith.constant 0 : i32
      %dma_wait3A_192 = arith.constant 0 : i32
      %dma_wait3A_193 = tpu.memref_slice %arg9[%dma_wait3A_191, %dma_wait3A_192] : memref<48x128xi32, #tpu.memory_space<vmem>> -> memref<1x128xi32, #tpu.memory_space<vmem>>
      %dma_wait3A_194 = tpu.memref_squeeze %dma_wait3A_193 : memref<1x128xi32, #tpu.memory_space<vmem>> -> memref<128xi32, #tpu.memory_space<vmem>>
      %dma_wait3A_195 = arith.constant 0 : i32
      %dma_wait3A_196 = arith.constant 0 : i32
      %dma_wait3A_197 = tpu.memref_slice %arg2[%dma_wait3A_195, %dma_wait3A_196] : memref<10000x128xf32, #tpu.memory_space<hbm>> -> memref<10000x128xf32, #tpu.memory_space<hbm>>
      tpu.wait_indirect_dma semaphore(%arg17 : memref<!tpu.dma_semaphore, #tpu.memory_space<semaphore_mem>>) src(%dma_wait3A_197 : memref<10000x128xf32, #tpu.memory_space<hbm>>) dst(%arg11 : memref<128x128xf32, #tpu.memory_space<vmem>>)
      %mul3A_198 = arith.constant 2 : i32
      %mul3A_199 = arith.muli %mul3A_198, %scan3A_172 : i32
      %dma_start3A = arith.constant 0 : i32
      %dma_start3A_200 = tpu.memref_slice %arg10[%mul3A_199, %dma_start3A] : memref<40x128xi32, #tpu.memory_space<vmem>> -> memref<1x128xi32, #tpu.memory_space<vmem>>
      %dma_start3A_201 = tpu.memref_squeeze %dma_start3A_200 : memref<1x128xi32, #tpu.memory_space<vmem>> -> memref<128xi32, #tpu.memory_space<vmem>>
      %dma_start3A_202 = arith.constant 0 : i32
      %dma_start3A_203 = arith.constant 0 : i32
      %dma_start3A_204 = tpu.memref_slice %arg15[%dma_start3A_202, %dma_start3A_203] : memref<10112x128xf32, #tpu.memory_space<vmem_shared>> -> memref<10112x128xf32, #tpu.memory_space<vmem_shared>>
      tpu.enqueue_indirect_dma source(%arg11 : memref<128x128xf32, #tpu.memory_space<vmem>>) target(%dma_start3A_204 : memref<10112x128xf32, #tpu.memory_space<vmem_shared>>) offsets(%dma_start3A_201 : memref<128xi32, #tpu.memory_space<vmem>>) semaphore(%arg19 : memref<!tpu.dma_semaphore, #tpu.memory_space<semaphore_mem>>) {add = true}
      %eq3A_205 = arith.constant 1 : i32
      %eq3A_206 = arith.cmpi eq, %arg0, %eq3A_205 : i32
      %convert_element_type3A_207 = arith.extui %eq3A_206 : i1 to i32
      %cond3A_208 = arith.constant 0 : i32
      %cond3A_209 = arith.cmpi ne, %convert_element_type3A_207, %cond3A_208 : i32
      scf.if %cond3A_209 {
        %dma_start3A_253 = arith.constant 0 : i32
        %dma_start3A_254 = tpu.memref_slice %arg10[%mul3A_199, %dma_start3A_253] : memref<40x128xi32, #tpu.memory_space<vmem>> -> memref<1x128xi32, #tpu.memory_space<vmem>>
        %dma_start3A_255 = tpu.memref_squeeze %dma_start3A_254 : memref<1x128xi32, #tpu.memory_space<vmem>> -> memref<128xi32, #tpu.memory_space<vmem>>
        %dma_start3A_256 = arith.constant 0 : i32
        %dma_start3A_257 = tpu.memref_slice %arg16[%dma_start3A_256] : memref<10112xf32, #tpu.memory_space<vmem_shared>> -> memref<10112xf32, #tpu.memory_space<vmem_shared>>
        tpu.enqueue_indirect_dma source(%arg14 : memref<128xf32, #tpu.memory_space<vmem>>) target(%dma_start3A_257 : memref<10112xf32, #tpu.memory_space<vmem_shared>>) offsets(%dma_start3A_255 : memref<128xi32, #tpu.memory_space<vmem>>) semaphore(%arg21 : memref<!tpu.dma_semaphore, #tpu.memory_space<semaphore_mem>>) {add = true}
      } else {
      }
      %dma_wait3A_210 = arith.constant 0 : i32
      %dma_wait3A_211 = arith.constant 0 : i32
      %dma_wait3A_212 = tpu.memref_slice %arg10[%dma_wait3A_210, %dma_wait3A_211] : memref<40x128xi32, #tpu.memory_space<vmem>> -> memref<1x128xi32, #tpu.memory_space<vmem>>
      %dma_wait3A_213 = tpu.memref_squeeze %dma_wait3A_212 : memref<1x128xi32, #tpu.memory_space<vmem>> -> memref<128xi32, #tpu.memory_space<vmem>>
      %dma_wait3A_214 = arith.constant 0 : i32
      %dma_wait3A_215 = arith.constant 0 : i32
      %dma_wait3A_216 = tpu.memref_slice %arg15[%dma_wait3A_214, %dma_wait3A_215] : memref<10112x128xf32, #tpu.memory_space<vmem_shared>> -> memref<10112x128xf32, #tpu.memory_space<vmem_shared>>
      tpu.wait_indirect_dma semaphore(%arg19 : memref<!tpu.dma_semaphore, #tpu.memory_space<semaphore_mem>>) src(%arg11 : memref<128x128xf32, #tpu.memory_space<vmem>>) dst(%dma_wait3A_216 : memref<10112x128xf32, #tpu.memory_space<vmem_shared>>)
      %eq3A_217 = arith.constant 1 : i32
      %eq3A_218 = arith.cmpi eq, %arg0, %eq3A_217 : i32
      %convert_element_type3A_219 = arith.extui %eq3A_218 : i1 to i32
      %cond3A_220 = arith.constant 0 : i32
      %cond3A_221 = arith.constant 0 : i32
      %cond3A_222 = arith.cmpi ne, %convert_element_type3A_219, %cond3A_221 : i32
      scf.if %cond3A_222 {
        %dma_wait3A_253 = arith.constant 0 : i32
        %dma_wait3A_254 = tpu.memref_slice %arg10[%cond3A_220, %dma_wait3A_253] : memref<40x128xi32, #tpu.memory_space<vmem>> -> memref<1x128xi32, #tpu.memory_space<vmem>>
        %dma_wait3A_255 = tpu.memref_squeeze %dma_wait3A_254 : memref<1x128xi32, #tpu.memory_space<vmem>> -> memref<128xi32, #tpu.memory_space<vmem>>
        %dma_wait3A_256 = arith.constant 0 : i32
        %dma_wait3A_257 = tpu.memref_slice %arg16[%dma_wait3A_256] : memref<10112xf32, #tpu.memory_space<vmem_shared>> -> memref<10112xf32, #tpu.memory_space<vmem_shared>>
        tpu.wait_indirect_dma semaphore(%arg21 : memref<!tpu.dma_semaphore, #tpu.memory_space<semaphore_mem>>) src(%arg14 : memref<128xf32, #tpu.memory_space<vmem>>) dst(%dma_wait3A_257 : memref<10112xf32, #tpu.memory_space<vmem_shared>>)
      } else {
      }
      %add3A_223 = arith.constant 1 : i32
      %add3A_224 = arith.addi %add3A_176, %add3A_223 : i32
      %eq3A_225 = arith.constant 0 : i32
      %eq3A_226 = arith.cmpi eq, %arg0, %eq3A_225 : i32
      %convert_element_type3A_227 = arith.extui %eq3A_226 : i1 to i32
      %cond3A_228 = arith.constant 0 : i32
      %cond3A_229 = arith.cmpi ne, %convert_element_type3A_227, %cond3A_228 : i32
      scf.if %cond3A_229 {
        %dma_start3A_253 = arith.constant 0 : i32
        %dma_start3A_254 = tpu.memref_slice %arg9[%add3A_224, %dma_start3A_253] : memref<48x128xi32, #tpu.memory_space<vmem>> -> memref<1x128xi32, #tpu.memory_space<vmem>>
        %dma_start3A_255 = tpu.memref_squeeze %dma_start3A_254 : memref<1x128xi32, #tpu.memory_space<vmem>> -> memref<128xi32, #tpu.memory_space<vmem>>
        %dma_start3A_256 = arith.constant 0 : i32
        %dma_start3A_257 = arith.constant 0 : i32
        %dma_start3A_258 = tpu.memref_slice %arg2[%dma_start3A_256, %dma_start3A_257] : memref<10000x128xf32, #tpu.memory_space<hbm>> -> memref<10000x128xf32, #tpu.memory_space<hbm>>
        tpu.enqueue_indirect_dma source(%dma_start3A_258 : memref<10000x128xf32, #tpu.memory_space<hbm>>) target(%arg11 : memref<128x128xf32, #tpu.memory_space<vmem>>) offsets(%dma_start3A_255 : memref<128xi32, #tpu.memory_space<vmem>>) semaphore(%arg17 : memref<!tpu.dma_semaphore, #tpu.memory_space<semaphore_mem>>)
      } else {
      }
      %eq3A_230 = arith.constant 1 : i32
      %eq3A_231 = arith.cmpi eq, %arg0, %eq3A_230 : i32
      %convert_element_type3A_232 = arith.extui %eq3A_231 : i1 to i32
      %cond3A_233 = arith.constant 0 : i32
      %cond3A_234 = arith.cmpi ne, %convert_element_type3A_232, %cond3A_233 : i32
      scf.if %cond3A_234 {
        %dma_start3A_253 = arith.constant 0 : i32
        %dma_start3A_254 = tpu.memref_slice %arg9[%add3A_224, %dma_start3A_253] : memref<48x128xi32, #tpu.memory_space<vmem>> -> memref<1x128xi32, #tpu.memory_space<vmem>>
        %dma_start3A_255 = tpu.memref_squeeze %dma_start3A_254 : memref<1x128xi32, #tpu.memory_space<vmem>> -> memref<128xi32, #tpu.memory_space<vmem>>
        %dma_start3A_256 = arith.constant 0 : i32
        %dma_start3A_257 = arith.constant 0 : i32
        %dma_start3A_258 = tpu.memref_slice %arg3[%dma_start3A_256, %dma_start3A_257] : memref<10000x128xf32, #tpu.memory_space<hbm>> -> memref<10000x128xf32, #tpu.memory_space<hbm>>
        tpu.enqueue_indirect_dma source(%dma_start3A_258 : memref<10000x128xf32, #tpu.memory_space<hbm>>) target(%arg11 : memref<128x128xf32, #tpu.memory_space<vmem>>) offsets(%dma_start3A_255 : memref<128xi32, #tpu.memory_space<vmem>>) semaphore(%arg17 : memref<!tpu.dma_semaphore, #tpu.memory_space<semaphore_mem>>)
      } else {
      }
      %dma_wait3A_235 = arith.constant 0 : i32
      %dma_wait3A_236 = arith.constant 0 : i32
      %dma_wait3A_237 = tpu.memref_slice %arg9[%dma_wait3A_235, %dma_wait3A_236] : memref<48x128xi32, #tpu.memory_space<vmem>> -> memref<1x128xi32, #tpu.memory_space<vmem>>
      %dma_wait3A_238 = tpu.memref_squeeze %dma_wait3A_237 : memref<1x128xi32, #tpu.memory_space<vmem>> -> memref<128xi32, #tpu.memory_space<vmem>>
      %dma_wait3A_239 = arith.constant 0 : i32
      %dma_wait3A_240 = arith.constant 0 : i32
      %dma_wait3A_241 = tpu.memref_slice %arg2[%dma_wait3A_239, %dma_wait3A_240] : memref<10000x128xf32, #tpu.memory_space<hbm>> -> memref<10000x128xf32, #tpu.memory_space<hbm>>
      tpu.wait_indirect_dma semaphore(%arg18 : memref<!tpu.dma_semaphore, #tpu.memory_space<semaphore_mem>>) src(%dma_wait3A_241 : memref<10000x128xf32, #tpu.memory_space<hbm>>) dst(%arg12 : memref<128x128xf32, #tpu.memory_space<vmem>>)
      %dma_start3A_242 = arith.constant 0 : i32
      %dma_start3A_243 = tpu.memref_slice %arg10[%add3A_176, %dma_start3A_242] : memref<40x128xi32, #tpu.memory_space<vmem>> -> memref<1x128xi32, #tpu.memory_space<vmem>>
      %dma_start3A_244 = tpu.memref_squeeze %dma_start3A_243 : memref<1x128xi32, #tpu.memory_space<vmem>> -> memref<128xi32, #tpu.memory_space<vmem>>
      %dma_start3A_245 = arith.constant 0 : i32
      %dma_start3A_246 = arith.constant 0 : i32
      %dma_start3A_247 = tpu.memref_slice %arg15[%dma_start3A_245, %dma_start3A_246] : memref<10112x128xf32, #tpu.memory_space<vmem_shared>> -> memref<10112x128xf32, #tpu.memory_space<vmem_shared>>
      tpu.enqueue_indirect_dma source(%arg12 : memref<128x128xf32, #tpu.memory_space<vmem>>) target(%dma_start3A_247 : memref<10112x128xf32, #tpu.memory_space<vmem_shared>>) offsets(%dma_start3A_244 : memref<128xi32, #tpu.memory_space<vmem>>) semaphore(%arg20 : memref<!tpu.dma_semaphore, #tpu.memory_space<semaphore_mem>>) {add = true}
      %eq3A_248 = arith.constant 1 : i32
      %eq3A_249 = arith.cmpi eq, %arg0, %eq3A_248 : i32
      %convert_element_type3A_250 = arith.extui %eq3A_249 : i1 to i32
      %cond3A_251 = arith.constant 0 : i32
      %cond3A_252 = arith.cmpi ne, %convert_element_type3A_250, %cond3A_251 : i32
      scf.if %cond3A_252 {
        %dma_start3A_253 = arith.constant 0 : i32
        %dma_start3A_254 = tpu.memref_slice %arg10[%add3A_176, %dma_start3A_253] : memref<40x128xi32, #tpu.memory_space<vmem>> -> memref<1x128xi32, #tpu.memory_space<vmem>>
        %dma_start3A_255 = tpu.memref_squeeze %dma_start3A_254 : memref<1x128xi32, #tpu.memory_space<vmem>> -> memref<128xi32, #tpu.memory_space<vmem>>
        %dma_start3A_256 = arith.constant 0 : i32
        %dma_start3A_257 = tpu.memref_slice %arg16[%dma_start3A_256] : memref<10112xf32, #tpu.memory_space<vmem_shared>> -> memref<10112xf32, #tpu.memory_space<vmem_shared>>
        tpu.enqueue_indirect_dma source(%arg14 : memref<128xf32, #tpu.memory_space<vmem>>) target(%dma_start3A_257 : memref<10112xf32, #tpu.memory_space<vmem_shared>>) offsets(%dma_start3A_255 : memref<128xi32, #tpu.memory_space<vmem>>) semaphore(%arg22 : memref<!tpu.dma_semaphore, #tpu.memory_space<semaphore_mem>>) {add = true}
      } else {
      }
    }
    %scan3A_86 = arith.constant 20 : i32
    %dma_wait3A_87 = arith.constant 0 : i32
    %dma_wait3A_88 = arith.constant 0 : i32
    %dma_wait3A_89 = tpu.memref_slice %arg9[%dma_wait3A_87, %dma_wait3A_88] : memref<48x128xi32, #tpu.memory_space<vmem>> -> memref<1x128xi32, #tpu.memory_space<vmem>>
    %dma_wait3A_90 = tpu.memref_squeeze %dma_wait3A_89 : memref<1x128xi32, #tpu.memory_space<vmem>> -> memref<128xi32, #tpu.memory_space<vmem>>
    %dma_wait3A_91 = arith.constant 0 : i32
    %dma_wait3A_92 = arith.constant 0 : i32
    %dma_wait3A_93 = tpu.memref_slice %arg2[%dma_wait3A_91, %dma_wait3A_92] : memref<10000x128xf32, #tpu.memory_space<hbm>> -> memref<10000x128xf32, #tpu.memory_space<hbm>>
    tpu.wait_indirect_dma semaphore(%arg17 : memref<!tpu.dma_semaphore, #tpu.memory_space<semaphore_mem>>) src(%dma_wait3A_93 : memref<10000x128xf32, #tpu.memory_space<hbm>>) dst(%arg11 : memref<128x128xf32, #tpu.memory_space<vmem>>)
    %dma_wait3A_94 = arith.constant 0 : i32
    %dma_wait3A_95 = arith.constant 0 : i32
    %dma_wait3A_96 = tpu.memref_slice %arg10[%dma_wait3A_94, %dma_wait3A_95] : memref<40x128xi32, #tpu.memory_space<vmem>> -> memref<1x128xi32, #tpu.memory_space<vmem>>
    %dma_wait3A_97 = tpu.memref_squeeze %dma_wait3A_96 : memref<1x128xi32, #tpu.memory_space<vmem>> -> memref<128xi32, #tpu.memory_space<vmem>>
    %dma_wait3A_98 = arith.constant 0 : i32
    %dma_wait3A_99 = arith.constant 0 : i32
    %dma_wait3A_100 = tpu.memref_slice %arg15[%dma_wait3A_98, %dma_wait3A_99] : memref<10112x128xf32, #tpu.memory_space<vmem_shared>> -> memref<10112x128xf32, #tpu.memory_space<vmem_shared>>
    tpu.wait_indirect_dma semaphore(%arg20 : memref<!tpu.dma_semaphore, #tpu.memory_space<semaphore_mem>>) src(%arg12 : memref<128x128xf32, #tpu.memory_space<vmem>>) dst(%dma_wait3A_100 : memref<10112x128xf32, #tpu.memory_space<vmem_shared>>)
    %eq3A_101 = arith.constant 1 : i32
    %eq3A_102 = arith.cmpi eq, %arg0, %eq3A_101 : i32
    %convert_element_type3A_103 = arith.extui %eq3A_102 : i1 to i32
    %cond3A_104 = arith.constant 0 : i32
    %cond3A_105 = arith.constant 0 : i32
    %cond3A_106 = arith.cmpi ne, %convert_element_type3A_103, %cond3A_105 : i32
    scf.if %cond3A_106 {
      %dma_wait3A_172 = arith.constant 0 : i32
      %dma_wait3A_173 = tpu.memref_slice %arg10[%cond3A_104, %dma_wait3A_172] : memref<40x128xi32, #tpu.memory_space<vmem>> -> memref<1x128xi32, #tpu.memory_space<vmem>>
      %dma_wait3A_174 = tpu.memref_squeeze %dma_wait3A_173 : memref<1x128xi32, #tpu.memory_space<vmem>> -> memref<128xi32, #tpu.memory_space<vmem>>
      %dma_wait3A_175 = arith.constant 0 : i32
      %dma_wait3A_176 = tpu.memref_slice %arg16[%dma_wait3A_175] : memref<10112xf32, #tpu.memory_space<vmem_shared>> -> memref<10112xf32, #tpu.memory_space<vmem_shared>>
      tpu.wait_indirect_dma semaphore(%arg22 : memref<!tpu.dma_semaphore, #tpu.memory_space<semaphore_mem>>) src(%arg14 : memref<128xf32, #tpu.memory_space<vmem>>) dst(%dma_wait3A_176 : memref<10112xf32, #tpu.memory_space<vmem_shared>>)
    } else {
    }
    %barrier3A_107 = arith.constant 0 : index
    tpu.barrier barrier_id(%barrier3A_107)
    %mul3A_108 = arith.constant 632 : i32
    %mul3A_109 = arith.muli %arg1, %mul3A_108 : i32
    %add3A_110 = arith.constant 0 : i32
    %add3A_111 = arith.addi %mul3A_109, %add3A_110 : i32
    "tpu.region"() ({
      %run_scoped3A = tpu.sem_alloc : memref<!tpu.dma_semaphore, #tpu.memory_space<semaphore_mem>>
      %dma_start3A = arith.constant 0 : i32
      %dma_start3A_172 = arith.constant 0 : i32
      %dma_start3A_173 = tpu.memref_slice %arg11[%dma_start3A, %dma_start3A_172] : memref<128x128xf32, #tpu.memory_space<vmem>> -> memref<128x128xf32, #tpu.memory_space<vmem>>
      %dma_start3A_174 = arith.constant 0 : i32
      %dma_start3A_175 = tpu.memref_slice %arg15[%add3A_111, %dma_start3A_174] : memref<10112x128xf32, #tpu.memory_space<vmem_shared>> -> memref<128x128xf32, #tpu.memory_space<vmem_shared>>
      %dma_start3A_176 = arith.constant 0 : i32
      %dma_start3A_177 = arith.constant 0 : i32
      %dma_start3A_178 = tpu.memref_slice %arg11[%dma_start3A_176, %dma_start3A_177] : memref<128x128xf32, #tpu.memory_space<vmem>> -> memref<128x128xf32, #tpu.memory_space<vmem>>
      %dma_start3A_179 = arith.constant 0 : i32
      %dma_start3A_180 = tpu.memref_slice %arg15[%add3A_111, %dma_start3A_179] : memref<10112x128xf32, #tpu.memory_space<vmem_shared>> -> memref<128x128xf32, #tpu.memory_space<vmem_shared>>
      tpu.enqueue_dma source(%dma_start3A_180 : memref<128x128xf32, #tpu.memory_space<vmem_shared>>) target(%dma_start3A_178 : memref<128x128xf32, #tpu.memory_space<vmem>>) target_semaphore(%run_scoped3A : memref<!tpu.dma_semaphore, #tpu.memory_space<semaphore_mem>>)
      %dma_wait3A_181 = arith.constant 0 : i32
      %dma_wait3A_182 = arith.constant 0 : i32
      %dma_wait3A_183 = tpu.memref_slice %arg11[%dma_wait3A_181, %dma_wait3A_182] : memref<128x128xf32, #tpu.memory_space<vmem>> -> memref<128x128xf32, #tpu.memory_space<vmem>>
      %dma_wait3A_184 = arith.constant 0 : i32
      %dma_wait3A_185 = tpu.memref_slice %arg15[%add3A_111, %dma_wait3A_184] : memref<10112x128xf32, #tpu.memory_space<vmem_shared>> -> memref<128x128xf32, #tpu.memory_space<vmem_shared>>
      %dma_wait3A_186 = arith.constant 0 : i32
      %dma_wait3A_187 = arith.constant 0 : i32
      %dma_wait3A_188 = tpu.memref_slice %arg11[%dma_wait3A_186, %dma_wait3A_187] : memref<128x128xf32, #tpu.memory_space<vmem>> -> memref<128x128xf32, #tpu.memory_space<vmem>>
      %dma_wait3A_189 = arith.constant 0 : i32
      %dma_wait3A_190 = tpu.memref_slice %arg15[%add3A_111, %dma_wait3A_189] : memref<10112x128xf32, #tpu.memory_space<vmem_shared>> -> memref<128x128xf32, #tpu.memory_space<vmem_shared>>
      tpu.wait_dma2 semaphore(%run_scoped3A : memref<!tpu.dma_semaphore, #tpu.memory_space<semaphore_mem>>) src(%dma_wait3A_190 : memref<128x128xf32, #tpu.memory_space<vmem_shared>>) dst(%dma_wait3A_188 : memref<128x128xf32, #tpu.memory_space<vmem>>)
      tpu.yield
    }) : () -> ()
    %eq3A_112 = arith.constant 0 : i32
    %eq3A_113 = arith.cmpi eq, %arg0, %eq3A_112 : i32
    %convert_element_type3A_114 = arith.extui %eq3A_113 : i1 to i32
    %cond3A_115 = arith.constant 0 : i32
    %cond3A_116 = arith.cmpi ne, %convert_element_type3A_114, %cond3A_115 : i32
    scf.if %cond3A_116 {
      %add3A_172 = arith.constant 0 : i32
      %add3A_173 = arith.addi %mul3A_109, %add3A_172 : i32
      "tpu.region"() ({
        %run_scoped3A = tpu.sem_alloc : memref<!tpu.dma_semaphore, #tpu.memory_space<semaphore_mem>>
        %dma_start3A = arith.constant 0 : i32
        %dma_start3A_174 = arith.constant 0 : i32
        %dma_start3A_175 = tpu.memref_slice %arg11[%dma_start3A, %dma_start3A_174] : memref<128x128xf32, #tpu.memory_space<vmem>> -> memref<128x128xf32, #tpu.memory_space<vmem>>
        %dma_start3A_176 = arith.constant 0 : i32
        %dma_start3A_177 = tpu.memref_slice %arg6[%add3A_173, %dma_start3A_176] : memref<10000x128xf32, #tpu.memory_space<hbm>> -> memref<128x128xf32, #tpu.memory_space<hbm>>
        %dma_start3A_178 = arith.constant 0 : i32
        %dma_start3A_179 = tpu.memref_slice %arg6[%add3A_173, %dma_start3A_178] : memref<10000x128xf32, #tpu.memory_space<hbm>> -> memref<128x128xf32, #tpu.memory_space<hbm>>
        %dma_start3A_180 = arith.constant 0 : i32
        %dma_start3A_181 = arith.constant 0 : i32
        %dma_start3A_182 = tpu.memref_slice %arg11[%dma_start3A_180, %dma_start3A_181] : memref<128x128xf32, #tpu.memory_space<vmem>> -> memref<128x128xf32, #tpu.memory_space<vmem>>
        tpu.enqueue_dma source(%dma_start3A_182 : memref<128x128xf32, #tpu.memory_space<vmem>>) target(%dma_start3A_179 : memref<128x128xf32, #tpu.memory_space<hbm>>) target_semaphore(%run_scoped3A : memref<!tpu.dma_semaphore, #tpu.memory_space<semaphore_mem>>)
        %dma_wait3A_183 = arith.constant 0 : i32
        %dma_wait3A_184 = arith.constant 0 : i32
        %dma_wait3A_185 = tpu.memref_slice %arg11[%dma_wait3A_183, %dma_wait3A_184] : memref<128x128xf32, #tpu.memory_space<vmem>> -> memref<128x128xf32, #tpu.memory_space<vmem>>
        %dma_wait3A_186 = arith.constant 0 : i32
        %dma_wait3A_187 = tpu.memref_slice %arg6[%add3A_173, %dma_wait3A_186] : memref<10000x128xf32, #tpu.memory_space<hbm>> -> memref<128x128xf32, #tpu.memory_space<hbm>>
        %dma_wait3A_188 = arith.constant 0 : i32
        %dma_wait3A_189 = tpu.memref_slice %arg6[%add3A_173, %dma_wait3A_188] : memref<10000x128xf32, #tpu.memory_space<hbm>> -> memref<128x128xf32, #tpu.memory_space<hbm>>
        %dma_wait3A_190 = arith.constant 0 : i32
        %dma_wait3A_191 = arith.constant 0 : i32
        %dma_wait3A_192 = tpu.memref_slice %arg11[%dma_wait3A_190, %dma_wait3A_191] : memref<128x128xf32, #tpu.memory_space<vmem>> -> memref<128x128xf32, #tpu.memory_space<vmem>>
        tpu.wait_dma2 semaphore(%run_scoped3A : memref<!tpu.dma_semaphore, #tpu.memory_space<semaphore_mem>>) src(%dma_wait3A_192 : memref<128x128xf32, #tpu.memory_space<vmem>>) dst(%dma_wait3A_189 : memref<128x128xf32, #tpu.memory_space<hbm>>)
        tpu.yield
      }) : () -> ()
    } else {
    }
    %eq3A_117 = arith.constant 1 : i32
    %eq3A_118 = arith.cmpi eq, %arg0, %eq3A_117 : i32
    %convert_element_type3A_119 = arith.extui %eq3A_118 : i1 to i32
    %cond3A_120 = arith.constant 0 : i32
    %cond3A_121 = arith.cmpi ne, %convert_element_type3A_119, %cond3A_120 : i32
    scf.if %cond3A_121 {
      %add3A_172 = arith.constant 0 : i32
      %add3A_173 = arith.addi %mul3A_109, %add3A_172 : i32
      "tpu.region"() ({
        %run_scoped3A = tpu.sem_alloc : memref<!tpu.dma_semaphore, #tpu.memory_space<semaphore_mem>>
        %dma_start3A = arith.constant 0 : i32
        %dma_start3A_174 = arith.constant 0 : i32
        %dma_start3A_175 = tpu.memref_slice %arg11[%dma_start3A, %dma_start3A_174] : memref<128x128xf32, #tpu.memory_space<vmem>> -> memref<128x128xf32, #tpu.memory_space<vmem>>
        %dma_start3A_176 = arith.constant 0 : i32
        %dma_start3A_177 = tpu.memref_slice %arg7[%add3A_173, %dma_start3A_176] : memref<10000x128xf32, #tpu.memory_space<hbm>> -> memref<128x128xf32, #tpu.memory_space<hbm>>
        %dma_start3A_178 = arith.constant 0 : i32
        %dma_start3A_179 = tpu.memref_slice %arg7[%add3A_173, %dma_start3A_178] : memref<10000x128xf32, #tpu.memory_space<hbm>> -> memref<128x128xf32, #tpu.memory_space<hbm>>
        %dma_start3A_180 = arith.constant 0 : i32
        %dma_start3A_181 = arith.constant 0 : i32
        %dma_start3A_182 = tpu.memref_slice %arg11[%dma_start3A_180, %dma_start3A_181] : memref<128x128xf32, #tpu.memory_space<vmem>> -> memref<128x128xf32, #tpu.memory_space<vmem>>
        tpu.enqueue_dma source(%dma_start3A_182 : memref<128x128xf32, #tpu.memory_space<vmem>>) target(%dma_start3A_179 : memref<128x128xf32, #tpu.memory_space<hbm>>) target_semaphore(%run_scoped3A : memref<!tpu.dma_semaphore, #tpu.memory_space<semaphore_mem>>)
        %dma_wait3A_183 = arith.constant 0 : i32
        %dma_wait3A_184 = arith.constant 0 : i32
        %dma_wait3A_185 = tpu.memref_slice %arg11[%dma_wait3A_183, %dma_wait3A_184] : memref<128x128xf32, #tpu.memory_space<vmem>> -> memref<128x128xf32, #tpu.memory_space<vmem>>
        %dma_wait3A_186 = arith.constant 0 : i32
        %dma_wait3A_187 = tpu.memref_slice %arg7[%add3A_173, %dma_wait3A_186] : memref<10000x128xf32, #tpu.memory_space<hbm>> -> memref<128x128xf32, #tpu.memory_space<hbm>>
        %dma_wait3A_188 = arith.constant 0 : i32
        %dma_wait3A_189 = tpu.memref_slice %arg7[%add3A_173, %dma_wait3A_188] : memref<10000x128xf32, #tpu.memory_space<hbm>> -> memref<128x128xf32, #tpu.memory_space<hbm>>
        %dma_wait3A_190 = arith.constant 0 : i32
        %dma_wait3A_191 = arith.constant 0 : i32
        %dma_wait3A_192 = tpu.memref_slice %arg11[%dma_wait3A_190, %dma_wait3A_191] : memref<128x128xf32, #tpu.memory_space<vmem>> -> memref<128x128xf32, #tpu.memory_space<vmem>>
        tpu.wait_dma2 semaphore(%run_scoped3A : memref<!tpu.dma_semaphore, #tpu.memory_space<semaphore_mem>>) src(%dma_wait3A_192 : memref<128x128xf32, #tpu.memory_space<vmem>>) dst(%dma_wait3A_189 : memref<128x128xf32, #tpu.memory_space<hbm>>)
        tpu.yield
      }) : () -> ()
    } else {
    }
    %add3A_122 = arith.constant 128 : i32
    %add3A_123 = arith.addi %mul3A_109, %add3A_122 : i32
    "tpu.region"() ({
      %run_scoped3A = tpu.sem_alloc : memref<!tpu.dma_semaphore, #tpu.memory_space<semaphore_mem>>
      %dma_start3A = arith.constant 0 : i32
      %dma_start3A_172 = arith.constant 0 : i32
      %dma_start3A_173 = tpu.memref_slice %arg11[%dma_start3A, %dma_start3A_172] : memref<128x128xf32, #tpu.memory_space<vmem>> -> memref<128x128xf32, #tpu.memory_space<vmem>>
      %dma_start3A_174 = arith.constant 0 : i32
      %dma_start3A_175 = tpu.memref_slice %arg15[%add3A_123, %dma_start3A_174] : memref<10112x128xf32, #tpu.memory_space<vmem_shared>> -> memref<128x128xf32, #tpu.memory_space<vmem_shared>>
      %dma_start3A_176 = arith.constant 0 : i32
      %dma_start3A_177 = arith.constant 0 : i32
      %dma_start3A_178 = tpu.memref_slice %arg11[%dma_start3A_176, %dma_start3A_177] : memref<128x128xf32, #tpu.memory_space<vmem>> -> memref<128x128xf32, #tpu.memory_space<vmem>>
      %dma_start3A_179 = arith.constant 0 : i32
      %dma_start3A_180 = tpu.memref_slice %arg15[%add3A_123, %dma_start3A_179] : memref<10112x128xf32, #tpu.memory_space<vmem_shared>> -> memref<128x128xf32, #tpu.memory_space<vmem_shared>>
      tpu.enqueue_dma source(%dma_start3A_180 : memref<128x128xf32, #tpu.memory_space<vmem_shared>>) target(%dma_start3A_178 : memref<128x128xf32, #tpu.memory_space<vmem>>) target_semaphore(%run_scoped3A : memref<!tpu.dma_semaphore, #tpu.memory_space<semaphore_mem>>)
      %dma_wait3A_181 = arith.constant 0 : i32
      %dma_wait3A_182 = arith.constant 0 : i32
      %dma_wait3A_183 = tpu.memref_slice %arg11[%dma_wait3A_181, %dma_wait3A_182] : memref<128x128xf32, #tpu.memory_space<vmem>> -> memref<128x128xf32, #tpu.memory_space<vmem>>
      %dma_wait3A_184 = arith.constant 0 : i32
      %dma_wait3A_185 = tpu.memref_slice %arg15[%add3A_123, %dma_wait3A_184] : memref<10112x128xf32, #tpu.memory_space<vmem_shared>> -> memref<128x128xf32, #tpu.memory_space<vmem_shared>>
      %dma_wait3A_186 = arith.constant 0 : i32
      %dma_wait3A_187 = arith.constant 0 : i32
      %dma_wait3A_188 = tpu.memref_slice %arg11[%dma_wait3A_186, %dma_wait3A_187] : memref<128x128xf32, #tpu.memory_space<vmem>> -> memref<128x128xf32, #tpu.memory_space<vmem>>
      %dma_wait3A_189 = arith.constant 0 : i32
      %dma_wait3A_190 = tpu.memref_slice %arg15[%add3A_123, %dma_wait3A_189] : memref<10112x128xf32, #tpu.memory_space<vmem_shared>> -> memref<128x128xf32, #tpu.memory_space<vmem_shared>>
      tpu.wait_dma2 semaphore(%run_scoped3A : memref<!tpu.dma_semaphore, #tpu.memory_space<semaphore_mem>>) src(%dma_wait3A_190 : memref<128x128xf32, #tpu.memory_space<vmem_shared>>) dst(%dma_wait3A_188 : memref<128x128xf32, #tpu.memory_space<vmem>>)
      tpu.yield
    }) : () -> ()
    %eq3A_124 = arith.constant 0 : i32
    %eq3A_125 = arith.cmpi eq, %arg0, %eq3A_124 : i32
    %convert_element_type3A_126 = arith.extui %eq3A_125 : i1 to i32
    %cond3A_127 = arith.constant 0 : i32
    %cond3A_128 = arith.cmpi ne, %convert_element_type3A_126, %cond3A_127 : i32
    scf.if %cond3A_128 {
      %add3A_172 = arith.constant 128 : i32
      %add3A_173 = arith.addi %mul3A_109, %add3A_172 : i32
      "tpu.region"() ({
        %run_scoped3A = tpu.sem_alloc : memref<!tpu.dma_semaphore, #tpu.memory_space<semaphore_mem>>
        %dma_start3A = arith.constant 0 : i32
        %dma_start3A_174 = arith.constant 0 : i32
        %dma_start3A_175 = tpu.memref_slice %arg11[%dma_start3A, %dma_start3A_174] : memref<128x128xf32, #tpu.memory_space<vmem>> -> memref<128x128xf32, #tpu.memory_space<vmem>>
        %dma_start3A_176 = arith.constant 0 : i32
        %dma_start3A_177 = tpu.memref_slice %arg6[%add3A_173, %dma_start3A_176] : memref<10000x128xf32, #tpu.memory_space<hbm>> -> memref<128x128xf32, #tpu.memory_space<hbm>>
        %dma_start3A_178 = arith.constant 0 : i32
        %dma_start3A_179 = tpu.memref_slice %arg6[%add3A_173, %dma_start3A_178] : memref<10000x128xf32, #tpu.memory_space<hbm>> -> memref<128x128xf32, #tpu.memory_space<hbm>>
        %dma_start3A_180 = arith.constant 0 : i32
        %dma_start3A_181 = arith.constant 0 : i32
        %dma_start3A_182 = tpu.memref_slice %arg11[%dma_start3A_180, %dma_start3A_181] : memref<128x128xf32, #tpu.memory_space<vmem>> -> memref<128x128xf32, #tpu.memory_space<vmem>>
        tpu.enqueue_dma source(%dma_start3A_182 : memref<128x128xf32, #tpu.memory_space<vmem>>) target(%dma_start3A_179 : memref<128x128xf32, #tpu.memory_space<hbm>>) target_semaphore(%run_scoped3A : memref<!tpu.dma_semaphore, #tpu.memory_space<semaphore_mem>>)
        %dma_wait3A_183 = arith.constant 0 : i32
        %dma_wait3A_184 = arith.constant 0 : i32
        %dma_wait3A_185 = tpu.memref_slice %arg11[%dma_wait3A_183, %dma_wait3A_184] : memref<128x128xf32, #tpu.memory_space<vmem>> -> memref<128x128xf32, #tpu.memory_space<vmem>>
        %dma_wait3A_186 = arith.constant 0 : i32
        %dma_wait3A_187 = tpu.memref_slice %arg6[%add3A_173, %dma_wait3A_186] : memref<10000x128xf32, #tpu.memory_space<hbm>> -> memref<128x128xf32, #tpu.memory_space<hbm>>
        %dma_wait3A_188 = arith.constant 0 : i32
        %dma_wait3A_189 = tpu.memref_slice %arg6[%add3A_173, %dma_wait3A_188] : memref<10000x128xf32, #tpu.memory_space<hbm>> -> memref<128x128xf32, #tpu.memory_space<hbm>>
        %dma_wait3A_190 = arith.constant 0 : i32
        %dma_wait3A_191 = arith.constant 0 : i32
        %dma_wait3A_192 = tpu.memref_slice %arg11[%dma_wait3A_190, %dma_wait3A_191] : memref<128x128xf32, #tpu.memory_space<vmem>> -> memref<128x128xf32, #tpu.memory_space<vmem>>
        tpu.wait_dma2 semaphore(%run_scoped3A : memref<!tpu.dma_semaphore, #tpu.memory_space<semaphore_mem>>) src(%dma_wait3A_192 : memref<128x128xf32, #tpu.memory_space<vmem>>) dst(%dma_wait3A_189 : memref<128x128xf32, #tpu.memory_space<hbm>>)
        tpu.yield
      }) : () -> ()
    } else {
    }
    %eq3A_129 = arith.constant 1 : i32
    %eq3A_130 = arith.cmpi eq, %arg0, %eq3A_129 : i32
    %convert_element_type3A_131 = arith.extui %eq3A_130 : i1 to i32
    %cond3A_132 = arith.constant 0 : i32
    %cond3A_133 = arith.cmpi ne, %convert_element_type3A_131, %cond3A_132 : i32
    scf.if %cond3A_133 {
      %add3A_172 = arith.constant 128 : i32
      %add3A_173 = arith.addi %mul3A_109, %add3A_172 : i32
      "tpu.region"() ({
        %run_scoped3A = tpu.sem_alloc : memref<!tpu.dma_semaphore, #tpu.memory_space<semaphore_mem>>
        %dma_start3A = arith.constant 0 : i32
        %dma_start3A_174 = arith.constant 0 : i32
        %dma_start3A_175 = tpu.memref_slice %arg11[%dma_start3A, %dma_start3A_174] : memref<128x128xf32, #tpu.memory_space<vmem>> -> memref<128x128xf32, #tpu.memory_space<vmem>>
        %dma_start3A_176 = arith.constant 0 : i32
        %dma_start3A_177 = tpu.memref_slice %arg7[%add3A_173, %dma_start3A_176] : memref<10000x128xf32, #tpu.memory_space<hbm>> -> memref<128x128xf32, #tpu.memory_space<hbm>>
        %dma_start3A_178 = arith.constant 0 : i32
        %dma_start3A_179 = tpu.memref_slice %arg7[%add3A_173, %dma_start3A_178] : memref<10000x128xf32, #tpu.memory_space<hbm>> -> memref<128x128xf32, #tpu.memory_space<hbm>>
        %dma_start3A_180 = arith.constant 0 : i32
        %dma_start3A_181 = arith.constant 0 : i32
        %dma_start3A_182 = tpu.memref_slice %arg11[%dma_start3A_180, %dma_start3A_181] : memref<128x128xf32, #tpu.memory_space<vmem>> -> memref<128x128xf32, #tpu.memory_space<vmem>>
        tpu.enqueue_dma source(%dma_start3A_182 : memref<128x128xf32, #tpu.memory_space<vmem>>) target(%dma_start3A_179 : memref<128x128xf32, #tpu.memory_space<hbm>>) target_semaphore(%run_scoped3A : memref<!tpu.dma_semaphore, #tpu.memory_space<semaphore_mem>>)
        %dma_wait3A_183 = arith.constant 0 : i32
        %dma_wait3A_184 = arith.constant 0 : i32
        %dma_wait3A_185 = tpu.memref_slice %arg11[%dma_wait3A_183, %dma_wait3A_184] : memref<128x128xf32, #tpu.memory_space<vmem>> -> memref<128x128xf32, #tpu.memory_space<vmem>>
        %dma_wait3A_186 = arith.constant 0 : i32
        %dma_wait3A_187 = tpu.memref_slice %arg7[%add3A_173, %dma_wait3A_186] : memref<10000x128xf32, #tpu.memory_space<hbm>> -> memref<128x128xf32, #tpu.memory_space<hbm>>
        %dma_wait3A_188 = arith.constant 0 : i32
        %dma_wait3A_189 = tpu.memref_slice %arg7[%add3A_173, %dma_wait3A_188] : memref<10000x128xf32, #tpu.memory_space<hbm>> -> memref<128x128xf32, #tpu.memory_space<hbm>>
        %dma_wait3A_190 = arith.constant 0 : i32
        %dma_wait3A_191 = arith.constant 0 : i32
        %dma_wait3A_192 = tpu.memref_slice %arg11[%dma_wait3A_190, %dma_wait3A_191] : memref<128x128xf32, #tpu.memory_space<vmem>> -> memref<128x128xf32, #tpu.memory_space<vmem>>
        tpu.wait_dma2 semaphore(%run_scoped3A : memref<!tpu.dma_semaphore, #tpu.memory_space<semaphore_mem>>) src(%dma_wait3A_192 : memref<128x128xf32, #tpu.memory_space<vmem>>) dst(%dma_wait3A_189 : memref<128x128xf32, #tpu.memory_space<hbm>>)
        tpu.yield
      }) : () -> ()
    } else {
    }
    %add3A_134 = arith.constant 256 : i32
    %add3A_135 = arith.addi %mul3A_109, %add3A_134 : i32
    "tpu.region"() ({
      %run_scoped3A = tpu.sem_alloc : memref<!tpu.dma_semaphore, #tpu.memory_space<semaphore_mem>>
      %dma_start3A = arith.constant 0 : i32
      %dma_start3A_172 = arith.constant 0 : i32
      %dma_start3A_173 = tpu.memref_slice %arg11[%dma_start3A, %dma_start3A_172] : memref<128x128xf32, #tpu.memory_space<vmem>> -> memref<128x128xf32, #tpu.memory_space<vmem>>
      %dma_start3A_174 = arith.constant 0 : i32
      %dma_start3A_175 = tpu.memref_slice %arg15[%add3A_135, %dma_start3A_174] : memref<10112x128xf32, #tpu.memory_space<vmem_shared>> -> memref<128x128xf32, #tpu.memory_space<vmem_shared>>
      %dma_start3A_176 = arith.constant 0 : i32
      %dma_start3A_177 = arith.constant 0 : i32
      %dma_start3A_178 = tpu.memref_slice %arg11[%dma_start3A_176, %dma_start3A_177] : memref<128x128xf32, #tpu.memory_space<vmem>> -> memref<128x128xf32, #tpu.memory_space<vmem>>
      %dma_start3A_179 = arith.constant 0 : i32
      %dma_start3A_180 = tpu.memref_slice %arg15[%add3A_135, %dma_start3A_179] : memref<10112x128xf32, #tpu.memory_space<vmem_shared>> -> memref<128x128xf32, #tpu.memory_space<vmem_shared>>
      tpu.enqueue_dma source(%dma_start3A_180 : memref<128x128xf32, #tpu.memory_space<vmem_shared>>) target(%dma_start3A_178 : memref<128x128xf32, #tpu.memory_space<vmem>>) target_semaphore(%run_scoped3A : memref<!tpu.dma_semaphore, #tpu.memory_space<semaphore_mem>>)
      %dma_wait3A_181 = arith.constant 0 : i32
      %dma_wait3A_182 = arith.constant 0 : i32
      %dma_wait3A_183 = tpu.memref_slice %arg11[%dma_wait3A_181, %dma_wait3A_182] : memref<128x128xf32, #tpu.memory_space<vmem>> -> memref<128x128xf32, #tpu.memory_space<vmem>>
      %dma_wait3A_184 = arith.constant 0 : i32
      %dma_wait3A_185 = tpu.memref_slice %arg15[%add3A_135, %dma_wait3A_184] : memref<10112x128xf32, #tpu.memory_space<vmem_shared>> -> memref<128x128xf32, #tpu.memory_space<vmem_shared>>
      %dma_wait3A_186 = arith.constant 0 : i32
      %dma_wait3A_187 = arith.constant 0 : i32
      %dma_wait3A_188 = tpu.memref_slice %arg11[%dma_wait3A_186, %dma_wait3A_187] : memref<128x128xf32, #tpu.memory_space<vmem>> -> memref<128x128xf32, #tpu.memory_space<vmem>>
      %dma_wait3A_189 = arith.constant 0 : i32
      %dma_wait3A_190 = tpu.memref_slice %arg15[%add3A_135, %dma_wait3A_189] : memref<10112x128xf32, #tpu.memory_space<vmem_shared>> -> memref<128x128xf32, #tpu.memory_space<vmem_shared>>
      tpu.wait_dma2 semaphore(%run_scoped3A : memref<!tpu.dma_semaphore, #tpu.memory_space<semaphore_mem>>) src(%dma_wait3A_190 : memref<128x128xf32, #tpu.memory_space<vmem_shared>>) dst(%dma_wait3A_188 : memref<128x128xf32, #tpu.memory_space<vmem>>)
      tpu.yield
    }) : () -> ()
    %eq3A_136 = arith.constant 0 : i32
    %eq3A_137 = arith.cmpi eq, %arg0, %eq3A_136 : i32
    %convert_element_type3A_138 = arith.extui %eq3A_137 : i1 to i32
    %cond3A_139 = arith.constant 0 : i32
    %cond3A_140 = arith.cmpi ne, %convert_element_type3A_138, %cond3A_139 : i32
    scf.if %cond3A_140 {
      %add3A_172 = arith.constant 256 : i32
      %add3A_173 = arith.addi %mul3A_109, %add3A_172 : i32
      "tpu.region"() ({
        %run_scoped3A = tpu.sem_alloc : memref<!tpu.dma_semaphore, #tpu.memory_space<semaphore_mem>>
        %dma_start3A = arith.constant 0 : i32
        %dma_start3A_174 = arith.constant 0 : i32
        %dma_start3A_175 = tpu.memref_slice %arg11[%dma_start3A, %dma_start3A_174] : memref<128x128xf32, #tpu.memory_space<vmem>> -> memref<128x128xf32, #tpu.memory_space<vmem>>
        %dma_start3A_176 = arith.constant 0 : i32
        %dma_start3A_177 = tpu.memref_slice %arg6[%add3A_173, %dma_start3A_176] : memref<10000x128xf32, #tpu.memory_space<hbm>> -> memref<128x128xf32, #tpu.memory_space<hbm>>
        %dma_start3A_178 = arith.constant 0 : i32
        %dma_start3A_179 = tpu.memref_slice %arg6[%add3A_173, %dma_start3A_178] : memref<10000x128xf32, #tpu.memory_space<hbm>> -> memref<128x128xf32, #tpu.memory_space<hbm>>
        %dma_start3A_180 = arith.constant 0 : i32
        %dma_start3A_181 = arith.constant 0 : i32
        %dma_start3A_182 = tpu.memref_slice %arg11[%dma_start3A_180, %dma_start3A_181] : memref<128x128xf32, #tpu.memory_space<vmem>> -> memref<128x128xf32, #tpu.memory_space<vmem>>
        tpu.enqueue_dma source(%dma_start3A_182 : memref<128x128xf32, #tpu.memory_space<vmem>>) target(%dma_start3A_179 : memref<128x128xf32, #tpu.memory_space<hbm>>) target_semaphore(%run_scoped3A : memref<!tpu.dma_semaphore, #tpu.memory_space<semaphore_mem>>)
        %dma_wait3A_183 = arith.constant 0 : i32
        %dma_wait3A_184 = arith.constant 0 : i32
        %dma_wait3A_185 = tpu.memref_slice %arg11[%dma_wait3A_183, %dma_wait3A_184] : memref<128x128xf32, #tpu.memory_space<vmem>> -> memref<128x128xf32, #tpu.memory_space<vmem>>
        %dma_wait3A_186 = arith.constant 0 : i32
        %dma_wait3A_187 = tpu.memref_slice %arg6[%add3A_173, %dma_wait3A_186] : memref<10000x128xf32, #tpu.memory_space<hbm>> -> memref<128x128xf32, #tpu.memory_space<hbm>>
        %dma_wait3A_188 = arith.constant 0 : i32
        %dma_wait3A_189 = tpu.memref_slice %arg6[%add3A_173, %dma_wait3A_188] : memref<10000x128xf32, #tpu.memory_space<hbm>> -> memref<128x128xf32, #tpu.memory_space<hbm>>
        %dma_wait3A_190 = arith.constant 0 : i32
        %dma_wait3A_191 = arith.constant 0 : i32
        %dma_wait3A_192 = tpu.memref_slice %arg11[%dma_wait3A_190, %dma_wait3A_191] : memref<128x128xf32, #tpu.memory_space<vmem>> -> memref<128x128xf32, #tpu.memory_space<vmem>>
        tpu.wait_dma2 semaphore(%run_scoped3A : memref<!tpu.dma_semaphore, #tpu.memory_space<semaphore_mem>>) src(%dma_wait3A_192 : memref<128x128xf32, #tpu.memory_space<vmem>>) dst(%dma_wait3A_189 : memref<128x128xf32, #tpu.memory_space<hbm>>)
        tpu.yield
      }) : () -> ()
    } else {
    }
    %eq3A_141 = arith.constant 1 : i32
    %eq3A_142 = arith.cmpi eq, %arg0, %eq3A_141 : i32
    %convert_element_type3A_143 = arith.extui %eq3A_142 : i1 to i32
    %cond3A_144 = arith.constant 0 : i32
    %cond3A_145 = arith.cmpi ne, %convert_element_type3A_143, %cond3A_144 : i32
    scf.if %cond3A_145 {
      %add3A_172 = arith.constant 256 : i32
      %add3A_173 = arith.addi %mul3A_109, %add3A_172 : i32
      "tpu.region"() ({
        %run_scoped3A = tpu.sem_alloc : memref<!tpu.dma_semaphore, #tpu.memory_space<semaphore_mem>>
        %dma_start3A = arith.constant 0 : i32
        %dma_start3A_174 = arith.constant 0 : i32
        %dma_start3A_175 = tpu.memref_slice %arg11[%dma_start3A, %dma_start3A_174] : memref<128x128xf32, #tpu.memory_space<vmem>> -> memref<128x128xf32, #tpu.memory_space<vmem>>
        %dma_start3A_176 = arith.constant 0 : i32
        %dma_start3A_177 = tpu.memref_slice %arg7[%add3A_173, %dma_start3A_176] : memref<10000x128xf32, #tpu.memory_space<hbm>> -> memref<128x128xf32, #tpu.memory_space<hbm>>
        %dma_start3A_178 = arith.constant 0 : i32
        %dma_start3A_179 = tpu.memref_slice %arg7[%add3A_173, %dma_start3A_178] : memref<10000x128xf32, #tpu.memory_space<hbm>> -> memref<128x128xf32, #tpu.memory_space<hbm>>
        %dma_start3A_180 = arith.constant 0 : i32
        %dma_start3A_181 = arith.constant 0 : i32
        %dma_start3A_182 = tpu.memref_slice %arg11[%dma_start3A_180, %dma_start3A_181] : memref<128x128xf32, #tpu.memory_space<vmem>> -> memref<128x128xf32, #tpu.memory_space<vmem>>
        tpu.enqueue_dma source(%dma_start3A_182 : memref<128x128xf32, #tpu.memory_space<vmem>>) target(%dma_start3A_179 : memref<128x128xf32, #tpu.memory_space<hbm>>) target_semaphore(%run_scoped3A : memref<!tpu.dma_semaphore, #tpu.memory_space<semaphore_mem>>)
        %dma_wait3A_183 = arith.constant 0 : i32
        %dma_wait3A_184 = arith.constant 0 : i32
        %dma_wait3A_185 = tpu.memref_slice %arg11[%dma_wait3A_183, %dma_wait3A_184] : memref<128x128xf32, #tpu.memory_space<vmem>> -> memref<128x128xf32, #tpu.memory_space<vmem>>
        %dma_wait3A_186 = arith.constant 0 : i32
        %dma_wait3A_187 = tpu.memref_slice %arg7[%add3A_173, %dma_wait3A_186] : memref<10000x128xf32, #tpu.memory_space<hbm>> -> memref<128x128xf32, #tpu.memory_space<hbm>>
        %dma_wait3A_188 = arith.constant 0 : i32
        %dma_wait3A_189 = tpu.memref_slice %arg7[%add3A_173, %dma_wait3A_188] : memref<10000x128xf32, #tpu.memory_space<hbm>> -> memref<128x128xf32, #tpu.memory_space<hbm>>
        %dma_wait3A_190 = arith.constant 0 : i32
        %dma_wait3A_191 = arith.constant 0 : i32
        %dma_wait3A_192 = tpu.memref_slice %arg11[%dma_wait3A_190, %dma_wait3A_191] : memref<128x128xf32, #tpu.memory_space<vmem>> -> memref<128x128xf32, #tpu.memory_space<vmem>>
        tpu.wait_dma2 semaphore(%run_scoped3A : memref<!tpu.dma_semaphore, #tpu.memory_space<semaphore_mem>>) src(%dma_wait3A_192 : memref<128x128xf32, #tpu.memory_space<vmem>>) dst(%dma_wait3A_189 : memref<128x128xf32, #tpu.memory_space<hbm>>)
        tpu.yield
      }) : () -> ()
    } else {
    }
    %add3A_146 = arith.constant 384 : i32
    %add3A_147 = arith.addi %mul3A_109, %add3A_146 : i32
    "tpu.region"() ({
      %run_scoped3A = tpu.sem_alloc : memref<!tpu.dma_semaphore, #tpu.memory_space<semaphore_mem>>
      %dma_start3A = arith.constant 0 : i32
      %dma_start3A_172 = arith.constant 0 : i32
      %dma_start3A_173 = tpu.memref_slice %arg11[%dma_start3A, %dma_start3A_172] : memref<128x128xf32, #tpu.memory_space<vmem>> -> memref<128x128xf32, #tpu.memory_space<vmem>>
      %dma_start3A_174 = arith.constant 0 : i32
      %dma_start3A_175 = tpu.memref_slice %arg15[%add3A_147, %dma_start3A_174] : memref<10112x128xf32, #tpu.memory_space<vmem_shared>> -> memref<128x128xf32, #tpu.memory_space<vmem_shared>>
      %dma_start3A_176 = arith.constant 0 : i32
      %dma_start3A_177 = arith.constant 0 : i32
      %dma_start3A_178 = tpu.memref_slice %arg11[%dma_start3A_176, %dma_start3A_177] : memref<128x128xf32, #tpu.memory_space<vmem>> -> memref<128x128xf32, #tpu.memory_space<vmem>>
      %dma_start3A_179 = arith.constant 0 : i32
      %dma_start3A_180 = tpu.memref_slice %arg15[%add3A_147, %dma_start3A_179] : memref<10112x128xf32, #tpu.memory_space<vmem_shared>> -> memref<128x128xf32, #tpu.memory_space<vmem_shared>>
      tpu.enqueue_dma source(%dma_start3A_180 : memref<128x128xf32, #tpu.memory_space<vmem_shared>>) target(%dma_start3A_178 : memref<128x128xf32, #tpu.memory_space<vmem>>) target_semaphore(%run_scoped3A : memref<!tpu.dma_semaphore, #tpu.memory_space<semaphore_mem>>)
      %dma_wait3A_181 = arith.constant 0 : i32
      %dma_wait3A_182 = arith.constant 0 : i32
      %dma_wait3A_183 = tpu.memref_slice %arg11[%dma_wait3A_181, %dma_wait3A_182] : memref<128x128xf32, #tpu.memory_space<vmem>> -> memref<128x128xf32, #tpu.memory_space<vmem>>
      %dma_wait3A_184 = arith.constant 0 : i32
      %dma_wait3A_185 = tpu.memref_slice %arg15[%add3A_147, %dma_wait3A_184] : memref<10112x128xf32, #tpu.memory_space<vmem_shared>> -> memref<128x128xf32, #tpu.memory_space<vmem_shared>>
      %dma_wait3A_186 = arith.constant 0 : i32
      %dma_wait3A_187 = arith.constant 0 : i32
      %dma_wait3A_188 = tpu.memref_slice %arg11[%dma_wait3A_186, %dma_wait3A_187] : memref<128x128xf32, #tpu.memory_space<vmem>> -> memref<128x128xf32, #tpu.memory_space<vmem>>
      %dma_wait3A_189 = arith.constant 0 : i32
      %dma_wait3A_190 = tpu.memref_slice %arg15[%add3A_147, %dma_wait3A_189] : memref<10112x128xf32, #tpu.memory_space<vmem_shared>> -> memref<128x128xf32, #tpu.memory_space<vmem_shared>>
      tpu.wait_dma2 semaphore(%run_scoped3A : memref<!tpu.dma_semaphore, #tpu.memory_space<semaphore_mem>>) src(%dma_wait3A_190 : memref<128x128xf32, #tpu.memory_space<vmem_shared>>) dst(%dma_wait3A_188 : memref<128x128xf32, #tpu.memory_space<vmem>>)
      tpu.yield
    }) : () -> ()
    %eq3A_148 = arith.constant 0 : i32
    %eq3A_149 = arith.cmpi eq, %arg0, %eq3A_148 : i32
    %convert_element_type3A_150 = arith.extui %eq3A_149 : i1 to i32
    %cond3A_151 = arith.constant 0 : i32
    %cond3A_152 = arith.cmpi ne, %convert_element_type3A_150, %cond3A_151 : i32
    scf.if %cond3A_152 {
      %add3A_172 = arith.constant 384 : i32
      %add3A_173 = arith.addi %mul3A_109, %add3A_172 : i32
      "tpu.region"() ({
        %run_scoped3A = tpu.sem_alloc : memref<!tpu.dma_semaphore, #tpu.memory_space<semaphore_mem>>
        %dma_start3A = arith.constant 0 : i32
        %dma_start3A_174 = arith.constant 0 : i32
        %dma_start3A_175 = tpu.memref_slice %arg11[%dma_start3A, %dma_start3A_174] : memref<128x128xf32, #tpu.memory_space<vmem>> -> memref<128x128xf32, #tpu.memory_space<vmem>>
        %dma_start3A_176 = arith.constant 0 : i32
        %dma_start3A_177 = tpu.memref_slice %arg6[%add3A_173, %dma_start3A_176] : memref<10000x128xf32, #tpu.memory_space<hbm>> -> memref<128x128xf32, #tpu.memory_space<hbm>>
        %dma_start3A_178 = arith.constant 0 : i32
        %dma_start3A_179 = tpu.memref_slice %arg6[%add3A_173, %dma_start3A_178] : memref<10000x128xf32, #tpu.memory_space<hbm>> -> memref<128x128xf32, #tpu.memory_space<hbm>>
        %dma_start3A_180 = arith.constant 0 : i32
        %dma_start3A_181 = arith.constant 0 : i32
        %dma_start3A_182 = tpu.memref_slice %arg11[%dma_start3A_180, %dma_start3A_181] : memref<128x128xf32, #tpu.memory_space<vmem>> -> memref<128x128xf32, #tpu.memory_space<vmem>>
        tpu.enqueue_dma source(%dma_start3A_182 : memref<128x128xf32, #tpu.memory_space<vmem>>) target(%dma_start3A_179 : memref<128x128xf32, #tpu.memory_space<hbm>>) target_semaphore(%run_scoped3A : memref<!tpu.dma_semaphore, #tpu.memory_space<semaphore_mem>>)
        %dma_wait3A_183 = arith.constant 0 : i32
        %dma_wait3A_184 = arith.constant 0 : i32
        %dma_wait3A_185 = tpu.memref_slice %arg11[%dma_wait3A_183, %dma_wait3A_184] : memref<128x128xf32, #tpu.memory_space<vmem>> -> memref<128x128xf32, #tpu.memory_space<vmem>>
        %dma_wait3A_186 = arith.constant 0 : i32
        %dma_wait3A_187 = tpu.memref_slice %arg6[%add3A_173, %dma_wait3A_186] : memref<10000x128xf32, #tpu.memory_space<hbm>> -> memref<128x128xf32, #tpu.memory_space<hbm>>
        %dma_wait3A_188 = arith.constant 0 : i32
        %dma_wait3A_189 = tpu.memref_slice %arg6[%add3A_173, %dma_wait3A_188] : memref<10000x128xf32, #tpu.memory_space<hbm>> -> memref<128x128xf32, #tpu.memory_space<hbm>>
        %dma_wait3A_190 = arith.constant 0 : i32
        %dma_wait3A_191 = arith.constant 0 : i32
        %dma_wait3A_192 = tpu.memref_slice %arg11[%dma_wait3A_190, %dma_wait3A_191] : memref<128x128xf32, #tpu.memory_space<vmem>> -> memref<128x128xf32, #tpu.memory_space<vmem>>
        tpu.wait_dma2 semaphore(%run_scoped3A : memref<!tpu.dma_semaphore, #tpu.memory_space<semaphore_mem>>) src(%dma_wait3A_192 : memref<128x128xf32, #tpu.memory_space<vmem>>) dst(%dma_wait3A_189 : memref<128x128xf32, #tpu.memory_space<hbm>>)
        tpu.yield
      }) : () -> ()
    } else {
    }
    %eq3A_153 = arith.constant 1 : i32
    %eq3A_154 = arith.cmpi eq, %arg0, %eq3A_153 : i32
    %convert_element_type3A_155 = arith.extui %eq3A_154 : i1 to i32
    %cond3A_156 = arith.constant 0 : i32
    %cond3A_157 = arith.cmpi ne, %convert_element_type3A_155, %cond3A_156 : i32
    scf.if %cond3A_157 {
      %add3A_172 = arith.constant 384 : i32
      %add3A_173 = arith.addi %mul3A_109, %add3A_172 : i32
      "tpu.region"() ({
        %run_scoped3A = tpu.sem_alloc : memref<!tpu.dma_semaphore, #tpu.memory_space<semaphore_mem>>
        %dma_start3A = arith.constant 0 : i32
        %dma_start3A_174 = arith.constant 0 : i32
        %dma_start3A_175 = tpu.memref_slice %arg11[%dma_start3A, %dma_start3A_174] : memref<128x128xf32, #tpu.memory_space<vmem>> -> memref<128x128xf32, #tpu.memory_space<vmem>>
        %dma_start3A_176 = arith.constant 0 : i32
        %dma_start3A_177 = tpu.memref_slice %arg7[%add3A_173, %dma_start3A_176] : memref<10000x128xf32, #tpu.memory_space<hbm>> -> memref<128x128xf32, #tpu.memory_space<hbm>>
        %dma_start3A_178 = arith.constant 0 : i32
        %dma_start3A_179 = tpu.memref_slice %arg7[%add3A_173, %dma_start3A_178] : memref<10000x128xf32, #tpu.memory_space<hbm>> -> memref<128x128xf32, #tpu.memory_space<hbm>>
        %dma_start3A_180 = arith.constant 0 : i32
        %dma_start3A_181 = arith.constant 0 : i32
        %dma_start3A_182 = tpu.memref_slice %arg11[%dma_start3A_180, %dma_start3A_181] : memref<128x128xf32, #tpu.memory_space<vmem>> -> memref<128x128xf32, #tpu.memory_space<vmem>>
        tpu.enqueue_dma source(%dma_start3A_182 : memref<128x128xf32, #tpu.memory_space<vmem>>) target(%dma_start3A_179 : memref<128x128xf32, #tpu.memory_space<hbm>>) target_semaphore(%run_scoped3A : memref<!tpu.dma_semaphore, #tpu.memory_space<semaphore_mem>>)
        %dma_wait3A_183 = arith.constant 0 : i32
        %dma_wait3A_184 = arith.constant 0 : i32
        %dma_wait3A_185 = tpu.memref_slice %arg11[%dma_wait3A_183, %dma_wait3A_184] : memref<128x128xf32, #tpu.memory_space<vmem>> -> memref<128x128xf32, #tpu.memory_space<vmem>>
        %dma_wait3A_186 = arith.constant 0 : i32
        %dma_wait3A_187 = tpu.memref_slice %arg7[%add3A_173, %dma_wait3A_186] : memref<10000x128xf32, #tpu.memory_space<hbm>> -> memref<128x128xf32, #tpu.memory_space<hbm>>
        %dma_wait3A_188 = arith.constant 0 : i32
        %dma_wait3A_189 = tpu.memref_slice %arg7[%add3A_173, %dma_wait3A_188] : memref<10000x128xf32, #tpu.memory_space<hbm>> -> memref<128x128xf32, #tpu.memory_space<hbm>>
        %dma_wait3A_190 = arith.constant 0 : i32
        %dma_wait3A_191 = arith.constant 0 : i32
        %dma_wait3A_192 = tpu.memref_slice %arg11[%dma_wait3A_190, %dma_wait3A_191] : memref<128x128xf32, #tpu.memory_space<vmem>> -> memref<128x128xf32, #tpu.memory_space<vmem>>
        tpu.wait_dma2 semaphore(%run_scoped3A : memref<!tpu.dma_semaphore, #tpu.memory_space<semaphore_mem>>) src(%dma_wait3A_192 : memref<128x128xf32, #tpu.memory_space<vmem>>) dst(%dma_wait3A_189 : memref<128x128xf32, #tpu.memory_space<hbm>>)
        tpu.yield
      }) : () -> ()
    } else {
    }
    %lt3A = arith.constant 15 : i32
    %lt3A_158 = arith.cmpi slt, %arg1, %lt3A : i32
    %convert_element_type3A_159 = arith.extui %lt3A_158 : i1 to i32
    %cond3A_160 = arith.constant 0 : i32
    %cond3A_161 = arith.cmpi ne, %convert_element_type3A_159, %cond3A_160 : i32
    scf.if %cond3A_161 {
      %add3A_172 = arith.constant 512 : i32
      %add3A_173 = arith.addi %mul3A_109, %add3A_172 : i32
      "tpu.region"() ({
        %run_scoped3A = tpu.sem_alloc : memref<!tpu.dma_semaphore, #tpu.memory_space<semaphore_mem>>
        %dma_start3A = arith.constant 0 : i32
        %dma_start3A_184 = arith.constant 0 : i32
        %dma_start3A_185 = tpu.memref_slice %arg11[%dma_start3A, %dma_start3A_184] : memref<128x128xf32, #tpu.memory_space<vmem>> -> memref<120x128xf32, #tpu.memory_space<vmem>>
        %dma_start3A_186 = arith.constant 0 : i32
        %dma_start3A_187 = tpu.memref_slice %arg15[%add3A_173, %dma_start3A_186] : memref<10112x128xf32, #tpu.memory_space<vmem_shared>> -> memref<120x128xf32, #tpu.memory_space<vmem_shared>>
        %dma_start3A_188 = arith.constant 0 : i32
        %dma_start3A_189 = arith.constant 0 : i32
        %dma_start3A_190 = tpu.memref_slice %arg11[%dma_start3A_188, %dma_start3A_189] : memref<128x128xf32, #tpu.memory_space<vmem>> -> memref<120x128xf32, #tpu.memory_space<vmem>>
        %dma_start3A_191 = arith.constant 0 : i32
        %dma_start3A_192 = tpu.memref_slice %arg15[%add3A_173, %dma_start3A_191] : memref<10112x128xf32, #tpu.memory_space<vmem_shared>> -> memref<120x128xf32, #tpu.memory_space<vmem_shared>>
        tpu.enqueue_dma source(%dma_start3A_192 : memref<120x128xf32, #tpu.memory_space<vmem_shared>>) target(%dma_start3A_190 : memref<120x128xf32, #tpu.memory_space<vmem>>) target_semaphore(%run_scoped3A : memref<!tpu.dma_semaphore, #tpu.memory_space<semaphore_mem>>)
        %dma_wait3A_193 = arith.constant 0 : i32
        %dma_wait3A_194 = arith.constant 0 : i32
        %dma_wait3A_195 = tpu.memref_slice %arg11[%dma_wait3A_193, %dma_wait3A_194] : memref<128x128xf32, #tpu.memory_space<vmem>> -> memref<120x128xf32, #tpu.memory_space<vmem>>
        %dma_wait3A_196 = arith.constant 0 : i32
        %dma_wait3A_197 = tpu.memref_slice %arg15[%add3A_173, %dma_wait3A_196] : memref<10112x128xf32, #tpu.memory_space<vmem_shared>> -> memref<120x128xf32, #tpu.memory_space<vmem_shared>>
        %dma_wait3A_198 = arith.constant 0 : i32
        %dma_wait3A_199 = arith.constant 0 : i32
        %dma_wait3A_200 = tpu.memref_slice %arg11[%dma_wait3A_198, %dma_wait3A_199] : memref<128x128xf32, #tpu.memory_space<vmem>> -> memref<120x128xf32, #tpu.memory_space<vmem>>
        %dma_wait3A_201 = arith.constant 0 : i32
        %dma_wait3A_202 = tpu.memref_slice %arg15[%add3A_173, %dma_wait3A_201] : memref<10112x128xf32, #tpu.memory_space<vmem_shared>> -> memref<120x128xf32, #tpu.memory_space<vmem_shared>>
        tpu.wait_dma2 semaphore(%run_scoped3A : memref<!tpu.dma_semaphore, #tpu.memory_space<semaphore_mem>>) src(%dma_wait3A_202 : memref<120x128xf32, #tpu.memory_space<vmem_shared>>) dst(%dma_wait3A_200 : memref<120x128xf32, #tpu.memory_space<vmem>>)
        tpu.yield
      }) : () -> ()
      %eq3A_174 = arith.constant 0 : i32
      %eq3A_175 = arith.cmpi eq, %arg0, %eq3A_174 : i32
      %convert_element_type3A_176 = arith.extui %eq3A_175 : i1 to i32
      %cond3A_177 = arith.constant 0 : i32
      %cond3A_178 = arith.cmpi ne, %convert_element_type3A_176, %cond3A_177 : i32
      scf.if %cond3A_178 {
        %add3A_184 = arith.constant 512 : i32
        %add3A_185 = arith.addi %mul3A_109, %add3A_184 : i32
        "tpu.region"() ({
          %run_scoped3A = tpu.sem_alloc : memref<!tpu.dma_semaphore, #tpu.memory_space<semaphore_mem>>
          %dma_start3A = arith.constant 0 : i32
          %dma_start3A_186 = arith.constant 0 : i32
          %dma_start3A_187 = tpu.memref_slice %arg11[%dma_start3A, %dma_start3A_186] : memref<128x128xf32, #tpu.memory_space<vmem>> -> memref<120x128xf32, #tpu.memory_space<vmem>>
          %dma_start3A_188 = arith.constant 0 : i32
          %dma_start3A_189 = tpu.memref_slice %arg6[%add3A_185, %dma_start3A_188] : memref<10000x128xf32, #tpu.memory_space<hbm>> -> memref<120x128xf32, #tpu.memory_space<hbm>>
          %dma_start3A_190 = arith.constant 0 : i32
          %dma_start3A_191 = tpu.memref_slice %arg6[%add3A_185, %dma_start3A_190] : memref<10000x128xf32, #tpu.memory_space<hbm>> -> memref<120x128xf32, #tpu.memory_space<hbm>>
          %dma_start3A_192 = arith.constant 0 : i32
          %dma_start3A_193 = arith.constant 0 : i32
          %dma_start3A_194 = tpu.memref_slice %arg11[%dma_start3A_192, %dma_start3A_193] : memref<128x128xf32, #tpu.memory_space<vmem>> -> memref<120x128xf32, #tpu.memory_space<vmem>>
          tpu.enqueue_dma source(%dma_start3A_194 : memref<120x128xf32, #tpu.memory_space<vmem>>) target(%dma_start3A_191 : memref<120x128xf32, #tpu.memory_space<hbm>>) target_semaphore(%run_scoped3A : memref<!tpu.dma_semaphore, #tpu.memory_space<semaphore_mem>>)
          %dma_wait3A_195 = arith.constant 0 : i32
          %dma_wait3A_196 = arith.constant 0 : i32
          %dma_wait3A_197 = tpu.memref_slice %arg11[%dma_wait3A_195, %dma_wait3A_196] : memref<128x128xf32, #tpu.memory_space<vmem>> -> memref<120x128xf32, #tpu.memory_space<vmem>>
          %dma_wait3A_198 = arith.constant 0 : i32
          %dma_wait3A_199 = tpu.memref_slice %arg6[%add3A_185, %dma_wait3A_198] : memref<10000x128xf32, #tpu.memory_space<hbm>> -> memref<120x128xf32, #tpu.memory_space<hbm>>
          %dma_wait3A_200 = arith.constant 0 : i32
          %dma_wait3A_201 = tpu.memref_slice %arg6[%add3A_185, %dma_wait3A_200] : memref<10000x128xf32, #tpu.memory_space<hbm>> -> memref<120x128xf32, #tpu.memory_space<hbm>>
          %dma_wait3A_202 = arith.constant 0 : i32
          %dma_wait3A_203 = arith.constant 0 : i32
          %dma_wait3A_204 = tpu.memref_slice %arg11[%dma_wait3A_202, %dma_wait3A_203] : memref<128x128xf32, #tpu.memory_space<vmem>> -> memref<120x128xf32, #tpu.memory_space<vmem>>
          tpu.wait_dma2 semaphore(%run_scoped3A : memref<!tpu.dma_semaphore, #tpu.memory_space<semaphore_mem>>) src(%dma_wait3A_204 : memref<120x128xf32, #tpu.memory_space<vmem>>) dst(%dma_wait3A_201 : memref<120x128xf32, #tpu.memory_space<hbm>>)
          tpu.yield
        }) : () -> ()
      } else {
      }
      %eq3A_179 = arith.constant 1 : i32
      %eq3A_180 = arith.cmpi eq, %arg0, %eq3A_179 : i32
      %convert_element_type3A_181 = arith.extui %eq3A_180 : i1 to i32
      %cond3A_182 = arith.constant 0 : i32
      %cond3A_183 = arith.cmpi ne, %convert_element_type3A_181, %cond3A_182 : i32
      scf.if %cond3A_183 {
        %add3A_184 = arith.constant 512 : i32
        %add3A_185 = arith.addi %mul3A_109, %add3A_184 : i32
        "tpu.region"() ({
          %run_scoped3A = tpu.sem_alloc : memref<!tpu.dma_semaphore, #tpu.memory_space<semaphore_mem>>
          %dma_start3A = arith.constant 0 : i32
          %dma_start3A_186 = arith.constant 0 : i32
          %dma_start3A_187 = tpu.memref_slice %arg11[%dma_start3A, %dma_start3A_186] : memref<128x128xf32, #tpu.memory_space<vmem>> -> memref<120x128xf32, #tpu.memory_space<vmem>>
          %dma_start3A_188 = arith.constant 0 : i32
          %dma_start3A_189 = tpu.memref_slice %arg7[%add3A_185, %dma_start3A_188] : memref<10000x128xf32, #tpu.memory_space<hbm>> -> memref<120x128xf32, #tpu.memory_space<hbm>>
          %dma_start3A_190 = arith.constant 0 : i32
          %dma_start3A_191 = tpu.memref_slice %arg7[%add3A_185, %dma_start3A_190] : memref<10000x128xf32, #tpu.memory_space<hbm>> -> memref<120x128xf32, #tpu.memory_space<hbm>>
          %dma_start3A_192 = arith.constant 0 : i32
          %dma_start3A_193 = arith.constant 0 : i32
          %dma_start3A_194 = tpu.memref_slice %arg11[%dma_start3A_192, %dma_start3A_193] : memref<128x128xf32, #tpu.memory_space<vmem>> -> memref<120x128xf32, #tpu.memory_space<vmem>>
          tpu.enqueue_dma source(%dma_start3A_194 : memref<120x128xf32, #tpu.memory_space<vmem>>) target(%dma_start3A_191 : memref<120x128xf32, #tpu.memory_space<hbm>>) target_semaphore(%run_scoped3A : memref<!tpu.dma_semaphore, #tpu.memory_space<semaphore_mem>>)
          %dma_wait3A_195 = arith.constant 0 : i32
          %dma_wait3A_196 = arith.constant 0 : i32
          %dma_wait3A_197 = tpu.memref_slice %arg11[%dma_wait3A_195, %dma_wait3A_196] : memref<128x128xf32, #tpu.memory_space<vmem>> -> memref<120x128xf32, #tpu.memory_space<vmem>>
          %dma_wait3A_198 = arith.constant 0 : i32
          %dma_wait3A_199 = tpu.memref_slice %arg7[%add3A_185, %dma_wait3A_198] : memref<10000x128xf32, #tpu.memory_space<hbm>> -> memref<120x128xf32, #tpu.memory_space<hbm>>
          %dma_wait3A_200 = arith.constant 0 : i32
          %dma_wait3A_201 = tpu.memref_slice %arg7[%add3A_185, %dma_wait3A_200] : memref<10000x128xf32, #tpu.memory_space<hbm>> -> memref<120x128xf32, #tpu.memory_space<hbm>>
          %dma_wait3A_202 = arith.constant 0 : i32
          %dma_wait3A_203 = arith.constant 0 : i32
          %dma_wait3A_204 = tpu.memref_slice %arg11[%dma_wait3A_202, %dma_wait3A_203] : memref<128x128xf32, #tpu.memory_space<vmem>> -> memref<120x128xf32, #tpu.memory_space<vmem>>
          tpu.wait_dma2 semaphore(%run_scoped3A : memref<!tpu.dma_semaphore, #tpu.memory_space<semaphore_mem>>) src(%dma_wait3A_204 : memref<120x128xf32, #tpu.memory_space<vmem>>) dst(%dma_wait3A_201 : memref<120x128xf32, #tpu.memory_space<hbm>>)
          tpu.yield
        }) : () -> ()
      } else {
      }
    } else {
    }
    %eq3A_162 = arith.constant 15 : i32
    %eq3A_163 = arith.cmpi eq, %arg1, %eq3A_162 : i32
    %convert_element_type3A_164 = arith.extui %eq3A_163 : i1 to i32
    %cond3A_165 = arith.constant 0 : i32
    %cond3A_166 = arith.cmpi ne, %convert_element_type3A_164, %cond3A_165 : i32
    scf.if %cond3A_166 {
      %add3A_172 = arith.constant 512 : i32
      %add3A_173 = arith.addi %mul3A_109, %add3A_172 : i32
      "tpu.region"() ({
        %run_scoped3A = tpu.sem_alloc : memref<!tpu.dma_semaphore, #tpu.memory_space<semaphore_mem>>
        %dma_start3A = arith.constant 0 : i32
        %dma_start3A_184 = arith.constant 0 : i32
        %dma_start3A_185 = tpu.memref_slice %arg11[%dma_start3A, %dma_start3A_184] : memref<128x128xf32, #tpu.memory_space<vmem>> -> memref<8x128xf32, #tpu.memory_space<vmem>>
        %dma_start3A_186 = arith.constant 0 : i32
        %dma_start3A_187 = tpu.memref_slice %arg15[%add3A_173, %dma_start3A_186] : memref<10112x128xf32, #tpu.memory_space<vmem_shared>> -> memref<8x128xf32, #tpu.memory_space<vmem_shared>>
        %dma_start3A_188 = arith.constant 0 : i32
        %dma_start3A_189 = arith.constant 0 : i32
        %dma_start3A_190 = tpu.memref_slice %arg11[%dma_start3A_188, %dma_start3A_189] : memref<128x128xf32, #tpu.memory_space<vmem>> -> memref<8x128xf32, #tpu.memory_space<vmem>>
        %dma_start3A_191 = arith.constant 0 : i32
        %dma_start3A_192 = tpu.memref_slice %arg15[%add3A_173, %dma_start3A_191] : memref<10112x128xf32, #tpu.memory_space<vmem_shared>> -> memref<8x128xf32, #tpu.memory_space<vmem_shared>>
        tpu.enqueue_dma source(%dma_start3A_192 : memref<8x128xf32, #tpu.memory_space<vmem_shared>>) target(%dma_start3A_190 : memref<8x128xf32, #tpu.memory_space<vmem>>) target_semaphore(%run_scoped3A : memref<!tpu.dma_semaphore, #tpu.memory_space<semaphore_mem>>)
        %dma_wait3A_193 = arith.constant 0 : i32
        %dma_wait3A_194 = arith.constant 0 : i32
        %dma_wait3A_195 = tpu.memref_slice %arg11[%dma_wait3A_193, %dma_wait3A_194] : memref<128x128xf32, #tpu.memory_space<vmem>> -> memref<8x128xf32, #tpu.memory_space<vmem>>
        %dma_wait3A_196 = arith.constant 0 : i32
        %dma_wait3A_197 = tpu.memref_slice %arg15[%add3A_173, %dma_wait3A_196] : memref<10112x128xf32, #tpu.memory_space<vmem_shared>> -> memref<8x128xf32, #tpu.memory_space<vmem_shared>>
        %dma_wait3A_198 = arith.constant 0 : i32
        %dma_wait3A_199 = arith.constant 0 : i32
        %dma_wait3A_200 = tpu.memref_slice %arg11[%dma_wait3A_198, %dma_wait3A_199] : memref<128x128xf32, #tpu.memory_space<vmem>> -> memref<8x128xf32, #tpu.memory_space<vmem>>
        %dma_wait3A_201 = arith.constant 0 : i32
        %dma_wait3A_202 = tpu.memref_slice %arg15[%add3A_173, %dma_wait3A_201] : memref<10112x128xf32, #tpu.memory_space<vmem_shared>> -> memref<8x128xf32, #tpu.memory_space<vmem_shared>>
        tpu.wait_dma2 semaphore(%run_scoped3A : memref<!tpu.dma_semaphore, #tpu.memory_space<semaphore_mem>>) src(%dma_wait3A_202 : memref<8x128xf32, #tpu.memory_space<vmem_shared>>) dst(%dma_wait3A_200 : memref<8x128xf32, #tpu.memory_space<vmem>>)
        tpu.yield
      }) : () -> ()
      %eq3A_174 = arith.constant 0 : i32
      %eq3A_175 = arith.cmpi eq, %arg0, %eq3A_174 : i32
      %convert_element_type3A_176 = arith.extui %eq3A_175 : i1 to i32
      %cond3A_177 = arith.constant 0 : i32
      %cond3A_178 = arith.cmpi ne, %convert_element_type3A_176, %cond3A_177 : i32
      scf.if %cond3A_178 {
        %add3A_184 = arith.constant 512 : i32
        %add3A_185 = arith.addi %mul3A_109, %add3A_184 : i32
        "tpu.region"() ({
          %run_scoped3A = tpu.sem_alloc : memref<!tpu.dma_semaphore, #tpu.memory_space<semaphore_mem>>
          %dma_start3A = arith.constant 0 : i32
          %dma_start3A_186 = arith.constant 0 : i32
          %dma_start3A_187 = tpu.memref_slice %arg11[%dma_start3A, %dma_start3A_186] : memref<128x128xf32, #tpu.memory_space<vmem>> -> memref<8x128xf32, #tpu.memory_space<vmem>>
          %dma_start3A_188 = arith.constant 0 : i32
          %dma_start3A_189 = tpu.memref_slice %arg6[%add3A_185, %dma_start3A_188] : memref<10000x128xf32, #tpu.memory_space<hbm>> -> memref<8x128xf32, #tpu.memory_space<hbm>>
          %dma_start3A_190 = arith.constant 0 : i32
          %dma_start3A_191 = tpu.memref_slice %arg6[%add3A_185, %dma_start3A_190] : memref<10000x128xf32, #tpu.memory_space<hbm>> -> memref<8x128xf32, #tpu.memory_space<hbm>>
          %dma_start3A_192 = arith.constant 0 : i32
          %dma_start3A_193 = arith.constant 0 : i32
          %dma_start3A_194 = tpu.memref_slice %arg11[%dma_start3A_192, %dma_start3A_193] : memref<128x128xf32, #tpu.memory_space<vmem>> -> memref<8x128xf32, #tpu.memory_space<vmem>>
          tpu.enqueue_dma source(%dma_start3A_194 : memref<8x128xf32, #tpu.memory_space<vmem>>) target(%dma_start3A_191 : memref<8x128xf32, #tpu.memory_space<hbm>>) target_semaphore(%run_scoped3A : memref<!tpu.dma_semaphore, #tpu.memory_space<semaphore_mem>>)
          %dma_wait3A_195 = arith.constant 0 : i32
          %dma_wait3A_196 = arith.constant 0 : i32
          %dma_wait3A_197 = tpu.memref_slice %arg11[%dma_wait3A_195, %dma_wait3A_196] : memref<128x128xf32, #tpu.memory_space<vmem>> -> memref<8x128xf32, #tpu.memory_space<vmem>>
          %dma_wait3A_198 = arith.constant 0 : i32
          %dma_wait3A_199 = tpu.memref_slice %arg6[%add3A_185, %dma_wait3A_198] : memref<10000x128xf32, #tpu.memory_space<hbm>> -> memref<8x128xf32, #tpu.memory_space<hbm>>
          %dma_wait3A_200 = arith.constant 0 : i32
          %dma_wait3A_201 = tpu.memref_slice %arg6[%add3A_185, %dma_wait3A_200] : memref<10000x128xf32, #tpu.memory_space<hbm>> -> memref<8x128xf32, #tpu.memory_space<hbm>>
          %dma_wait3A_202 = arith.constant 0 : i32
          %dma_wait3A_203 = arith.constant 0 : i32
          %dma_wait3A_204 = tpu.memref_slice %arg11[%dma_wait3A_202, %dma_wait3A_203] : memref<128x128xf32, #tpu.memory_space<vmem>> -> memref<8x128xf32, #tpu.memory_space<vmem>>
          tpu.wait_dma2 semaphore(%run_scoped3A : memref<!tpu.dma_semaphore, #tpu.memory_space<semaphore_mem>>) src(%dma_wait3A_204 : memref<8x128xf32, #tpu.memory_space<vmem>>) dst(%dma_wait3A_201 : memref<8x128xf32, #tpu.memory_space<hbm>>)
          tpu.yield
        }) : () -> ()
      } else {
      }
      %eq3A_179 = arith.constant 1 : i32
      %eq3A_180 = arith.cmpi eq, %arg0, %eq3A_179 : i32
      %convert_element_type3A_181 = arith.extui %eq3A_180 : i1 to i32
      %cond3A_182 = arith.constant 0 : i32
      %cond3A_183 = arith.cmpi ne, %convert_element_type3A_181, %cond3A_182 : i32
      scf.if %cond3A_183 {
        %add3A_184 = arith.constant 512 : i32
        %add3A_185 = arith.addi %mul3A_109, %add3A_184 : i32
        "tpu.region"() ({
          %run_scoped3A = tpu.sem_alloc : memref<!tpu.dma_semaphore, #tpu.memory_space<semaphore_mem>>
          %dma_start3A = arith.constant 0 : i32
          %dma_start3A_186 = arith.constant 0 : i32
          %dma_start3A_187 = tpu.memref_slice %arg11[%dma_start3A, %dma_start3A_186] : memref<128x128xf32, #tpu.memory_space<vmem>> -> memref<8x128xf32, #tpu.memory_space<vmem>>
          %dma_start3A_188 = arith.constant 0 : i32
          %dma_start3A_189 = tpu.memref_slice %arg7[%add3A_185, %dma_start3A_188] : memref<10000x128xf32, #tpu.memory_space<hbm>> -> memref<8x128xf32, #tpu.memory_space<hbm>>
          %dma_start3A_190 = arith.constant 0 : i32
          %dma_start3A_191 = tpu.memref_slice %arg7[%add3A_185, %dma_start3A_190] : memref<10000x128xf32, #tpu.memory_space<hbm>> -> memref<8x128xf32, #tpu.memory_space<hbm>>
          %dma_start3A_192 = arith.constant 0 : i32
          %dma_start3A_193 = arith.constant 0 : i32
          %dma_start3A_194 = tpu.memref_slice %arg11[%dma_start3A_192, %dma_start3A_193] : memref<128x128xf32, #tpu.memory_space<vmem>> -> memref<8x128xf32, #tpu.memory_space<vmem>>
          tpu.enqueue_dma source(%dma_start3A_194 : memref<8x128xf32, #tpu.memory_space<vmem>>) target(%dma_start3A_191 : memref<8x128xf32, #tpu.memory_space<hbm>>) target_semaphore(%run_scoped3A : memref<!tpu.dma_semaphore, #tpu.memory_space<semaphore_mem>>)
          %dma_wait3A_195 = arith.constant 0 : i32
          %dma_wait3A_196 = arith.constant 0 : i32
          %dma_wait3A_197 = tpu.memref_slice %arg11[%dma_wait3A_195, %dma_wait3A_196] : memref<128x128xf32, #tpu.memory_space<vmem>> -> memref<8x128xf32, #tpu.memory_space<vmem>>
          %dma_wait3A_198 = arith.constant 0 : i32
          %dma_wait3A_199 = tpu.memref_slice %arg7[%add3A_185, %dma_wait3A_198] : memref<10000x128xf32, #tpu.memory_space<hbm>> -> memref<8x128xf32, #tpu.memory_space<hbm>>
          %dma_wait3A_200 = arith.constant 0 : i32
          %dma_wait3A_201 = tpu.memref_slice %arg7[%add3A_185, %dma_wait3A_200] : memref<10000x128xf32, #tpu.memory_space<hbm>> -> memref<8x128xf32, #tpu.memory_space<hbm>>
          %dma_wait3A_202 = arith.constant 0 : i32
          %dma_wait3A_203 = arith.constant 0 : i32
          %dma_wait3A_204 = tpu.memref_slice %arg11[%dma_wait3A_202, %dma_wait3A_203] : memref<128x128xf32, #tpu.memory_space<vmem>> -> memref<8x128xf32, #tpu.memory_space<vmem>>
          tpu.wait_dma2 semaphore(%run_scoped3A : memref<!tpu.dma_semaphore, #tpu.memory_space<semaphore_mem>>) src(%dma_wait3A_204 : memref<8x128xf32, #tpu.memory_space<vmem>>) dst(%dma_wait3A_201 : memref<8x128xf32, #tpu.memory_space<hbm>>)
          tpu.yield
        }) : () -> ()
      } else {
      }
    } else {
    }
    %eq3A_167 = arith.constant 1 : i32
    %eq3A_168 = arith.cmpi eq, %arg0, %eq3A_167 : i32
    %convert_element_type3A_169 = arith.extui %eq3A_168 : i1 to i32
    %cond3A_170 = arith.constant 0 : i32
    %cond3A_171 = arith.cmpi ne, %convert_element_type3A_169, %cond3A_170 : i32
    scf.if %cond3A_171 {
      %lt3A_172 = arith.constant 15 : i32
      %lt3A_173 = arith.cmpi slt, %arg1, %lt3A_172 : i32
      %convert_element_type3A_174 = arith.extui %lt3A_173 : i1 to i32
      %cond3A_175 = arith.constant 0 : i32
      %cond3A_176 = arith.cmpi ne, %convert_element_type3A_174, %cond3A_175 : i32
      scf.if %cond3A_176 {
        "tpu.region"() ({
          %run_scoped3A = tpu.sem_alloc : memref<!tpu.dma_semaphore, #tpu.memory_space<semaphore_mem>>
          %dma_start3A = arith.constant 0 : i32
          %dma_start3A_182 = tpu.memref_slice %arg13[%dma_start3A] : memref<640xf32, #tpu.memory_space<vmem>> -> memref<632xf32, #tpu.memory_space<vmem>>
          %dma_start3A_183 = tpu.memref_slice %arg16[%mul3A_109] : memref<10112xf32, #tpu.memory_space<vmem_shared>> -> memref<632xf32, #tpu.memory_space<vmem_shared>>
          %dma_start3A_184 = arith.constant 0 : i32
          %dma_start3A_185 = tpu.memref_slice %arg13[%dma_start3A_184] : memref<640xf32, #tpu.memory_space<vmem>> -> memref<632xf32, #tpu.memory_space<vmem>>
          %dma_start3A_186 = tpu.memref_slice %arg16[%mul3A_109] : memref<10112xf32, #tpu.memory_space<vmem_shared>> -> memref<632xf32, #tpu.memory_space<vmem_shared>>
          tpu.enqueue_dma source(%dma_start3A_186 : memref<632xf32, #tpu.memory_space<vmem_shared>>) target(%dma_start3A_185 : memref<632xf32, #tpu.memory_space<vmem>>) target_semaphore(%run_scoped3A : memref<!tpu.dma_semaphore, #tpu.memory_space<semaphore_mem>>)
          %dma_wait3A_187 = arith.constant 0 : i32
          %dma_wait3A_188 = tpu.memref_slice %arg13[%dma_wait3A_187] : memref<640xf32, #tpu.memory_space<vmem>> -> memref<632xf32, #tpu.memory_space<vmem>>
          %dma_wait3A_189 = tpu.memref_slice %arg16[%mul3A_109] : memref<10112xf32, #tpu.memory_space<vmem_shared>> -> memref<632xf32, #tpu.memory_space<vmem_shared>>
          %dma_wait3A_190 = arith.constant 0 : i32
          %dma_wait3A_191 = tpu.memref_slice %arg13[%dma_wait3A_190] : memref<640xf32, #tpu.memory_space<vmem>> -> memref<632xf32, #tpu.memory_space<vmem>>
          %dma_wait3A_192 = tpu.memref_slice %arg16[%mul3A_109] : memref<10112xf32, #tpu.memory_space<vmem_shared>> -> memref<632xf32, #tpu.memory_space<vmem_shared>>
          tpu.wait_dma2 semaphore(%run_scoped3A : memref<!tpu.dma_semaphore, #tpu.memory_space<semaphore_mem>>) src(%dma_wait3A_192 : memref<632xf32, #tpu.memory_space<vmem_shared>>) dst(%dma_wait3A_191 : memref<632xf32, #tpu.memory_space<vmem>>)
          tpu.yield
        }) : () -> ()
        "tpu.region"() ({
          %run_scoped3A = tpu.sem_alloc : memref<!tpu.dma_semaphore, #tpu.memory_space<semaphore_mem>>
          %dma_start3A = arith.constant 0 : i32
          %dma_start3A_182 = tpu.memref_slice %arg13[%dma_start3A] : memref<640xf32, #tpu.memory_space<vmem>> -> memref<632xf32, #tpu.memory_space<vmem>>
          %dma_start3A_183 = tpu.memref_slice %arg8[%mul3A_109] : memref<10000xf32, #tpu.memory_space<hbm>> -> memref<632xf32, #tpu.memory_space<hbm>>
          %dma_start3A_184 = tpu.memref_slice %arg8[%mul3A_109] : memref<10000xf32, #tpu.memory_space<hbm>> -> memref<632xf32, #tpu.memory_space<hbm>>
          %dma_start3A_185 = arith.constant 0 : i32
          %dma_start3A_186 = tpu.memref_slice %arg13[%dma_start3A_185] : memref<640xf32, #tpu.memory_space<vmem>> -> memref<632xf32, #tpu.memory_space<vmem>>
          tpu.enqueue_dma source(%dma_start3A_186 : memref<632xf32, #tpu.memory_space<vmem>>) target(%dma_start3A_184 : memref<632xf32, #tpu.memory_space<hbm>>) target_semaphore(%run_scoped3A : memref<!tpu.dma_semaphore, #tpu.memory_space<semaphore_mem>>)
          %dma_wait3A_187 = arith.constant 0 : i32
          %dma_wait3A_188 = tpu.memref_slice %arg13[%dma_wait3A_187] : memref<640xf32, #tpu.memory_space<vmem>> -> memref<632xf32, #tpu.memory_space<vmem>>
          %dma_wait3A_189 = tpu.memref_slice %arg8[%mul3A_109] : memref<10000xf32, #tpu.memory_space<hbm>> -> memref<632xf32, #tpu.memory_space<hbm>>
          %dma_wait3A_190 = tpu.memref_slice %arg8[%mul3A_109] : memref<10000xf32, #tpu.memory_space<hbm>> -> memref<632xf32, #tpu.memory_space<hbm>>
          %dma_wait3A_191 = arith.constant 0 : i32
          %dma_wait3A_192 = tpu.memref_slice %arg13[%dma_wait3A_191] : memref<640xf32, #tpu.memory_space<vmem>> -> memref<632xf32, #tpu.memory_space<vmem>>
          tpu.wait_dma2 semaphore(%run_scoped3A : memref<!tpu.dma_semaphore, #tpu.memory_space<semaphore_mem>>) src(%dma_wait3A_192 : memref<632xf32, #tpu.memory_space<vmem>>) dst(%dma_wait3A_190 : memref<632xf32, #tpu.memory_space<hbm>>)
          tpu.yield
        }) : () -> ()
      } else {
      }
      %eq3A_177 = arith.constant 15 : i32
      %eq3A_178 = arith.cmpi eq, %arg1, %eq3A_177 : i32
      %convert_element_type3A_179 = arith.extui %eq3A_178 : i1 to i32
      %cond3A_180 = arith.constant 0 : i32
      %cond3A_181 = arith.cmpi ne, %convert_element_type3A_179, %cond3A_180 : i32
      scf.if %cond3A_181 {
        "tpu.region"() ({
          %run_scoped3A = tpu.sem_alloc : memref<!tpu.dma_semaphore, #tpu.memory_space<semaphore_mem>>
          %dma_start3A = arith.constant 0 : i32
          %dma_start3A_182 = tpu.memref_slice %arg13[%dma_start3A] : memref<640xf32, #tpu.memory_space<vmem>> -> memref<520xf32, #tpu.memory_space<vmem>>
          %dma_start3A_183 = tpu.memref_slice %arg16[%mul3A_109] : memref<10112xf32, #tpu.memory_space<vmem_shared>> -> memref<520xf32, #tpu.memory_space<vmem_shared>>
          %dma_start3A_184 = arith.constant 0 : i32
          %dma_start3A_185 = tpu.memref_slice %arg13[%dma_start3A_184] : memref<640xf32, #tpu.memory_space<vmem>> -> memref<520xf32, #tpu.memory_space<vmem>>
          %dma_start3A_186 = tpu.memref_slice %arg16[%mul3A_109] : memref<10112xf32, #tpu.memory_space<vmem_shared>> -> memref<520xf32, #tpu.memory_space<vmem_shared>>
          tpu.enqueue_dma source(%dma_start3A_186 : memref<520xf32, #tpu.memory_space<vmem_shared>>) target(%dma_start3A_185 : memref<520xf32, #tpu.memory_space<vmem>>) target_semaphore(%run_scoped3A : memref<!tpu.dma_semaphore, #tpu.memory_space<semaphore_mem>>)
          %dma_wait3A_187 = arith.constant 0 : i32
          %dma_wait3A_188 = tpu.memref_slice %arg13[%dma_wait3A_187] : memref<640xf32, #tpu.memory_space<vmem>> -> memref<520xf32, #tpu.memory_space<vmem>>
          %dma_wait3A_189 = tpu.memref_slice %arg16[%mul3A_109] : memref<10112xf32, #tpu.memory_space<vmem_shared>> -> memref<520xf32, #tpu.memory_space<vmem_shared>>
          %dma_wait3A_190 = arith.constant 0 : i32
          %dma_wait3A_191 = tpu.memref_slice %arg13[%dma_wait3A_190] : memref<640xf32, #tpu.memory_space<vmem>> -> memref<520xf32, #tpu.memory_space<vmem>>
          %dma_wait3A_192 = tpu.memref_slice %arg16[%mul3A_109] : memref<10112xf32, #tpu.memory_space<vmem_shared>> -> memref<520xf32, #tpu.memory_space<vmem_shared>>
          tpu.wait_dma2 semaphore(%run_scoped3A : memref<!tpu.dma_semaphore, #tpu.memory_space<semaphore_mem>>) src(%dma_wait3A_192 : memref<520xf32, #tpu.memory_space<vmem_shared>>) dst(%dma_wait3A_191 : memref<520xf32, #tpu.memory_space<vmem>>)
          tpu.yield
        }) : () -> ()
        "tpu.region"() ({
          %run_scoped3A = tpu.sem_alloc : memref<!tpu.dma_semaphore, #tpu.memory_space<semaphore_mem>>
          %dma_start3A = arith.constant 0 : i32
          %dma_start3A_182 = tpu.memref_slice %arg13[%dma_start3A] : memref<640xf32, #tpu.memory_space<vmem>> -> memref<520xf32, #tpu.memory_space<vmem>>
          %dma_start3A_183 = tpu.memref_slice %arg8[%mul3A_109] : memref<10000xf32, #tpu.memory_space<hbm>> -> memref<520xf32, #tpu.memory_space<hbm>>
          %dma_start3A_184 = tpu.memref_slice %arg8[%mul3A_109] : memref<10000xf32, #tpu.memory_space<hbm>> -> memref<520xf32, #tpu.memory_space<hbm>>
          %dma_start3A_185 = arith.constant 0 : i32
          %dma_start3A_186 = tpu.memref_slice %arg13[%dma_start3A_185] : memref<640xf32, #tpu.memory_space<vmem>> -> memref<520xf32, #tpu.memory_space<vmem>>
          tpu.enqueue_dma source(%dma_start3A_186 : memref<520xf32, #tpu.memory_space<vmem>>) target(%dma_start3A_184 : memref<520xf32, #tpu.memory_space<hbm>>) target_semaphore(%run_scoped3A : memref<!tpu.dma_semaphore, #tpu.memory_space<semaphore_mem>>)
          %dma_wait3A_187 = arith.constant 0 : i32
          %dma_wait3A_188 = tpu.memref_slice %arg13[%dma_wait3A_187] : memref<640xf32, #tpu.memory_space<vmem>> -> memref<520xf32, #tpu.memory_space<vmem>>
          %dma_wait3A_189 = tpu.memref_slice %arg8[%mul3A_109] : memref<10000xf32, #tpu.memory_space<hbm>> -> memref<520xf32, #tpu.memory_space<hbm>>
          %dma_wait3A_190 = tpu.memref_slice %arg8[%mul3A_109] : memref<10000xf32, #tpu.memory_space<hbm>> -> memref<520xf32, #tpu.memory_space<hbm>>
          %dma_wait3A_191 = arith.constant 0 : i32
          %dma_wait3A_192 = tpu.memref_slice %arg13[%dma_wait3A_191] : memref<640xf32, #tpu.memory_space<vmem>> -> memref<520xf32, #tpu.memory_space<vmem>>
          tpu.wait_dma2 semaphore(%run_scoped3A : memref<!tpu.dma_semaphore, #tpu.memory_space<semaphore_mem>>) src(%dma_wait3A_192 : memref<520xf32, #tpu.memory_space<vmem>>) dst(%dma_wait3A_190 : memref<520xf32, #tpu.memory_space<hbm>>)
          tpu.yield
        }) : () -> ()
      } else {
      }
    } else {
    }
    return
  }
}

#map = affine_map<(d0, d1) -> (0, 0)>
module attributes {stable_mosaic.version = 14 : i64} {
  func.func @body(%arg0: i32, %arg1: i32, %arg2: memref<10000x128xf32, #tpu.memory_space<hbm>>, %arg3: memref<10000x128xf32, #tpu.memory_space<hbm>>, %arg4: memref<1328x128xi32, #tpu.memory_space<hbm>>, %arg5: memref<1280x128xi32, #tpu.memory_space<hbm>>, %arg6: memref<10000x128xf32, #tpu.memory_space<hbm>>, %arg7: memref<10000x128xf32, #tpu.memory_space<hbm>>, %arg8: memref<48x128xi32, #tpu.memory_space<vmem>>, %arg9: memref<40x128xi32, #tpu.memory_space<vmem>>, %arg10: memref<128x128xf32, #tpu.memory_space<vmem>>, %arg11: memref<128x128xf32, #tpu.memory_space<vmem>>, %arg12: memref<640xf32, #tpu.memory_space<vmem>>, %arg13: memref<128xf32, #tpu.memory_space<vmem>>, %arg14: memref<10112x128xf32, #tpu.memory_space<vmem_shared>>, %arg15: memref<10112xf32, #tpu.memory_space<vmem_shared>>, %arg16: memref<!tpu.dma_semaphore, #tpu.memory_space<semaphore_mem>>, %arg17: memref<!tpu.dma_semaphore, #tpu.memory_space<semaphore_mem>>, %arg18: memref<!tpu.dma_semaphore, #tpu.memory_space<semaphore_mem>>, %arg19: memref<!tpu.dma_semaphore, #tpu.memory_space<semaphore_mem>>, %arg20: memref<!tpu.dma_semaphore, #tpu.memory_space<semaphore_mem>>, %arg21: memref<!tpu.dma_semaphore, #tpu.memory_space<semaphore_mem>>) attributes {dimension_semantics = [#tpu.dimension_semantics<core_parallel>, #tpu.dimension_semantics<subcore_parallel>], iteration_bounds = array<i64: 2, 16>, scalar_prefetch = 0 : i64, scratch_operands = 14 : i64, tpu.core_type = #tpu.core_type<sc_vector_subcore>, window_params = [{transform_indices = #map}, {transform_indices = #map}, {transform_indices = #map}, {transform_indices = #map}, {transform_indices = #map}, {transform_indices = #map}]} {
    %scan3A = arith.constant 0 : i32
    %scan3A_0 = arith.constant 0 : i32
    %scan3A_1 = arith.constant 128 : i32
    %scan3A_2 = arith.addi %scan3A_0, %scan3A_1 : i32
    %scan3A_3 = arith.constant 1 : i32
    scf.for %scan3A_149 = %scan3A_0 to %scan3A_2 step %scan3A_3  : i32 {
      %broadcast_in_dim3A = arith.constant 0.000000e+00 : f32
      %broadcast_in_dim3A_150 = vector.broadcast %broadcast_in_dim3A : f32 to vector<16xf32>
      %swap3A = arith.index_cast %scan3A_149 : i32 to index
      %swap3A_151 = arith.constant 0 : index
      %swap3A_152 = tpu.vector_load %arg10[%swap3A, %swap3A_151] {strides = array<i32>} : memref<128x128xf32, #tpu.memory_space<vmem>>, vector<1x16xf32>,
      %swap3A_153 = vector.shape_cast %swap3A_152 : vector<1x16xf32> to vector<16xf32>
      %swap3A_154 = vector.shape_cast %broadcast_in_dim3A_150 : vector<16xf32> to vector<1x16xf32>
      tpu.vector_store %arg10[%swap3A, %swap3A_151], %swap3A_154 {strides = array<i32>} : memref<128x128xf32, #tpu.memory_space<vmem>>, vector<1x16xf32>,
      %broadcast_in_dim3A_155 = arith.constant 0.000000e+00 : f32
      %broadcast_in_dim3A_156 = vector.broadcast %broadcast_in_dim3A_155 : f32 to vector<16xf32>
      %swap3A_157 = arith.index_cast %scan3A_149 : i32 to index
      %swap3A_158 = arith.constant 16 : index
      %swap3A_159 = tpu.vector_load %arg10[%swap3A_157, %swap3A_158] {strides = array<i32>} : memref<128x128xf32, #tpu.memory_space<vmem>>, vector<1x16xf32>,
      %swap3A_160 = vector.shape_cast %swap3A_159 : vector<1x16xf32> to vector<16xf32>
      %swap3A_161 = vector.shape_cast %broadcast_in_dim3A_156 : vector<16xf32> to vector<1x16xf32>
      tpu.vector_store %arg10[%swap3A_157, %swap3A_158], %swap3A_161 {strides = array<i32>} : memref<128x128xf32, #tpu.memory_space<vmem>>, vector<1x16xf32>,
      %broadcast_in_dim3A_162 = arith.constant 0.000000e+00 : f32
      %broadcast_in_dim3A_163 = vector.broadcast %broadcast_in_dim3A_162 : f32 to vector<16xf32>
      %swap3A_164 = arith.index_cast %scan3A_149 : i32 to index
      %swap3A_165 = arith.constant 32 : index
      %swap3A_166 = tpu.vector_load %arg10[%swap3A_164, %swap3A_165] {strides = array<i32>} : memref<128x128xf32, #tpu.memory_space<vmem>>, vector<1x16xf32>,
      %swap3A_167 = vector.shape_cast %swap3A_166 : vector<1x16xf32> to vector<16xf32>
      %swap3A_168 = vector.shape_cast %broadcast_in_dim3A_163 : vector<16xf32> to vector<1x16xf32>
      tpu.vector_store %arg10[%swap3A_164, %swap3A_165], %swap3A_168 {strides = array<i32>} : memref<128x128xf32, #tpu.memory_space<vmem>>, vector<1x16xf32>,
      %broadcast_in_dim3A_169 = arith.constant 0.000000e+00 : f32
      %broadcast_in_dim3A_170 = vector.broadcast %broadcast_in_dim3A_169 : f32 to vector<16xf32>
      %swap3A_171 = arith.index_cast %scan3A_149 : i32 to index
      %swap3A_172 = arith.constant 48 : index
      %swap3A_173 = tpu.vector_load %arg10[%swap3A_171, %swap3A_172] {strides = array<i32>} : memref<128x128xf32, #tpu.memory_space<vmem>>, vector<1x16xf32>,
      %swap3A_174 = vector.shape_cast %swap3A_173 : vector<1x16xf32> to vector<16xf32>
      %swap3A_175 = vector.shape_cast %broadcast_in_dim3A_170 : vector<16xf32> to vector<1x16xf32>
      tpu.vector_store %arg10[%swap3A_171, %swap3A_172], %swap3A_175 {strides = array<i32>} : memref<128x128xf32, #tpu.memory_space<vmem>>, vector<1x16xf32>,
      %broadcast_in_dim3A_176 = arith.constant 0.000000e+00 : f32
      %broadcast_in_dim3A_177 = vector.broadcast %broadcast_in_dim3A_176 : f32 to vector<16xf32>
      %swap3A_178 = arith.index_cast %scan3A_149 : i32 to index
      %swap3A_179 = arith.constant 64 : index
      %swap3A_180 = tpu.vector_load %arg10[%swap3A_178, %swap3A_179] {strides = array<i32>} : memref<128x128xf32, #tpu.memory_space<vmem>>, vector<1x16xf32>,
      %swap3A_181 = vector.shape_cast %swap3A_180 : vector<1x16xf32> to vector<16xf32>
      %swap3A_182 = vector.shape_cast %broadcast_in_dim3A_177 : vector<16xf32> to vector<1x16xf32>
      tpu.vector_store %arg10[%swap3A_178, %swap3A_179], %swap3A_182 {strides = array<i32>} : memref<128x128xf32, #tpu.memory_space<vmem>>, vector<1x16xf32>,
      %broadcast_in_dim3A_183 = arith.constant 0.000000e+00 : f32
      %broadcast_in_dim3A_184 = vector.broadcast %broadcast_in_dim3A_183 : f32 to vector<16xf32>
      %swap3A_185 = arith.index_cast %scan3A_149 : i32 to index
      %swap3A_186 = arith.constant 80 : index
      %swap3A_187 = tpu.vector_load %arg10[%swap3A_185, %swap3A_186] {strides = array<i32>} : memref<128x128xf32, #tpu.memory_space<vmem>>, vector<1x16xf32>,
      %swap3A_188 = vector.shape_cast %swap3A_187 : vector<1x16xf32> to vector<16xf32>
      %swap3A_189 = vector.shape_cast %broadcast_in_dim3A_184 : vector<16xf32> to vector<1x16xf32>
      tpu.vector_store %arg10[%swap3A_185, %swap3A_186], %swap3A_189 {strides = array<i32>} : memref<128x128xf32, #tpu.memory_space<vmem>>, vector<1x16xf32>,
      %broadcast_in_dim3A_190 = arith.constant 0.000000e+00 : f32
      %broadcast_in_dim3A_191 = vector.broadcast %broadcast_in_dim3A_190 : f32 to vector<16xf32>
      %swap3A_192 = arith.index_cast %scan3A_149 : i32 to index
      %swap3A_193 = arith.constant 96 : index
      %swap3A_194 = tpu.vector_load %arg10[%swap3A_192, %swap3A_193] {strides = array<i32>} : memref<128x128xf32, #tpu.memory_space<vmem>>, vector<1x16xf32>,
      %swap3A_195 = vector.shape_cast %swap3A_194 : vector<1x16xf32> to vector<16xf32>
      %swap3A_196 = vector.shape_cast %broadcast_in_dim3A_191 : vector<16xf32> to vector<1x16xf32>
      tpu.vector_store %arg10[%swap3A_192, %swap3A_193], %swap3A_196 {strides = array<i32>} : memref<128x128xf32, #tpu.memory_space<vmem>>, vector<1x16xf32>,
      %broadcast_in_dim3A_197 = arith.constant 0.000000e+00 : f32
      %broadcast_in_dim3A_198 = vector.broadcast %broadcast_in_dim3A_197 : f32 to vector<16xf32>
      %swap3A_199 = arith.index_cast %scan3A_149 : i32 to index
      %swap3A_200 = arith.constant 112 : index
      %swap3A_201 = tpu.vector_load %arg10[%swap3A_199, %swap3A_200] {strides = array<i32>} : memref<128x128xf32, #tpu.memory_space<vmem>>, vector<1x16xf32>,
      %swap3A_202 = vector.shape_cast %swap3A_201 : vector<1x16xf32> to vector<16xf32>
      %swap3A_203 = vector.shape_cast %broadcast_in_dim3A_198 : vector<16xf32> to vector<1x16xf32>
      tpu.vector_store %arg10[%swap3A_199, %swap3A_200], %swap3A_203 {strides = array<i32>} : memref<128x128xf32, #tpu.memory_space<vmem>>, vector<1x16xf32>,
    }
    %scan3A_4 = arith.constant 128 : i32
    %scan3A_5 = arith.constant 0 : i32
    %scan3A_6 = arith.constant 0 : i32
    %scan3A_7 = arith.constant 40 : i32
    %scan3A_8 = arith.addi %scan3A_6, %scan3A_7 : i32
    %scan3A_9 = arith.constant 1 : i32
    scf.for %scan3A_149 = %scan3A_6 to %scan3A_8 step %scan3A_9  : i32 {
      %broadcast_in_dim3A = arith.constant 0.000000e+00 : f32
      %broadcast_in_dim3A_150 = vector.broadcast %broadcast_in_dim3A : f32 to vector<16xf32>
      %mul3A_151 = arith.constant 16 : i32
      %mul3A_152 = arith.muli %scan3A_149, %mul3A_151 : i32
      %swap3A = arith.index_cast %mul3A_152 : i32 to index
      %swap3A_153 = tpu.vector_load %arg12[%swap3A] {strides = array<i32>} : memref<640xf32, #tpu.memory_space<vmem>>, vector<16xf32>,
      %swap3A_154 = vector.shape_cast %swap3A_153 : vector<16xf32> to vector<16xf32>
      %swap3A_155 = vector.shape_cast %broadcast_in_dim3A_150 : vector<16xf32> to vector<16xf32>
      tpu.vector_store %arg12[%swap3A], %swap3A_155 {strides = array<i32>} : memref<640xf32, #tpu.memory_space<vmem>>, vector<16xf32>,
    }
    %scan3A_10 = arith.constant 40 : i32
    %mul3A = arith.constant 632 : i32
    %mul3A_11 = arith.muli %arg1, %mul3A : i32
    %add3A = arith.constant 0 : i32
    %add3A_12 = arith.addi %mul3A_11, %add3A : i32
    "tpu.region"() ({
      %run_scoped3A = tpu.sem_alloc : memref<!tpu.dma_semaphore, #tpu.memory_space<semaphore_mem>>
      %dma_start3A = arith.constant 0 : i32
      %dma_start3A_149 = tpu.memref_slice %arg14[%add3A_12, %dma_start3A] : memref<10112x128xf32, #tpu.memory_space<vmem_shared>> -> memref<128x128xf32, #tpu.memory_space<vmem_shared>>
      %dma_start3A_150 = arith.constant 0 : i32
      %dma_start3A_151 = tpu.memref_slice %arg14[%add3A_12, %dma_start3A_150] : memref<10112x128xf32, #tpu.memory_space<vmem_shared>> -> memref<128x128xf32, #tpu.memory_space<vmem_shared>>
      tpu.enqueue_dma source(%arg10 : memref<128x128xf32, #tpu.memory_space<vmem>>) target(%dma_start3A_151 : memref<128x128xf32, #tpu.memory_space<vmem_shared>>) target_semaphore(%run_scoped3A : memref<!tpu.dma_semaphore, #tpu.memory_space<semaphore_mem>>)
      %dma_wait3A_152 = arith.constant 0 : i32
      %dma_wait3A_153 = tpu.memref_slice %arg14[%add3A_12, %dma_wait3A_152] : memref<10112x128xf32, #tpu.memory_space<vmem_shared>> -> memref<128x128xf32, #tpu.memory_space<vmem_shared>>
      %dma_wait3A_154 = arith.constant 0 : i32
      %dma_wait3A_155 = tpu.memref_slice %arg14[%add3A_12, %dma_wait3A_154] : memref<10112x128xf32, #tpu.memory_space<vmem_shared>> -> memref<128x128xf32, #tpu.memory_space<vmem_shared>>
      tpu.wait_dma2 semaphore(%run_scoped3A : memref<!tpu.dma_semaphore, #tpu.memory_space<semaphore_mem>>) src(%arg10 : memref<128x128xf32, #tpu.memory_space<vmem>>) dst(%dma_wait3A_155 : memref<128x128xf32, #tpu.memory_space<vmem_shared>>)
      tpu.yield
    }) : () -> ()
    %add3A_13 = arith.constant 128 : i32
    %add3A_14 = arith.addi %mul3A_11, %add3A_13 : i32
    "tpu.region"() ({
      %run_scoped3A = tpu.sem_alloc : memref<!tpu.dma_semaphore, #tpu.memory_space<semaphore_mem>>
      %dma_start3A = arith.constant 0 : i32
      %dma_start3A_149 = tpu.memref_slice %arg14[%add3A_14, %dma_start3A] : memref<10112x128xf32, #tpu.memory_space<vmem_shared>> -> memref<128x128xf32, #tpu.memory_space<vmem_shared>>
      %dma_start3A_150 = arith.constant 0 : i32
      %dma_start3A_151 = tpu.memref_slice %arg14[%add3A_14, %dma_start3A_150] : memref<10112x128xf32, #tpu.memory_space<vmem_shared>> -> memref<128x128xf32, #tpu.memory_space<vmem_shared>>
      tpu.enqueue_dma source(%arg10 : memref<128x128xf32, #tpu.memory_space<vmem>>) target(%dma_start3A_151 : memref<128x128xf32, #tpu.memory_space<vmem_shared>>) target_semaphore(%run_scoped3A : memref<!tpu.dma_semaphore, #tpu.memory_space<semaphore_mem>>)
      %dma_wait3A_152 = arith.constant 0 : i32
      %dma_wait3A_153 = tpu.memref_slice %arg14[%add3A_14, %dma_wait3A_152] : memref<10112x128xf32, #tpu.memory_space<vmem_shared>> -> memref<128x128xf32, #tpu.memory_space<vmem_shared>>
      %dma_wait3A_154 = arith.constant 0 : i32
      %dma_wait3A_155 = tpu.memref_slice %arg14[%add3A_14, %dma_wait3A_154] : memref<10112x128xf32, #tpu.memory_space<vmem_shared>> -> memref<128x128xf32, #tpu.memory_space<vmem_shared>>
      tpu.wait_dma2 semaphore(%run_scoped3A : memref<!tpu.dma_semaphore, #tpu.memory_space<semaphore_mem>>) src(%arg10 : memref<128x128xf32, #tpu.memory_space<vmem>>) dst(%dma_wait3A_155 : memref<128x128xf32, #tpu.memory_space<vmem_shared>>)
      tpu.yield
    }) : () -> ()
    %add3A_15 = arith.constant 256 : i32
    %add3A_16 = arith.addi %mul3A_11, %add3A_15 : i32
    "tpu.region"() ({
      %run_scoped3A = tpu.sem_alloc : memref<!tpu.dma_semaphore, #tpu.memory_space<semaphore_mem>>
      %dma_start3A = arith.constant 0 : i32
      %dma_start3A_149 = tpu.memref_slice %arg14[%add3A_16, %dma_start3A] : memref<10112x128xf32, #tpu.memory_space<vmem_shared>> -> memref<128x128xf32, #tpu.memory_space<vmem_shared>>
      %dma_start3A_150 = arith.constant 0 : i32
      %dma_start3A_151 = tpu.memref_slice %arg14[%add3A_16, %dma_start3A_150] : memref<10112x128xf32, #tpu.memory_space<vmem_shared>> -> memref<128x128xf32, #tpu.memory_space<vmem_shared>>
      tpu.enqueue_dma source(%arg10 : memref<128x128xf32, #tpu.memory_space<vmem>>) target(%dma_start3A_151 : memref<128x128xf32, #tpu.memory_space<vmem_shared>>) target_semaphore(%run_scoped3A : memref<!tpu.dma_semaphore, #tpu.memory_space<semaphore_mem>>)
      %dma_wait3A_152 = arith.constant 0 : i32
      %dma_wait3A_153 = tpu.memref_slice %arg14[%add3A_16, %dma_wait3A_152] : memref<10112x128xf32, #tpu.memory_space<vmem_shared>> -> memref<128x128xf32, #tpu.memory_space<vmem_shared>>
      %dma_wait3A_154 = arith.constant 0 : i32
      %dma_wait3A_155 = tpu.memref_slice %arg14[%add3A_16, %dma_wait3A_154] : memref<10112x128xf32, #tpu.memory_space<vmem_shared>> -> memref<128x128xf32, #tpu.memory_space<vmem_shared>>
      tpu.wait_dma2 semaphore(%run_scoped3A : memref<!tpu.dma_semaphore, #tpu.memory_space<semaphore_mem>>) src(%arg10 : memref<128x128xf32, #tpu.memory_space<vmem>>) dst(%dma_wait3A_155 : memref<128x128xf32, #tpu.memory_space<vmem_shared>>)
      tpu.yield
    }) : () -> ()
    %add3A_17 = arith.constant 384 : i32
    %add3A_18 = arith.addi %mul3A_11, %add3A_17 : i32
    "tpu.region"() ({
      %run_scoped3A = tpu.sem_alloc : memref<!tpu.dma_semaphore, #tpu.memory_space<semaphore_mem>>
      %dma_start3A = arith.constant 0 : i32
      %dma_start3A_149 = tpu.memref_slice %arg14[%add3A_18, %dma_start3A] : memref<10112x128xf32, #tpu.memory_space<vmem_shared>> -> memref<128x128xf32, #tpu.memory_space<vmem_shared>>
      %dma_start3A_150 = arith.constant 0 : i32
      %dma_start3A_151 = tpu.memref_slice %arg14[%add3A_18, %dma_start3A_150] : memref<10112x128xf32, #tpu.memory_space<vmem_shared>> -> memref<128x128xf32, #tpu.memory_space<vmem_shared>>
      tpu.enqueue_dma source(%arg10 : memref<128x128xf32, #tpu.memory_space<vmem>>) target(%dma_start3A_151 : memref<128x128xf32, #tpu.memory_space<vmem_shared>>) target_semaphore(%run_scoped3A : memref<!tpu.dma_semaphore, #tpu.memory_space<semaphore_mem>>)
      %dma_wait3A_152 = arith.constant 0 : i32
      %dma_wait3A_153 = tpu.memref_slice %arg14[%add3A_18, %dma_wait3A_152] : memref<10112x128xf32, #tpu.memory_space<vmem_shared>> -> memref<128x128xf32, #tpu.memory_space<vmem_shared>>
      %dma_wait3A_154 = arith.constant 0 : i32
      %dma_wait3A_155 = tpu.memref_slice %arg14[%add3A_18, %dma_wait3A_154] : memref<10112x128xf32, #tpu.memory_space<vmem_shared>> -> memref<128x128xf32, #tpu.memory_space<vmem_shared>>
      tpu.wait_dma2 semaphore(%run_scoped3A : memref<!tpu.dma_semaphore, #tpu.memory_space<semaphore_mem>>) src(%arg10 : memref<128x128xf32, #tpu.memory_space<vmem>>) dst(%dma_wait3A_155 : memref<128x128xf32, #tpu.memory_space<vmem_shared>>)
      tpu.yield
    }) : () -> ()
    %add3A_19 = arith.constant 512 : i32
    %add3A_20 = arith.addi %mul3A_11, %add3A_19 : i32
    "tpu.region"() ({
      %run_scoped3A = tpu.sem_alloc : memref<!tpu.dma_semaphore, #tpu.memory_space<semaphore_mem>>
      %dma_start3A = arith.constant 0 : i32
      %dma_start3A_149 = arith.constant 0 : i32
      %dma_start3A_150 = tpu.memref_slice %arg10[%dma_start3A, %dma_start3A_149] : memref<128x128xf32, #tpu.memory_space<vmem>> -> memref<120x128xf32, #tpu.memory_space<vmem>>
      %dma_start3A_151 = arith.constant 0 : i32
      %dma_start3A_152 = tpu.memref_slice %arg14[%add3A_20, %dma_start3A_151] : memref<10112x128xf32, #tpu.memory_space<vmem_shared>> -> memref<120x128xf32, #tpu.memory_space<vmem_shared>>
      %dma_start3A_153 = arith.constant 0 : i32
      %dma_start3A_154 = tpu.memref_slice %arg14[%add3A_20, %dma_start3A_153] : memref<10112x128xf32, #tpu.memory_space<vmem_shared>> -> memref<120x128xf32, #tpu.memory_space<vmem_shared>>
      %dma_start3A_155 = arith.constant 0 : i32
      %dma_start3A_156 = arith.constant 0 : i32
      %dma_start3A_157 = tpu.memref_slice %arg10[%dma_start3A_155, %dma_start3A_156] : memref<128x128xf32, #tpu.memory_space<vmem>> -> memref<120x128xf32, #tpu.memory_space<vmem>>
      tpu.enqueue_dma source(%dma_start3A_157 : memref<120x128xf32, #tpu.memory_space<vmem>>) target(%dma_start3A_154 : memref<120x128xf32, #tpu.memory_space<vmem_shared>>) target_semaphore(%run_scoped3A : memref<!tpu.dma_semaphore, #tpu.memory_space<semaphore_mem>>)
      %dma_wait3A_158 = arith.constant 0 : i32
      %dma_wait3A_159 = arith.constant 0 : i32
      %dma_wait3A_160 = tpu.memref_slice %arg10[%dma_wait3A_158, %dma_wait3A_159] : memref<128x128xf32, #tpu.memory_space<vmem>> -> memref<120x128xf32, #tpu.memory_space<vmem>>
      %dma_wait3A_161 = arith.constant 0 : i32
      %dma_wait3A_162 = tpu.memref_slice %arg14[%add3A_20, %dma_wait3A_161] : memref<10112x128xf32, #tpu.memory_space<vmem_shared>> -> memref<120x128xf32, #tpu.memory_space<vmem_shared>>
      %dma_wait3A_163 = arith.constant 0 : i32
      %dma_wait3A_164 = tpu.memref_slice %arg14[%add3A_20, %dma_wait3A_163] : memref<10112x128xf32, #tpu.memory_space<vmem_shared>> -> memref<120x128xf32, #tpu.memory_space<vmem_shared>>
      %dma_wait3A_165 = arith.constant 0 : i32
      %dma_wait3A_166 = arith.constant 0 : i32
      %dma_wait3A_167 = tpu.memref_slice %arg10[%dma_wait3A_165, %dma_wait3A_166] : memref<128x128xf32, #tpu.memory_space<vmem>> -> memref<120x128xf32, #tpu.memory_space<vmem>>
      tpu.wait_dma2 semaphore(%run_scoped3A : memref<!tpu.dma_semaphore, #tpu.memory_space<semaphore_mem>>) src(%dma_wait3A_167 : memref<120x128xf32, #tpu.memory_space<vmem>>) dst(%dma_wait3A_164 : memref<120x128xf32, #tpu.memory_space<vmem_shared>>)
      tpu.yield
    }) : () -> ()
    %barrier3A = arith.constant 0 : index
    tpu.barrier barrier_id(%barrier3A)
    %mul3A_21 = arith.constant 80 : i32
    %mul3A_22 = arith.muli %arg1, %mul3A_21 : i32
    %add3A_23 = arith.constant 0 : i32
    %add3A_24 = arith.addi %mul3A_22, %add3A_23 : i32
    "tpu.region"() ({
      %run_scoped3A = tpu.sem_alloc : memref<!tpu.dma_semaphore, #tpu.memory_space<semaphore_mem>>
      %dma_start3A = arith.constant 0 : i32
      %dma_start3A_149 = tpu.memref_slice %arg4[%add3A_24, %dma_start3A] : memref<1328x128xi32, #tpu.memory_space<hbm>> -> memref<48x128xi32, #tpu.memory_space<hbm>>
      %dma_start3A_150 = arith.constant 0 : i32
      %dma_start3A_151 = tpu.memref_slice %arg4[%add3A_24, %dma_start3A_150] : memref<1328x128xi32, #tpu.memory_space<hbm>> -> memref<48x128xi32, #tpu.memory_space<hbm>>
      tpu.enqueue_dma source(%dma_start3A_151 : memref<48x128xi32, #tpu.memory_space<hbm>>) target(%arg8 : memref<48x128xi32, #tpu.memory_space<vmem>>) target_semaphore(%run_scoped3A : memref<!tpu.dma_semaphore, #tpu.memory_space<semaphore_mem>>)
      %dma_wait3A_152 = arith.constant 0 : i32
      %dma_wait3A_153 = tpu.memref_slice %arg4[%add3A_24, %dma_wait3A_152] : memref<1328x128xi32, #tpu.memory_space<hbm>> -> memref<48x128xi32, #tpu.memory_space<hbm>>
      %dma_wait3A_154 = arith.constant 0 : i32
      %dma_wait3A_155 = tpu.memref_slice %arg4[%add3A_24, %dma_wait3A_154] : memref<1328x128xi32, #tpu.memory_space<hbm>> -> memref<48x128xi32, #tpu.memory_space<hbm>>
      tpu.wait_dma2 semaphore(%run_scoped3A : memref<!tpu.dma_semaphore, #tpu.memory_space<semaphore_mem>>) src(%dma_wait3A_155 : memref<48x128xi32, #tpu.memory_space<hbm>>) dst(%arg8 : memref<48x128xi32, #tpu.memory_space<vmem>>)
      tpu.yield
    }) : () -> ()
    "tpu.region"() ({
      %run_scoped3A = tpu.sem_alloc : memref<!tpu.dma_semaphore, #tpu.memory_space<semaphore_mem>>
      %dma_start3A = arith.constant 0 : i32
      %dma_start3A_149 = tpu.memref_slice %arg5[%add3A_24, %dma_start3A] : memref<1280x128xi32, #tpu.memory_space<hbm>> -> memref<40x128xi32, #tpu.memory_space<hbm>>
      %dma_start3A_150 = arith.constant 0 : i32
      %dma_start3A_151 = tpu.memref_slice %arg5[%add3A_24, %dma_start3A_150] : memref<1280x128xi32, #tpu.memory_space<hbm>> -> memref<40x128xi32, #tpu.memory_space<hbm>>
      tpu.enqueue_dma source(%dma_start3A_151 : memref<40x128xi32, #tpu.memory_space<hbm>>) target(%arg9 : memref<40x128xi32, #tpu.memory_space<vmem>>) target_semaphore(%run_scoped3A : memref<!tpu.dma_semaphore, #tpu.memory_space<semaphore_mem>>)
      %dma_wait3A_152 = arith.constant 0 : i32
      %dma_wait3A_153 = tpu.memref_slice %arg5[%add3A_24, %dma_wait3A_152] : memref<1280x128xi32, #tpu.memory_space<hbm>> -> memref<40x128xi32, #tpu.memory_space<hbm>>
      %dma_wait3A_154 = arith.constant 0 : i32
      %dma_wait3A_155 = tpu.memref_slice %arg5[%add3A_24, %dma_wait3A_154] : memref<1280x128xi32, #tpu.memory_space<hbm>> -> memref<40x128xi32, #tpu.memory_space<hbm>>
      tpu.wait_dma2 semaphore(%run_scoped3A : memref<!tpu.dma_semaphore, #tpu.memory_space<semaphore_mem>>) src(%dma_wait3A_155 : memref<40x128xi32, #tpu.memory_space<hbm>>) dst(%arg9 : memref<40x128xi32, #tpu.memory_space<vmem>>)
      tpu.yield
    }) : () -> ()
    %eq3A = arith.constant 0 : i32
    %eq3A_25 = arith.cmpi eq, %arg0, %eq3A : i32
    %convert_element_type3A = arith.extui %eq3A_25 : i1 to i32
    %cond3A = arith.constant 0 : i32
    %cond3A_26 = arith.constant 0 : i32
    %cond3A_27 = arith.cmpi ne, %convert_element_type3A, %cond3A_26 : i32
    scf.if %cond3A_27 {
      %dma_start3A = arith.constant 0 : i32
      %dma_start3A_149 = tpu.memref_slice %arg8[%cond3A, %dma_start3A] : memref<48x128xi32, #tpu.memory_space<vmem>> -> memref<1x128xi32, #tpu.memory_space<vmem>>
      %dma_start3A_150 = tpu.memref_squeeze %dma_start3A_149 : memref<1x128xi32, #tpu.memory_space<vmem>> -> memref<128xi32, #tpu.memory_space<vmem>>
      %dma_start3A_151 = arith.constant 0 : i32
      %dma_start3A_152 = arith.constant 0 : i32
      %dma_start3A_153 = tpu.memref_slice %arg2[%dma_start3A_151, %dma_start3A_152] : memref<10000x128xf32, #tpu.memory_space<hbm>> -> memref<10000x128xf32, #tpu.memory_space<hbm>>
      tpu.enqueue_indirect_dma source(%dma_start3A_153 : memref<10000x128xf32, #tpu.memory_space<hbm>>) target(%arg10 : memref<128x128xf32, #tpu.memory_space<vmem>>) offsets(%dma_start3A_150 : memref<128xi32, #tpu.memory_space<vmem>>) semaphore(%arg16 : memref<!tpu.dma_semaphore, #tpu.memory_space<semaphore_mem>>)
    } else {
    }
    %eq3A_28 = arith.constant 1 : i32
    %eq3A_29 = arith.cmpi eq, %arg0, %eq3A_28 : i32
    %convert_element_type3A_30 = arith.extui %eq3A_29 : i1 to i32
    %cond3A_31 = arith.constant 0 : i32
    %cond3A_32 = arith.constant 0 : i32
    %cond3A_33 = arith.cmpi ne, %convert_element_type3A_30, %cond3A_32 : i32
    scf.if %cond3A_33 {
      %dma_start3A = arith.constant 0 : i32
      %dma_start3A_149 = tpu.memref_slice %arg8[%cond3A_31, %dma_start3A] : memref<48x128xi32, #tpu.memory_space<vmem>> -> memref<1x128xi32, #tpu.memory_space<vmem>>
      %dma_start3A_150 = tpu.memref_squeeze %dma_start3A_149 : memref<1x128xi32, #tpu.memory_space<vmem>> -> memref<128xi32, #tpu.memory_space<vmem>>
      %dma_start3A_151 = arith.constant 0 : i32
      %dma_start3A_152 = arith.constant 0 : i32
      %dma_start3A_153 = tpu.memref_slice %arg3[%dma_start3A_151, %dma_start3A_152] : memref<10000x128xf32, #tpu.memory_space<hbm>> -> memref<10000x128xf32, #tpu.memory_space<hbm>>
      tpu.enqueue_indirect_dma source(%dma_start3A_153 : memref<10000x128xf32, #tpu.memory_space<hbm>>) target(%arg10 : memref<128x128xf32, #tpu.memory_space<vmem>>) offsets(%dma_start3A_150 : memref<128xi32, #tpu.memory_space<vmem>>) semaphore(%arg16 : memref<!tpu.dma_semaphore, #tpu.memory_space<semaphore_mem>>)
    } else {
    }
    %scan3A_34 = arith.constant 0 : i32
    %scan3A_35 = arith.constant 0 : i32
    %scan3A_36 = arith.constant 20 : i32
    %scan3A_37 = arith.addi %scan3A_35, %scan3A_36 : i32
    %scan3A_38 = arith.constant 1 : i32
    scf.for %scan3A_149 = %scan3A_35 to %scan3A_37 step %scan3A_38  : i32 {
      %mul3A_150 = arith.constant 2 : i32
      %mul3A_151 = arith.muli %mul3A_150, %scan3A_149 : i32
      %add3A_152 = arith.constant 1 : i32
      %add3A_153 = arith.addi %mul3A_151, %add3A_152 : i32
      %gt3A = arith.constant 0 : i32
      %gt3A_154 = arith.cmpi sgt, %scan3A_149, %gt3A : i32
      %convert_element_type3A_155 = arith.extui %gt3A_154 : i1 to i32
      %cond3A_156 = arith.constant 0 : i32
      %cond3A_157 = arith.cmpi ne, %convert_element_type3A_155, %cond3A_156 : i32
      scf.if %cond3A_157 {
        %dma_wait3A_214 = arith.constant 0 : i32
        %dma_wait3A_215 = arith.constant 0 : i32
        %dma_wait3A_216 = tpu.memref_slice %arg9[%dma_wait3A_214, %dma_wait3A_215] : memref<40x128xi32, #tpu.memory_space<vmem>> -> memref<1x128xi32, #tpu.memory_space<vmem>>
        %dma_wait3A_217 = tpu.memref_squeeze %dma_wait3A_216 : memref<1x128xi32, #tpu.memory_space<vmem>> -> memref<128xi32, #tpu.memory_space<vmem>>
        %dma_wait3A_218 = arith.constant 0 : i32
        %dma_wait3A_219 = arith.constant 0 : i32
        %dma_wait3A_220 = tpu.memref_slice %arg14[%dma_wait3A_218, %dma_wait3A_219] : memref<10112x128xf32, #tpu.memory_space<vmem_shared>> -> memref<10112x128xf32, #tpu.memory_space<vmem_shared>>
        tpu.wait_indirect_dma semaphore(%arg19 : memref<!tpu.dma_semaphore, #tpu.memory_space<semaphore_mem>>) src(%arg11 : memref<128x128xf32, #tpu.memory_space<vmem>>) dst(%dma_wait3A_220 : memref<10112x128xf32, #tpu.memory_space<vmem_shared>>)
      } else {
      }
      %eq3A_158 = arith.constant 0 : i32
      %eq3A_159 = arith.cmpi eq, %arg0, %eq3A_158 : i32
      %convert_element_type3A_160 = arith.extui %eq3A_159 : i1 to i32
      %cond3A_161 = arith.constant 0 : i32
      %cond3A_162 = arith.cmpi ne, %convert_element_type3A_160, %cond3A_161 : i32
      scf.if %cond3A_162 {
        %dma_start3A_214 = arith.constant 0 : i32
        %dma_start3A_215 = tpu.memref_slice %arg8[%add3A_153, %dma_start3A_214] : memref<48x128xi32, #tpu.memory_space<vmem>> -> memref<1x128xi32, #tpu.memory_space<vmem>>
        %dma_start3A_216 = tpu.memref_squeeze %dma_start3A_215 : memref<1x128xi32, #tpu.memory_space<vmem>> -> memref<128xi32, #tpu.memory_space<vmem>>
        %dma_start3A_217 = arith.constant 0 : i32
        %dma_start3A_218 = arith.constant 0 : i32
        %dma_start3A_219 = tpu.memref_slice %arg2[%dma_start3A_217, %dma_start3A_218] : memref<10000x128xf32, #tpu.memory_space<hbm>> -> memref<10000x128xf32, #tpu.memory_space<hbm>>
        tpu.enqueue_indirect_dma source(%dma_start3A_219 : memref<10000x128xf32, #tpu.memory_space<hbm>>) target(%arg11 : memref<128x128xf32, #tpu.memory_space<vmem>>) offsets(%dma_start3A_216 : memref<128xi32, #tpu.memory_space<vmem>>) semaphore(%arg17 : memref<!tpu.dma_semaphore, #tpu.memory_space<semaphore_mem>>)
      } else {
      }
      %eq3A_163 = arith.constant 1 : i32
      %eq3A_164 = arith.cmpi eq, %arg0, %eq3A_163 : i32
      %convert_element_type3A_165 = arith.extui %eq3A_164 : i1 to i32
      %cond3A_166 = arith.constant 0 : i32
      %cond3A_167 = arith.cmpi ne, %convert_element_type3A_165, %cond3A_166 : i32
      scf.if %cond3A_167 {
        %dma_start3A_214 = arith.constant 0 : i32
        %dma_start3A_215 = tpu.memref_slice %arg8[%add3A_153, %dma_start3A_214] : memref<48x128xi32, #tpu.memory_space<vmem>> -> memref<1x128xi32, #tpu.memory_space<vmem>>
        %dma_start3A_216 = tpu.memref_squeeze %dma_start3A_215 : memref<1x128xi32, #tpu.memory_space<vmem>> -> memref<128xi32, #tpu.memory_space<vmem>>
        %dma_start3A_217 = arith.constant 0 : i32
        %dma_start3A_218 = arith.constant 0 : i32
        %dma_start3A_219 = tpu.memref_slice %arg3[%dma_start3A_217, %dma_start3A_218] : memref<10000x128xf32, #tpu.memory_space<hbm>> -> memref<10000x128xf32, #tpu.memory_space<hbm>>
        tpu.enqueue_indirect_dma source(%dma_start3A_219 : memref<10000x128xf32, #tpu.memory_space<hbm>>) target(%arg11 : memref<128x128xf32, #tpu.memory_space<vmem>>) offsets(%dma_start3A_216 : memref<128xi32, #tpu.memory_space<vmem>>) semaphore(%arg17 : memref<!tpu.dma_semaphore, #tpu.memory_space<semaphore_mem>>)
      } else {
      }
      %dma_wait3A_168 = arith.constant 0 : i32
      %dma_wait3A_169 = arith.constant 0 : i32
      %dma_wait3A_170 = tpu.memref_slice %arg8[%dma_wait3A_168, %dma_wait3A_169] : memref<48x128xi32, #tpu.memory_space<vmem>> -> memref<1x128xi32, #tpu.memory_space<vmem>>
      %dma_wait3A_171 = tpu.memref_squeeze %dma_wait3A_170 : memref<1x128xi32, #tpu.memory_space<vmem>> -> memref<128xi32, #tpu.memory_space<vmem>>
      %dma_wait3A_172 = arith.constant 0 : i32
      %dma_wait3A_173 = arith.constant 0 : i32
      %dma_wait3A_174 = tpu.memref_slice %arg2[%dma_wait3A_172, %dma_wait3A_173] : memref<10000x128xf32, #tpu.memory_space<hbm>> -> memref<10000x128xf32, #tpu.memory_space<hbm>>
      tpu.wait_indirect_dma semaphore(%arg16 : memref<!tpu.dma_semaphore, #tpu.memory_space<semaphore_mem>>) src(%dma_wait3A_174 : memref<10000x128xf32, #tpu.memory_space<hbm>>) dst(%arg10 : memref<128x128xf32, #tpu.memory_space<vmem>>)
      %mul3A_175 = arith.constant 2 : i32
      %mul3A_176 = arith.muli %mul3A_175, %scan3A_149 : i32
      %dma_start3A = arith.constant 0 : i32
      %dma_start3A_177 = tpu.memref_slice %arg9[%mul3A_176, %dma_start3A] : memref<40x128xi32, #tpu.memory_space<vmem>> -> memref<1x128xi32, #tpu.memory_space<vmem>>
      %dma_start3A_178 = tpu.memref_squeeze %dma_start3A_177 : memref<1x128xi32, #tpu.memory_space<vmem>> -> memref<128xi32, #tpu.memory_space<vmem>>
      %dma_start3A_179 = arith.constant 0 : i32
      %dma_start3A_180 = arith.constant 0 : i32
      %dma_start3A_181 = tpu.memref_slice %arg14[%dma_start3A_179, %dma_start3A_180] : memref<10112x128xf32, #tpu.memory_space<vmem_shared>> -> memref<10112x128xf32, #tpu.memory_space<vmem_shared>>
      tpu.enqueue_indirect_dma source(%arg10 : memref<128x128xf32, #tpu.memory_space<vmem>>) target(%dma_start3A_181 : memref<10112x128xf32, #tpu.memory_space<vmem_shared>>) offsets(%dma_start3A_178 : memref<128xi32, #tpu.memory_space<vmem>>) semaphore(%arg18 : memref<!tpu.dma_semaphore, #tpu.memory_space<semaphore_mem>>) {add = true}
      %dma_wait3A_182 = arith.constant 0 : i32
      %dma_wait3A_183 = arith.constant 0 : i32
      %dma_wait3A_184 = tpu.memref_slice %arg9[%dma_wait3A_182, %dma_wait3A_183] : memref<40x128xi32, #tpu.memory_space<vmem>> -> memref<1x128xi32, #tpu.memory_space<vmem>>
      %dma_wait3A_185 = tpu.memref_squeeze %dma_wait3A_184 : memref<1x128xi32, #tpu.memory_space<vmem>> -> memref<128xi32, #tpu.memory_space<vmem>>
      %dma_wait3A_186 = arith.constant 0 : i32
      %dma_wait3A_187 = arith.constant 0 : i32
      %dma_wait3A_188 = tpu.memref_slice %arg14[%dma_wait3A_186, %dma_wait3A_187] : memref<10112x128xf32, #tpu.memory_space<vmem_shared>> -> memref<10112x128xf32, #tpu.memory_space<vmem_shared>>
      tpu.wait_indirect_dma semaphore(%arg18 : memref<!tpu.dma_semaphore, #tpu.memory_space<semaphore_mem>>) src(%arg10 : memref<128x128xf32, #tpu.memory_space<vmem>>) dst(%dma_wait3A_188 : memref<10112x128xf32, #tpu.memory_space<vmem_shared>>)
      %add3A_189 = arith.constant 1 : i32
      %add3A_190 = arith.addi %add3A_153, %add3A_189 : i32
      %eq3A_191 = arith.constant 0 : i32
      %eq3A_192 = arith.cmpi eq, %arg0, %eq3A_191 : i32
      %convert_element_type3A_193 = arith.extui %eq3A_192 : i1 to i32
      %cond3A_194 = arith.constant 0 : i32
      %cond3A_195 = arith.cmpi ne, %convert_element_type3A_193, %cond3A_194 : i32
      scf.if %cond3A_195 {
        %dma_start3A_214 = arith.constant 0 : i32
        %dma_start3A_215 = tpu.memref_slice %arg8[%add3A_190, %dma_start3A_214] : memref<48x128xi32, #tpu.memory_space<vmem>> -> memref<1x128xi32, #tpu.memory_space<vmem>>
        %dma_start3A_216 = tpu.memref_squeeze %dma_start3A_215 : memref<1x128xi32, #tpu.memory_space<vmem>> -> memref<128xi32, #tpu.memory_space<vmem>>
        %dma_start3A_217 = arith.constant 0 : i32
        %dma_start3A_218 = arith.constant 0 : i32
        %dma_start3A_219 = tpu.memref_slice %arg2[%dma_start3A_217, %dma_start3A_218] : memref<10000x128xf32, #tpu.memory_space<hbm>> -> memref<10000x128xf32, #tpu.memory_space<hbm>>
        tpu.enqueue_indirect_dma source(%dma_start3A_219 : memref<10000x128xf32, #tpu.memory_space<hbm>>) target(%arg10 : memref<128x128xf32, #tpu.memory_space<vmem>>) offsets(%dma_start3A_216 : memref<128xi32, #tpu.memory_space<vmem>>) semaphore(%arg16 : memref<!tpu.dma_semaphore, #tpu.memory_space<semaphore_mem>>)
      } else {
      }
      %eq3A_196 = arith.constant 1 : i32
      %eq3A_197 = arith.cmpi eq, %arg0, %eq3A_196 : i32
      %convert_element_type3A_198 = arith.extui %eq3A_197 : i1 to i32
      %cond3A_199 = arith.constant 0 : i32
      %cond3A_200 = arith.cmpi ne, %convert_element_type3A_198, %cond3A_199 : i32
      scf.if %cond3A_200 {
        %dma_start3A_214 = arith.constant 0 : i32
        %dma_start3A_215 = tpu.memref_slice %arg8[%add3A_190, %dma_start3A_214] : memref<48x128xi32, #tpu.memory_space<vmem>> -> memref<1x128xi32, #tpu.memory_space<vmem>>
        %dma_start3A_216 = tpu.memref_squeeze %dma_start3A_215 : memref<1x128xi32, #tpu.memory_space<vmem>> -> memref<128xi32, #tpu.memory_space<vmem>>
        %dma_start3A_217 = arith.constant 0 : i32
        %dma_start3A_218 = arith.constant 0 : i32
        %dma_start3A_219 = tpu.memref_slice %arg3[%dma_start3A_217, %dma_start3A_218] : memref<10000x128xf32, #tpu.memory_space<hbm>> -> memref<10000x128xf32, #tpu.memory_space<hbm>>
        tpu.enqueue_indirect_dma source(%dma_start3A_219 : memref<10000x128xf32, #tpu.memory_space<hbm>>) target(%arg10 : memref<128x128xf32, #tpu.memory_space<vmem>>) offsets(%dma_start3A_216 : memref<128xi32, #tpu.memory_space<vmem>>) semaphore(%arg16 : memref<!tpu.dma_semaphore, #tpu.memory_space<semaphore_mem>>)
      } else {
      }
      %dma_wait3A_201 = arith.constant 0 : i32
      %dma_wait3A_202 = arith.constant 0 : i32
      %dma_wait3A_203 = tpu.memref_slice %arg8[%dma_wait3A_201, %dma_wait3A_202] : memref<48x128xi32, #tpu.memory_space<vmem>> -> memref<1x128xi32, #tpu.memory_space<vmem>>
      %dma_wait3A_204 = tpu.memref_squeeze %dma_wait3A_203 : memref<1x128xi32, #tpu.memory_space<vmem>> -> memref<128xi32, #tpu.memory_space<vmem>>
      %dma_wait3A_205 = arith.constant 0 : i32
      %dma_wait3A_206 = arith.constant 0 : i32
      %dma_wait3A_207 = tpu.memref_slice %arg2[%dma_wait3A_205, %dma_wait3A_206] : memref<10000x128xf32, #tpu.memory_space<hbm>> -> memref<10000x128xf32, #tpu.memory_space<hbm>>
      tpu.wait_indirect_dma semaphore(%arg17 : memref<!tpu.dma_semaphore, #tpu.memory_space<semaphore_mem>>) src(%dma_wait3A_207 : memref<10000x128xf32, #tpu.memory_space<hbm>>) dst(%arg11 : memref<128x128xf32, #tpu.memory_space<vmem>>)
      %dma_start3A_208 = arith.constant 0 : i32
      %dma_start3A_209 = tpu.memref_slice %arg9[%add3A_153, %dma_start3A_208] : memref<40x128xi32, #tpu.memory_space<vmem>> -> memref<1x128xi32, #tpu.memory_space<vmem>>
      %dma_start3A_210 = tpu.memref_squeeze %dma_start3A_209 : memref<1x128xi32, #tpu.memory_space<vmem>> -> memref<128xi32, #tpu.memory_space<vmem>>
      %dma_start3A_211 = arith.constant 0 : i32
      %dma_start3A_212 = arith.constant 0 : i32
      %dma_start3A_213 = tpu.memref_slice %arg14[%dma_start3A_211, %dma_start3A_212] : memref<10112x128xf32, #tpu.memory_space<vmem_shared>> -> memref<10112x128xf32, #tpu.memory_space<vmem_shared>>
      tpu.enqueue_indirect_dma source(%arg11 : memref<128x128xf32, #tpu.memory_space<vmem>>) target(%dma_start3A_213 : memref<10112x128xf32, #tpu.memory_space<vmem_shared>>) offsets(%dma_start3A_210 : memref<128xi32, #tpu.memory_space<vmem>>) semaphore(%arg19 : memref<!tpu.dma_semaphore, #tpu.memory_space<semaphore_mem>>) {add = true}
    }
    %scan3A_39 = arith.constant 20 : i32
    %dma_wait3A = arith.constant 0 : i32
    %dma_wait3A_40 = arith.constant 0 : i32
    %dma_wait3A_41 = tpu.memref_slice %arg8[%dma_wait3A, %dma_wait3A_40] : memref<48x128xi32, #tpu.memory_space<vmem>> -> memref<1x128xi32, #tpu.memory_space<vmem>>
    %dma_wait3A_42 = tpu.memref_squeeze %dma_wait3A_41 : memref<1x128xi32, #tpu.memory_space<vmem>> -> memref<128xi32, #tpu.memory_space<vmem>>
    %dma_wait3A_43 = arith.constant 0 : i32
    %dma_wait3A_44 = arith.constant 0 : i32
    %dma_wait3A_45 = tpu.memref_slice %arg2[%dma_wait3A_43, %dma_wait3A_44] : memref<10000x128xf32, #tpu.memory_space<hbm>> -> memref<10000x128xf32, #tpu.memory_space<hbm>>
    tpu.wait_indirect_dma semaphore(%arg16 : memref<!tpu.dma_semaphore, #tpu.memory_space<semaphore_mem>>) src(%dma_wait3A_45 : memref<10000x128xf32, #tpu.memory_space<hbm>>) dst(%arg10 : memref<128x128xf32, #tpu.memory_space<vmem>>)
    %dma_wait3A_46 = arith.constant 0 : i32
    %dma_wait3A_47 = arith.constant 0 : i32
    %dma_wait3A_48 = tpu.memref_slice %arg9[%dma_wait3A_46, %dma_wait3A_47] : memref<40x128xi32, #tpu.memory_space<vmem>> -> memref<1x128xi32, #tpu.memory_space<vmem>>
    %dma_wait3A_49 = tpu.memref_squeeze %dma_wait3A_48 : memref<1x128xi32, #tpu.memory_space<vmem>> -> memref<128xi32, #tpu.memory_space<vmem>>
    %dma_wait3A_50 = arith.constant 0 : i32
    %dma_wait3A_51 = arith.constant 0 : i32
    %dma_wait3A_52 = tpu.memref_slice %arg14[%dma_wait3A_50, %dma_wait3A_51] : memref<10112x128xf32, #tpu.memory_space<vmem_shared>> -> memref<10112x128xf32, #tpu.memory_space<vmem_shared>>
    tpu.wait_indirect_dma semaphore(%arg19 : memref<!tpu.dma_semaphore, #tpu.memory_space<semaphore_mem>>) src(%arg11 : memref<128x128xf32, #tpu.memory_space<vmem>>) dst(%dma_wait3A_52 : memref<10112x128xf32, #tpu.memory_space<vmem_shared>>)
    %mul3A_53 = arith.constant 80 : i32
    %mul3A_54 = arith.muli %arg1, %mul3A_53 : i32
    %add3A_55 = arith.constant 40 : i32
    %add3A_56 = arith.addi %mul3A_54, %add3A_55 : i32
    "tpu.region"() ({
      %run_scoped3A = tpu.sem_alloc : memref<!tpu.dma_semaphore, #tpu.memory_space<semaphore_mem>>
      %dma_start3A = arith.constant 0 : i32
      %dma_start3A_149 = tpu.memref_slice %arg4[%add3A_56, %dma_start3A] : memref<1328x128xi32, #tpu.memory_space<hbm>> -> memref<48x128xi32, #tpu.memory_space<hbm>>
      %dma_start3A_150 = arith.constant 0 : i32
      %dma_start3A_151 = tpu.memref_slice %arg4[%add3A_56, %dma_start3A_150] : memref<1328x128xi32, #tpu.memory_space<hbm>> -> memref<48x128xi32, #tpu.memory_space<hbm>>
      tpu.enqueue_dma source(%dma_start3A_151 : memref<48x128xi32, #tpu.memory_space<hbm>>) target(%arg8 : memref<48x128xi32, #tpu.memory_space<vmem>>) target_semaphore(%run_scoped3A : memref<!tpu.dma_semaphore, #tpu.memory_space<semaphore_mem>>)
      %dma_wait3A_152 = arith.constant 0 : i32
      %dma_wait3A_153 = tpu.memref_slice %arg4[%add3A_56, %dma_wait3A_152] : memref<1328x128xi32, #tpu.memory_space<hbm>> -> memref<48x128xi32, #tpu.memory_space<hbm>>
      %dma_wait3A_154 = arith.constant 0 : i32
      %dma_wait3A_155 = tpu.memref_slice %arg4[%add3A_56, %dma_wait3A_154] : memref<1328x128xi32, #tpu.memory_space<hbm>> -> memref<48x128xi32, #tpu.memory_space<hbm>>
      tpu.wait_dma2 semaphore(%run_scoped3A : memref<!tpu.dma_semaphore, #tpu.memory_space<semaphore_mem>>) src(%dma_wait3A_155 : memref<48x128xi32, #tpu.memory_space<hbm>>) dst(%arg8 : memref<48x128xi32, #tpu.memory_space<vmem>>)
      tpu.yield
    }) : () -> ()
    "tpu.region"() ({
      %run_scoped3A = tpu.sem_alloc : memref<!tpu.dma_semaphore, #tpu.memory_space<semaphore_mem>>
      %dma_start3A = arith.constant 0 : i32
      %dma_start3A_149 = tpu.memref_slice %arg5[%add3A_56, %dma_start3A] : memref<1280x128xi32, #tpu.memory_space<hbm>> -> memref<40x128xi32, #tpu.memory_space<hbm>>
      %dma_start3A_150 = arith.constant 0 : i32
      %dma_start3A_151 = tpu.memref_slice %arg5[%add3A_56, %dma_start3A_150] : memref<1280x128xi32, #tpu.memory_space<hbm>> -> memref<40x128xi32, #tpu.memory_space<hbm>>
      tpu.enqueue_dma source(%dma_start3A_151 : memref<40x128xi32, #tpu.memory_space<hbm>>) target(%arg9 : memref<40x128xi32, #tpu.memory_space<vmem>>) target_semaphore(%run_scoped3A : memref<!tpu.dma_semaphore, #tpu.memory_space<semaphore_mem>>)
      %dma_wait3A_152 = arith.constant 0 : i32
      %dma_wait3A_153 = tpu.memref_slice %arg5[%add3A_56, %dma_wait3A_152] : memref<1280x128xi32, #tpu.memory_space<hbm>> -> memref<40x128xi32, #tpu.memory_space<hbm>>
      %dma_wait3A_154 = arith.constant 0 : i32
      %dma_wait3A_155 = tpu.memref_slice %arg5[%add3A_56, %dma_wait3A_154] : memref<1280x128xi32, #tpu.memory_space<hbm>> -> memref<40x128xi32, #tpu.memory_space<hbm>>
      tpu.wait_dma2 semaphore(%run_scoped3A : memref<!tpu.dma_semaphore, #tpu.memory_space<semaphore_mem>>) src(%dma_wait3A_155 : memref<40x128xi32, #tpu.memory_space<hbm>>) dst(%arg9 : memref<40x128xi32, #tpu.memory_space<vmem>>)
      tpu.yield
    }) : () -> ()
    %eq3A_57 = arith.constant 0 : i32
    %eq3A_58 = arith.cmpi eq, %arg0, %eq3A_57 : i32
    %convert_element_type3A_59 = arith.extui %eq3A_58 : i1 to i32
    %cond3A_60 = arith.constant 0 : i32
    %cond3A_61 = arith.constant 0 : i32
    %cond3A_62 = arith.cmpi ne, %convert_element_type3A_59, %cond3A_61 : i32
    scf.if %cond3A_62 {
      %dma_start3A = arith.constant 0 : i32
      %dma_start3A_149 = tpu.memref_slice %arg8[%cond3A_60, %dma_start3A] : memref<48x128xi32, #tpu.memory_space<vmem>> -> memref<1x128xi32, #tpu.memory_space<vmem>>
      %dma_start3A_150 = tpu.memref_squeeze %dma_start3A_149 : memref<1x128xi32, #tpu.memory_space<vmem>> -> memref<128xi32, #tpu.memory_space<vmem>>
      %dma_start3A_151 = arith.constant 0 : i32
      %dma_start3A_152 = arith.constant 0 : i32
      %dma_start3A_153 = tpu.memref_slice %arg2[%dma_start3A_151, %dma_start3A_152] : memref<10000x128xf32, #tpu.memory_space<hbm>> -> memref<10000x128xf32, #tpu.memory_space<hbm>>
      tpu.enqueue_indirect_dma source(%dma_start3A_153 : memref<10000x128xf32, #tpu.memory_space<hbm>>) target(%arg10 : memref<128x128xf32, #tpu.memory_space<vmem>>) offsets(%dma_start3A_150 : memref<128xi32, #tpu.memory_space<vmem>>) semaphore(%arg16 : memref<!tpu.dma_semaphore, #tpu.memory_space<semaphore_mem>>)
    } else {
    }
    %eq3A_63 = arith.constant 1 : i32
    %eq3A_64 = arith.cmpi eq, %arg0, %eq3A_63 : i32
    %convert_element_type3A_65 = arith.extui %eq3A_64 : i1 to i32
    %cond3A_66 = arith.constant 0 : i32
    %cond3A_67 = arith.constant 0 : i32
    %cond3A_68 = arith.cmpi ne, %convert_element_type3A_65, %cond3A_67 : i32
    scf.if %cond3A_68 {
      %dma_start3A = arith.constant 0 : i32
      %dma_start3A_149 = tpu.memref_slice %arg8[%cond3A_66, %dma_start3A] : memref<48x128xi32, #tpu.memory_space<vmem>> -> memref<1x128xi32, #tpu.memory_space<vmem>>
      %dma_start3A_150 = tpu.memref_squeeze %dma_start3A_149 : memref<1x128xi32, #tpu.memory_space<vmem>> -> memref<128xi32, #tpu.memory_space<vmem>>
      %dma_start3A_151 = arith.constant 0 : i32
      %dma_start3A_152 = arith.constant 0 : i32
      %dma_start3A_153 = tpu.memref_slice %arg3[%dma_start3A_151, %dma_start3A_152] : memref<10000x128xf32, #tpu.memory_space<hbm>> -> memref<10000x128xf32, #tpu.memory_space<hbm>>
      tpu.enqueue_indirect_dma source(%dma_start3A_153 : memref<10000x128xf32, #tpu.memory_space<hbm>>) target(%arg10 : memref<128x128xf32, #tpu.memory_space<vmem>>) offsets(%dma_start3A_150 : memref<128xi32, #tpu.memory_space<vmem>>) semaphore(%arg16 : memref<!tpu.dma_semaphore, #tpu.memory_space<semaphore_mem>>)
    } else {
    }
    %scan3A_69 = arith.constant 0 : i32
    %scan3A_70 = arith.constant 0 : i32
    %scan3A_71 = arith.constant 20 : i32
    %scan3A_72 = arith.addi %scan3A_70, %scan3A_71 : i32
    %scan3A_73 = arith.constant 1 : i32
    scf.for %scan3A_149 = %scan3A_70 to %scan3A_72 step %scan3A_73  : i32 {
      %mul3A_150 = arith.constant 2 : i32
      %mul3A_151 = arith.muli %mul3A_150, %scan3A_149 : i32
      %add3A_152 = arith.constant 1 : i32
      %add3A_153 = arith.addi %mul3A_151, %add3A_152 : i32
      %gt3A = arith.constant 0 : i32
      %gt3A_154 = arith.cmpi sgt, %scan3A_149, %gt3A : i32
      %convert_element_type3A_155 = arith.extui %gt3A_154 : i1 to i32
      %cond3A_156 = arith.constant 0 : i32
      %cond3A_157 = arith.cmpi ne, %convert_element_type3A_155, %cond3A_156 : i32
      scf.if %cond3A_157 {
        %dma_wait3A_214 = arith.constant 0 : i32
        %dma_wait3A_215 = arith.constant 0 : i32
        %dma_wait3A_216 = tpu.memref_slice %arg9[%dma_wait3A_214, %dma_wait3A_215] : memref<40x128xi32, #tpu.memory_space<vmem>> -> memref<1x128xi32, #tpu.memory_space<vmem>>
        %dma_wait3A_217 = tpu.memref_squeeze %dma_wait3A_216 : memref<1x128xi32, #tpu.memory_space<vmem>> -> memref<128xi32, #tpu.memory_space<vmem>>
        %dma_wait3A_218 = arith.constant 0 : i32
        %dma_wait3A_219 = arith.constant 0 : i32
        %dma_wait3A_220 = tpu.memref_slice %arg14[%dma_wait3A_218, %dma_wait3A_219] : memref<10112x128xf32, #tpu.memory_space<vmem_shared>> -> memref<10112x128xf32, #tpu.memory_space<vmem_shared>>
        tpu.wait_indirect_dma semaphore(%arg19 : memref<!tpu.dma_semaphore, #tpu.memory_space<semaphore_mem>>) src(%arg11 : memref<128x128xf32, #tpu.memory_space<vmem>>) dst(%dma_wait3A_220 : memref<10112x128xf32, #tpu.memory_space<vmem_shared>>)
      } else {
      }
      %eq3A_158 = arith.constant 0 : i32
      %eq3A_159 = arith.cmpi eq, %arg0, %eq3A_158 : i32
      %convert_element_type3A_160 = arith.extui %eq3A_159 : i1 to i32
      %cond3A_161 = arith.constant 0 : i32
      %cond3A_162 = arith.cmpi ne, %convert_element_type3A_160, %cond3A_161 : i32
      scf.if %cond3A_162 {
        %dma_start3A_214 = arith.constant 0 : i32
        %dma_start3A_215 = tpu.memref_slice %arg8[%add3A_153, %dma_start3A_214] : memref<48x128xi32, #tpu.memory_space<vmem>> -> memref<1x128xi32, #tpu.memory_space<vmem>>
        %dma_start3A_216 = tpu.memref_squeeze %dma_start3A_215 : memref<1x128xi32, #tpu.memory_space<vmem>> -> memref<128xi32, #tpu.memory_space<vmem>>
        %dma_start3A_217 = arith.constant 0 : i32
        %dma_start3A_218 = arith.constant 0 : i32
        %dma_start3A_219 = tpu.memref_slice %arg2[%dma_start3A_217, %dma_start3A_218] : memref<10000x128xf32, #tpu.memory_space<hbm>> -> memref<10000x128xf32, #tpu.memory_space<hbm>>
        tpu.enqueue_indirect_dma source(%dma_start3A_219 : memref<10000x128xf32, #tpu.memory_space<hbm>>) target(%arg11 : memref<128x128xf32, #tpu.memory_space<vmem>>) offsets(%dma_start3A_216 : memref<128xi32, #tpu.memory_space<vmem>>) semaphore(%arg17 : memref<!tpu.dma_semaphore, #tpu.memory_space<semaphore_mem>>)
      } else {
      }
      %eq3A_163 = arith.constant 1 : i32
      %eq3A_164 = arith.cmpi eq, %arg0, %eq3A_163 : i32
      %convert_element_type3A_165 = arith.extui %eq3A_164 : i1 to i32
      %cond3A_166 = arith.constant 0 : i32
      %cond3A_167 = arith.cmpi ne, %convert_element_type3A_165, %cond3A_166 : i32
      scf.if %cond3A_167 {
        %dma_start3A_214 = arith.constant 0 : i32
        %dma_start3A_215 = tpu.memref_slice %arg8[%add3A_153, %dma_start3A_214] : memref<48x128xi32, #tpu.memory_space<vmem>> -> memref<1x128xi32, #tpu.memory_space<vmem>>
        %dma_start3A_216 = tpu.memref_squeeze %dma_start3A_215 : memref<1x128xi32, #tpu.memory_space<vmem>> -> memref<128xi32, #tpu.memory_space<vmem>>
        %dma_start3A_217 = arith.constant 0 : i32
        %dma_start3A_218 = arith.constant 0 : i32
        %dma_start3A_219 = tpu.memref_slice %arg3[%dma_start3A_217, %dma_start3A_218] : memref<10000x128xf32, #tpu.memory_space<hbm>> -> memref<10000x128xf32, #tpu.memory_space<hbm>>
        tpu.enqueue_indirect_dma source(%dma_start3A_219 : memref<10000x128xf32, #tpu.memory_space<hbm>>) target(%arg11 : memref<128x128xf32, #tpu.memory_space<vmem>>) offsets(%dma_start3A_216 : memref<128xi32, #tpu.memory_space<vmem>>) semaphore(%arg17 : memref<!tpu.dma_semaphore, #tpu.memory_space<semaphore_mem>>)
      } else {
      }
      %dma_wait3A_168 = arith.constant 0 : i32
      %dma_wait3A_169 = arith.constant 0 : i32
      %dma_wait3A_170 = tpu.memref_slice %arg8[%dma_wait3A_168, %dma_wait3A_169] : memref<48x128xi32, #tpu.memory_space<vmem>> -> memref<1x128xi32, #tpu.memory_space<vmem>>
      %dma_wait3A_171 = tpu.memref_squeeze %dma_wait3A_170 : memref<1x128xi32, #tpu.memory_space<vmem>> -> memref<128xi32, #tpu.memory_space<vmem>>
      %dma_wait3A_172 = arith.constant 0 : i32
      %dma_wait3A_173 = arith.constant 0 : i32
      %dma_wait3A_174 = tpu.memref_slice %arg2[%dma_wait3A_172, %dma_wait3A_173] : memref<10000x128xf32, #tpu.memory_space<hbm>> -> memref<10000x128xf32, #tpu.memory_space<hbm>>
      tpu.wait_indirect_dma semaphore(%arg16 : memref<!tpu.dma_semaphore, #tpu.memory_space<semaphore_mem>>) src(%dma_wait3A_174 : memref<10000x128xf32, #tpu.memory_space<hbm>>) dst(%arg10 : memref<128x128xf32, #tpu.memory_space<vmem>>)
      %mul3A_175 = arith.constant 2 : i32
      %mul3A_176 = arith.muli %mul3A_175, %scan3A_149 : i32
      %dma_start3A = arith.constant 0 : i32
      %dma_start3A_177 = tpu.memref_slice %arg9[%mul3A_176, %dma_start3A] : memref<40x128xi32, #tpu.memory_space<vmem>> -> memref<1x128xi32, #tpu.memory_space<vmem>>
      %dma_start3A_178 = tpu.memref_squeeze %dma_start3A_177 : memref<1x128xi32, #tpu.memory_space<vmem>> -> memref<128xi32, #tpu.memory_space<vmem>>
      %dma_start3A_179 = arith.constant 0 : i32
      %dma_start3A_180 = arith.constant 0 : i32
      %dma_start3A_181 = tpu.memref_slice %arg14[%dma_start3A_179, %dma_start3A_180] : memref<10112x128xf32, #tpu.memory_space<vmem_shared>> -> memref<10112x128xf32, #tpu.memory_space<vmem_shared>>
      tpu.enqueue_indirect_dma source(%arg10 : memref<128x128xf32, #tpu.memory_space<vmem>>) target(%dma_start3A_181 : memref<10112x128xf32, #tpu.memory_space<vmem_shared>>) offsets(%dma_start3A_178 : memref<128xi32, #tpu.memory_space<vmem>>) semaphore(%arg18 : memref<!tpu.dma_semaphore, #tpu.memory_space<semaphore_mem>>) {add = true}
      %dma_wait3A_182 = arith.constant 0 : i32
      %dma_wait3A_183 = arith.constant 0 : i32
      %dma_wait3A_184 = tpu.memref_slice %arg9[%dma_wait3A_182, %dma_wait3A_183] : memref<40x128xi32, #tpu.memory_space<vmem>> -> memref<1x128xi32, #tpu.memory_space<vmem>>
      %dma_wait3A_185 = tpu.memref_squeeze %dma_wait3A_184 : memref<1x128xi32, #tpu.memory_space<vmem>> -> memref<128xi32, #tpu.memory_space<vmem>>
      %dma_wait3A_186 = arith.constant 0 : i32
      %dma_wait3A_187 = arith.constant 0 : i32
      %dma_wait3A_188 = tpu.memref_slice %arg14[%dma_wait3A_186, %dma_wait3A_187] : memref<10112x128xf32, #tpu.memory_space<vmem_shared>> -> memref<10112x128xf32, #tpu.memory_space<vmem_shared>>
      tpu.wait_indirect_dma semaphore(%arg18 : memref<!tpu.dma_semaphore, #tpu.memory_space<semaphore_mem>>) src(%arg10 : memref<128x128xf32, #tpu.memory_space<vmem>>) dst(%dma_wait3A_188 : memref<10112x128xf32, #tpu.memory_space<vmem_shared>>)
      %add3A_189 = arith.constant 1 : i32
      %add3A_190 = arith.addi %add3A_153, %add3A_189 : i32
      %eq3A_191 = arith.constant 0 : i32
      %eq3A_192 = arith.cmpi eq, %arg0, %eq3A_191 : i32
      %convert_element_type3A_193 = arith.extui %eq3A_192 : i1 to i32
      %cond3A_194 = arith.constant 0 : i32
      %cond3A_195 = arith.cmpi ne, %convert_element_type3A_193, %cond3A_194 : i32
      scf.if %cond3A_195 {
        %dma_start3A_214 = arith.constant 0 : i32
        %dma_start3A_215 = tpu.memref_slice %arg8[%add3A_190, %dma_start3A_214] : memref<48x128xi32, #tpu.memory_space<vmem>> -> memref<1x128xi32, #tpu.memory_space<vmem>>
        %dma_start3A_216 = tpu.memref_squeeze %dma_start3A_215 : memref<1x128xi32, #tpu.memory_space<vmem>> -> memref<128xi32, #tpu.memory_space<vmem>>
        %dma_start3A_217 = arith.constant 0 : i32
        %dma_start3A_218 = arith.constant 0 : i32
        %dma_start3A_219 = tpu.memref_slice %arg2[%dma_start3A_217, %dma_start3A_218] : memref<10000x128xf32, #tpu.memory_space<hbm>> -> memref<10000x128xf32, #tpu.memory_space<hbm>>
        tpu.enqueue_indirect_dma source(%dma_start3A_219 : memref<10000x128xf32, #tpu.memory_space<hbm>>) target(%arg10 : memref<128x128xf32, #tpu.memory_space<vmem>>) offsets(%dma_start3A_216 : memref<128xi32, #tpu.memory_space<vmem>>) semaphore(%arg16 : memref<!tpu.dma_semaphore, #tpu.memory_space<semaphore_mem>>)
      } else {
      }
      %eq3A_196 = arith.constant 1 : i32
      %eq3A_197 = arith.cmpi eq, %arg0, %eq3A_196 : i32
      %convert_element_type3A_198 = arith.extui %eq3A_197 : i1 to i32
      %cond3A_199 = arith.constant 0 : i32
      %cond3A_200 = arith.cmpi ne, %convert_element_type3A_198, %cond3A_199 : i32
      scf.if %cond3A_200 {
        %dma_start3A_214 = arith.constant 0 : i32
        %dma_start3A_215 = tpu.memref_slice %arg8[%add3A_190, %dma_start3A_214] : memref<48x128xi32, #tpu.memory_space<vmem>> -> memref<1x128xi32, #tpu.memory_space<vmem>>
        %dma_start3A_216 = tpu.memref_squeeze %dma_start3A_215 : memref<1x128xi32, #tpu.memory_space<vmem>> -> memref<128xi32, #tpu.memory_space<vmem>>
        %dma_start3A_217 = arith.constant 0 : i32
        %dma_start3A_218 = arith.constant 0 : i32
        %dma_start3A_219 = tpu.memref_slice %arg3[%dma_start3A_217, %dma_start3A_218] : memref<10000x128xf32, #tpu.memory_space<hbm>> -> memref<10000x128xf32, #tpu.memory_space<hbm>>
        tpu.enqueue_indirect_dma source(%dma_start3A_219 : memref<10000x128xf32, #tpu.memory_space<hbm>>) target(%arg10 : memref<128x128xf32, #tpu.memory_space<vmem>>) offsets(%dma_start3A_216 : memref<128xi32, #tpu.memory_space<vmem>>) semaphore(%arg16 : memref<!tpu.dma_semaphore, #tpu.memory_space<semaphore_mem>>)
      } else {
      }
      %dma_wait3A_201 = arith.constant 0 : i32
      %dma_wait3A_202 = arith.constant 0 : i32
      %dma_wait3A_203 = tpu.memref_slice %arg8[%dma_wait3A_201, %dma_wait3A_202] : memref<48x128xi32, #tpu.memory_space<vmem>> -> memref<1x128xi32, #tpu.memory_space<vmem>>
      %dma_wait3A_204 = tpu.memref_squeeze %dma_wait3A_203 : memref<1x128xi32, #tpu.memory_space<vmem>> -> memref<128xi32, #tpu.memory_space<vmem>>
      %dma_wait3A_205 = arith.constant 0 : i32
      %dma_wait3A_206 = arith.constant 0 : i32
      %dma_wait3A_207 = tpu.memref_slice %arg2[%dma_wait3A_205, %dma_wait3A_206] : memref<10000x128xf32, #tpu.memory_space<hbm>> -> memref<10000x128xf32, #tpu.memory_space<hbm>>
      tpu.wait_indirect_dma semaphore(%arg17 : memref<!tpu.dma_semaphore, #tpu.memory_space<semaphore_mem>>) src(%dma_wait3A_207 : memref<10000x128xf32, #tpu.memory_space<hbm>>) dst(%arg11 : memref<128x128xf32, #tpu.memory_space<vmem>>)
      %dma_start3A_208 = arith.constant 0 : i32
      %dma_start3A_209 = tpu.memref_slice %arg9[%add3A_153, %dma_start3A_208] : memref<40x128xi32, #tpu.memory_space<vmem>> -> memref<1x128xi32, #tpu.memory_space<vmem>>
      %dma_start3A_210 = tpu.memref_squeeze %dma_start3A_209 : memref<1x128xi32, #tpu.memory_space<vmem>> -> memref<128xi32, #tpu.memory_space<vmem>>
      %dma_start3A_211 = arith.constant 0 : i32
      %dma_start3A_212 = arith.constant 0 : i32
      %dma_start3A_213 = tpu.memref_slice %arg14[%dma_start3A_211, %dma_start3A_212] : memref<10112x128xf32, #tpu.memory_space<vmem_shared>> -> memref<10112x128xf32, #tpu.memory_space<vmem_shared>>
      tpu.enqueue_indirect_dma source(%arg11 : memref<128x128xf32, #tpu.memory_space<vmem>>) target(%dma_start3A_213 : memref<10112x128xf32, #tpu.memory_space<vmem_shared>>) offsets(%dma_start3A_210 : memref<128xi32, #tpu.memory_space<vmem>>) semaphore(%arg19 : memref<!tpu.dma_semaphore, #tpu.memory_space<semaphore_mem>>) {add = true}
    }
    %scan3A_74 = arith.constant 20 : i32
    %dma_wait3A_75 = arith.constant 0 : i32
    %dma_wait3A_76 = arith.constant 0 : i32
    %dma_wait3A_77 = tpu.memref_slice %arg8[%dma_wait3A_75, %dma_wait3A_76] : memref<48x128xi32, #tpu.memory_space<vmem>> -> memref<1x128xi32, #tpu.memory_space<vmem>>
    %dma_wait3A_78 = tpu.memref_squeeze %dma_wait3A_77 : memref<1x128xi32, #tpu.memory_space<vmem>> -> memref<128xi32, #tpu.memory_space<vmem>>
    %dma_wait3A_79 = arith.constant 0 : i32
    %dma_wait3A_80 = arith.constant 0 : i32
    %dma_wait3A_81 = tpu.memref_slice %arg2[%dma_wait3A_79, %dma_wait3A_80] : memref<10000x128xf32, #tpu.memory_space<hbm>> -> memref<10000x128xf32, #tpu.memory_space<hbm>>
    tpu.wait_indirect_dma semaphore(%arg16 : memref<!tpu.dma_semaphore, #tpu.memory_space<semaphore_mem>>) src(%dma_wait3A_81 : memref<10000x128xf32, #tpu.memory_space<hbm>>) dst(%arg10 : memref<128x128xf32, #tpu.memory_space<vmem>>)
    %dma_wait3A_82 = arith.constant 0 : i32
    %dma_wait3A_83 = arith.constant 0 : i32
    %dma_wait3A_84 = tpu.memref_slice %arg9[%dma_wait3A_82, %dma_wait3A_83] : memref<40x128xi32, #tpu.memory_space<vmem>> -> memref<1x128xi32, #tpu.memory_space<vmem>>
    %dma_wait3A_85 = tpu.memref_squeeze %dma_wait3A_84 : memref<1x128xi32, #tpu.memory_space<vmem>> -> memref<128xi32, #tpu.memory_space<vmem>>
    %dma_wait3A_86 = arith.constant 0 : i32
    %dma_wait3A_87 = arith.constant 0 : i32
    %dma_wait3A_88 = tpu.memref_slice %arg14[%dma_wait3A_86, %dma_wait3A_87] : memref<10112x128xf32, #tpu.memory_space<vmem_shared>> -> memref<10112x128xf32, #tpu.memory_space<vmem_shared>>
    tpu.wait_indirect_dma semaphore(%arg19 : memref<!tpu.dma_semaphore, #tpu.memory_space<semaphore_mem>>) src(%arg11 : memref<128x128xf32, #tpu.memory_space<vmem>>) dst(%dma_wait3A_88 : memref<10112x128xf32, #tpu.memory_space<vmem_shared>>)
    %barrier3A_89 = arith.constant 0 : index
    tpu.barrier barrier_id(%barrier3A_89)
    %mul3A_90 = arith.constant 632 : i32
    %mul3A_91 = arith.muli %arg1, %mul3A_90 : i32
    %add3A_92 = arith.constant 0 : i32
    %add3A_93 = arith.addi %mul3A_91, %add3A_92 : i32
    "tpu.region"() ({
      %run_scoped3A = tpu.sem_alloc : memref<!tpu.dma_semaphore, #tpu.memory_space<semaphore_mem>>
      %dma_start3A = arith.constant 0 : i32
      %dma_start3A_149 = arith.constant 0 : i32
      %dma_start3A_150 = tpu.memref_slice %arg10[%dma_start3A, %dma_start3A_149] : memref<128x128xf32, #tpu.memory_space<vmem>> -> memref<128x128xf32, #tpu.memory_space<vmem>>
      %dma_start3A_151 = arith.constant 0 : i32
      %dma_start3A_152 = tpu.memref_slice %arg14[%add3A_93, %dma_start3A_151] : memref<10112x128xf32, #tpu.memory_space<vmem_shared>> -> memref<128x128xf32, #tpu.memory_space<vmem_shared>>
      %dma_start3A_153 = arith.constant 0 : i32
      %dma_start3A_154 = arith.constant 0 : i32
      %dma_start3A_155 = tpu.memref_slice %arg10[%dma_start3A_153, %dma_start3A_154] : memref<128x128xf32, #tpu.memory_space<vmem>> -> memref<128x128xf32, #tpu.memory_space<vmem>>
      %dma_start3A_156 = arith.constant 0 : i32
      %dma_start3A_157 = tpu.memref_slice %arg14[%add3A_93, %dma_start3A_156] : memref<10112x128xf32, #tpu.memory_space<vmem_shared>> -> memref<128x128xf32, #tpu.memory_space<vmem_shared>>
      tpu.enqueue_dma source(%dma_start3A_157 : memref<128x128xf32, #tpu.memory_space<vmem_shared>>) target(%dma_start3A_155 : memref<128x128xf32, #tpu.memory_space<vmem>>) target_semaphore(%run_scoped3A : memref<!tpu.dma_semaphore, #tpu.memory_space<semaphore_mem>>)
      %dma_wait3A_158 = arith.constant 0 : i32
      %dma_wait3A_159 = arith.constant 0 : i32
      %dma_wait3A_160 = tpu.memref_slice %arg10[%dma_wait3A_158, %dma_wait3A_159] : memref<128x128xf32, #tpu.memory_space<vmem>> -> memref<128x128xf32, #tpu.memory_space<vmem>>
      %dma_wait3A_161 = arith.constant 0 : i32
      %dma_wait3A_162 = tpu.memref_slice %arg14[%add3A_93, %dma_wait3A_161] : memref<10112x128xf32, #tpu.memory_space<vmem_shared>> -> memref<128x128xf32, #tpu.memory_space<vmem_shared>>
      %dma_wait3A_163 = arith.constant 0 : i32
      %dma_wait3A_164 = arith.constant 0 : i32
      %dma_wait3A_165 = tpu.memref_slice %arg10[%dma_wait3A_163, %dma_wait3A_164] : memref<128x128xf32, #tpu.memory_space<vmem>> -> memref<128x128xf32, #tpu.memory_space<vmem>>
      %dma_wait3A_166 = arith.constant 0 : i32
      %dma_wait3A_167 = tpu.memref_slice %arg14[%add3A_93, %dma_wait3A_166] : memref<10112x128xf32, #tpu.memory_space<vmem_shared>> -> memref<128x128xf32, #tpu.memory_space<vmem_shared>>
      tpu.wait_dma2 semaphore(%run_scoped3A : memref<!tpu.dma_semaphore, #tpu.memory_space<semaphore_mem>>) src(%dma_wait3A_167 : memref<128x128xf32, #tpu.memory_space<vmem_shared>>) dst(%dma_wait3A_165 : memref<128x128xf32, #tpu.memory_space<vmem>>)
      tpu.yield
    }) : () -> ()
    %eq3A_94 = arith.constant 0 : i32
    %eq3A_95 = arith.cmpi eq, %arg0, %eq3A_94 : i32
    %convert_element_type3A_96 = arith.extui %eq3A_95 : i1 to i32
    %cond3A_97 = arith.constant 0 : i32
    %cond3A_98 = arith.cmpi ne, %convert_element_type3A_96, %cond3A_97 : i32
    scf.if %cond3A_98 {
      %add3A_149 = arith.constant 0 : i32
      %add3A_150 = arith.addi %mul3A_91, %add3A_149 : i32
      "tpu.region"() ({
        %run_scoped3A = tpu.sem_alloc : memref<!tpu.dma_semaphore, #tpu.memory_space<semaphore_mem>>
        %dma_start3A = arith.constant 0 : i32
        %dma_start3A_151 = arith.constant 0 : i32
        %dma_start3A_152 = tpu.memref_slice %arg10[%dma_start3A, %dma_start3A_151] : memref<128x128xf32, #tpu.memory_space<vmem>> -> memref<128x128xf32, #tpu.memory_space<vmem>>
        %dma_start3A_153 = arith.constant 0 : i32
        %dma_start3A_154 = tpu.memref_slice %arg6[%add3A_150, %dma_start3A_153] : memref<10000x128xf32, #tpu.memory_space<hbm>> -> memref<128x128xf32, #tpu.memory_space<hbm>>
        %dma_start3A_155 = arith.constant 0 : i32
        %dma_start3A_156 = tpu.memref_slice %arg6[%add3A_150, %dma_start3A_155] : memref<10000x128xf32, #tpu.memory_space<hbm>> -> memref<128x128xf32, #tpu.memory_space<hbm>>
        %dma_start3A_157 = arith.constant 0 : i32
        %dma_start3A_158 = arith.constant 0 : i32
        %dma_start3A_159 = tpu.memref_slice %arg10[%dma_start3A_157, %dma_start3A_158] : memref<128x128xf32, #tpu.memory_space<vmem>> -> memref<128x128xf32, #tpu.memory_space<vmem>>
        tpu.enqueue_dma source(%dma_start3A_159 : memref<128x128xf32, #tpu.memory_space<vmem>>) target(%dma_start3A_156 : memref<128x128xf32, #tpu.memory_space<hbm>>) target_semaphore(%run_scoped3A : memref<!tpu.dma_semaphore, #tpu.memory_space<semaphore_mem>>)
        %dma_wait3A_160 = arith.constant 0 : i32
        %dma_wait3A_161 = arith.constant 0 : i32
        %dma_wait3A_162 = tpu.memref_slice %arg10[%dma_wait3A_160, %dma_wait3A_161] : memref<128x128xf32, #tpu.memory_space<vmem>> -> memref<128x128xf32, #tpu.memory_space<vmem>>
        %dma_wait3A_163 = arith.constant 0 : i32
        %dma_wait3A_164 = tpu.memref_slice %arg6[%add3A_150, %dma_wait3A_163] : memref<10000x128xf32, #tpu.memory_space<hbm>> -> memref<128x128xf32, #tpu.memory_space<hbm>>
        %dma_wait3A_165 = arith.constant 0 : i32
        %dma_wait3A_166 = tpu.memref_slice %arg6[%add3A_150, %dma_wait3A_165] : memref<10000x128xf32, #tpu.memory_space<hbm>> -> memref<128x128xf32, #tpu.memory_space<hbm>>
        %dma_wait3A_167 = arith.constant 0 : i32
        %dma_wait3A_168 = arith.constant 0 : i32
        %dma_wait3A_169 = tpu.memref_slice %arg10[%dma_wait3A_167, %dma_wait3A_168] : memref<128x128xf32, #tpu.memory_space<vmem>> -> memref<128x128xf32, #tpu.memory_space<vmem>>
        tpu.wait_dma2 semaphore(%run_scoped3A : memref<!tpu.dma_semaphore, #tpu.memory_space<semaphore_mem>>) src(%dma_wait3A_169 : memref<128x128xf32, #tpu.memory_space<vmem>>) dst(%dma_wait3A_166 : memref<128x128xf32, #tpu.memory_space<hbm>>)
        tpu.yield
      }) : () -> ()
    } else {
    }
    %eq3A_99 = arith.constant 1 : i32
    %eq3A_100 = arith.cmpi eq, %arg0, %eq3A_99 : i32
    %convert_element_type3A_101 = arith.extui %eq3A_100 : i1 to i32
    %cond3A_102 = arith.constant 0 : i32
    %cond3A_103 = arith.cmpi ne, %convert_element_type3A_101, %cond3A_102 : i32
    scf.if %cond3A_103 {
      %add3A_149 = arith.constant 0 : i32
      %add3A_150 = arith.addi %mul3A_91, %add3A_149 : i32
      "tpu.region"() ({
        %run_scoped3A = tpu.sem_alloc : memref<!tpu.dma_semaphore, #tpu.memory_space<semaphore_mem>>
        %dma_start3A = arith.constant 0 : i32
        %dma_start3A_151 = arith.constant 0 : i32
        %dma_start3A_152 = tpu.memref_slice %arg10[%dma_start3A, %dma_start3A_151] : memref<128x128xf32, #tpu.memory_space<vmem>> -> memref<128x128xf32, #tpu.memory_space<vmem>>
        %dma_start3A_153 = arith.constant 0 : i32
        %dma_start3A_154 = tpu.memref_slice %arg7[%add3A_150, %dma_start3A_153] : memref<10000x128xf32, #tpu.memory_space<hbm>> -> memref<128x128xf32, #tpu.memory_space<hbm>>
        %dma_start3A_155 = arith.constant 0 : i32
        %dma_start3A_156 = tpu.memref_slice %arg7[%add3A_150, %dma_start3A_155] : memref<10000x128xf32, #tpu.memory_space<hbm>> -> memref<128x128xf32, #tpu.memory_space<hbm>>
        %dma_start3A_157 = arith.constant 0 : i32
        %dma_start3A_158 = arith.constant 0 : i32
        %dma_start3A_159 = tpu.memref_slice %arg10[%dma_start3A_157, %dma_start3A_158] : memref<128x128xf32, #tpu.memory_space<vmem>> -> memref<128x128xf32, #tpu.memory_space<vmem>>
        tpu.enqueue_dma source(%dma_start3A_159 : memref<128x128xf32, #tpu.memory_space<vmem>>) target(%dma_start3A_156 : memref<128x128xf32, #tpu.memory_space<hbm>>) target_semaphore(%run_scoped3A : memref<!tpu.dma_semaphore, #tpu.memory_space<semaphore_mem>>)
        %dma_wait3A_160 = arith.constant 0 : i32
        %dma_wait3A_161 = arith.constant 0 : i32
        %dma_wait3A_162 = tpu.memref_slice %arg10[%dma_wait3A_160, %dma_wait3A_161] : memref<128x128xf32, #tpu.memory_space<vmem>> -> memref<128x128xf32, #tpu.memory_space<vmem>>
        %dma_wait3A_163 = arith.constant 0 : i32
        %dma_wait3A_164 = tpu.memref_slice %arg7[%add3A_150, %dma_wait3A_163] : memref<10000x128xf32, #tpu.memory_space<hbm>> -> memref<128x128xf32, #tpu.memory_space<hbm>>
        %dma_wait3A_165 = arith.constant 0 : i32
        %dma_wait3A_166 = tpu.memref_slice %arg7[%add3A_150, %dma_wait3A_165] : memref<10000x128xf32, #tpu.memory_space<hbm>> -> memref<128x128xf32, #tpu.memory_space<hbm>>
        %dma_wait3A_167 = arith.constant 0 : i32
        %dma_wait3A_168 = arith.constant 0 : i32
        %dma_wait3A_169 = tpu.memref_slice %arg10[%dma_wait3A_167, %dma_wait3A_168] : memref<128x128xf32, #tpu.memory_space<vmem>> -> memref<128x128xf32, #tpu.memory_space<vmem>>
        tpu.wait_dma2 semaphore(%run_scoped3A : memref<!tpu.dma_semaphore, #tpu.memory_space<semaphore_mem>>) src(%dma_wait3A_169 : memref<128x128xf32, #tpu.memory_space<vmem>>) dst(%dma_wait3A_166 : memref<128x128xf32, #tpu.memory_space<hbm>>)
        tpu.yield
      }) : () -> ()
    } else {
    }
    %add3A_104 = arith.constant 128 : i32
    %add3A_105 = arith.addi %mul3A_91, %add3A_104 : i32
    "tpu.region"() ({
      %run_scoped3A = tpu.sem_alloc : memref<!tpu.dma_semaphore, #tpu.memory_space<semaphore_mem>>
      %dma_start3A = arith.constant 0 : i32
      %dma_start3A_149 = arith.constant 0 : i32
      %dma_start3A_150 = tpu.memref_slice %arg10[%dma_start3A, %dma_start3A_149] : memref<128x128xf32, #tpu.memory_space<vmem>> -> memref<128x128xf32, #tpu.memory_space<vmem>>
      %dma_start3A_151 = arith.constant 0 : i32
      %dma_start3A_152 = tpu.memref_slice %arg14[%add3A_105, %dma_start3A_151] : memref<10112x128xf32, #tpu.memory_space<vmem_shared>> -> memref<128x128xf32, #tpu.memory_space<vmem_shared>>
      %dma_start3A_153 = arith.constant 0 : i32
      %dma_start3A_154 = arith.constant 0 : i32
      %dma_start3A_155 = tpu.memref_slice %arg10[%dma_start3A_153, %dma_start3A_154] : memref<128x128xf32, #tpu.memory_space<vmem>> -> memref<128x128xf32, #tpu.memory_space<vmem>>
      %dma_start3A_156 = arith.constant 0 : i32
      %dma_start3A_157 = tpu.memref_slice %arg14[%add3A_105, %dma_start3A_156] : memref<10112x128xf32, #tpu.memory_space<vmem_shared>> -> memref<128x128xf32, #tpu.memory_space<vmem_shared>>
      tpu.enqueue_dma source(%dma_start3A_157 : memref<128x128xf32, #tpu.memory_space<vmem_shared>>) target(%dma_start3A_155 : memref<128x128xf32, #tpu.memory_space<vmem>>) target_semaphore(%run_scoped3A : memref<!tpu.dma_semaphore, #tpu.memory_space<semaphore_mem>>)
      %dma_wait3A_158 = arith.constant 0 : i32
      %dma_wait3A_159 = arith.constant 0 : i32
      %dma_wait3A_160 = tpu.memref_slice %arg10[%dma_wait3A_158, %dma_wait3A_159] : memref<128x128xf32, #tpu.memory_space<vmem>> -> memref<128x128xf32, #tpu.memory_space<vmem>>
      %dma_wait3A_161 = arith.constant 0 : i32
      %dma_wait3A_162 = tpu.memref_slice %arg14[%add3A_105, %dma_wait3A_161] : memref<10112x128xf32, #tpu.memory_space<vmem_shared>> -> memref<128x128xf32, #tpu.memory_space<vmem_shared>>
      %dma_wait3A_163 = arith.constant 0 : i32
      %dma_wait3A_164 = arith.constant 0 : i32
      %dma_wait3A_165 = tpu.memref_slice %arg10[%dma_wait3A_163, %dma_wait3A_164] : memref<128x128xf32, #tpu.memory_space<vmem>> -> memref<128x128xf32, #tpu.memory_space<vmem>>
      %dma_wait3A_166 = arith.constant 0 : i32
      %dma_wait3A_167 = tpu.memref_slice %arg14[%add3A_105, %dma_wait3A_166] : memref<10112x128xf32, #tpu.memory_space<vmem_shared>> -> memref<128x128xf32, #tpu.memory_space<vmem_shared>>
      tpu.wait_dma2 semaphore(%run_scoped3A : memref<!tpu.dma_semaphore, #tpu.memory_space<semaphore_mem>>) src(%dma_wait3A_167 : memref<128x128xf32, #tpu.memory_space<vmem_shared>>) dst(%dma_wait3A_165 : memref<128x128xf32, #tpu.memory_space<vmem>>)
      tpu.yield
    }) : () -> ()
    %eq3A_106 = arith.constant 0 : i32
    %eq3A_107 = arith.cmpi eq, %arg0, %eq3A_106 : i32
    %convert_element_type3A_108 = arith.extui %eq3A_107 : i1 to i32
    %cond3A_109 = arith.constant 0 : i32
    %cond3A_110 = arith.cmpi ne, %convert_element_type3A_108, %cond3A_109 : i32
    scf.if %cond3A_110 {
      %add3A_149 = arith.constant 128 : i32
      %add3A_150 = arith.addi %mul3A_91, %add3A_149 : i32
      "tpu.region"() ({
        %run_scoped3A = tpu.sem_alloc : memref<!tpu.dma_semaphore, #tpu.memory_space<semaphore_mem>>
        %dma_start3A = arith.constant 0 : i32
        %dma_start3A_151 = arith.constant 0 : i32
        %dma_start3A_152 = tpu.memref_slice %arg10[%dma_start3A, %dma_start3A_151] : memref<128x128xf32, #tpu.memory_space<vmem>> -> memref<128x128xf32, #tpu.memory_space<vmem>>
        %dma_start3A_153 = arith.constant 0 : i32
        %dma_start3A_154 = tpu.memref_slice %arg6[%add3A_150, %dma_start3A_153] : memref<10000x128xf32, #tpu.memory_space<hbm>> -> memref<128x128xf32, #tpu.memory_space<hbm>>
        %dma_start3A_155 = arith.constant 0 : i32
        %dma_start3A_156 = tpu.memref_slice %arg6[%add3A_150, %dma_start3A_155] : memref<10000x128xf32, #tpu.memory_space<hbm>> -> memref<128x128xf32, #tpu.memory_space<hbm>>
        %dma_start3A_157 = arith.constant 0 : i32
        %dma_start3A_158 = arith.constant 0 : i32
        %dma_start3A_159 = tpu.memref_slice %arg10[%dma_start3A_157, %dma_start3A_158] : memref<128x128xf32, #tpu.memory_space<vmem>> -> memref<128x128xf32, #tpu.memory_space<vmem>>
        tpu.enqueue_dma source(%dma_start3A_159 : memref<128x128xf32, #tpu.memory_space<vmem>>) target(%dma_start3A_156 : memref<128x128xf32, #tpu.memory_space<hbm>>) target_semaphore(%run_scoped3A : memref<!tpu.dma_semaphore, #tpu.memory_space<semaphore_mem>>)
        %dma_wait3A_160 = arith.constant 0 : i32
        %dma_wait3A_161 = arith.constant 0 : i32
        %dma_wait3A_162 = tpu.memref_slice %arg10[%dma_wait3A_160, %dma_wait3A_161] : memref<128x128xf32, #tpu.memory_space<vmem>> -> memref<128x128xf32, #tpu.memory_space<vmem>>
        %dma_wait3A_163 = arith.constant 0 : i32
        %dma_wait3A_164 = tpu.memref_slice %arg6[%add3A_150, %dma_wait3A_163] : memref<10000x128xf32, #tpu.memory_space<hbm>> -> memref<128x128xf32, #tpu.memory_space<hbm>>
        %dma_wait3A_165 = arith.constant 0 : i32
        %dma_wait3A_166 = tpu.memref_slice %arg6[%add3A_150, %dma_wait3A_165] : memref<10000x128xf32, #tpu.memory_space<hbm>> -> memref<128x128xf32, #tpu.memory_space<hbm>>
        %dma_wait3A_167 = arith.constant 0 : i32
        %dma_wait3A_168 = arith.constant 0 : i32
        %dma_wait3A_169 = tpu.memref_slice %arg10[%dma_wait3A_167, %dma_wait3A_168] : memref<128x128xf32, #tpu.memory_space<vmem>> -> memref<128x128xf32, #tpu.memory_space<vmem>>
        tpu.wait_dma2 semaphore(%run_scoped3A : memref<!tpu.dma_semaphore, #tpu.memory_space<semaphore_mem>>) src(%dma_wait3A_169 : memref<128x128xf32, #tpu.memory_space<vmem>>) dst(%dma_wait3A_166 : memref<128x128xf32, #tpu.memory_space<hbm>>)
        tpu.yield
      }) : () -> ()
    } else {
    }
    %eq3A_111 = arith.constant 1 : i32
    %eq3A_112 = arith.cmpi eq, %arg0, %eq3A_111 : i32
    %convert_element_type3A_113 = arith.extui %eq3A_112 : i1 to i32
    %cond3A_114 = arith.constant 0 : i32
    %cond3A_115 = arith.cmpi ne, %convert_element_type3A_113, %cond3A_114 : i32
    scf.if %cond3A_115 {
      %add3A_149 = arith.constant 128 : i32
      %add3A_150 = arith.addi %mul3A_91, %add3A_149 : i32
      "tpu.region"() ({
        %run_scoped3A = tpu.sem_alloc : memref<!tpu.dma_semaphore, #tpu.memory_space<semaphore_mem>>
        %dma_start3A = arith.constant 0 : i32
        %dma_start3A_151 = arith.constant 0 : i32
        %dma_start3A_152 = tpu.memref_slice %arg10[%dma_start3A, %dma_start3A_151] : memref<128x128xf32, #tpu.memory_space<vmem>> -> memref<128x128xf32, #tpu.memory_space<vmem>>
        %dma_start3A_153 = arith.constant 0 : i32
        %dma_start3A_154 = tpu.memref_slice %arg7[%add3A_150, %dma_start3A_153] : memref<10000x128xf32, #tpu.memory_space<hbm>> -> memref<128x128xf32, #tpu.memory_space<hbm>>
        %dma_start3A_155 = arith.constant 0 : i32
        %dma_start3A_156 = tpu.memref_slice %arg7[%add3A_150, %dma_start3A_155] : memref<10000x128xf32, #tpu.memory_space<hbm>> -> memref<128x128xf32, #tpu.memory_space<hbm>>
        %dma_start3A_157 = arith.constant 0 : i32
        %dma_start3A_158 = arith.constant 0 : i32
        %dma_start3A_159 = tpu.memref_slice %arg10[%dma_start3A_157, %dma_start3A_158] : memref<128x128xf32, #tpu.memory_space<vmem>> -> memref<128x128xf32, #tpu.memory_space<vmem>>
        tpu.enqueue_dma source(%dma_start3A_159 : memref<128x128xf32, #tpu.memory_space<vmem>>) target(%dma_start3A_156 : memref<128x128xf32, #tpu.memory_space<hbm>>) target_semaphore(%run_scoped3A : memref<!tpu.dma_semaphore, #tpu.memory_space<semaphore_mem>>)
        %dma_wait3A_160 = arith.constant 0 : i32
        %dma_wait3A_161 = arith.constant 0 : i32
        %dma_wait3A_162 = tpu.memref_slice %arg10[%dma_wait3A_160, %dma_wait3A_161] : memref<128x128xf32, #tpu.memory_space<vmem>> -> memref<128x128xf32, #tpu.memory_space<vmem>>
        %dma_wait3A_163 = arith.constant 0 : i32
        %dma_wait3A_164 = tpu.memref_slice %arg7[%add3A_150, %dma_wait3A_163] : memref<10000x128xf32, #tpu.memory_space<hbm>> -> memref<128x128xf32, #tpu.memory_space<hbm>>
        %dma_wait3A_165 = arith.constant 0 : i32
        %dma_wait3A_166 = tpu.memref_slice %arg7[%add3A_150, %dma_wait3A_165] : memref<10000x128xf32, #tpu.memory_space<hbm>> -> memref<128x128xf32, #tpu.memory_space<hbm>>
        %dma_wait3A_167 = arith.constant 0 : i32
        %dma_wait3A_168 = arith.constant 0 : i32
        %dma_wait3A_169 = tpu.memref_slice %arg10[%dma_wait3A_167, %dma_wait3A_168] : memref<128x128xf32, #tpu.memory_space<vmem>> -> memref<128x128xf32, #tpu.memory_space<vmem>>
        tpu.wait_dma2 semaphore(%run_scoped3A : memref<!tpu.dma_semaphore, #tpu.memory_space<semaphore_mem>>) src(%dma_wait3A_169 : memref<128x128xf32, #tpu.memory_space<vmem>>) dst(%dma_wait3A_166 : memref<128x128xf32, #tpu.memory_space<hbm>>)
        tpu.yield
      }) : () -> ()
    } else {
    }
    %add3A_116 = arith.constant 256 : i32
    %add3A_117 = arith.addi %mul3A_91, %add3A_116 : i32
    "tpu.region"() ({
      %run_scoped3A = tpu.sem_alloc : memref<!tpu.dma_semaphore, #tpu.memory_space<semaphore_mem>>
      %dma_start3A = arith.constant 0 : i32
      %dma_start3A_149 = arith.constant 0 : i32
      %dma_start3A_150 = tpu.memref_slice %arg10[%dma_start3A, %dma_start3A_149] : memref<128x128xf32, #tpu.memory_space<vmem>> -> memref<128x128xf32, #tpu.memory_space<vmem>>
      %dma_start3A_151 = arith.constant 0 : i32
      %dma_start3A_152 = tpu.memref_slice %arg14[%add3A_117, %dma_start3A_151] : memref<10112x128xf32, #tpu.memory_space<vmem_shared>> -> memref<128x128xf32, #tpu.memory_space<vmem_shared>>
      %dma_start3A_153 = arith.constant 0 : i32
      %dma_start3A_154 = arith.constant 0 : i32
      %dma_start3A_155 = tpu.memref_slice %arg10[%dma_start3A_153, %dma_start3A_154] : memref<128x128xf32, #tpu.memory_space<vmem>> -> memref<128x128xf32, #tpu.memory_space<vmem>>
      %dma_start3A_156 = arith.constant 0 : i32
      %dma_start3A_157 = tpu.memref_slice %arg14[%add3A_117, %dma_start3A_156] : memref<10112x128xf32, #tpu.memory_space<vmem_shared>> -> memref<128x128xf32, #tpu.memory_space<vmem_shared>>
      tpu.enqueue_dma source(%dma_start3A_157 : memref<128x128xf32, #tpu.memory_space<vmem_shared>>) target(%dma_start3A_155 : memref<128x128xf32, #tpu.memory_space<vmem>>) target_semaphore(%run_scoped3A : memref<!tpu.dma_semaphore, #tpu.memory_space<semaphore_mem>>)
      %dma_wait3A_158 = arith.constant 0 : i32
      %dma_wait3A_159 = arith.constant 0 : i32
      %dma_wait3A_160 = tpu.memref_slice %arg10[%dma_wait3A_158, %dma_wait3A_159] : memref<128x128xf32, #tpu.memory_space<vmem>> -> memref<128x128xf32, #tpu.memory_space<vmem>>
      %dma_wait3A_161 = arith.constant 0 : i32
      %dma_wait3A_162 = tpu.memref_slice %arg14[%add3A_117, %dma_wait3A_161] : memref<10112x128xf32, #tpu.memory_space<vmem_shared>> -> memref<128x128xf32, #tpu.memory_space<vmem_shared>>
      %dma_wait3A_163 = arith.constant 0 : i32
      %dma_wait3A_164 = arith.constant 0 : i32
      %dma_wait3A_165 = tpu.memref_slice %arg10[%dma_wait3A_163, %dma_wait3A_164] : memref<128x128xf32, #tpu.memory_space<vmem>> -> memref<128x128xf32, #tpu.memory_space<vmem>>
      %dma_wait3A_166 = arith.constant 0 : i32
      %dma_wait3A_167 = tpu.memref_slice %arg14[%add3A_117, %dma_wait3A_166] : memref<10112x128xf32, #tpu.memory_space<vmem_shared>> -> memref<128x128xf32, #tpu.memory_space<vmem_shared>>
      tpu.wait_dma2 semaphore(%run_scoped3A : memref<!tpu.dma_semaphore, #tpu.memory_space<semaphore_mem>>) src(%dma_wait3A_167 : memref<128x128xf32, #tpu.memory_space<vmem_shared>>) dst(%dma_wait3A_165 : memref<128x128xf32, #tpu.memory_space<vmem>>)
      tpu.yield
    }) : () -> ()
    %eq3A_118 = arith.constant 0 : i32
    %eq3A_119 = arith.cmpi eq, %arg0, %eq3A_118 : i32
    %convert_element_type3A_120 = arith.extui %eq3A_119 : i1 to i32
    %cond3A_121 = arith.constant 0 : i32
    %cond3A_122 = arith.cmpi ne, %convert_element_type3A_120, %cond3A_121 : i32
    scf.if %cond3A_122 {
      %add3A_149 = arith.constant 256 : i32
      %add3A_150 = arith.addi %mul3A_91, %add3A_149 : i32
      "tpu.region"() ({
        %run_scoped3A = tpu.sem_alloc : memref<!tpu.dma_semaphore, #tpu.memory_space<semaphore_mem>>
        %dma_start3A = arith.constant 0 : i32
        %dma_start3A_151 = arith.constant 0 : i32
        %dma_start3A_152 = tpu.memref_slice %arg10[%dma_start3A, %dma_start3A_151] : memref<128x128xf32, #tpu.memory_space<vmem>> -> memref<128x128xf32, #tpu.memory_space<vmem>>
        %dma_start3A_153 = arith.constant 0 : i32
        %dma_start3A_154 = tpu.memref_slice %arg6[%add3A_150, %dma_start3A_153] : memref<10000x128xf32, #tpu.memory_space<hbm>> -> memref<128x128xf32, #tpu.memory_space<hbm>>
        %dma_start3A_155 = arith.constant 0 : i32
        %dma_start3A_156 = tpu.memref_slice %arg6[%add3A_150, %dma_start3A_155] : memref<10000x128xf32, #tpu.memory_space<hbm>> -> memref<128x128xf32, #tpu.memory_space<hbm>>
        %dma_start3A_157 = arith.constant 0 : i32
        %dma_start3A_158 = arith.constant 0 : i32
        %dma_start3A_159 = tpu.memref_slice %arg10[%dma_start3A_157, %dma_start3A_158] : memref<128x128xf32, #tpu.memory_space<vmem>> -> memref<128x128xf32, #tpu.memory_space<vmem>>
        tpu.enqueue_dma source(%dma_start3A_159 : memref<128x128xf32, #tpu.memory_space<vmem>>) target(%dma_start3A_156 : memref<128x128xf32, #tpu.memory_space<hbm>>) target_semaphore(%run_scoped3A : memref<!tpu.dma_semaphore, #tpu.memory_space<semaphore_mem>>)
        %dma_wait3A_160 = arith.constant 0 : i32
        %dma_wait3A_161 = arith.constant 0 : i32
        %dma_wait3A_162 = tpu.memref_slice %arg10[%dma_wait3A_160, %dma_wait3A_161] : memref<128x128xf32, #tpu.memory_space<vmem>> -> memref<128x128xf32, #tpu.memory_space<vmem>>
        %dma_wait3A_163 = arith.constant 0 : i32
        %dma_wait3A_164 = tpu.memref_slice %arg6[%add3A_150, %dma_wait3A_163] : memref<10000x128xf32, #tpu.memory_space<hbm>> -> memref<128x128xf32, #tpu.memory_space<hbm>>
        %dma_wait3A_165 = arith.constant 0 : i32
        %dma_wait3A_166 = tpu.memref_slice %arg6[%add3A_150, %dma_wait3A_165] : memref<10000x128xf32, #tpu.memory_space<hbm>> -> memref<128x128xf32, #tpu.memory_space<hbm>>
        %dma_wait3A_167 = arith.constant 0 : i32
        %dma_wait3A_168 = arith.constant 0 : i32
        %dma_wait3A_169 = tpu.memref_slice %arg10[%dma_wait3A_167, %dma_wait3A_168] : memref<128x128xf32, #tpu.memory_space<vmem>> -> memref<128x128xf32, #tpu.memory_space<vmem>>
        tpu.wait_dma2 semaphore(%run_scoped3A : memref<!tpu.dma_semaphore, #tpu.memory_space<semaphore_mem>>) src(%dma_wait3A_169 : memref<128x128xf32, #tpu.memory_space<vmem>>) dst(%dma_wait3A_166 : memref<128x128xf32, #tpu.memory_space<hbm>>)
        tpu.yield
      }) : () -> ()
    } else {
    }
    %eq3A_123 = arith.constant 1 : i32
    %eq3A_124 = arith.cmpi eq, %arg0, %eq3A_123 : i32
    %convert_element_type3A_125 = arith.extui %eq3A_124 : i1 to i32
    %cond3A_126 = arith.constant 0 : i32
    %cond3A_127 = arith.cmpi ne, %convert_element_type3A_125, %cond3A_126 : i32
    scf.if %cond3A_127 {
      %add3A_149 = arith.constant 256 : i32
      %add3A_150 = arith.addi %mul3A_91, %add3A_149 : i32
      "tpu.region"() ({
        %run_scoped3A = tpu.sem_alloc : memref<!tpu.dma_semaphore, #tpu.memory_space<semaphore_mem>>
        %dma_start3A = arith.constant 0 : i32
        %dma_start3A_151 = arith.constant 0 : i32
        %dma_start3A_152 = tpu.memref_slice %arg10[%dma_start3A, %dma_start3A_151] : memref<128x128xf32, #tpu.memory_space<vmem>> -> memref<128x128xf32, #tpu.memory_space<vmem>>
        %dma_start3A_153 = arith.constant 0 : i32
        %dma_start3A_154 = tpu.memref_slice %arg7[%add3A_150, %dma_start3A_153] : memref<10000x128xf32, #tpu.memory_space<hbm>> -> memref<128x128xf32, #tpu.memory_space<hbm>>
        %dma_start3A_155 = arith.constant 0 : i32
        %dma_start3A_156 = tpu.memref_slice %arg7[%add3A_150, %dma_start3A_155] : memref<10000x128xf32, #tpu.memory_space<hbm>> -> memref<128x128xf32, #tpu.memory_space<hbm>>
        %dma_start3A_157 = arith.constant 0 : i32
        %dma_start3A_158 = arith.constant 0 : i32
        %dma_start3A_159 = tpu.memref_slice %arg10[%dma_start3A_157, %dma_start3A_158] : memref<128x128xf32, #tpu.memory_space<vmem>> -> memref<128x128xf32, #tpu.memory_space<vmem>>
        tpu.enqueue_dma source(%dma_start3A_159 : memref<128x128xf32, #tpu.memory_space<vmem>>) target(%dma_start3A_156 : memref<128x128xf32, #tpu.memory_space<hbm>>) target_semaphore(%run_scoped3A : memref<!tpu.dma_semaphore, #tpu.memory_space<semaphore_mem>>)
        %dma_wait3A_160 = arith.constant 0 : i32
        %dma_wait3A_161 = arith.constant 0 : i32
        %dma_wait3A_162 = tpu.memref_slice %arg10[%dma_wait3A_160, %dma_wait3A_161] : memref<128x128xf32, #tpu.memory_space<vmem>> -> memref<128x128xf32, #tpu.memory_space<vmem>>
        %dma_wait3A_163 = arith.constant 0 : i32
        %dma_wait3A_164 = tpu.memref_slice %arg7[%add3A_150, %dma_wait3A_163] : memref<10000x128xf32, #tpu.memory_space<hbm>> -> memref<128x128xf32, #tpu.memory_space<hbm>>
        %dma_wait3A_165 = arith.constant 0 : i32
        %dma_wait3A_166 = tpu.memref_slice %arg7[%add3A_150, %dma_wait3A_165] : memref<10000x128xf32, #tpu.memory_space<hbm>> -> memref<128x128xf32, #tpu.memory_space<hbm>>
        %dma_wait3A_167 = arith.constant 0 : i32
        %dma_wait3A_168 = arith.constant 0 : i32
        %dma_wait3A_169 = tpu.memref_slice %arg10[%dma_wait3A_167, %dma_wait3A_168] : memref<128x128xf32, #tpu.memory_space<vmem>> -> memref<128x128xf32, #tpu.memory_space<vmem>>
        tpu.wait_dma2 semaphore(%run_scoped3A : memref<!tpu.dma_semaphore, #tpu.memory_space<semaphore_mem>>) src(%dma_wait3A_169 : memref<128x128xf32, #tpu.memory_space<vmem>>) dst(%dma_wait3A_166 : memref<128x128xf32, #tpu.memory_space<hbm>>)
        tpu.yield
      }) : () -> ()
    } else {
    }
    %add3A_128 = arith.constant 384 : i32
    %add3A_129 = arith.addi %mul3A_91, %add3A_128 : i32
    "tpu.region"() ({
      %run_scoped3A = tpu.sem_alloc : memref<!tpu.dma_semaphore, #tpu.memory_space<semaphore_mem>>
      %dma_start3A = arith.constant 0 : i32
      %dma_start3A_149 = arith.constant 0 : i32
      %dma_start3A_150 = tpu.memref_slice %arg10[%dma_start3A, %dma_start3A_149] : memref<128x128xf32, #tpu.memory_space<vmem>> -> memref<128x128xf32, #tpu.memory_space<vmem>>
      %dma_start3A_151 = arith.constant 0 : i32
      %dma_start3A_152 = tpu.memref_slice %arg14[%add3A_129, %dma_start3A_151] : memref<10112x128xf32, #tpu.memory_space<vmem_shared>> -> memref<128x128xf32, #tpu.memory_space<vmem_shared>>
      %dma_start3A_153 = arith.constant 0 : i32
      %dma_start3A_154 = arith.constant 0 : i32
      %dma_start3A_155 = tpu.memref_slice %arg10[%dma_start3A_153, %dma_start3A_154] : memref<128x128xf32, #tpu.memory_space<vmem>> -> memref<128x128xf32, #tpu.memory_space<vmem>>
      %dma_start3A_156 = arith.constant 0 : i32
      %dma_start3A_157 = tpu.memref_slice %arg14[%add3A_129, %dma_start3A_156] : memref<10112x128xf32, #tpu.memory_space<vmem_shared>> -> memref<128x128xf32, #tpu.memory_space<vmem_shared>>
      tpu.enqueue_dma source(%dma_start3A_157 : memref<128x128xf32, #tpu.memory_space<vmem_shared>>) target(%dma_start3A_155 : memref<128x128xf32, #tpu.memory_space<vmem>>) target_semaphore(%run_scoped3A : memref<!tpu.dma_semaphore, #tpu.memory_space<semaphore_mem>>)
      %dma_wait3A_158 = arith.constant 0 : i32
      %dma_wait3A_159 = arith.constant 0 : i32
      %dma_wait3A_160 = tpu.memref_slice %arg10[%dma_wait3A_158, %dma_wait3A_159] : memref<128x128xf32, #tpu.memory_space<vmem>> -> memref<128x128xf32, #tpu.memory_space<vmem>>
      %dma_wait3A_161 = arith.constant 0 : i32
      %dma_wait3A_162 = tpu.memref_slice %arg14[%add3A_129, %dma_wait3A_161] : memref<10112x128xf32, #tpu.memory_space<vmem_shared>> -> memref<128x128xf32, #tpu.memory_space<vmem_shared>>
      %dma_wait3A_163 = arith.constant 0 : i32
      %dma_wait3A_164 = arith.constant 0 : i32
      %dma_wait3A_165 = tpu.memref_slice %arg10[%dma_wait3A_163, %dma_wait3A_164] : memref<128x128xf32, #tpu.memory_space<vmem>> -> memref<128x128xf32, #tpu.memory_space<vmem>>
      %dma_wait3A_166 = arith.constant 0 : i32
      %dma_wait3A_167 = tpu.memref_slice %arg14[%add3A_129, %dma_wait3A_166] : memref<10112x128xf32, #tpu.memory_space<vmem_shared>> -> memref<128x128xf32, #tpu.memory_space<vmem_shared>>
      tpu.wait_dma2 semaphore(%run_scoped3A : memref<!tpu.dma_semaphore, #tpu.memory_space<semaphore_mem>>) src(%dma_wait3A_167 : memref<128x128xf32, #tpu.memory_space<vmem_shared>>) dst(%dma_wait3A_165 : memref<128x128xf32, #tpu.memory_space<vmem>>)
      tpu.yield
    }) : () -> ()
    %eq3A_130 = arith.constant 0 : i32
    %eq3A_131 = arith.cmpi eq, %arg0, %eq3A_130 : i32
    %convert_element_type3A_132 = arith.extui %eq3A_131 : i1 to i32
    %cond3A_133 = arith.constant 0 : i32
    %cond3A_134 = arith.cmpi ne, %convert_element_type3A_132, %cond3A_133 : i32
    scf.if %cond3A_134 {
      %add3A_149 = arith.constant 384 : i32
      %add3A_150 = arith.addi %mul3A_91, %add3A_149 : i32
      "tpu.region"() ({
        %run_scoped3A = tpu.sem_alloc : memref<!tpu.dma_semaphore, #tpu.memory_space<semaphore_mem>>
        %dma_start3A = arith.constant 0 : i32
        %dma_start3A_151 = arith.constant 0 : i32
        %dma_start3A_152 = tpu.memref_slice %arg10[%dma_start3A, %dma_start3A_151] : memref<128x128xf32, #tpu.memory_space<vmem>> -> memref<128x128xf32, #tpu.memory_space<vmem>>
        %dma_start3A_153 = arith.constant 0 : i32
        %dma_start3A_154 = tpu.memref_slice %arg6[%add3A_150, %dma_start3A_153] : memref<10000x128xf32, #tpu.memory_space<hbm>> -> memref<128x128xf32, #tpu.memory_space<hbm>>
        %dma_start3A_155 = arith.constant 0 : i32
        %dma_start3A_156 = tpu.memref_slice %arg6[%add3A_150, %dma_start3A_155] : memref<10000x128xf32, #tpu.memory_space<hbm>> -> memref<128x128xf32, #tpu.memory_space<hbm>>
        %dma_start3A_157 = arith.constant 0 : i32
        %dma_start3A_158 = arith.constant 0 : i32
        %dma_start3A_159 = tpu.memref_slice %arg10[%dma_start3A_157, %dma_start3A_158] : memref<128x128xf32, #tpu.memory_space<vmem>> -> memref<128x128xf32, #tpu.memory_space<vmem>>
        tpu.enqueue_dma source(%dma_start3A_159 : memref<128x128xf32, #tpu.memory_space<vmem>>) target(%dma_start3A_156 : memref<128x128xf32, #tpu.memory_space<hbm>>) target_semaphore(%run_scoped3A : memref<!tpu.dma_semaphore, #tpu.memory_space<semaphore_mem>>)
        %dma_wait3A_160 = arith.constant 0 : i32
        %dma_wait3A_161 = arith.constant 0 : i32
        %dma_wait3A_162 = tpu.memref_slice %arg10[%dma_wait3A_160, %dma_wait3A_161] : memref<128x128xf32, #tpu.memory_space<vmem>> -> memref<128x128xf32, #tpu.memory_space<vmem>>
        %dma_wait3A_163 = arith.constant 0 : i32
        %dma_wait3A_164 = tpu.memref_slice %arg6[%add3A_150, %dma_wait3A_163] : memref<10000x128xf32, #tpu.memory_space<hbm>> -> memref<128x128xf32, #tpu.memory_space<hbm>>
        %dma_wait3A_165 = arith.constant 0 : i32
        %dma_wait3A_166 = tpu.memref_slice %arg6[%add3A_150, %dma_wait3A_165] : memref<10000x128xf32, #tpu.memory_space<hbm>> -> memref<128x128xf32, #tpu.memory_space<hbm>>
        %dma_wait3A_167 = arith.constant 0 : i32
        %dma_wait3A_168 = arith.constant 0 : i32
        %dma_wait3A_169 = tpu.memref_slice %arg10[%dma_wait3A_167, %dma_wait3A_168] : memref<128x128xf32, #tpu.memory_space<vmem>> -> memref<128x128xf32, #tpu.memory_space<vmem>>
        tpu.wait_dma2 semaphore(%run_scoped3A : memref<!tpu.dma_semaphore, #tpu.memory_space<semaphore_mem>>) src(%dma_wait3A_169 : memref<128x128xf32, #tpu.memory_space<vmem>>) dst(%dma_wait3A_166 : memref<128x128xf32, #tpu.memory_space<hbm>>)
        tpu.yield
      }) : () -> ()
    } else {
    }
    %eq3A_135 = arith.constant 1 : i32
    %eq3A_136 = arith.cmpi eq, %arg0, %eq3A_135 : i32
    %convert_element_type3A_137 = arith.extui %eq3A_136 : i1 to i32
    %cond3A_138 = arith.constant 0 : i32
    %cond3A_139 = arith.cmpi ne, %convert_element_type3A_137, %cond3A_138 : i32
    scf.if %cond3A_139 {
      %add3A_149 = arith.constant 384 : i32
      %add3A_150 = arith.addi %mul3A_91, %add3A_149 : i32
      "tpu.region"() ({
        %run_scoped3A = tpu.sem_alloc : memref<!tpu.dma_semaphore, #tpu.memory_space<semaphore_mem>>
        %dma_start3A = arith.constant 0 : i32
        %dma_start3A_151 = arith.constant 0 : i32
        %dma_start3A_152 = tpu.memref_slice %arg10[%dma_start3A, %dma_start3A_151] : memref<128x128xf32, #tpu.memory_space<vmem>> -> memref<128x128xf32, #tpu.memory_space<vmem>>
        %dma_start3A_153 = arith.constant 0 : i32
        %dma_start3A_154 = tpu.memref_slice %arg7[%add3A_150, %dma_start3A_153] : memref<10000x128xf32, #tpu.memory_space<hbm>> -> memref<128x128xf32, #tpu.memory_space<hbm>>
        %dma_start3A_155 = arith.constant 0 : i32
        %dma_start3A_156 = tpu.memref_slice %arg7[%add3A_150, %dma_start3A_155] : memref<10000x128xf32, #tpu.memory_space<hbm>> -> memref<128x128xf32, #tpu.memory_space<hbm>>
        %dma_start3A_157 = arith.constant 0 : i32
        %dma_start3A_158 = arith.constant 0 : i32
        %dma_start3A_159 = tpu.memref_slice %arg10[%dma_start3A_157, %dma_start3A_158] : memref<128x128xf32, #tpu.memory_space<vmem>> -> memref<128x128xf32, #tpu.memory_space<vmem>>
        tpu.enqueue_dma source(%dma_start3A_159 : memref<128x128xf32, #tpu.memory_space<vmem>>) target(%dma_start3A_156 : memref<128x128xf32, #tpu.memory_space<hbm>>) target_semaphore(%run_scoped3A : memref<!tpu.dma_semaphore, #tpu.memory_space<semaphore_mem>>)
        %dma_wait3A_160 = arith.constant 0 : i32
        %dma_wait3A_161 = arith.constant 0 : i32
        %dma_wait3A_162 = tpu.memref_slice %arg10[%dma_wait3A_160, %dma_wait3A_161] : memref<128x128xf32, #tpu.memory_space<vmem>> -> memref<128x128xf32, #tpu.memory_space<vmem>>
        %dma_wait3A_163 = arith.constant 0 : i32
        %dma_wait3A_164 = tpu.memref_slice %arg7[%add3A_150, %dma_wait3A_163] : memref<10000x128xf32, #tpu.memory_space<hbm>> -> memref<128x128xf32, #tpu.memory_space<hbm>>
        %dma_wait3A_165 = arith.constant 0 : i32
        %dma_wait3A_166 = tpu.memref_slice %arg7[%add3A_150, %dma_wait3A_165] : memref<10000x128xf32, #tpu.memory_space<hbm>> -> memref<128x128xf32, #tpu.memory_space<hbm>>
        %dma_wait3A_167 = arith.constant 0 : i32
        %dma_wait3A_168 = arith.constant 0 : i32
        %dma_wait3A_169 = tpu.memref_slice %arg10[%dma_wait3A_167, %dma_wait3A_168] : memref<128x128xf32, #tpu.memory_space<vmem>> -> memref<128x128xf32, #tpu.memory_space<vmem>>
        tpu.wait_dma2 semaphore(%run_scoped3A : memref<!tpu.dma_semaphore, #tpu.memory_space<semaphore_mem>>) src(%dma_wait3A_169 : memref<128x128xf32, #tpu.memory_space<vmem>>) dst(%dma_wait3A_166 : memref<128x128xf32, #tpu.memory_space<hbm>>)
        tpu.yield
      }) : () -> ()
    } else {
    }
    %lt3A = arith.constant 15 : i32
    %lt3A_140 = arith.cmpi slt, %arg1, %lt3A : i32
    %convert_element_type3A_141 = arith.extui %lt3A_140 : i1 to i32
    %cond3A_142 = arith.constant 0 : i32
    %cond3A_143 = arith.cmpi ne, %convert_element_type3A_141, %cond3A_142 : i32
    scf.if %cond3A_143 {
      %add3A_149 = arith.constant 512 : i32
      %add3A_150 = arith.addi %mul3A_91, %add3A_149 : i32
      "tpu.region"() ({
        %run_scoped3A = tpu.sem_alloc : memref<!tpu.dma_semaphore, #tpu.memory_space<semaphore_mem>>
        %dma_start3A = arith.constant 0 : i32
        %dma_start3A_161 = arith.constant 0 : i32
        %dma_start3A_162 = tpu.memref_slice %arg10[%dma_start3A, %dma_start3A_161] : memref<128x128xf32, #tpu.memory_space<vmem>> -> memref<120x128xf32, #tpu.memory_space<vmem>>
        %dma_start3A_163 = arith.constant 0 : i32
        %dma_start3A_164 = tpu.memref_slice %arg14[%add3A_150, %dma_start3A_163] : memref<10112x128xf32, #tpu.memory_space<vmem_shared>> -> memref<120x128xf32, #tpu.memory_space<vmem_shared>>
        %dma_start3A_165 = arith.constant 0 : i32
        %dma_start3A_166 = arith.constant 0 : i32
        %dma_start3A_167 = tpu.memref_slice %arg10[%dma_start3A_165, %dma_start3A_166] : memref<128x128xf32, #tpu.memory_space<vmem>> -> memref<120x128xf32, #tpu.memory_space<vmem>>
        %dma_start3A_168 = arith.constant 0 : i32
        %dma_start3A_169 = tpu.memref_slice %arg14[%add3A_150, %dma_start3A_168] : memref<10112x128xf32, #tpu.memory_space<vmem_shared>> -> memref<120x128xf32, #tpu.memory_space<vmem_shared>>
        tpu.enqueue_dma source(%dma_start3A_169 : memref<120x128xf32, #tpu.memory_space<vmem_shared>>) target(%dma_start3A_167 : memref<120x128xf32, #tpu.memory_space<vmem>>) target_semaphore(%run_scoped3A : memref<!tpu.dma_semaphore, #tpu.memory_space<semaphore_mem>>)
        %dma_wait3A_170 = arith.constant 0 : i32
        %dma_wait3A_171 = arith.constant 0 : i32
        %dma_wait3A_172 = tpu.memref_slice %arg10[%dma_wait3A_170, %dma_wait3A_171] : memref<128x128xf32, #tpu.memory_space<vmem>> -> memref<120x128xf32, #tpu.memory_space<vmem>>
        %dma_wait3A_173 = arith.constant 0 : i32
        %dma_wait3A_174 = tpu.memref_slice %arg14[%add3A_150, %dma_wait3A_173] : memref<10112x128xf32, #tpu.memory_space<vmem_shared>> -> memref<120x128xf32, #tpu.memory_space<vmem_shared>>
        %dma_wait3A_175 = arith.constant 0 : i32
        %dma_wait3A_176 = arith.constant 0 : i32
        %dma_wait3A_177 = tpu.memref_slice %arg10[%dma_wait3A_175, %dma_wait3A_176] : memref<128x128xf32, #tpu.memory_space<vmem>> -> memref<120x128xf32, #tpu.memory_space<vmem>>
        %dma_wait3A_178 = arith.constant 0 : i32
        %dma_wait3A_179 = tpu.memref_slice %arg14[%add3A_150, %dma_wait3A_178] : memref<10112x128xf32, #tpu.memory_space<vmem_shared>> -> memref<120x128xf32, #tpu.memory_space<vmem_shared>>
        tpu.wait_dma2 semaphore(%run_scoped3A : memref<!tpu.dma_semaphore, #tpu.memory_space<semaphore_mem>>) src(%dma_wait3A_179 : memref<120x128xf32, #tpu.memory_space<vmem_shared>>) dst(%dma_wait3A_177 : memref<120x128xf32, #tpu.memory_space<vmem>>)
        tpu.yield
      }) : () -> ()
      %eq3A_151 = arith.constant 0 : i32
      %eq3A_152 = arith.cmpi eq, %arg0, %eq3A_151 : i32
      %convert_element_type3A_153 = arith.extui %eq3A_152 : i1 to i32
      %cond3A_154 = arith.constant 0 : i32
      %cond3A_155 = arith.cmpi ne, %convert_element_type3A_153, %cond3A_154 : i32
      scf.if %cond3A_155 {
        %add3A_161 = arith.constant 512 : i32
        %add3A_162 = arith.addi %mul3A_91, %add3A_161 : i32
        "tpu.region"() ({
          %run_scoped3A = tpu.sem_alloc : memref<!tpu.dma_semaphore, #tpu.memory_space<semaphore_mem>>
          %dma_start3A = arith.constant 0 : i32
          %dma_start3A_163 = arith.constant 0 : i32
          %dma_start3A_164 = tpu.memref_slice %arg10[%dma_start3A, %dma_start3A_163] : memref<128x128xf32, #tpu.memory_space<vmem>> -> memref<120x128xf32, #tpu.memory_space<vmem>>
          %dma_start3A_165 = arith.constant 0 : i32
          %dma_start3A_166 = tpu.memref_slice %arg6[%add3A_162, %dma_start3A_165] : memref<10000x128xf32, #tpu.memory_space<hbm>> -> memref<120x128xf32, #tpu.memory_space<hbm>>
          %dma_start3A_167 = arith.constant 0 : i32
          %dma_start3A_168 = tpu.memref_slice %arg6[%add3A_162, %dma_start3A_167] : memref<10000x128xf32, #tpu.memory_space<hbm>> -> memref<120x128xf32, #tpu.memory_space<hbm>>
          %dma_start3A_169 = arith.constant 0 : i32
          %dma_start3A_170 = arith.constant 0 : i32
          %dma_start3A_171 = tpu.memref_slice %arg10[%dma_start3A_169, %dma_start3A_170] : memref<128x128xf32, #tpu.memory_space<vmem>> -> memref<120x128xf32, #tpu.memory_space<vmem>>
          tpu.enqueue_dma source(%dma_start3A_171 : memref<120x128xf32, #tpu.memory_space<vmem>>) target(%dma_start3A_168 : memref<120x128xf32, #tpu.memory_space<hbm>>) target_semaphore(%run_scoped3A : memref<!tpu.dma_semaphore, #tpu.memory_space<semaphore_mem>>)
          %dma_wait3A_172 = arith.constant 0 : i32
          %dma_wait3A_173 = arith.constant 0 : i32
          %dma_wait3A_174 = tpu.memref_slice %arg10[%dma_wait3A_172, %dma_wait3A_173] : memref<128x128xf32, #tpu.memory_space<vmem>> -> memref<120x128xf32, #tpu.memory_space<vmem>>
          %dma_wait3A_175 = arith.constant 0 : i32
          %dma_wait3A_176 = tpu.memref_slice %arg6[%add3A_162, %dma_wait3A_175] : memref<10000x128xf32, #tpu.memory_space<hbm>> -> memref<120x128xf32, #tpu.memory_space<hbm>>
          %dma_wait3A_177 = arith.constant 0 : i32
          %dma_wait3A_178 = tpu.memref_slice %arg6[%add3A_162, %dma_wait3A_177] : memref<10000x128xf32, #tpu.memory_space<hbm>> -> memref<120x128xf32, #tpu.memory_space<hbm>>
          %dma_wait3A_179 = arith.constant 0 : i32
          %dma_wait3A_180 = arith.constant 0 : i32
          %dma_wait3A_181 = tpu.memref_slice %arg10[%dma_wait3A_179, %dma_wait3A_180] : memref<128x128xf32, #tpu.memory_space<vmem>> -> memref<120x128xf32, #tpu.memory_space<vmem>>
          tpu.wait_dma2 semaphore(%run_scoped3A : memref<!tpu.dma_semaphore, #tpu.memory_space<semaphore_mem>>) src(%dma_wait3A_181 : memref<120x128xf32, #tpu.memory_space<vmem>>) dst(%dma_wait3A_178 : memref<120x128xf32, #tpu.memory_space<hbm>>)
          tpu.yield
        }) : () -> ()
      } else {
      }
      %eq3A_156 = arith.constant 1 : i32
      %eq3A_157 = arith.cmpi eq, %arg0, %eq3A_156 : i32
      %convert_element_type3A_158 = arith.extui %eq3A_157 : i1 to i32
      %cond3A_159 = arith.constant 0 : i32
      %cond3A_160 = arith.cmpi ne, %convert_element_type3A_158, %cond3A_159 : i32
      scf.if %cond3A_160 {
        %add3A_161 = arith.constant 512 : i32
        %add3A_162 = arith.addi %mul3A_91, %add3A_161 : i32
        "tpu.region"() ({
          %run_scoped3A = tpu.sem_alloc : memref<!tpu.dma_semaphore, #tpu.memory_space<semaphore_mem>>
          %dma_start3A = arith.constant 0 : i32
          %dma_start3A_163 = arith.constant 0 : i32
          %dma_start3A_164 = tpu.memref_slice %arg10[%dma_start3A, %dma_start3A_163] : memref<128x128xf32, #tpu.memory_space<vmem>> -> memref<120x128xf32, #tpu.memory_space<vmem>>
          %dma_start3A_165 = arith.constant 0 : i32
          %dma_start3A_166 = tpu.memref_slice %arg7[%add3A_162, %dma_start3A_165] : memref<10000x128xf32, #tpu.memory_space<hbm>> -> memref<120x128xf32, #tpu.memory_space<hbm>>
          %dma_start3A_167 = arith.constant 0 : i32
          %dma_start3A_168 = tpu.memref_slice %arg7[%add3A_162, %dma_start3A_167] : memref<10000x128xf32, #tpu.memory_space<hbm>> -> memref<120x128xf32, #tpu.memory_space<hbm>>
          %dma_start3A_169 = arith.constant 0 : i32
          %dma_start3A_170 = arith.constant 0 : i32
          %dma_start3A_171 = tpu.memref_slice %arg10[%dma_start3A_169, %dma_start3A_170] : memref<128x128xf32, #tpu.memory_space<vmem>> -> memref<120x128xf32, #tpu.memory_space<vmem>>
          tpu.enqueue_dma source(%dma_start3A_171 : memref<120x128xf32, #tpu.memory_space<vmem>>) target(%dma_start3A_168 : memref<120x128xf32, #tpu.memory_space<hbm>>) target_semaphore(%run_scoped3A : memref<!tpu.dma_semaphore, #tpu.memory_space<semaphore_mem>>)
          %dma_wait3A_172 = arith.constant 0 : i32
          %dma_wait3A_173 = arith.constant 0 : i32
          %dma_wait3A_174 = tpu.memref_slice %arg10[%dma_wait3A_172, %dma_wait3A_173] : memref<128x128xf32, #tpu.memory_space<vmem>> -> memref<120x128xf32, #tpu.memory_space<vmem>>
          %dma_wait3A_175 = arith.constant 0 : i32
          %dma_wait3A_176 = tpu.memref_slice %arg7[%add3A_162, %dma_wait3A_175] : memref<10000x128xf32, #tpu.memory_space<hbm>> -> memref<120x128xf32, #tpu.memory_space<hbm>>
          %dma_wait3A_177 = arith.constant 0 : i32
          %dma_wait3A_178 = tpu.memref_slice %arg7[%add3A_162, %dma_wait3A_177] : memref<10000x128xf32, #tpu.memory_space<hbm>> -> memref<120x128xf32, #tpu.memory_space<hbm>>
          %dma_wait3A_179 = arith.constant 0 : i32
          %dma_wait3A_180 = arith.constant 0 : i32
          %dma_wait3A_181 = tpu.memref_slice %arg10[%dma_wait3A_179, %dma_wait3A_180] : memref<128x128xf32, #tpu.memory_space<vmem>> -> memref<120x128xf32, #tpu.memory_space<vmem>>
          tpu.wait_dma2 semaphore(%run_scoped3A : memref<!tpu.dma_semaphore, #tpu.memory_space<semaphore_mem>>) src(%dma_wait3A_181 : memref<120x128xf32, #tpu.memory_space<vmem>>) dst(%dma_wait3A_178 : memref<120x128xf32, #tpu.memory_space<hbm>>)
          tpu.yield
        }) : () -> ()
      } else {
      }
    } else {
    }
    %eq3A_144 = arith.constant 15 : i32
    %eq3A_145 = arith.cmpi eq, %arg1, %eq3A_144 : i32
    %convert_element_type3A_146 = arith.extui %eq3A_145 : i1 to i32
    %cond3A_147 = arith.constant 0 : i32
    %cond3A_148 = arith.cmpi ne, %convert_element_type3A_146, %cond3A_147 : i32
    scf.if %cond3A_148 {
      %add3A_149 = arith.constant 512 : i32
      %add3A_150 = arith.addi %mul3A_91, %add3A_149 : i32
      "tpu.region"() ({
        %run_scoped3A = tpu.sem_alloc : memref<!tpu.dma_semaphore, #tpu.memory_space<semaphore_mem>>
        %dma_start3A = arith.constant 0 : i32
        %dma_start3A_161 = arith.constant 0 : i32
        %dma_start3A_162 = tpu.memref_slice %arg10[%dma_start3A, %dma_start3A_161] : memref<128x128xf32, #tpu.memory_space<vmem>> -> memref<8x128xf32, #tpu.memory_space<vmem>>
        %dma_start3A_163 = arith.constant 0 : i32
        %dma_start3A_164 = tpu.memref_slice %arg14[%add3A_150, %dma_start3A_163] : memref<10112x128xf32, #tpu.memory_space<vmem_shared>> -> memref<8x128xf32, #tpu.memory_space<vmem_shared>>
        %dma_start3A_165 = arith.constant 0 : i32
        %dma_start3A_166 = arith.constant 0 : i32
        %dma_start3A_167 = tpu.memref_slice %arg10[%dma_start3A_165, %dma_start3A_166] : memref<128x128xf32, #tpu.memory_space<vmem>> -> memref<8x128xf32, #tpu.memory_space<vmem>>
        %dma_start3A_168 = arith.constant 0 : i32
        %dma_start3A_169 = tpu.memref_slice %arg14[%add3A_150, %dma_start3A_168] : memref<10112x128xf32, #tpu.memory_space<vmem_shared>> -> memref<8x128xf32, #tpu.memory_space<vmem_shared>>
        tpu.enqueue_dma source(%dma_start3A_169 : memref<8x128xf32, #tpu.memory_space<vmem_shared>>) target(%dma_start3A_167 : memref<8x128xf32, #tpu.memory_space<vmem>>) target_semaphore(%run_scoped3A : memref<!tpu.dma_semaphore, #tpu.memory_space<semaphore_mem>>)
        %dma_wait3A_170 = arith.constant 0 : i32
        %dma_wait3A_171 = arith.constant 0 : i32
        %dma_wait3A_172 = tpu.memref_slice %arg10[%dma_wait3A_170, %dma_wait3A_171] : memref<128x128xf32, #tpu.memory_space<vmem>> -> memref<8x128xf32, #tpu.memory_space<vmem>>
        %dma_wait3A_173 = arith.constant 0 : i32
        %dma_wait3A_174 = tpu.memref_slice %arg14[%add3A_150, %dma_wait3A_173] : memref<10112x128xf32, #tpu.memory_space<vmem_shared>> -> memref<8x128xf32, #tpu.memory_space<vmem_shared>>
        %dma_wait3A_175 = arith.constant 0 : i32
        %dma_wait3A_176 = arith.constant 0 : i32
        %dma_wait3A_177 = tpu.memref_slice %arg10[%dma_wait3A_175, %dma_wait3A_176] : memref<128x128xf32, #tpu.memory_space<vmem>> -> memref<8x128xf32, #tpu.memory_space<vmem>>
        %dma_wait3A_178 = arith.constant 0 : i32
        %dma_wait3A_179 = tpu.memref_slice %arg14[%add3A_150, %dma_wait3A_178] : memref<10112x128xf32, #tpu.memory_space<vmem_shared>> -> memref<8x128xf32, #tpu.memory_space<vmem_shared>>
        tpu.wait_dma2 semaphore(%run_scoped3A : memref<!tpu.dma_semaphore, #tpu.memory_space<semaphore_mem>>) src(%dma_wait3A_179 : memref<8x128xf32, #tpu.memory_space<vmem_shared>>) dst(%dma_wait3A_177 : memref<8x128xf32, #tpu.memory_space<vmem>>)
        tpu.yield
      }) : () -> ()
      %eq3A_151 = arith.constant 0 : i32
      %eq3A_152 = arith.cmpi eq, %arg0, %eq3A_151 : i32
      %convert_element_type3A_153 = arith.extui %eq3A_152 : i1 to i32
      %cond3A_154 = arith.constant 0 : i32
      %cond3A_155 = arith.cmpi ne, %convert_element_type3A_153, %cond3A_154 : i32
      scf.if %cond3A_155 {
        %add3A_161 = arith.constant 512 : i32
        %add3A_162 = arith.addi %mul3A_91, %add3A_161 : i32
        "tpu.region"() ({
          %run_scoped3A = tpu.sem_alloc : memref<!tpu.dma_semaphore, #tpu.memory_space<semaphore_mem>>
          %dma_start3A = arith.constant 0 : i32
          %dma_start3A_163 = arith.constant 0 : i32
          %dma_start3A_164 = tpu.memref_slice %arg10[%dma_start3A, %dma_start3A_163] : memref<128x128xf32, #tpu.memory_space<vmem>> -> memref<8x128xf32, #tpu.memory_space<vmem>>
          %dma_start3A_165 = arith.constant 0 : i32
          %dma_start3A_166 = tpu.memref_slice %arg6[%add3A_162, %dma_start3A_165] : memref<10000x128xf32, #tpu.memory_space<hbm>> -> memref<8x128xf32, #tpu.memory_space<hbm>>
          %dma_start3A_167 = arith.constant 0 : i32
          %dma_start3A_168 = tpu.memref_slice %arg6[%add3A_162, %dma_start3A_167] : memref<10000x128xf32, #tpu.memory_space<hbm>> -> memref<8x128xf32, #tpu.memory_space<hbm>>
          %dma_start3A_169 = arith.constant 0 : i32
          %dma_start3A_170 = arith.constant 0 : i32
          %dma_start3A_171 = tpu.memref_slice %arg10[%dma_start3A_169, %dma_start3A_170] : memref<128x128xf32, #tpu.memory_space<vmem>> -> memref<8x128xf32, #tpu.memory_space<vmem>>
          tpu.enqueue_dma source(%dma_start3A_171 : memref<8x128xf32, #tpu.memory_space<vmem>>) target(%dma_start3A_168 : memref<8x128xf32, #tpu.memory_space<hbm>>) target_semaphore(%run_scoped3A : memref<!tpu.dma_semaphore, #tpu.memory_space<semaphore_mem>>)
          %dma_wait3A_172 = arith.constant 0 : i32
          %dma_wait3A_173 = arith.constant 0 : i32
          %dma_wait3A_174 = tpu.memref_slice %arg10[%dma_wait3A_172, %dma_wait3A_173] : memref<128x128xf32, #tpu.memory_space<vmem>> -> memref<8x128xf32, #tpu.memory_space<vmem>>
          %dma_wait3A_175 = arith.constant 0 : i32
          %dma_wait3A_176 = tpu.memref_slice %arg6[%add3A_162, %dma_wait3A_175] : memref<10000x128xf32, #tpu.memory_space<hbm>> -> memref<8x128xf32, #tpu.memory_space<hbm>>
          %dma_wait3A_177 = arith.constant 0 : i32
          %dma_wait3A_178 = tpu.memref_slice %arg6[%add3A_162, %dma_wait3A_177] : memref<10000x128xf32, #tpu.memory_space<hbm>> -> memref<8x128xf32, #tpu.memory_space<hbm>>
          %dma_wait3A_179 = arith.constant 0 : i32
          %dma_wait3A_180 = arith.constant 0 : i32
          %dma_wait3A_181 = tpu.memref_slice %arg10[%dma_wait3A_179, %dma_wait3A_180] : memref<128x128xf32, #tpu.memory_space<vmem>> -> memref<8x128xf32, #tpu.memory_space<vmem>>
          tpu.wait_dma2 semaphore(%run_scoped3A : memref<!tpu.dma_semaphore, #tpu.memory_space<semaphore_mem>>) src(%dma_wait3A_181 : memref<8x128xf32, #tpu.memory_space<vmem>>) dst(%dma_wait3A_178 : memref<8x128xf32, #tpu.memory_space<hbm>>)
          tpu.yield
        }) : () -> ()
      } else {
      }
      %eq3A_156 = arith.constant 1 : i32
      %eq3A_157 = arith.cmpi eq, %arg0, %eq3A_156 : i32
      %convert_element_type3A_158 = arith.extui %eq3A_157 : i1 to i32
      %cond3A_159 = arith.constant 0 : i32
      %cond3A_160 = arith.cmpi ne, %convert_element_type3A_158, %cond3A_159 : i32
      scf.if %cond3A_160 {
        %add3A_161 = arith.constant 512 : i32
        %add3A_162 = arith.addi %mul3A_91, %add3A_161 : i32
        "tpu.region"() ({
          %run_scoped3A = tpu.sem_alloc : memref<!tpu.dma_semaphore, #tpu.memory_space<semaphore_mem>>
          %dma_start3A = arith.constant 0 : i32
          %dma_start3A_163 = arith.constant 0 : i32
          %dma_start3A_164 = tpu.memref_slice %arg10[%dma_start3A, %dma_start3A_163] : memref<128x128xf32, #tpu.memory_space<vmem>> -> memref<8x128xf32, #tpu.memory_space<vmem>>
          %dma_start3A_165 = arith.constant 0 : i32
          %dma_start3A_166 = tpu.memref_slice %arg7[%add3A_162, %dma_start3A_165] : memref<10000x128xf32, #tpu.memory_space<hbm>> -> memref<8x128xf32, #tpu.memory_space<hbm>>
          %dma_start3A_167 = arith.constant 0 : i32
          %dma_start3A_168 = tpu.memref_slice %arg7[%add3A_162, %dma_start3A_167] : memref<10000x128xf32, #tpu.memory_space<hbm>> -> memref<8x128xf32, #tpu.memory_space<hbm>>
          %dma_start3A_169 = arith.constant 0 : i32
          %dma_start3A_170 = arith.constant 0 : i32
          %dma_start3A_171 = tpu.memref_slice %arg10[%dma_start3A_169, %dma_start3A_170] : memref<128x128xf32, #tpu.memory_space<vmem>> -> memref<8x128xf32, #tpu.memory_space<vmem>>
          tpu.enqueue_dma source(%dma_start3A_171 : memref<8x128xf32, #tpu.memory_space<vmem>>) target(%dma_start3A_168 : memref<8x128xf32, #tpu.memory_space<hbm>>) target_semaphore(%run_scoped3A : memref<!tpu.dma_semaphore, #tpu.memory_space<semaphore_mem>>)
          %dma_wait3A_172 = arith.constant 0 : i32
          %dma_wait3A_173 = arith.constant 0 : i32
          %dma_wait3A_174 = tpu.memref_slice %arg10[%dma_wait3A_172, %dma_wait3A_173] : memref<128x128xf32, #tpu.memory_space<vmem>> -> memref<8x128xf32, #tpu.memory_space<vmem>>
          %dma_wait3A_175 = arith.constant 0 : i32
          %dma_wait3A_176 = tpu.memref_slice %arg7[%add3A_162, %dma_wait3A_175] : memref<10000x128xf32, #tpu.memory_space<hbm>> -> memref<8x128xf32, #tpu.memory_space<hbm>>
          %dma_wait3A_177 = arith.constant 0 : i32
          %dma_wait3A_178 = tpu.memref_slice %arg7[%add3A_162, %dma_wait3A_177] : memref<10000x128xf32, #tpu.memory_space<hbm>> -> memref<8x128xf32, #tpu.memory_space<hbm>>
          %dma_wait3A_179 = arith.constant 0 : i32
          %dma_wait3A_180 = arith.constant 0 : i32
          %dma_wait3A_181 = tpu.memref_slice %arg10[%dma_wait3A_179, %dma_wait3A_180] : memref<128x128xf32, #tpu.memory_space<vmem>> -> memref<8x128xf32, #tpu.memory_space<vmem>>
          tpu.wait_dma2 semaphore(%run_scoped3A : memref<!tpu.dma_semaphore, #tpu.memory_space<semaphore_mem>>) src(%dma_wait3A_181 : memref<8x128xf32, #tpu.memory_space<vmem>>) dst(%dma_wait3A_178 : memref<8x128xf32, #tpu.memory_space<hbm>>)
          tpu.yield
        }) : () -> ()
      } else {
      }
    } else {
    }
    return
  }
}

module attributes {stable_mosaic.version = 14 : i64} {
  func.func @_mm1_body(%arg0: i32, %arg1: memref<400x256xf32, #tpu.memory_space<vmem>>, %arg2: memref<256x256xf32, #tpu.memory_space<vmem>>, %arg3: memref<256x256xf32, #tpu.memory_space<vmem>>, %arg4: memref<1x256xf32, #tpu.memory_space<vmem>>, %arg5: memref<400x128xf32, #tpu.memory_space<vmem>>, %arg6: memref<400x128xf32, #tpu.memory_space<vmem>>, %arg7: memref<400x256xf32, #tpu.memory_space<vmem>>) attributes {dimension_semantics = [#tpu.dimension_semantics<arbitrary>], iteration_bounds = array<i64: 25>, scalar_prefetch = 0 : i64, scratch_operands = 0 : i64, tpu.core_type = #tpu.core_type<tc>, window_params = [{transform_indices = @transform_0, window_bounds = array<i64: 400, 256>}, {pipeline_mode = #tpu.pipeline_mode<synchronous>, transform_indices = @transform_1, window_bounds = array<i64: 256, 256>}, {pipeline_mode = #tpu.pipeline_mode<synchronous>, transform_indices = @transform_2, window_bounds = array<i64: 256, 256>}, {pipeline_mode = #tpu.pipeline_mode<synchronous>, transform_indices = @transform_3, window_bounds = array<i64: 1, 256>}, {transform_indices = @transform_4, window_bounds = array<i64: 400, 128>}, {transform_indices = @transform_5, window_bounds = array<i64: 400, 128>}, {transform_indices = @transform_6, window_bounds = array<i64: 400, 256>}]} {
    %get3A = arith.constant 0 : index
    %get3A_0 = arith.constant 0 : index
    %get3A_1 = vector.load %arg1[%get3A, %get3A_0] : memref<400x256xf32, #tpu.memory_space<vmem>>, vector<400x256xf32>
    %get3A_2 = arith.constant 0 : index
    %get3A_3 = arith.constant 0 : index
    %get3A_4 = vector.load %arg2[%get3A_2, %get3A_3] : memref<256x256xf32, #tpu.memory_space<vmem>>, vector<256x256xf32>
    %dot_general3A = arith.constant dense<0.000000e+00> : vector<400x256xf32>
    %dot_general3A_5 = tpu.matmul %get3A_1, %get3A_4, %dot_general3A {dimension_numbers = #tpu.dot_dimension_numbers<[1], [1], [0], [0], [0, 0, 1, 0], [], []>, transpose_lhs_hint = false} : vector<400x256xf32>, vector<256x256xf32>, vector<400x256xf32> -> vector<400x256xf32>
    %slice3A = vector.extract_strided_slice %dot_general3A_5 {offsets = [0, 0], sizes = [400, 128], strides = [1, 1]} : vector<400x256xf32> to vector<400x128xf32>
    %swap3A = arith.constant 0 : index
    %swap3A_6 = arith.constant 0 : index
    %swap3A_7 = vector.load %arg5[%swap3A, %swap3A_6] : memref<400x128xf32, #tpu.memory_space<vmem>>, vector<400x128xf32>
    tpu.vector_store %arg5[%swap3A, %swap3A_6], %slice3A {strides = array<i32>} : memref<400x128xf32, #tpu.memory_space<vmem>>, vector<400x128xf32>,
    %slice3A_8 = vector.extract_strided_slice %dot_general3A_5 {offsets = [0, 128], sizes = [400, 128], strides = [1, 1]} : vector<400x256xf32> to vector<400x128xf32>
    %swap3A_9 = arith.constant 0 : index
    %swap3A_10 = arith.constant 0 : index
    %swap3A_11 = vector.load %arg6[%swap3A_9, %swap3A_10] : memref<400x128xf32, #tpu.memory_space<vmem>>, vector<400x128xf32>
    tpu.vector_store %arg6[%swap3A_9, %swap3A_10], %slice3A_8 {strides = array<i32>} : memref<400x128xf32, #tpu.memory_space<vmem>>, vector<400x128xf32>,
    %get3A_12 = arith.constant 0 : index
    %get3A_13 = arith.constant 0 : index
    %get3A_14 = vector.load %arg3[%get3A_12, %get3A_13] : memref<256x256xf32, #tpu.memory_space<vmem>>, vector<256x256xf32>
    %dot_general3A_15 = arith.constant dense<0.000000e+00> : vector<400x256xf32>
    %dot_general3A_16 = tpu.matmul %get3A_1, %get3A_14, %dot_general3A_15 {dimension_numbers = #tpu.dot_dimension_numbers<[1], [1], [0], [0], [0, 0, 1, 0], [], []>, transpose_lhs_hint = false} : vector<400x256xf32>, vector<256x256xf32>, vector<400x256xf32> -> vector<400x256xf32>
    %get3A_17 = arith.constant 0 : index
    %get3A_18 = arith.constant 0 : index
    %get3A_19 = vector.load %arg4[%get3A_17, %get3A_18] : memref<1x256xf32, #tpu.memory_space<vmem>>, vector<1x256xf32>
    %add3A = vector.broadcast %get3A_19 : vector<1x256xf32> to vector<400x256xf32>
    %add3A_20 = arith.addf %dot_general3A_16, %add3A : vector<400x256xf32>
    %swap3A_21 = arith.constant 0 : index
    %swap3A_22 = arith.constant 0 : index
    %swap3A_23 = vector.load %arg7[%swap3A_21, %swap3A_22] : memref<400x256xf32, #tpu.memory_space<vmem>>, vector<400x256xf32>
    tpu.vector_store %arg7[%swap3A_21, %swap3A_22], %add3A_20 {strides = array<i32>} : memref<400x256xf32, #tpu.memory_space<vmem>>, vector<400x256xf32>,
    return
  }
  func.func @transform_0(%arg0: i32) -> (i32, i32) {
    %c0_i32 = arith.constant 0 : i32
    %c0_i32_0 = arith.constant 0 : i32
    return %arg0, %c0_i32 : i32, i32
  }
  func.func @transform_1(%arg0: i32) -> (i32, i32) {
    %c0_i32 = arith.constant 0 : i32
    %c0_i32_0 = arith.constant 0 : i32
    %c0_i32_1 = arith.constant 0 : i32
    return %c0_i32, %c0_i32_0 : i32, i32
  }
  func.func @transform_2(%arg0: i32) -> (i32, i32) {
    %c0_i32 = arith.constant 0 : i32
    %c0_i32_0 = arith.constant 0 : i32
    %c0_i32_1 = arith.constant 0 : i32
    return %c0_i32, %c0_i32_0 : i32, i32
  }
  func.func @transform_3(%arg0: i32) -> (i32, i32) {
    %c0_i32 = arith.constant 0 : i32
    %c0_i32_0 = arith.constant 0 : i32
    %c0_i32_1 = arith.constant 0 : i32
    return %c0_i32, %c0_i32_0 : i32, i32
  }
  func.func @transform_4(%arg0: i32) -> (i32, i32) {
    %c0_i32 = arith.constant 0 : i32
    %c0_i32_0 = arith.constant 0 : i32
    return %arg0, %c0_i32 : i32, i32
  }
  func.func @transform_5(%arg0: i32) -> (i32, i32) {
    %c0_i32 = arith.constant 0 : i32
    %c0_i32_0 = arith.constant 0 : i32
    return %arg0, %c0_i32 : i32, i32
  }
  func.func @transform_6(%arg0: i32) -> (i32, i32) {
    %c0_i32 = arith.constant 0 : i32
    %c0_i32_0 = arith.constant 0 : i32
    return %arg0, %c0_i32 : i32, i32
  }
}

module attributes {stable_mosaic.version = 14 : i64} {
  func.func @_mm2_body(%arg0: i32, %arg1: memref<400x128xf32, #tpu.memory_space<vmem>>, %arg2: memref<400x128xf32, #tpu.memory_space<vmem>>, %arg3: memref<400x256xf32, #tpu.memory_space<vmem>>, %arg4: memref<400x1xf32, #tpu.memory_space<vmem>>, %arg5: memref<256x256xf32, #tpu.memory_space<vmem>>, %arg6: memref<256x256xf32, #tpu.memory_space<vmem>>, %arg7: memref<1x256xf32, #tpu.memory_space<vmem>>, %arg8: memref<400x128xf32, #tpu.memory_space<vmem>>, %arg9: memref<400x128xf32, #tpu.memory_space<vmem>>, %arg10: memref<400x256xf32, #tpu.memory_space<vmem>>) attributes {dimension_semantics = [#tpu.dimension_semantics<arbitrary>], iteration_bounds = array<i64: 25>, scalar_prefetch = 0 : i64, scratch_operands = 0 : i64, tpu.core_type = #tpu.core_type<tc>, window_params = [{transform_indices = @transform_0, window_bounds = array<i64: 400, 128>}, {transform_indices = @transform_1, window_bounds = array<i64: 400, 128>}, {transform_indices = @transform_2, window_bounds = array<i64: 400, 256>}, {transform_indices = @transform_3, window_bounds = array<i64: 400, 1>}, {pipeline_mode = #tpu.pipeline_mode<synchronous>, transform_indices = @transform_4, window_bounds = array<i64: 256, 256>}, {pipeline_mode = #tpu.pipeline_mode<synchronous>, transform_indices = @transform_5, window_bounds = array<i64: 256, 256>}, {pipeline_mode = #tpu.pipeline_mode<synchronous>, transform_indices = @transform_6, window_bounds = array<i64: 1, 256>}, {transform_indices = @transform_7, window_bounds = array<i64: 400, 128>}, {transform_indices = @transform_8, window_bounds = array<i64: 400, 128>}, {transform_indices = @transform_9, window_bounds = array<i64: 400, 256>}]} {
    %get3A = arith.constant 0 : index
    %get3A_0 = arith.constant 0 : index
    %get3A_1 = vector.load %arg4[%get3A, %get3A_0] : memref<400x1xf32, #tpu.memory_space<vmem>>, vector<400x1xf32>
    %max3A = arith.constant 1.000000e+00 : f32
    %max3A_2 = vector.broadcast %max3A : f32 to vector<400x1xf32>
    %max3A_3 = arith.maximumf %get3A_1, %max3A_2 : vector<400x1xf32>
    %div3A = arith.constant 1.000000e+00 : f32
    %div3A_4 = vector.broadcast %div3A : f32 to vector<400x1xf32>
    %div3A_5 = arith.divf %div3A_4, %max3A_3 : vector<400x1xf32>
    %get3A_6 = arith.constant 0 : index
    %get3A_7 = arith.constant 0 : index
    %get3A_8 = vector.load %arg3[%get3A_6, %get3A_7] : memref<400x256xf32, #tpu.memory_space<vmem>>, vector<400x256xf32>
    %get3A_9 = arith.constant 0 : index
    %get3A_10 = arith.constant 0 : index
    %get3A_11 = vector.load %arg1[%get3A_9, %get3A_10] : memref<400x128xf32, #tpu.memory_space<vmem>>, vector<400x128xf32>
    %mul3A = vector.broadcast %div3A_5 : vector<400x1xf32> to vector<400x128xf32>
    %mul3A_12 = arith.mulf %get3A_11, %mul3A : vector<400x128xf32>
    %slice3A = vector.extract_strided_slice %get3A_8 {offsets = [0, 0], sizes = [400, 128], strides = [1, 1]} : vector<400x256xf32> to vector<400x128xf32>
    %add3A = arith.addf %mul3A_12, %slice3A : vector<400x128xf32>
    %max3A_13 = arith.constant 0.000000e+00 : f32
    %max3A_14 = vector.broadcast %max3A_13 : f32 to vector<400x128xf32>
    %max3A_15 = arith.maximumf %add3A, %max3A_14 : vector<400x128xf32>
    %get3A_16 = arith.constant 0 : index
    %get3A_17 = arith.constant 0 : index
    %get3A_18 = vector.load %arg2[%get3A_16, %get3A_17] : memref<400x128xf32, #tpu.memory_space<vmem>>, vector<400x128xf32>
    %mul3A_19 = vector.broadcast %div3A_5 : vector<400x1xf32> to vector<400x128xf32>
    %mul3A_20 = arith.mulf %get3A_18, %mul3A_19 : vector<400x128xf32>
    %slice3A_21 = vector.extract_strided_slice %get3A_8 {offsets = [0, 128], sizes = [400, 128], strides = [1, 1]} : vector<400x256xf32> to vector<400x128xf32>
    %add3A_22 = arith.addf %mul3A_20, %slice3A_21 : vector<400x128xf32>
    %max3A_23 = arith.constant 0.000000e+00 : f32
    %max3A_24 = vector.broadcast %max3A_23 : f32 to vector<400x128xf32>
    %max3A_25 = arith.maximumf %add3A_22, %max3A_24 : vector<400x128xf32>
    %get3A_26 = arith.constant 0 : index
    %get3A_27 = arith.constant 0 : index
    %get3A_28 = vector.load %arg5[%get3A_26, %get3A_27] : memref<256x256xf32, #tpu.memory_space<vmem>>, vector<256x256xf32>
    %get3A_29 = arith.constant 0 : index
    %get3A_30 = arith.constant 0 : index
    %get3A_31 = vector.load %arg6[%get3A_29, %get3A_30] : memref<256x256xf32, #tpu.memory_space<vmem>>, vector<256x256xf32>
    %slice3A_32 = vector.extract_strided_slice %get3A_28 {offsets = [0, 0], sizes = [256, 128], strides = [1, 1]} : vector<256x256xf32> to vector<256x128xf32>
    %dot_general3A = arith.constant dense<0.000000e+00> : vector<400x256xf32>
    %dot_general3A_33 = tpu.matmul %max3A_15, %slice3A_32, %dot_general3A {dimension_numbers = #tpu.dot_dimension_numbers<[1], [1], [0], [0], [0, 0, 1, 0], [], []>, transpose_lhs_hint = false} : vector<400x128xf32>, vector<256x128xf32>, vector<400x256xf32> -> vector<400x256xf32>
    %slice3A_34 = vector.extract_strided_slice %get3A_28 {offsets = [0, 128], sizes = [256, 128], strides = [1, 1]} : vector<256x256xf32> to vector<256x128xf32>
    %dot_general3A_35 = arith.constant dense<0.000000e+00> : vector<400x256xf32>
    %dot_general3A_36 = tpu.matmul %max3A_25, %slice3A_34, %dot_general3A_35 {dimension_numbers = #tpu.dot_dimension_numbers<[1], [1], [0], [0], [0, 0, 1, 0], [], []>, transpose_lhs_hint = false} : vector<400x128xf32>, vector<256x128xf32>, vector<400x256xf32> -> vector<400x256xf32>
    %add3A_37 = arith.addf %dot_general3A_33, %dot_general3A_36 : vector<400x256xf32>
    %slice3A_38 = vector.extract_strided_slice %add3A_37 {offsets = [0, 0], sizes = [400, 128], strides = [1, 1]} : vector<400x256xf32> to vector<400x128xf32>
    %swap3A = arith.constant 0 : index
    %swap3A_39 = arith.constant 0 : index
    %swap3A_40 = vector.load %arg8[%swap3A, %swap3A_39] : memref<400x128xf32, #tpu.memory_space<vmem>>, vector<400x128xf32>
    tpu.vector_store %arg8[%swap3A, %swap3A_39], %slice3A_38 {strides = array<i32>} : memref<400x128xf32, #tpu.memory_space<vmem>>, vector<400x128xf32>,
    %slice3A_41 = vector.extract_strided_slice %add3A_37 {offsets = [0, 128], sizes = [400, 128], strides = [1, 1]} : vector<400x256xf32> to vector<400x128xf32>
    %swap3A_42 = arith.constant 0 : index
    %swap3A_43 = arith.constant 0 : index
    %swap3A_44 = vector.load %arg9[%swap3A_42, %swap3A_43] : memref<400x128xf32, #tpu.memory_space<vmem>>, vector<400x128xf32>
    tpu.vector_store %arg9[%swap3A_42, %swap3A_43], %slice3A_41 {strides = array<i32>} : memref<400x128xf32, #tpu.memory_space<vmem>>, vector<400x128xf32>,
    %slice3A_45 = vector.extract_strided_slice %get3A_31 {offsets = [0, 0], sizes = [256, 128], strides = [1, 1]} : vector<256x256xf32> to vector<256x128xf32>
    %dot_general3A_46 = arith.constant dense<0.000000e+00> : vector<400x256xf32>
    %dot_general3A_47 = tpu.matmul %max3A_15, %slice3A_45, %dot_general3A_46 {dimension_numbers = #tpu.dot_dimension_numbers<[1], [1], [0], [0], [0, 0, 1, 0], [], []>, transpose_lhs_hint = false} : vector<400x128xf32>, vector<256x128xf32>, vector<400x256xf32> -> vector<400x256xf32>
    %slice3A_48 = vector.extract_strided_slice %get3A_31 {offsets = [0, 128], sizes = [256, 128], strides = [1, 1]} : vector<256x256xf32> to vector<256x128xf32>
    %dot_general3A_49 = arith.constant dense<0.000000e+00> : vector<400x256xf32>
    %dot_general3A_50 = tpu.matmul %max3A_25, %slice3A_48, %dot_general3A_49 {dimension_numbers = #tpu.dot_dimension_numbers<[1], [1], [0], [0], [0, 0, 1, 0], [], []>, transpose_lhs_hint = false} : vector<400x128xf32>, vector<256x128xf32>, vector<400x256xf32> -> vector<400x256xf32>
    %add3A_51 = arith.addf %dot_general3A_47, %dot_general3A_50 : vector<400x256xf32>
    %get3A_52 = arith.constant 0 : index
    %get3A_53 = arith.constant 0 : index
    %get3A_54 = vector.load %arg7[%get3A_52, %get3A_53] : memref<1x256xf32, #tpu.memory_space<vmem>>, vector<1x256xf32>
    %add3A_55 = vector.broadcast %get3A_54 : vector<1x256xf32> to vector<400x256xf32>
    %add3A_56 = arith.addf %add3A_51, %add3A_55 : vector<400x256xf32>
    %swap3A_57 = arith.constant 0 : index
    %swap3A_58 = arith.constant 0 : index
    %swap3A_59 = vector.load %arg10[%swap3A_57, %swap3A_58] : memref<400x256xf32, #tpu.memory_space<vmem>>, vector<400x256xf32>
    tpu.vector_store %arg10[%swap3A_57, %swap3A_58], %add3A_56 {strides = array<i32>} : memref<400x256xf32, #tpu.memory_space<vmem>>, vector<400x256xf32>,
    return
  }
  func.func @transform_0(%arg0: i32) -> (i32, i32) {
    %c0_i32 = arith.constant 0 : i32
    %c0_i32_0 = arith.constant 0 : i32
    return %arg0, %c0_i32 : i32, i32
  }
  func.func @transform_1(%arg0: i32) -> (i32, i32) {
    %c0_i32 = arith.constant 0 : i32
    %c0_i32_0 = arith.constant 0 : i32
    return %arg0, %c0_i32 : i32, i32
  }
  func.func @transform_2(%arg0: i32) -> (i32, i32) {
    %c0_i32 = arith.constant 0 : i32
    %c0_i32_0 = arith.constant 0 : i32
    return %arg0, %c0_i32 : i32, i32
  }
  func.func @transform_3(%arg0: i32) -> (i32, i32) {
    %c0_i32 = arith.constant 0 : i32
    %c0_i32_0 = arith.constant 0 : i32
    return %arg0, %c0_i32 : i32, i32
  }
  func.func @transform_4(%arg0: i32) -> (i32, i32) {
    %c0_i32 = arith.constant 0 : i32
    %c0_i32_0 = arith.constant 0 : i32
    %c0_i32_1 = arith.constant 0 : i32
    return %c0_i32, %c0_i32_0 : i32, i32
  }
  func.func @transform_5(%arg0: i32) -> (i32, i32) {
    %c0_i32 = arith.constant 0 : i32
    %c0_i32_0 = arith.constant 0 : i32
    %c0_i32_1 = arith.constant 0 : i32
    return %c0_i32, %c0_i32_0 : i32, i32
  }
  func.func @transform_6(%arg0: i32) -> (i32, i32) {
    %c0_i32 = arith.constant 0 : i32
    %c0_i32_0 = arith.constant 0 : i32
    %c0_i32_1 = arith.constant 0 : i32
    return %c0_i32, %c0_i32_0 : i32, i32
  }
  func.func @transform_7(%arg0: i32) -> (i32, i32) {
    %c0_i32 = arith.constant 0 : i32
    %c0_i32_0 = arith.constant 0 : i32
    return %arg0, %c0_i32 : i32, i32
  }
  func.func @transform_8(%arg0: i32) -> (i32, i32) {
    %c0_i32 = arith.constant 0 : i32
    %c0_i32_0 = arith.constant 0 : i32
    return %arg0, %c0_i32 : i32, i32
  }
  func.func @transform_9(%arg0: i32) -> (i32, i32) {
    %c0_i32 = arith.constant 0 : i32
    %c0_i32_0 = arith.constant 0 : i32
    return %arg0, %c0_i32 : i32, i32
  }
}

module attributes {stable_mosaic.version = 14 : i64} {
  func.func @_mm3_body(%arg0: i32, %arg1: memref<400x128xf32, #tpu.memory_space<vmem>>, %arg2: memref<400x128xf32, #tpu.memory_space<vmem>>, %arg3: memref<400x256xf32, #tpu.memory_space<vmem>>, %arg4: memref<400x1xf32, #tpu.memory_space<vmem>>, %arg5: memref<400x256xf32, #tpu.memory_space<vmem>>) attributes {dimension_semantics = [#tpu.dimension_semantics<arbitrary>], iteration_bounds = array<i64: 25>, scalar_prefetch = 0 : i64, scratch_operands = 0 : i64, tpu.core_type = #tpu.core_type<tc>, window_params = [{transform_indices = @transform_0, window_bounds = array<i64: 400, 128>}, {transform_indices = @transform_1, window_bounds = array<i64: 400, 128>}, {transform_indices = @transform_2, window_bounds = array<i64: 400, 256>}, {transform_indices = @transform_3, window_bounds = array<i64: 400, 1>}, {transform_indices = @transform_4, window_bounds = array<i64: 400, 256>}]} {
    %get3A = arith.constant 0 : index
    %get3A_0 = arith.constant 0 : index
    %get3A_1 = vector.load %arg4[%get3A, %get3A_0] : memref<400x1xf32, #tpu.memory_space<vmem>>, vector<400x1xf32>
    %max3A = arith.constant 1.000000e+00 : f32
    %max3A_2 = vector.broadcast %max3A : f32 to vector<400x1xf32>
    %max3A_3 = arith.maximumf %get3A_1, %max3A_2 : vector<400x1xf32>
    %div3A = arith.constant 1.000000e+00 : f32
    %div3A_4 = vector.broadcast %div3A : f32 to vector<400x1xf32>
    %div3A_5 = arith.divf %div3A_4, %max3A_3 : vector<400x1xf32>
    %get3A_6 = arith.constant 0 : index
    %get3A_7 = arith.constant 0 : index
    %get3A_8 = vector.load %arg3[%get3A_6, %get3A_7] : memref<400x256xf32, #tpu.memory_space<vmem>>, vector<400x256xf32>
    %get3A_9 = arith.constant 0 : index
    %get3A_10 = arith.constant 0 : index
    %get3A_11 = vector.load %arg1[%get3A_9, %get3A_10] : memref<400x128xf32, #tpu.memory_space<vmem>>, vector<400x128xf32>
    %mul3A = vector.broadcast %div3A_5 : vector<400x1xf32> to vector<400x128xf32>
    %mul3A_12 = arith.mulf %get3A_11, %mul3A : vector<400x128xf32>
    %slice3A = vector.extract_strided_slice %get3A_8 {offsets = [0, 0], sizes = [400, 128], strides = [1, 1]} : vector<400x256xf32> to vector<400x128xf32>
    %add3A = arith.addf %mul3A_12, %slice3A : vector<400x128xf32>
    %get3A_13 = arith.constant 0 : index
    %get3A_14 = arith.constant 0 : index
    %get3A_15 = vector.load %arg2[%get3A_13, %get3A_14] : memref<400x128xf32, #tpu.memory_space<vmem>>, vector<400x128xf32>
    %mul3A_16 = vector.broadcast %div3A_5 : vector<400x1xf32> to vector<400x128xf32>
    %mul3A_17 = arith.mulf %get3A_15, %mul3A_16 : vector<400x128xf32>
    %slice3A_18 = vector.extract_strided_slice %get3A_8 {offsets = [0, 128], sizes = [400, 128], strides = [1, 1]} : vector<400x256xf32> to vector<400x128xf32>
    %add3A_19 = arith.addf %mul3A_17, %slice3A_18 : vector<400x128xf32>
    %concatenate3A = tpu.concatenate %add3A, %add3A_19 in 1 : vector<400x128xf32>, vector<400x128xf32> -> vector<400x256xf32>
    %swap3A = arith.constant 0 : index
    %swap3A_20 = arith.constant 0 : index
    %swap3A_21 = vector.load %arg5[%swap3A, %swap3A_20] : memref<400x256xf32, #tpu.memory_space<vmem>>, vector<400x256xf32>
    tpu.vector_store %arg5[%swap3A, %swap3A_20], %concatenate3A {strides = array<i32>} : memref<400x256xf32, #tpu.memory_space<vmem>>, vector<400x256xf32>,
    return
  }
  func.func @transform_0(%arg0: i32) -> (i32, i32) {
    %c0_i32 = arith.constant 0 : i32
    %c0_i32_0 = arith.constant 0 : i32
    return %arg0, %c0_i32 : i32, i32
  }
  func.func @transform_1(%arg0: i32) -> (i32, i32) {
    %c0_i32 = arith.constant 0 : i32
    %c0_i32_0 = arith.constant 0 : i32
    return %arg0, %c0_i32 : i32, i32
  }
  func.func @transform_2(%arg0: i32) -> (i32, i32) {
    %c0_i32 = arith.constant 0 : i32
    %c0_i32_0 = arith.constant 0 : i32
    return %arg0, %c0_i32 : i32, i32
  }
  func.func @transform_3(%arg0: i32) -> (i32, i32) {
    %c0_i32 = arith.constant 0 : i32
    %c0_i32_0 = arith.constant 0 : i32
    return %arg0, %c0_i32 : i32, i32
  }
  func.func @transform_4(%arg0: i32) -> (i32, i32) {
    %c0_i32 = arith.constant 0 : i32
    %c0_i32_0 = arith.constant 0 : i32
    return %arg0, %c0_i32 : i32, i32
  }
}

</mosaic_0001>

<sc_bundles>
// kernel: kernel.10.cloned.1.call-start
scs
__scs_entry_jumppad:
0x0: {  	(pc) =	sbr.rel $0x88, $3  }
0x1: {  	(tag) =	ssettag $0x0;
	lr =	simm.s32 $0x1  }
0x2: {  	[smem:$0x3F99] =	sst lr;
	_ =	strace $0xD0000000  }
0x3: {  	_ = 	snop  }
0x4: {  	_ = 	snop  }
0x5: {  	_ = 	snop  }
0x6: {  	_ = 	snop  }
0x7: {  	_ = 	snop  }
__scs_overlays_trampoline_lowered:
0x8: {  	[smem:$0x3FA8] =	sst s0  }
0x9: {  	[smem:$0x3FA9] =	sst s1  }
0xa: {  	[smem:$0x3FAA] =	sst s2  }
0xb: {  	[smem:$0x3FAB] =	sst s3  }
0xc: {  	[smem:$0x3FAC] =	sst s4  }
0xd: {  	[smem:$0x3FAD] =	sst s5  }
0xe: {  	[smem:$0x3FAE] =	sst s6  }
0xf: {  	[smem:$0x3FAF] =	sst s7  }
0x10: {  	[smem:$0x3FB0] =	sst s8  }
0x11: {  	[smem:$0x3FB1] =	sst s9;
	s0 =	simm.s32 @!p0 $0x0  }
0x12: {  	s1 =	sld [smem:$0x3F97];
	s0 =	simm.s32 @p0 $0x1  }
0x13: {  	[smem:$0x3FB2] =	sst s0;
	s0 =	simm.s32 @!p1 $0x0  }
0x14: {  	s2 =	sld [smem:$0x3F96];
	s0 =	simm.s32 @p1 $0x1  }
0x15: {  	[smem:$0x3FB3] =	sst s0;
	s0 =	simm.s32 @!p2 $0x0  }
0x16: {  	s3 =	sld [smem:$0x3FDB];
	s0 =	simm.s32 @p2 $0x1  }
0x17: {  	s4 =	simm.s32 $0x1BF5;
	[smem:$0x3FB5] =	sst s0  }
0x18: {  	s0 =	sld [smem:$0x3F98];
	_ =	swait.ge [sflag:s4], $0x0  }
0x19: {  	s7 =	sld [smem:$0x3F99]  }
0x1a: {  	s8 =	sadd.s32 $0xFFFFE003, lr  }
0x1b: {  	s9 =	sadd.s32 $0xFFFFFEF7, lr;
	s5 =	simm.s32 $0xFFFFFFFF;
	p2 =	slt.u32 s8, $0xFFFFF086  }
0x1c: {  	p1 =	slt.u32 s9, $0xF7A;
	s5 =	simm.s32 @!p2 $0x0  }
0x1d: {  	s5 =	simm.s32 @p1 $0x1;
	p0 =	seq.s32 s7, s2  }
0x1e: {  	s7 =	smul.u32 @!p0 $0xF7A, s2;
	p2 =	seq.s32 @!p0 s5, $0x0  }
0x1f: {  	s9 =	smul.u32 $0xF7A, s1;
	s8 =	simm.s32 @!p0 $0x1BF5;
	p2 =	por !p2, p0  }
0x20: {  	[sflag:s8] =	ssyncset.s32 @!p0 $0xFFFFF086;
	s6 =	sadd.s32 @!p0 s3, s7;
	s7 =	simm.s32 @!p0 $0x108  }
0x21: {  	s3 =	sadd.s32 s3, s9;
	s6 =	sadd.s32 @!p0 $0x88, s6;
	s7 =	simm.s32 @p2 $0x1082  }
0x22: {  	[simem:s7], [sflag:s8] =	dma.local @!p0 [hbm:s6], $0xF7A  }
0x23: {  	s9 =	sor.u32 $0xD0000000, s2;
	s6 =	simm.s32 $0x108;
	_ =	swait.ge @!p0 [sflag:s8], $0x0  }
0x24: {  	s3 =	sadd.s32 $0x88, s3;
	s6 =	simm.s32 @!p1 $0x1082;
	[sflag:s4] =	ssyncset.s32 $0xFFFFF086  }
0x25: {  	[simem:s6], [sflag:s4] =	dma.local [hbm:s3], $0xF7A  }
0x26: {  	[smem:$0x3F99] =	sst s1;
	(tag) =	ssettag s2;
	_ =	strace s9  }
0x27: {  	s1 =	sld [smem:$0x3FA9]  }
0x28: {  	s2 =	sld [smem:$0x3FAA]  }
0x29: {  	s4 =	sld [smem:$0x3FAC]  }
0x2a: {  	p0 =	seq.s32 s5, $0x0;
	s5 =	sld [smem:$0x3FAD]  }
0x2b: {  	s6 =	sld [smem:$0x3FAE]  }
0x2c: {  	s7 =	sld [smem:$0x3FAF]  }
0x2d: {  	s3 =	simm.s32 $0x108;
	s8 =	sld [smem:$0x3FB0]  }
0x2e: {  	s3 =	simm.s32 @!p0 $0x1082;
	s9 =	sld [smem:$0x3FB1]  }
0x2f: {  	lr =	sadd.s32 s0, s3;
	s0 =	sld [smem:$0x3FA8]  }
0x30: {  	s3 =	sld [smem:$0x3FAB]  }
0x31: {  	[smem:$0x3FB4] =	sst s10  }
0x32: {  	s10 =	sld [smem:$0x3FB2];
	_ =	sdelay $0x3  }
0x33: {  	p0 =	seq.s32 s10, $0x1;
	s10 =	sld [smem:$0x3FB4];
	_ =	sdelay $0x3  }
0x34: {  	[smem:$0x3FB4] =	sst s10  }
0x35: {  	s10 =	sld [smem:$0x3FB3];
	_ =	sdelay $0x3  }
0x36: {  	p1 =	seq.s32 s10, $0x1;
	s10 =	sld [smem:$0x3FB4];
	_ =	sdelay $0x3  }
0x37: {  	[smem:$0x3FB4] =	sst s10  }
0x38: {  	s10 =	sld [smem:$0x3FB5]  }
0x39: {  	_ = 	snop;
	(pc) =	sbr.ind lr, $3  }
0x3a: {  	_ = 	snop  }
0x3b: {  	_ = 	snop  }
0x3c: {  	p2 =	seq.s32 s10, $0x1;
	s10 =	sld [smem:$0x3FB4]  }
0x3d: {  	_ =	shalt  }
0x3e: {  	_ =	shalt  }
0x3f: {  	_ =	shalt  }
0x40: {  	_ =	shalt  }
0x41: {  	_ =	shalt  }
0x42: {  	_ =	shalt  }
0x43: {  	_ =	shalt  }
0x44: {  	_ =	shalt  }
0x45: {  	_ =	shalt  }
0x46: {  	_ =	shalt  }
0x47: {  	_ =	shalt  }
0x48: {  	_ =	shalt  }
0x49: {  	_ =	shalt  }
0x4a: {  	_ =	shalt  }
0x4b: {  	_ =	shalt  }
0x4c: {  	_ =	shalt  }
0x4d: {  	_ =	shalt  }
0x4e: {  	_ =	shalt  }
0x4f: {  	_ =	shalt  }
0x50: {  	_ =	shalt  }
0x51: {  	_ =	shalt  }
0x52: {  	_ =	shalt  }
0x53: {  	_ =	shalt  }
0x54: {  	_ =	shalt  }
0x55: {  	_ =	shalt  }
0x56: {  	_ =	shalt  }
0x57: {  	_ =	shalt  }
0x58: {  	_ =	shalt  }
0x59: {  	_ =	shalt  }
0x5a: {  	_ =	shalt  }
0x5b: {  	_ =	shalt  }
0x5c: {  	_ =	shalt  }
0x5d: {  	_ =	shalt  }
0x5e: {  	_ =	shalt  }
0x5f: {  	_ =	shalt  }
0x60: {  	_ =	shalt  }
0x61: {  	_ =	shalt  }
0x62: {  	_ =	shalt  }
0x63: {  	_ =	shalt  }
0x64: {  	_ =	shalt  }
0x65: {  	_ =	shalt  }
0x66: {  	_ =	shalt  }
0x67: {  	_ =	shalt  }
0x68: {  	_ =	shalt  }
0x69: {  	_ =	shalt  }
0x6a: {  	_ =	shalt  }
0x6b: {  	_ =	shalt  }
0x6c: {  	_ =	shalt  }
0x6d: {  	_ =	shalt  }
0x6e: {  	_ =	shalt  }
0x6f: {  	_ =	shalt  }
0x70: {  	_ =	shalt  }
0x71: {  	_ =	shalt  }
0x72: {  	_ =	shalt  }
0x73: {  	_ =	shalt  }
0x74: {  	_ =	shalt  }
0x75: {  	_ =	shalt  }
0x76: {  	_ =	shalt  }
0x77: {  	_ =	shalt  }
0x78: {  	_ =	shalt  }
0x79: {  	_ =	shalt  }
0x7a: {  	_ =	shalt  }
0x7b: {  	_ =	shalt  }
0x7c: {  	_ =	shalt  }
0x7d: {  	_ =	shalt  }
0x7e: {  	_ =	shalt  }
0x7f: {  	_ =	shalt  }
0x80: {  	_ =	shalt  }
0x81: {  	_ =	shalt  }
0x82: {  	_ =	shalt  }
0x83: {  	_ =	shalt  }
0x84: {  	_ =	shalt  }
0x85: {  	_ =	shalt  }
0x86: {  	_ =	shalt  }
0x87: {  	_ =	shalt  }
.Lfunc_end0:
.L_simem_size_0:
called_computation.1_lowered:
.L_overlay_start_0:
0x88: {  	s2 =	sld [smem:$0x3FD9]  }
0x89: {  	s3 =	sld [smem:$0x3FFE];
	_ =	sdelay $0x1  }
0x8a: {  	s1 =	srdreg.scid  }
0x8b: {  	s0 =	sand.u32 $0x1, s1  }
0x8c: {  	s17 =	sshll.u32 s0, $0xA;
	s2 =	sadd.s32 s3, s2  }
0x8d: {  	s2 =	sadd.s32 s2, s17  }
0x8e: {  	[smem:$0x3FC0] =	sst s2  }
0x8f: {  	_ = 	snop  }
0x90: {  	s2 =	sld [smem:$0x3FD0];
	(tm) =	ssettm $0x1  }
0x91: {  	s18 =	sld [smem:$0x3FFB];
	_ =	sdelay $0x3  }
0x92: {  	_ =	strace s18  }
0x93: {  	s3 =	sld [smem:$0x3FFC];
	_ =	sdelay $0x3  }
0x94: {  	_ =	strace s3  }
0x95: {  	s3 =	sld [smem:$0x3FFD];
	_ =	sdelay $0x3  }
0x96: {  	_ =	strace s3  }
0x97: {  	_ =	strace $0x8FFFFFFF  }
0x98: {  	s19 =	sld [smem:$0x3FDB];
	_ =	sdelay $0x1  }
0x99: {  	s4 =	simm.s32 $_scs_section_size  }
0x9a: {  	s5 =	simm.s32 $_size__tile_overlayer_lowered;
	s6 =	simm.s32 $_tile_overlayer_lowered  }
0x9b: {  	s22 =	simm.s32 $0x1BFF;
	s21 =	sshll.u32 s6, $0x1;
	s3 =	sadd.s32 s4, s19  }
0x9c: {  	s7 =	simm.s32 $0x0;
	s20 =	sshll.u32 s5, $0x1;
	s5 =	sadd.s32 s21, s3  }
0x9d: {  	[timem:s7], [sflag:s22] =	dma.local [hbm:s5], s20  }
0x9e: {  	_ =	swait.ge [sflag:s22], s20  }
0x9f: {  	s4 =	ssub.s32 $0x0, s20;
	[sflag:s22] =	ssyncset.done $0x0  }
0xa0: {  	[sflag:s22] =	ssyncadd.s32 s4;
	_ =	sdelay $0x1  }
0xa1: {  	s23 =	simm.s32 $0x1B8B  }
0xa2: {  	_ =	swait.ge [sflag:s23], $0x1  }
0xa3: {  	[sflag:s23] =	ssyncset.done $0x0  }
0xa4: {  	s25 =	simm.s32 $0x1B8E;
	s24 =	sld [smem:$0x3FFE];
	[sflag:s23] =	ssyncadd.s32 $0xFFFFFFFF  }
0xa5: {  	s26 =	simm.s32 $execute0_lowered;
	[smem:$0x3FD2] =	sst s25  }
0xa6: {  	s5 =	sshll.u32 s26, $0x1;
	_ =	strace $0x80000049;
	[dreg:$0x1] =	wrdreg $0xFFFFFFFF  }
0xa7: {  	s28 =	simm.s32 $_size_execute0_lowered;
	s3 =	sadd.s32 s3, s5;
	[dreg:$0x0] =	wrdreg $0x0  }
0xa8: {  	s5 =	sshll.u32 s28, $0x1;
	[dreg:$0x2] =	wrdreg s3  }
0xa9: {  	[dreg:$0x3] =	wrdreg s5  }
0xaa: {  	[dreg:$0x4] =	wrdreg $0xC0  }
0xab: {  	_ =	task [dreg:s7], $0x5FFFF  }
0xac: {  	[dreg:$0x1] =	wrdreg $0xFFFFFFFF  }
0xad: {  	[dreg:$0x0] =	wrdreg $0x60  }
0xae: {  	[dreg:$0x2] =	wrdreg s2  }
0xaf: {  	[dreg:$0x3] =	wrdreg s24  }
0xb0: {  	[dreg:$0x4] =	wrdreg $0xAE800  }
0xb1: {  	[dreg:$0x5] =	wrdreg $0x9  }
0xb2: {  	_ =	task.clear_ibuf [dreg:s7], $0x6FFFF;
	_ =	strace $0x90000049  }
0xb3: {  	s29 =	simm.s32 $0x9;
	_ =	strace $0x8000004B  }
0xb4: {  	_ =	swait.ge [sflag:s29], $0x1  }
0xb5: {  	[sflag:s29] =	ssyncadd.s32 $0xFFFFFFFF  }
0xb6: {  	_ =	strace $0x9000004B  }
0xb7: {  	_ =	sfence  }
0xb8: {  	s30 =	sld [smem:$0x0];
	_ =	sdelay $0x2  }
0xb9: {  	s31 =	sshll.u32 s1, $0xD;
	s1 =	sshrl.u32 s1, $0x2  }
0xba: {  	s3 =	sand.u32 $0x4000, s31;
	s1 =	sadd.s32 s1, s30  }
0xbb: {  	s0 =	sor.u32 s3, s0;
	s1 =	sshll.u32 s1, $0x11  }
0xbc: {  	s0 =	sor.u32 s1, s0  }
0xbd: {  	s0 =	sadd.s32 $0x8F2B, s0  }
0xbe: {  	[sflag:s0] =	ssyncadd.remote.s32 $0x1  }
0xbf: {  	_ =	sfence.sel $0xFFFF  }
0xc0: {  	[dreg:$0x0] =	wrdreg $0xFFFFFFFF;
	(pc) =	sbr.abs _section_cstart, $3  }
0xc1: {  	[dreg:$0x1] =	wrdreg $0xFFFFFFFF  }
0xc2: {  	_ =	task.clear_ibuf [dreg:s7], $0x2FFFF;
	_ =	strace $0x9FFFFFFF  }
0xc3: {  	(tm) =	ssettm $0x7FFFFFFF  }
tec
execute0_lowered:
.L_overlay_start_1:
0x0: {  	(tag) =	ssettag $0x1  }
0x1: {  	s1 =	rddreg [dreg:$0x0]  }
0x2: {  	s0 =	rddreg [dreg:$0x1]  }
0x3: {  	s2 =	rddreg [dreg:$0x2];
	s3 =	simm.s32 $0x0  }
0x4: {  	s6 =	srdreg.scid;
	s25 =	stileid.u32;
	s28 =	simm.s32 $0x1800  }
0x5: {  	s29 =	simm.s32 $0x1;
	s30 =	simm.s32 $0x80;
	s31 =	simm.s32 $0x3  }
0x6: {  	[smem:$0x7FF] =	sst s3;
	s5 =	sadd.s32 $0x82A00, s0;
	s4 =	sadd.s32 $0x8200, s0  }
0x7: {  	s11 =	sadd.s32 $0x3200, s0;
	s12 =	sand.u32 $0x1, s6;
	s8 =	smul.u32 $0x278, s25  }
0x8: {  	s13 =	sadd.s32 $0xA9C00, s0;
	s7 =	smul.u32 $0x4F000, s25;
	s14 =	sadd.s32 $0xD0E00, s0  }
0x9: {  	s18 =	smul.u32 $0x500, s25;
	p1 =	seq.s32 s25, $0xF;
	_ =	strace $0x8000004A  }
0xa: {  	s6 =	ssub.s32 $0x2, s12;
	p0 =	seq.s32 s12, $0x0;
	p3 =	sne.s32 @p1 s12, $0x0  }
0xb: {  	p5 =	sne.s32 @!p1 s12, $0x0;
	s12 =	simm.s32 $0x4;
	s9 =	sshrl.u32 s6, $0x1  }
0xc: {  	s15 =	sadd.s32 $0x80, s8;
	s20 =	sshrl.u32 s7, $0x2;
	s16 =	sadd.s32 $0x100, s8  }
0xd: {  	s17 =	sadd.s32 $0x180, s8;
	p2 =	por !p3, !p1;
	p3 =	por p3, !p1  }
0xe: {  	p4 =	por !p5, p1;
	p5 =	por p5, p1;
	s19 =	ssub.s32 s6, s9  }
0xf: {  	s21 =	sshll.u32 s15, $0x7;
	s6 =	sadd.s32 s20, s2;
	s22 =	sshll.u32 s16, $0x7  }
0x10: {  	s10 =	sshll.u32 s17, $0x7;
	s20 =	sadd.s32 $0x200, s8;
	s15 =	sshll.u32 s15, $0x4  }
0x11: {  	s7 =	sadd.s32 s21, s2;
	s21 =	smul.u32 $0x2800, s25;
	s8 =	sadd.s32 s22, s2  }
0x12: {  	s9 =	sadd.s32 s10, s2;
	s23 =	sshll.u32 s20, $0x7;
	s22 =	sadd.s32 s4, s18  }
0x13: {  	s18 =	sadd.s32 s11, s18;
	s19 =	smax.u32 s19, $0x1;
	[dreg:$0x4] =	wrdreg s22  }
0x14: {  	s10 =	sadd.s32 s23, s2;
	[dreg:$0x5] =	wrdreg s18;
	s22 =	sshll.u32 s20, $0x4  }
0x15: {  	s18 =	sshll.u32 s16, $0x4;
	s21 =	sshrl.u32 s21, $0x3;
	s16 =	sadd.s32 s13, s22  }
0x16: {  	s23 =	sshll.u32 s17, $0x4;
	s24 =	sadd.s32 $0x280, s21;
	[dreg:$0x9] =	wrdreg s16  }
0x17: {  	s4 =	sadd.s32 s4, s24;
	s26 =	sadd.s32 s11, s24;
	s11 =	smul.u32 $0x2780, s25  }
0x18: {  	s24 =	sadd.s32 s14, s22;
	s14 =	smov.u32 @p0 s13;
	[dreg:$0x6] =	wrdreg s4  }
0x19: {  	s25 =	simm.s32 $0x2C00;
	s13 =	simm.s32 $0x0;
	[dreg:$0x7] =	wrdreg s26  }
0x1a: {  	[dreg:$0x8] =	wrdreg s24;
	s26 =	sadd.s32 $0xF7E80, s0;
	s0 =	sadd.s32 $0xD0C80, s0  }
0x1b: {  	s21 =	sadd.s32 s14, s15;
	s22 =	sadd.s32 s14, s18;
	s23 =	sadd.s32 s14, s23  }
0x1c: {  	s24 =	smov.u32 s5;
	s4 =	simm.s32 $0x1880;
	[dreg:$0xa] =	wrdreg s26  }
0x1d: {  	[dreg:$0xb] =	wrdreg s0;
	s20 =	sadd.s32 s14, s11;
	s24 =	smov.u32 @p0 s1  }
0x1e: {  	v0 =	vimm.f32 $0.0e+00;
	s26 =	simm.s32 $0x5;
	s0 =	simm.s32 $0x2;
	s11 =	simm.s32 $0x6C00  }
.LBB2_1:
0x1f: {  	s14 =	simm.s32 $0x0;
	s15 =	simm.s32 $0x200  }
.LBB2_2:
0x20: {  	p6 =	sne.s32 s15, $0xFE00;
	[tilespmem:s14+$0x2C70] =	vst v0  }
0x21: {  	[tilespmem:s14+$0x2C00] =	vst v0  }
0x22: {  	[tilespmem:s14+$0x2C10] =	vst v0  }
.Ltmp0:
0x23: {  	[tilespmem:s14+$0x2C20] =	vst v0;
	(pc) =	sbr.rel @p6 .LBB2_2-.Ltmp0, $4  }
0x24: {  	[tilespmem:s14+$0x2C30] =	vst v0  }
0x25: {  	[tilespmem:s14+$0x2C40] =	vst v0  }
0x26: {  	[tilespmem:s14+$0x2C50] =	vst v0  }
0x27: {  	[tilespmem:s14+$0x2C60] =	vst v0;
	s14 =	sshra.s32 s15, $0x2;
	s15 =	sadd.s32 $0x200, s15  }
0x28: {  	[tilespmem:s14+$0x2C70] =	vst v0  }
0x29: {  	[tilespmem:s14+$0x2C00] =	vst v0  }
0x2a: {  	[tilespmem:s14+$0x2C10] =	vst v0  }
0x2b: {  	[tilespmem:s14+$0x2C20] =	vst v0  }
0x2c: {  	[tilespmem:s14+$0x2C30] =	vst v0  }
0x2d: {  	[tilespmem:s14+$0x2C40] =	vst v0  }
0x2e: {  	[tilespmem:s14+$0x2C50] =	vst v0  }
0x2f: {  	[tilespmem:s14+$0x2C60] =	vst v0  }
0x30: {  	[tilespmem:$0xAC00] =	vst v0  }
0x31: {  	[tilespmem:$0xAC10] =	vst v0  }
0x32: {  	[tilespmem:$0xAC20] =	vst v0  }
0x33: {  	[tilespmem:$0xAC30] =	vst v0  }
0x34: {  	[tilespmem:$0xAC40] =	vst v0  }
0x35: {  	[tilespmem:$0xAC50] =	vst v0  }
0x36: {  	[tilespmem:$0xAC60] =	vst v0  }
0x37: {  	[tilespmem:$0xAC70] =	vst v0  }
0x38: {  	[tilespmem:$0xAC80] =	vst v0  }
0x39: {  	[tilespmem:$0xAC90] =	vst v0  }
0x3a: {  	[tilespmem:$0xACA0] =	vst v0  }
0x3b: {  	[tilespmem:$0xACB0] =	vst v0  }
0x3c: {  	[tilespmem:$0xACC0] =	vst v0  }
0x3d: {  	[tilespmem:$0xACD0] =	vst v0  }
0x3e: {  	[tilespmem:$0xACE0] =	vst v0  }
0x3f: {  	[tilespmem:$0xACF0] =	vst v0  }
0x40: {  	[tilespmem:$0xAD00] =	vst v0  }
0x41: {  	[tilespmem:$0xAD10] =	vst v0  }
0x42: {  	[tilespmem:$0xAD20] =	vst v0  }
0x43: {  	[tilespmem:$0xAD30] =	vst v0  }
0x44: {  	[tilespmem:$0xAD40] =	vst v0  }
0x45: {  	[tilespmem:$0xAD50] =	vst v0  }
0x46: {  	[tilespmem:$0xAD60] =	vst v0  }
0x47: {  	[tilespmem:$0xAD70] =	vst v0  }
0x48: {  	[tilespmem:$0xAD80] =	vst v0  }
0x49: {  	[tilespmem:$0xAD90] =	vst v0  }
0x4a: {  	[tilespmem:$0xADA0] =	vst v0  }
0x4b: {  	[tilespmem:$0xADB0] =	vst v0  }
0x4c: {  	[tilespmem:$0xADC0] =	vst v0  }
0x4d: {  	[tilespmem:$0xADD0] =	vst v0  }
0x4e: {  	[tilespmem:$0xADE0] =	vst v0  }
0x4f: {  	[tilespmem:$0xADF0] =	vst v0  }
0x50: {  	[tilespmem:$0xAE00] =	vst v0  }
0x51: {  	[tilespmem:$0xAE10] =	vst v0  }
0x52: {  	[tilespmem:$0xAE20] =	vst v0  }
0x53: {  	[tilespmem:$0xAE30] =	vst v0  }
0x54: {  	[tilespmem:$0xAE40] =	vst v0  }
0x55: {  	[tilespmem:$0xAE50] =	vst v0  }
0x56: {  	[tilespmem:$0xAE60] =	vst v0  }
0x57: {  	[tilespmem:$0xAE70] =	vst v0  }
0x58: {  	[spmem:s6] =	stream.linear.scatter [tilespmem:s25], [sflag:$0x5], $0x4000, $0x38;
	[tilespmem:$0x1EA80] =	vst v63  }
0x59: {  	_ =	swait.ge [sflag:s26], $0x4000  }
0x5a: {  	[sflag:s26] =	ssyncset.done $0x0  }
0x5b: {  	[sflag:s26] =	ssyncadd.s32 $0xFFFFC000  }
0x5c: {  	[spmem:s7] =	stream.linear.scatter [tilespmem:s25], [sflag:$0x5], $0x4000, $0x38;
	[tilespmem:$0x1EA80] =	vst v63  }
0x5d: {  	_ =	swait.ge [sflag:s26], $0x4000  }
0x5e: {  	[sflag:s26] =	ssyncset.done $0x0  }
0x5f: {  	[sflag:s26] =	ssyncadd.s32 $0xFFFFC000  }
0x60: {  	[spmem:s8] =	stream.linear.scatter [tilespmem:s25], [sflag:$0x5], $0x4000, $0x38;
	[tilespmem:$0x1EA80] =	vst v63  }
0x61: {  	_ =	swait.ge [sflag:s26], $0x4000  }
0x62: {  	[sflag:s26] =	ssyncset.done $0x0  }
0x63: {  	[sflag:s26] =	ssyncadd.s32 $0xFFFFC000  }
0x64: {  	[spmem:s9] =	stream.linear.scatter [tilespmem:s25], [sflag:$0x5], $0x4000, $0x38;
	[tilespmem:$0x1EA80] =	vst v63  }
0x65: {  	_ =	swait.ge [sflag:s26], $0x4000  }
0x66: {  	[sflag:s26] =	ssyncset.done $0x0  }
0x67: {  	[sflag:s26] =	ssyncadd.s32 $0xFFFFC000  }
0x68: {  	[spmem:s10] =	stream.linear.scatter [tilespmem:s25], [sflag:$0x5], $0x3C00, $0x38;
	[tilespmem:$0x1EA80] =	vst v63  }
0x69: {  	_ =	swait.ge [sflag:s26], $0x3C00  }
0x6a: {  	[sflag:s26] =	ssyncset.done $0x0  }
0x6b: {  	[sflag:s26] =	ssyncadd.s32 $0xFFFFC400  }
0x6c: {  	[bflag:$0x0] =	sbarrier.arrive $0xFFFF  }
0x6d: {  	s18 =	rddreg [dreg:$0x4]  }
0x6e: {  	[tilespmem:s3], [sflag:$0x5] =	stream.linear.gather [hbm4b:s18+s3], $0x1800, $0x38;
	[tilespmem:$0x1EA80] =	vst v63  }
0x6f: {  	_ =	swait.ge [sflag:s26], $0x1800  }
0x70: {  	[sflag:s26] =	ssyncset.done $0x0  }
0x71: {  	s15 =	rddreg [dreg:$0x5];
	[sflag:s26] =	ssyncadd.s32 $0xFFFFE800  }
0x72: {  	[tilespmem:s28], [sflag:$0x5] =	stream.linear.gather [hbm4b:s15+s3], $0x1400, $0x38;
	[tilespmem:$0x1EA80] =	vst v63  }
0x73: {  	_ =	swait.ge [sflag:s26], $0x1400  }
0x74: {  	s14 =	simm.s32 @p0 $0x80;
	[sflag:s26] =	ssyncset.done $0x0  }
0x75: {  	s16 =	simm.s32 @p0 $0x2C00;
	s15 =	simm.s32 @p0 $0x0;
	[sflag:s26] =	ssyncadd.s32 $0xFFFFEC00  }
0x76: {  	[tilespmem:s16], [sflag:$0x1] =	stream.indirect.gather @p0 [hbm4b:s1+s14], $0x80, s15, s14, $0xb8;
	[tilespmem:$0x1EA80] =	vst v63  }
0x77: {  	s15 =	simm.s32 @p0 $0x6C00  }
0x78: {  	[tilespmem:s15], [sflag:$0x2] =	stream.indirect.gather @p0 [hbm4b:s1+s14], $0x80, s14, s14, $0xb8;
	[tilespmem:$0x1EA80] =	vst v63  }
0x79: {  	s17 =	simm.s32 @!p0 $0x0;
	s18 =	simm.s32 @!p0 $0x2C00;
	s15 =	simm.s32 @!p0 $0x80  }
0x7a: {  	[tilespmem:s18], [sflag:$0x1] =	stream.indirect.gather @!p0 [hbm4b:s5+s15], $0x80, s17, s15, $0xb8;
	[tilespmem:$0x1EA80] =	vst v63  }
0x7b: {  	s17 =	simm.s32 @!p0 $0x6C00  }
0x7c: {  	[tilespmem:s17], [sflag:$0x2] =	stream.indirect.gather @!p0 [hbm4b:s5+s15], $0x80, s15, s15, $0xb8;
	[tilespmem:$0x1EA80] =	vst v63  }
0x7d: {  	_ =	swait.ge [sflag:s29], $0x4000  }
0x7e: {  	[sflag:s29] =	ssyncset.done $0x0  }
0x7f: {  	[sflag:s29] =	ssyncadd.s32 $0xFFFFC000  }
0x80: {  	[spmem:s2] =	stream.indirect.scatter.add.f32 [tilespmem:s25], [sflag:$0x3], $0x80, s28, s30, $0xb8;
	[tilespmem:$0x1EA80] =	vst v63  }
0x81: {  	_ =	swait.ge [sflag:s31], $0x4000  }
0x82: {  	[sflag:s31] =	ssyncset.done $0x0  }
0x83: {  	s17 =	simm.s32 @p0 $0x100;
	[sflag:s31] =	ssyncadd.s32 $0xFFFFC000  }
0x84: {  	[tilespmem:s16], [sflag:$0x1] =	stream.indirect.gather @p0 [hbm4b:s1+s14], $0x80, s17, s14, $0xb8;
	[tilespmem:$0x1EA80] =	vst v63  }
0x85: {  	s14 =	simm.s32 @!p0 $0x100  }
0x86: {  	[tilespmem:s18], [sflag:$0x1] =	stream.indirect.gather @!p0 [hbm4b:s5+s15], $0x80, s14, s15, $0xb8;
	[tilespmem:$0x1EA80] =	vst v63  }
0x87: {  	_ =	swait.ge [sflag:s0], $0x4000  }
0x88: {  	[sflag:s0] =	ssyncset.done $0x0  }
0x89: {  	[sflag:s0] =	ssyncadd.s32 $0xFFFFC000  }
0x8a: {  	[spmem:s2] =	stream.indirect.scatter.add.f32 [tilespmem:s11], [sflag:$0x4], $0x80, s4, s30, $0xb8;
	[tilespmem:$0x1EA80] =	vst v63  }
0x8b: {  	_ =	swait.ge [sflag:s12], $0x4000  }
0x8c: {  	[sflag:s12] =	ssyncset.done $0x0  }
0x8d: {  	s16 =	simm.s32 $0x180;
	[sflag:s12] =	ssyncadd.s32 $0xFFFFC000  }
0x8e: {  	[tilespmem:s11], [sflag:$0x2] =	stream.indirect.gather [hbm4b:s24+s30], $0x80, s16, s30, $0xb8;
	[tilespmem:$0x1EA80] =	vst v63  }
0x8f: {  	_ =	swait.ge [sflag:s29], $0x4000  }
0x90: {  	[sflag:s29] =	ssyncset.done $0x0  }
0x91: {  	s17 =	simm.s32 $0x1900;
	[sflag:s29] =	ssyncadd.s32 $0xFFFFC000  }
0x92: {  	[spmem:s2] =	stream.indirect.scatter.add.f32 [tilespmem:s25], [sflag:$0x3], $0x80, s17, s30, $0xb8;
	[tilespmem:$0x1EA80] =	vst v63  }
0x93: {  	_ =	swait.ge [sflag:s31], $0x4000  }
0x94: {  	[sflag:s31] =	ssyncset.done $0x0  }
0x95: {  	s18 =	simm.s32 $0x200;
	[sflag:s31] =	ssyncadd.s32 $0xFFFFC000  }
0x96: {  	[tilespmem:s25], [sflag:$0x1] =	stream.indirect.gather [hbm4b:s24+s30], $0x80, s18, s30, $0xb8;
	[tilespmem:$0x1EA80] =	vst v63  }
0x97: {  	_ =	swait.ge [sflag:s0], $0x4000  }
0x98: {  	[sflag:s0] =	ssyncset.done $0x0  }
0x99: {  	s14 =	simm.s32 $0xFFFFB800;
	s15 =	simm.s32 $0x1980;
	[sflag:s0] =	ssyncadd.s32 $0xFFFFC000  }
.LBB2_4:
0x9a: {  	[spmem:s2] =	stream.indirect.scatter.add.f32 [tilespmem:s11], [sflag:$0x4], $0x80, s15, s30, $0xb8;
	[tilespmem:$0x1EA80] =	vst v63  }
0x9b: {  	s15 =	smov.u32 s14  }
0x9c: {  	p6 =	sne.s32 s14, $0xFFFFFC00;
	s14 =	sadd.s32 $0x400, s14;
	_ =	swait.ge [sflag:s12], $0x4000  }
0x9d: {  	s15 =	sshra.s32 s15, $0x2;
	[sflag:s12] =	ssyncset.done $0x0  }
0x9e: {  	s16 =	sadd.s32 $0x1480, s15;
	[sflag:s12] =	ssyncadd.s32 $0xFFFFC000  }
0x9f: {  	[tilespmem:s11], [sflag:$0x2] =	stream.indirect.gather [hbm4b:s24+s30], $0x80, s16, s30, $0xb8;
	[tilespmem:$0x1EA80] =	vst v63  }
0xa0: {  	_ =	swait.ge [sflag:s29], $0x4000  }
0xa1: {  	[sflag:s29] =	ssyncset.done $0x0  }
0xa2: {  	s16 =	sadd.s32 $0x2C00, s15;
	[sflag:s29] =	ssyncadd.s32 $0xFFFFC000  }
0xa3: {  	[spmem:s2] =	stream.indirect.scatter.add.f32 [tilespmem:s25], [sflag:$0x3], $0x80, s16, s30, $0xb8;
	[tilespmem:$0x1EA80] =	vst v63  }
0xa4: {  	_ =	swait.ge [sflag:s31], $0x4000  }
0xa5: {  	[sflag:s31] =	ssyncset.done $0x0  }
.Ltmp1:
0xa6: {  	s16 =	sadd.s32 $0x1500, s15;
	[sflag:s31] =	ssyncadd.s32 $0xFFFFC000;
	(pc) =	sbr.rel @p6 .LBB2_4-.Ltmp1, $4  }
0xa7: {  	[tilespmem:s25], [sflag:$0x1] =	stream.indirect.gather [hbm4b:s24+s30], $0x80, s16, s30, $0xb8;
	[tilespmem:$0x1EA80] =	vst v63  }
0xa8: {  	_ =	swait.ge [sflag:s0], $0x4000  }
0xa9: {  	[sflag:s0] =	ssyncset.done $0x0  }
0xaa: {  	s15 =	sadd.s32 $0x2C80, s15;
	[sflag:s0] =	ssyncadd.s32 $0xFFFFC000  }
0xab: {  	[spmem:s2] =	stream.indirect.scatter.add.f32 [tilespmem:s11], [sflag:$0x4], $0x80, s15, s30, $0xb8;
	[tilespmem:$0x1EA80] =	vst v63  }
0xac: {  	_ =	swait.ge [sflag:s29], $0x4000  }
0xad: {  	[sflag:s29] =	ssyncset.done $0x0  }
0xae: {  	[sflag:s29] =	ssyncadd.s32 $0xFFFFC000  }
0xaf: {  	_ =	swait.ge [sflag:s12], $0x4000  }
0xb0: {  	[sflag:s12] =	ssyncset.done $0x0  }
0xb1: {  	s14 =	rddreg [dreg:$0x6];
	[sflag:s12] =	ssyncadd.s32 $0xFFFFC000  }
0xb2: {  	[tilespmem:s3], [sflag:$0x5] =	stream.linear.gather [hbm4b:s14+s3], $0x1800, $0x38;
	[tilespmem:$0x1EA80] =	vst v63  }
0xb3: {  	_ =	swait.ge [sflag:s26], $0x1800  }
0xb4: {  	[sflag:s26] =	ssyncset.done $0x0  }
0xb5: {  	s15 =	rddreg [dreg:$0x7];
	[sflag:s26] =	ssyncadd.s32 $0xFFFFE800  }
0xb6: {  	[tilespmem:s28], [sflag:$0x5] =	stream.linear.gather [hbm4b:s15+s3], $0x1400, $0x38;
	[tilespmem:$0x1EA80] =	vst v63  }
0xb7: {  	_ =	swait.ge [sflag:s26], $0x1400  }
0xb8: {  	s16 =	simm.s32 @p0 $0x2C00;
	[sflag:s26] =	ssyncset.done $0x0  }
0xb9: {  	s14 =	simm.s32 @p0 $0x80;
	s15 =	simm.s32 @p0 $0x0;
	[sflag:s26] =	ssyncadd.s32 $0xFFFFEC00  }
0xba: {  	[tilespmem:s16], [sflag:$0x1] =	stream.indirect.gather @p0 [hbm4b:s1+s14], $0x80, s15, s14, $0xb8;
	[tilespmem:$0x1EA80] =	vst v63  }
0xbb: {  	s15 =	simm.s32 @p0 $0x6C00  }
0xbc: {  	[tilespmem:s15], [sflag:$0x2] =	stream.indirect.gather @p0 [hbm4b:s1+s14], $0x80, s14, s14, $0xb8;
	[tilespmem:$0x1EA80] =	vst v63  }
0xbd: {  	s17 =	simm.s32 @!p0 $0x0;
	s18 =	simm.s32 @!p0 $0x2C00;
	s15 =	simm.s32 @!p0 $0x80  }
0xbe: {  	[tilespmem:s18], [sflag:$0x1] =	stream.indirect.gather @!p0 [hbm4b:s5+s15], $0x80, s17, s15, $0xb8;
	[tilespmem:$0x1EA80] =	vst v63  }
0xbf: {  	s17 =	simm.s32 @!p0 $0x6C00  }
0xc0: {  	[tilespmem:s17], [sflag:$0x2] =	stream.indirect.gather @!p0 [hbm4b:s5+s15], $0x80, s15, s15, $0xb8;
	[tilespmem:$0x1EA80] =	vst v63  }
0xc1: {  	_ =	swait.ge [sflag:s29], $0x4000  }
0xc2: {  	[sflag:s29] =	ssyncset.done $0x0  }
0xc3: {  	[sflag:s29] =	ssyncadd.s32 $0xFFFFC000  }
0xc4: {  	[spmem:s2] =	stream.indirect.scatter.add.f32 [tilespmem:s25], [sflag:$0x3], $0x80, s28, s30, $0xb8;
	[tilespmem:$0x1EA80] =	vst v63  }
0xc5: {  	_ =	swait.ge [sflag:s31], $0x4000  }
0xc6: {  	[sflag:s31] =	ssyncset.done $0x0  }
0xc7: {  	s17 =	simm.s32 @p0 $0x100;
	[sflag:s31] =	ssyncadd.s32 $0xFFFFC000  }
0xc8: {  	[tilespmem:s16], [sflag:$0x1] =	stream.indirect.gather @p0 [hbm4b:s1+s14], $0x80, s17, s14, $0xb8;
	[tilespmem:$0x1EA80] =	vst v63  }
0xc9: {  	s14 =	simm.s32 @!p0 $0x100  }
0xca: {  	[tilespmem:s18], [sflag:$0x1] =	stream.indirect.gather @!p0 [hbm4b:s5+s15], $0x80, s14, s15, $0xb8;
	[tilespmem:$0x1EA80] =	vst v63  }
0xcb: {  	_ =	swait.ge [sflag:s0], $0x4000  }
0xcc: {  	[sflag:s0] =	ssyncset.done $0x0  }
0xcd: {  	[sflag:s0] =	ssyncadd.s32 $0xFFFFC000  }
0xce: {  	[spmem:s2] =	stream.indirect.scatter.add.f32 [tilespmem:s11], [sflag:$0x4], $0x80, s4, s30, $0xb8;
	[tilespmem:$0x1EA80] =	vst v63  }
0xcf: {  	_ =	swait.ge [sflag:s12], $0x4000  }
0xd0: {  	[sflag:s12] =	ssyncset.done $0x0  }
0xd1: {  	s16 =	simm.s32 $0x180;
	[sflag:s12] =	ssyncadd.s32 $0xFFFFC000  }
0xd2: {  	[tilespmem:s11], [sflag:$0x2] =	stream.indirect.gather [hbm4b:s24+s30], $0x80, s16, s30, $0xb8;
	[tilespmem:$0x1EA80] =	vst v63  }
0xd3: {  	_ =	swait.ge [sflag:s29], $0x4000  }
0xd4: {  	[sflag:s29] =	ssyncset.done $0x0  }
0xd5: {  	s17 =	simm.s32 $0x1900;
	[sflag:s29] =	ssyncadd.s32 $0xFFFFC000  }
0xd6: {  	[spmem:s2] =	stream.indirect.scatter.add.f32 [tilespmem:s25], [sflag:$0x3], $0x80, s17, s30, $0xb8;
	[tilespmem:$0x1EA80] =	vst v63  }
0xd7: {  	_ =	swait.ge [sflag:s31], $0x4000  }
0xd8: {  	[sflag:s31] =	ssyncset.done $0x0  }
0xd9: {  	s18 =	simm.s32 $0x200;
	[sflag:s31] =	ssyncadd.s32 $0xFFFFC000  }
0xda: {  	[tilespmem:s25], [sflag:$0x1] =	stream.indirect.gather [hbm4b:s24+s30], $0x80, s18, s30, $0xb8;
	[tilespmem:$0x1EA80] =	vst v63  }
0xdb: {  	_ =	swait.ge [sflag:s0], $0x4000  }
0xdc: {  	[sflag:s0] =	ssyncset.done $0x0  }
0xdd: {  	s14 =	simm.s32 $0xFFFFB800;
	s15 =	simm.s32 $0x1980;
	[sflag:s0] =	ssyncadd.s32 $0xFFFFC000  }
.LBB2_6:
0xde: {  	[spmem:s2] =	stream.indirect.scatter.add.f32 [tilespmem:s11], [sflag:$0x4], $0x80, s15, s30, $0xb8;
	[tilespmem:$0x1EA80] =	vst v63  }
0xdf: {  	s15 =	smov.u32 s14  }
0xe0: {  	p6 =	sne.s32 s14, $0xFFFFFC00;
	s14 =	sadd.s32 $0x400, s14;
	_ =	swait.ge [sflag:s12], $0x4000  }
0xe1: {  	s15 =	sshra.s32 s15, $0x2;
	[sflag:s12] =	ssyncset.done $0x0  }
0xe2: {  	s16 =	sadd.s32 $0x1480, s15;
	[sflag:s12] =	ssyncadd.s32 $0xFFFFC000  }
0xe3: {  	[tilespmem:s11], [sflag:$0x2] =	stream.indirect.gather [hbm4b:s24+s30], $0x80, s16, s30, $0xb8;
	[tilespmem:$0x1EA80] =	vst v63  }
0xe4: {  	_ =	swait.ge [sflag:s29], $0x4000  }
0xe5: {  	[sflag:s29] =	ssyncset.done $0x0  }
0xe6: {  	s16 =	sadd.s32 $0x2C00, s15;
	[sflag:s29] =	ssyncadd.s32 $0xFFFFC000  }
0xe7: {  	[spmem:s2] =	stream.indirect.scatter.add.f32 [tilespmem:s25], [sflag:$0x3], $0x80, s16, s30, $0xb8;
	[tilespmem:$0x1EA80] =	vst v63  }
0xe8: {  	_ =	swait.ge [sflag:s31], $0x4000  }
0xe9: {  	[sflag:s31] =	ssyncset.done $0x0  }
.Ltmp2:
0xea: {  	s16 =	sadd.s32 $0x1500, s15;
	[sflag:s31] =	ssyncadd.s32 $0xFFFFC000;
	(pc) =	sbr.rel @p6 .LBB2_6-.Ltmp2, $4  }
0xeb: {  	[tilespmem:s25], [sflag:$0x1] =	stream.indirect.gather [hbm4b:s24+s30], $0x80, s16, s30, $0xb8;
	[tilespmem:$0x1EA80] =	vst v63  }
0xec: {  	_ =	swait.ge [sflag:s0], $0x4000  }
0xed: {  	[sflag:s0] =	ssyncset.done $0x0  }
0xee: {  	s15 =	sadd.s32 $0x2C80, s15;
	[sflag:s0] =	ssyncadd.s32 $0xFFFFC000  }
0xef: {  	[spmem:s2] =	stream.indirect.scatter.add.f32 [tilespmem:s11], [sflag:$0x4], $0x80, s15, s30, $0xb8;
	[tilespmem:$0x1EA80] =	vst v63  }
0xf0: {  	_ =	swait.ge [sflag:s29], $0x4000  }
0xf1: {  	[sflag:s29] =	ssyncset.done $0x0  }
0xf2: {  	[sflag:s29] =	ssyncadd.s32 $0xFFFFC000  }
0xf3: {  	_ =	swait.ge [sflag:s12], $0x4000  }
0xf4: {  	[sflag:s12] =	ssyncset.done $0x0  }
0xf5: {  	[sflag:s12] =	ssyncadd.s32 $0xFFFFC000  }
0xf6: {  	[bflag:$0x0] =	sbarrier.arrive $0xFFFF  }
0xf7: {  	[tilespmem:s25], [sflag:$0x5] =	stream.linear.gather [spmem:s6], $0x4000, $0x38;
	[tilespmem:$0x1EA80] =	vst v63  }
0xf8: {  	_ =	swait.ge [sflag:s26], $0x4000  }
0xf9: {  	[sflag:s26] =	ssyncset.done $0x0  }
0xfa: {  	[sflag:s26] =	ssyncadd.s32 $0xFFFFC000  }
0xfb: {  	[hbm4b:s20+s3] =	stream.linear.scatter [tilespmem:s25], [sflag:$0x5], $0x4000, $0x38;
	[tilespmem:$0x1EA80] =	vst v63  }
0xfc: {  	_ =	swait.ge [sflag:s26], $0x4000  }
0xfd: {  	[sflag:s26] =	ssyncset.done $0x0  }
0xfe: {  	[sflag:s26] =	ssyncadd.s32 $0xFFFFC000  }
0xff: {  	[tilespmem:s25], [sflag:$0x5] =	stream.linear.gather [spmem:s7], $0x4000, $0x38;
	[tilespmem:$0x1EA80] =	vst v63  }
0x100: {  	_ =	swait.ge [sflag:s26], $0x4000  }
0x101: {  	[sflag:s26] =	ssyncset.done $0x0  }
0x102: {  	[sflag:s26] =	ssyncadd.s32 $0xFFFFC000  }
0x103: {  	[hbm4b:s21+s3] =	stream.linear.scatter [tilespmem:s25], [sflag:$0x5], $0x4000, $0x38;
	[tilespmem:$0x1EA80] =	vst v63  }
0x104: {  	_ =	swait.ge [sflag:s26], $0x4000  }
0x105: {  	[sflag:s26] =	ssyncset.done $0x0  }
0x106: {  	[sflag:s26] =	ssyncadd.s32 $0xFFFFC000  }
0x107: {  	[tilespmem:s25], [sflag:$0x5] =	stream.linear.gather [spmem:s8], $0x4000, $0x38;
	[tilespmem:$0x1EA80] =	vst v63  }
0x108: {  	_ =	swait.ge [sflag:s26], $0x4000  }
0x109: {  	[sflag:s26] =	ssyncset.done $0x0  }
0x10a: {  	[sflag:s26] =	ssyncadd.s32 $0xFFFFC000  }
0x10b: {  	[hbm4b:s22+s3] =	stream.linear.scatter [tilespmem:s25], [sflag:$0x5], $0x4000, $0x38;
	[tilespmem:$0x1EA80] =	vst v63  }
0x10c: {  	_ =	swait.ge [sflag:s26], $0x4000  }
0x10d: {  	[sflag:s26] =	ssyncset.done $0x0  }
0x10e: {  	[sflag:s26] =	ssyncadd.s32 $0xFFFFC000  }
0x10f: {  	[tilespmem:s25], [sflag:$0x5] =	stream.linear.gather [spmem:s9], $0x4000, $0x38;
	[tilespmem:$0x1EA80] =	vst v63  }
0x110: {  	_ =	swait.ge [sflag:s26], $0x4000  }
0x111: {  	[sflag:s26] =	ssyncset.done $0x0  }
0x112: {  	[sflag:s26] =	ssyncadd.s32 $0xFFFFC000  }
0x113: {  	[hbm4b:s23+s3] =	stream.linear.scatter [tilespmem:s25], [sflag:$0x5], $0x4000, $0x38;
	[tilespmem:$0x1EA80] =	vst v63  }
0x114: {  	_ =	swait.ge [sflag:s26], $0x4000  }
0x115: {  	[sflag:s26] =	ssyncset.done $0x0  }
0x116: {  	s14 =	simm.s32 @p1 $0x2C00;
	[sflag:s26] =	ssyncadd.s32 $0xFFFFC000  }
0x117: {  	[tilespmem:s14], [sflag:$0x5] =	stream.linear.gather @p1 [spmem:s10], $0x400, $0x38;
	[tilespmem:$0x1EA80] =	vst v63  }
0x118: {  	s14 =	simm.s32 @p1 $0x5  }
0x119: {  	_ =	swait.ge @p1 [sflag:s14], $0x400  }
0x11a: {  	s15 =	simm.s32 @!p2 $0x2C00;
	[sflag:s14] =	ssyncset.done @p1 $0x0  }
0x11b: {  	s16 =	rddreg [dreg:$0xa];
	[sflag:s14] =	ssyncadd.s32 @p1 $0xFFFFFC00;
	s14 =	simm.s32 @!p2 $0x0  }
0x11c: {  	[hbm4b:s16+s14] =	stream.linear.scatter @!p2 [tilespmem:s15], [sflag:$0x5], $0x400, $0x38;
	[tilespmem:$0x1EA80] =	vst v63  }
0x11d: {  	s14 =	simm.s32 @!p2 $0x5  }
0x11e: {  	_ =	swait.ge @!p2 [sflag:s14], $0x400  }
0x11f: {  	s15 =	simm.s32 @!p3 $0x2C00;
	[sflag:s14] =	ssyncset.done @!p2 $0x0  }
0x120: {  	s16 =	rddreg [dreg:$0xb];
	[sflag:s14] =	ssyncadd.s32 @!p2 $0xFFFFFC00;
	s14 =	simm.s32 @!p3 $0x0  }
0x121: {  	[hbm4b:s16+s14] =	stream.linear.scatter @!p3 [tilespmem:s15], [sflag:$0x5], $0x400, $0x38;
	[tilespmem:$0x1EA80] =	vst v63  }
0x122: {  	s14 =	simm.s32 @!p3 $0x5  }
0x123: {  	_ =	swait.ge @!p3 [sflag:s14], $0x400  }
0x124: {  	[sflag:s14] =	ssyncset.done @!p3 $0x0  }
0x125: {  	[sflag:s14] =	ssyncadd.s32 @!p3 $0xFFFFFC00;
	s14 =	simm.s32 @!p1 $0x2C00  }
0x126: {  	[tilespmem:s14], [sflag:$0x5] =	stream.linear.gather @!p1 [spmem:s10], $0x3C00, $0x38;
	[tilespmem:$0x1EA80] =	vst v63  }
0x127: {  	s14 =	simm.s32 @!p1 $0x5  }
0x128: {  	_ =	swait.ge @!p1 [sflag:s14], $0x3C00  }
0x129: {  	s15 =	simm.s32 @!p4 $0x2C00;
	[sflag:s14] =	ssyncset.done @!p1 $0x0  }
0x12a: {  	s16 =	rddreg [dreg:$0x8];
	[sflag:s14] =	ssyncadd.s32 @!p1 $0xFFFFC400;
	s14 =	simm.s32 @!p4 $0x0  }
0x12b: {  	[hbm4b:s16+s14] =	stream.linear.scatter @!p4 [tilespmem:s15], [sflag:$0x5], $0x3C00, $0x38;
	[tilespmem:$0x1EA80] =	vst v63  }
0x12c: {  	s14 =	simm.s32 @!p4 $0x5  }
0x12d: {  	s13 =	sadd.s32 $0x1, s13;
	_ =	swait.ge @!p4 [sflag:s14], $0x3C00  }
0x12e: {  	p6 =	sne.s32 s13, s19;
	s15 =	simm.s32 @!p5 $0x2C00;
	[sflag:s14] =	ssyncset.done @!p4 $0x0  }
0x12f: {  	s16 =	rddreg [dreg:$0x9];
	[sflag:s14] =	ssyncadd.s32 @!p4 $0xFFFFC400;
	s14 =	simm.s32 @!p5 $0x0  }
0x130: {  	[hbm4b:s16+s14] =	stream.linear.scatter @!p5 [tilespmem:s15], [sflag:$0x5], $0x3C00, $0x38;
	[tilespmem:$0x1EA80] =	vst v63  }
.Ltmp3:
0x131: {  	_ = 	snop;
	(pc) =	sbr.rel @p6 .LBB2_1-.Ltmp3, $4  }
0x132: {  	s14 =	simm.s32 @!p5 $0x5  }
0x133: {  	_ =	swait.ge @!p5 [sflag:s14], $0x3C00  }
0x134: {  	[sflag:s14] =	ssyncset.done @!p5 $0x0  }
0x135: {  	[sflag:s14] =	ssyncadd.s32 @!p5 $0xFFFFC400  }
0x136: {  	_ =	sfence.sel $0x180000  }
0x137: {  	[bflag:$0x0] =	sbarrier.arrive $0xFFFF  }
0x138: {  	_ =	strace $0x9000004A  }
0x139: {  	s0 =	stileid.u32;
	[bflag:$0x2] =	sbarrier.arrive $0xFFFF  }
0x13a: {  	p0 =	sne.s32 s0, $0x0;
	s0 =	rddreg [dreg:$0x3]  }
0x13b: {  	s0 =	sadd.s32 @!p0 $0x100000, s0  }
0x13c: {  	[sflag:s0] =	ssyncadd.tile.s32 @!p0 $0x1;
	_ =	shalt  }
.Lfunc_end2:
_tile_overlayer_lowered:
.L_overlay_start_2:
0x13d: {  	(tag) =	ssettag $0x2  }
0x13e: {  	s0 =	rddreg [dreg:$0x0];
	s2 =	stileid.u32  }
0x13f: {  	s1 =	rddreg [dreg:$0x1];
	p0 =	sne.s32 s2, $0x0  }
0x140: {  	s3 =	rddreg [dreg:$0x2];
	[bflag:$0x3] =	sbarrier.arrive $0xFFFF;
	s2 =	simm.s32 @!p0 $0x1C05  }
0x141: {  	[timem:s3], [sflag:s2] =	dma.local @!p0 [hbm:s0], s1  }
0x142: {  	s0 =	simm.s32 @!p0 $0x5  }
0x143: {  	_ =	swait.ge @!p0 [sflag:s0], s1  }
0x144: {  	s1 =	ssub.s32 @!p0 $0x0, s1;
	[sflag:s0] =	ssyncset.done @!p0 $0x0  }
0x145: {  	[sflag:s0] =	ssyncadd.s32 @!p0 s1  }
0x146: {  	[bflag:$0x3] =	sbarrier.arrive $0xFFFF  }
0x147: {  	_ =	shalt  }

// kernel: kernel.7.cloned.1.call-start
scs
__scs_entry_jumppad:
0x0: {  	(pc) =	sbr.rel $0x88, $3  }
0x1: {  	(tag) =	ssettag $0x0;
	lr =	simm.s32 $0x1  }
0x2: {  	[smem:$0x3F99] =	sst lr;
	_ =	strace $0xD0000000  }
0x3: {  	_ = 	snop  }
0x4: {  	_ = 	snop  }
0x5: {  	_ = 	snop  }
0x6: {  	_ = 	snop  }
0x7: {  	_ = 	snop  }
__scs_overlays_trampoline_lowered:
0x8: {  	[smem:$0x3FA8] =	sst s0  }
0x9: {  	[smem:$0x3FA9] =	sst s1  }
0xa: {  	[smem:$0x3FAA] =	sst s2  }
0xb: {  	[smem:$0x3FAB] =	sst s3  }
0xc: {  	[smem:$0x3FAC] =	sst s4  }
0xd: {  	[smem:$0x3FAD] =	sst s5  }
0xe: {  	[smem:$0x3FAE] =	sst s6  }
0xf: {  	[smem:$0x3FAF] =	sst s7  }
0x10: {  	[smem:$0x3FB0] =	sst s8  }
0x11: {  	[smem:$0x3FB1] =	sst s9;
	s0 =	simm.s32 @!p0 $0x0  }
0x12: {  	s1 =	sld [smem:$0x3F97];
	s0 =	simm.s32 @p0 $0x1  }
0x13: {  	[smem:$0x3FB2] =	sst s0;
	s0 =	simm.s32 @!p1 $0x0  }
0x14: {  	s2 =	sld [smem:$0x3F96];
	s0 =	simm.s32 @p1 $0x1  }
0x15: {  	[smem:$0x3FB3] =	sst s0;
	s0 =	simm.s32 @!p2 $0x0  }
0x16: {  	s3 =	sld [smem:$0x3FDB];
	s0 =	simm.s32 @p2 $0x1  }
0x17: {  	s4 =	simm.s32 $0x1BF5;
	[smem:$0x3FB5] =	sst s0  }
0x18: {  	s0 =	sld [smem:$0x3F98];
	_ =	swait.ge [sflag:s4], $0x0  }
0x19: {  	s7 =	sld [smem:$0x3F99]  }
0x1a: {  	s8 =	sadd.s32 $0xFFFFE003, lr  }
0x1b: {  	s9 =	sadd.s32 $0xFFFFFEF7, lr;
	s5 =	simm.s32 $0xFFFFFFFF;
	p2 =	slt.u32 s8, $0xFFFFF086  }
0x1c: {  	p1 =	slt.u32 s9, $0xF7A;
	s5 =	simm.s32 @!p2 $0x0  }
0x1d: {  	s5 =	simm.s32 @p1 $0x1;
	p0 =	seq.s32 s7, s2  }
0x1e: {  	s7 =	smul.u32 @!p0 $0xF7A, s2;
	p2 =	seq.s32 @!p0 s5, $0x0  }
0x1f: {  	s9 =	smul.u32 $0xF7A, s1;
	s8 =	simm.s32 @!p0 $0x1BF5;
	p2 =	por !p2, p0  }
0x20: {  	[sflag:s8] =	ssyncset.s32 @!p0 $0xFFFFF086;
	s6 =	sadd.s32 @!p0 s3, s7;
	s7 =	simm.s32 @!p0 $0x108  }
0x21: {  	s3 =	sadd.s32 s3, s9;
	s6 =	sadd.s32 @!p0 $0x88, s6;
	s7 =	simm.s32 @p2 $0x1082  }
0x22: {  	[simem:s7], [sflag:s8] =	dma.local @!p0 [hbm:s6], $0xF7A  }
0x23: {  	s9 =	sor.u32 $0xD0000000, s2;
	s6 =	simm.s32 $0x108;
	_ =	swait.ge @!p0 [sflag:s8], $0x0  }
0x24: {  	s3 =	sadd.s32 $0x88, s3;
	s6 =	simm.s32 @!p1 $0x1082;
	[sflag:s4] =	ssyncset.s32 $0xFFFFF086  }
0x25: {  	[simem:s6], [sflag:s4] =	dma.local [hbm:s3], $0xF7A  }
0x26: {  	[smem:$0x3F99] =	sst s1;
	(tag) =	ssettag s2;
	_ =	strace s9  }
0x27: {  	s1 =	sld [smem:$0x3FA9]  }
0x28: {  	s2 =	sld [smem:$0x3FAA]  }
0x29: {  	s4 =	sld [smem:$0x3FAC]  }
0x2a: {  	p0 =	seq.s32 s5, $0x0;
	s5 =	sld [smem:$0x3FAD]  }
0x2b: {  	s6 =	sld [smem:$0x3FAE]  }
0x2c: {  	s7 =	sld [smem:$0x3FAF]  }
0x2d: {  	s3 =	simm.s32 $0x108;
	s8 =	sld [smem:$0x3FB0]  }
0x2e: {  	s3 =	simm.s32 @!p0 $0x1082;
	s9 =	sld [smem:$0x3FB1]  }
0x2f: {  	lr =	sadd.s32 s0, s3;
	s0 =	sld [smem:$0x3FA8]  }
0x30: {  	s3 =	sld [smem:$0x3FAB]  }
0x31: {  	[smem:$0x3FB4] =	sst s10  }
0x32: {  	s10 =	sld [smem:$0x3FB2];
	_ =	sdelay $0x3  }
0x33: {  	p0 =	seq.s32 s10, $0x1;
	s10 =	sld [smem:$0x3FB4];
	_ =	sdelay $0x3  }
0x34: {  	[smem:$0x3FB4] =	sst s10  }
0x35: {  	s10 =	sld [smem:$0x3FB3];
	_ =	sdelay $0x3  }
0x36: {  	p1 =	seq.s32 s10, $0x1;
	s10 =	sld [smem:$0x3FB4];
	_ =	sdelay $0x3  }
0x37: {  	[smem:$0x3FB4] =	sst s10  }
0x38: {  	s10 =	sld [smem:$0x3FB5]  }
0x39: {  	_ = 	snop;
	(pc) =	sbr.ind lr, $3  }
0x3a: {  	_ = 	snop  }
0x3b: {  	_ = 	snop  }
0x3c: {  	p2 =	seq.s32 s10, $0x1;
	s10 =	sld [smem:$0x3FB4]  }
0x3d: {  	_ =	shalt  }
0x3e: {  	_ =	shalt  }
0x3f: {  	_ =	shalt  }
0x40: {  	_ =	shalt  }
0x41: {  	_ =	shalt  }
0x42: {  	_ =	shalt  }
0x43: {  	_ =	shalt  }
0x44: {  	_ =	shalt  }
0x45: {  	_ =	shalt  }
0x46: {  	_ =	shalt  }
0x47: {  	_ =	shalt  }
0x48: {  	_ =	shalt  }
0x49: {  	_ =	shalt  }
0x4a: {  	_ =	shalt  }
0x4b: {  	_ =	shalt  }
0x4c: {  	_ =	shalt  }
0x4d: {  	_ =	shalt  }
0x4e: {  	_ =	shalt  }
0x4f: {  	_ =	shalt  }
0x50: {  	_ =	shalt  }
0x51: {  	_ =	shalt  }
0x52: {  	_ =	shalt  }
0x53: {  	_ =	shalt  }
0x54: {  	_ =	shalt  }
0x55: {  	_ =	shalt  }
0x56: {  	_ =	shalt  }
0x57: {  	_ =	shalt  }
0x58: {  	_ =	shalt  }
0x59: {  	_ =	shalt  }
0x5a: {  	_ =	shalt  }
0x5b: {  	_ =	shalt  }
0x5c: {  	_ =	shalt  }
0x5d: {  	_ =	shalt  }
0x5e: {  	_ =	shalt  }
0x5f: {  	_ =	shalt  }
0x60: {  	_ =	shalt  }
0x61: {  	_ =	shalt  }
0x62: {  	_ =	shalt  }
0x63: {  	_ =	shalt  }
0x64: {  	_ =	shalt  }
0x65: {  	_ =	shalt  }
0x66: {  	_ =	shalt  }
0x67: {  	_ =	shalt  }
0x68: {  	_ =	shalt  }
0x69: {  	_ =	shalt  }
0x6a: {  	_ =	shalt  }
0x6b: {  	_ =	shalt  }
0x6c: {  	_ =	shalt  }
0x6d: {  	_ =	shalt  }
0x6e: {  	_ =	shalt  }
0x6f: {  	_ =	shalt  }
0x70: {  	_ =	shalt  }
0x71: {  	_ =	shalt  }
0x72: {  	_ =	shalt  }
0x73: {  	_ =	shalt  }
0x74: {  	_ =	shalt  }
0x75: {  	_ =	shalt  }
0x76: {  	_ =	shalt  }
0x77: {  	_ =	shalt  }
0x78: {  	_ =	shalt  }
0x79: {  	_ =	shalt  }
0x7a: {  	_ =	shalt  }
0x7b: {  	_ =	shalt  }
0x7c: {  	_ =	shalt  }
0x7d: {  	_ =	shalt  }
0x7e: {  	_ =	shalt  }
0x7f: {  	_ =	shalt  }
0x80: {  	_ =	shalt  }
0x81: {  	_ =	shalt  }
0x82: {  	_ =	shalt  }
0x83: {  	_ =	shalt  }
0x84: {  	_ =	shalt  }
0x85: {  	_ =	shalt  }
0x86: {  	_ =	shalt  }
0x87: {  	_ =	shalt  }
.Lfunc_end0:
.L_simem_size_0:
called_computation_lowered:
.L_overlay_start_0:
0x88: {  	s2 =	sld [smem:$0x3FD9]  }
0x89: {  	s3 =	sld [smem:$0x3FFE];
	_ =	sdelay $0x1  }
0x8a: {  	s1 =	srdreg.scid  }
0x8b: {  	s0 =	sand.u32 $0x1, s1  }
0x8c: {  	s16 =	sshll.u32 s0, $0xA;
	s2 =	sadd.s32 s3, s2  }
0x8d: {  	s2 =	sadd.s32 s2, s16  }
0x8e: {  	[smem:$0x3FC0] =	sst s2  }
0x8f: {  	_ = 	snop  }
0x90: {  	(tm) =	ssettm $0x1  }
0x91: {  	s17 =	sld [smem:$0x3FFB];
	_ =	sdelay $0x3  }
0x92: {  	_ =	strace s17  }
0x93: {  	s2 =	sld [smem:$0x3FFC];
	_ =	sdelay $0x3  }
0x94: {  	_ =	strace s2  }
0x95: {  	s2 =	sld [smem:$0x3FFD];
	_ =	sdelay $0x3  }
0x96: {  	_ =	strace s2  }
0x97: {  	_ =	strace $0x8FFFFFFF  }
0x98: {  	s18 =	sld [smem:$0x3FDB];
	_ =	sdelay $0x1  }
0x99: {  	s19 =	simm.s32 $_scs_section_size  }
0x9a: {  	s4 =	simm.s32 $_size__tile_overlayer_lowered;
	s5 =	simm.s32 $_tile_overlayer_lowered  }
0x9b: {  	s22 =	simm.s32 $0x1BFF;
	s21 =	sshll.u32 s5, $0x1;
	s2 =	sadd.s32 s19, s18  }
0x9c: {  	s6 =	simm.s32 $0x0;
	s20 =	sshll.u32 s4, $0x1;
	s4 =	sadd.s32 s21, s2  }
0x9d: {  	[timem:s6], [sflag:s22] =	dma.local [hbm:s4], s20  }
0x9e: {  	_ =	swait.ge [sflag:s22], s20  }
0x9f: {  	s3 =	ssub.s32 $0x0, s20;
	[sflag:s22] =	ssyncset.done $0x0  }
0xa0: {  	[sflag:s22] =	ssyncadd.s32 s3;
	_ =	sdelay $0x1  }
0xa1: {  	s23 =	simm.s32 $0x1B8B  }
0xa2: {  	_ =	swait.ge [sflag:s23], $0x1  }
0xa3: {  	[sflag:s23] =	ssyncset.done $0x0  }
0xa4: {  	s25 =	simm.s32 $0x1B8E;
	s24 =	sld [smem:$0x3FFE];
	[sflag:s23] =	ssyncadd.s32 $0xFFFFFFFF  }
0xa5: {  	s26 =	simm.s32 $execute0_lowered;
	[smem:$0x3FD2] =	sst s25  }
0xa6: {  	s4 =	sshll.u32 s26, $0x1;
	_ =	strace $0x80000046;
	[dreg:$0x1] =	wrdreg $0xFFFFFFFF  }
0xa7: {  	s28 =	simm.s32 $_size_execute0_lowered;
	s2 =	sadd.s32 s2, s4;
	[dreg:$0x0] =	wrdreg $0x0  }
0xa8: {  	s4 =	sshll.u32 s28, $0x1;
	[dreg:$0x2] =	wrdreg s2  }
0xa9: {  	[dreg:$0x3] =	wrdreg s4  }
0xaa: {  	[dreg:$0x4] =	wrdreg $0xC0  }
0xab: {  	_ =	task [dreg:s6], $0x5FFFF  }
0xac: {  	[dreg:$0x1] =	wrdreg $0xFFFFFFFF  }
0xad: {  	[dreg:$0x0] =	wrdreg $0x60  }
0xae: {  	[dreg:$0x2] =	wrdreg s24  }
0xaf: {  	[dreg:$0x3] =	wrdreg $0xAF000  }
0xb0: {  	[dreg:$0x4] =	wrdreg $0x1EB000  }
0xb1: {  	[dreg:$0x5] =	wrdreg $0x9  }
0xb2: {  	_ =	task.clear_ibuf [dreg:s6], $0x6FFFF;
	_ =	strace $0x90000046  }
0xb3: {  	s29 =	simm.s32 $0x9;
	_ =	strace $0x80000048  }
0xb4: {  	_ =	swait.ge [sflag:s29], $0x1  }
0xb5: {  	[sflag:s29] =	ssyncadd.s32 $0xFFFFFFFF  }
0xb6: {  	_ =	strace $0x90000048  }
0xb7: {  	_ =	sfence  }
0xb8: {  	s30 =	sld [smem:$0x0];
	_ =	sdelay $0x2  }
0xb9: {  	s31 =	sshll.u32 s1, $0xD;
	s1 =	sshrl.u32 s1, $0x2  }
0xba: {  	s3 =	sand.u32 $0x4000, s31;
	s1 =	sadd.s32 s1, s30  }
0xbb: {  	s0 =	sor.u32 s3, s0;
	s1 =	sshll.u32 s1, $0x11  }
0xbc: {  	s0 =	sor.u32 s1, s0  }
0xbd: {  	s0 =	sadd.s32 $0x8F2B, s0  }
0xbe: {  	[sflag:s0] =	ssyncadd.remote.s32 $0x1  }
0xbf: {  	_ =	sfence.sel $0xFFFF  }
0xc0: {  	[dreg:$0x0] =	wrdreg $0xFFFFFFFF;
	(pc) =	sbr.abs _section_cstart, $3  }
0xc1: {  	[dreg:$0x1] =	wrdreg $0xFFFFFFFF  }
0xc2: {  	_ =	task.clear_ibuf [dreg:s6], $0x2FFFF;
	_ =	strace $0x9FFFFFFF  }
0xc3: {  	(tm) =	ssettm $0x7FFFFFFF  }
tec
execute0_lowered:
.L_overlay_start_1:
0x0: {  	(tag) =	ssettag $0x1  }
0x1: {  	s0 =	rddreg [dreg:$0x0]  }
0x2: {  	s1 =	rddreg [dreg:$0x1]  }
0x3: {  	s2 =	rddreg [dreg:$0x2];
	s3 =	simm.s32 $0x0  }
0x4: {  	s19 =	stileid.u32;
	s8 =	srdreg.scid;
	s31 =	simm.s32 $0x2C00  }
0x5: {  	[smem:$0x7FF] =	sst s3;
	s5 =	sadd.s32 $0xD600, s0;
	s7 =	smul.u32 $0x278, s19  }
0x6: {  	s4 =	sadd.s32 $0x8200, s0;
	s6 =	sadd.s32 $0x3200, s0;
	s11 =	smul.u32 $0x4F000, s19  }
0x7: {  	s20 =	sadd.s32 $0x5C000, s0;
	s21 =	sadd.s32 $0x83200, s0;
	s16 =	smul.u32 $0x2800, s19  }
0x8: {  	s8 =	sand.u32 $0x1, s8;
	s17 =	smul.u32 $0x500, s19;
	p0 =	seq.s32 s19, $0xF  }
0x9: {  	_ =	strace $0x80000047;
	s10 =	ssub.s32 $0x2, s8;
	p1 =	seq.s32 s8, $0x0  }
0xa: {  	p3 =	sne.s32 @p0 s8, $0x0;
	p5 =	sne.s32 @!p0 s8, $0x0;
	[dreg:$0x5] =	wrdreg s21  }
0xb: {  	[dreg:$0x4] =	wrdreg s20;
	s9 =	sshrl.u32 s7, $0x3;
	s12 =	sshrl.u32 s10, $0x1  }
0xc: {  	s13 =	sadd.s32 $0x80, s7;
	s25 =	sshrl.u32 s11, $0x2;
	s14 =	sadd.s32 $0x100, s7  }
0xd: {  	s15 =	sadd.s32 $0x180, s7;
	s18 =	sadd.s32 $0x200, s7;
	s24 =	sadd.s32 s4, s17  }
0xe: {  	s16 =	sshrl.u32 s16, $0x3;
	s17 =	sadd.s32 s6, s17;
	[dreg:$0xa] =	wrdreg s24  }
0xf: {  	s26 =	sshll.u32 s13, $0x7;
	[dreg:$0xb] =	wrdreg s17;
	s13 =	sshll.u32 s13, $0x4  }
0x10: {  	s28 =	sshll.u32 s14, $0x7;
	s14 =	sshll.u32 s14, $0x4;
	[dreg:$0xe] =	wrdreg s13  }
0x11: {  	s29 =	sshll.u32 s15, $0x7;
	s15 =	sshll.u32 s15, $0x4;
	[dreg:$0xf] =	wrdreg s14  }
0x12: {  	s22 =	sadd.s32 s25, s1;
	s16 =	sadd.s32 $0x280, s16;
	[dreg:$0x10] =	wrdreg s15  }
0x13: {  	p2 =	por !p3, !p0;
	s4 =	sadd.s32 s4, s16;
	[dreg:$0x6] =	wrdreg s22  }
0x14: {  	s9 =	sadd.s32 s9, s0;
	s30 =	sadd.s32 s6, s16;
	[dreg:$0xc] =	wrdreg s4  }
0x15: {  	s12 =	ssub.s32 s10, s12;
	s25 =	sadd.s32 $0x5BA00, s9;
	[dreg:$0xd] =	wrdreg s30  }
0x16: {  	s23 =	sadd.s32 s26, s1;
	s26 =	sadd.s32 $0xAA280, s0;
	[dreg:$0x12] =	wrdreg s25  }
0x17: {  	s10 =	sadd.s32 s28, s1;
	s28 =	sadd.s32 $0x5BEA1, s0;
	[dreg:$0x14] =	wrdreg s26  }
0x18: {  	s11 =	sadd.s32 s29, s1;
	s29 =	smax.u32 s12, $0x1;
	[dreg:$0x15] =	wrdreg s28  }
0x19: {  	p3 =	por p3, !p0;
	p4 =	por !p5, p0;
	[dreg:$0x17] =	wrdreg s29  }
0x1a: {  	p5 =	por p5, p0;
	s17 =	sadd.s32 s7, s2;
	[dreg:$0x7] =	wrdreg s23  }
0x1b: {  	s6 =	sshll.u32 s18, $0x7;
	s18 =	sshll.u32 s18, $0x4;
	[dreg:$0x8] =	wrdreg s10  }
0x1c: {  	s12 =	simm.s32 $0x1;
	s24 =	sadd.s32 s21, s18;
	[dreg:$0x9] =	wrdreg s11  }
0x1d: {  	s4 =	sadd.s32 s20, s18;
	s30 =	smul.u32 $0x2780, s19;
	[dreg:$0x11] =	wrdreg s24  }
0x1e: {  	[dreg:$0x13] =	wrdreg s4;
	s24 =	sadd.s32 $0x34800, s0;
	s0 =	sadd.s32 $0x83080, s0  }
0x1f: {  	s13 =	simm.s32 $0x0;
	s16 =	sadd.s32 s6, s1;
	[dreg:$0x16] =	wrdreg s0  }
0x20: {  	v0 =	vimm.f32 $0.0e+00;
	v1 =	vimm.f32 $1.000000000e+00;
	s6 =	simm.s32 $0x4;
	[dreg:$0x18] =	wrdreg s30;
	s0 =	simm.s32 $0x7  }
.LBB2_1:
0x21: {  	s4 =	simm.s32 $0x0;
	s7 =	simm.s32 $0x200  }
.LBB2_2:
0x22: {  	p6 =	sne.s32 s7, $0xFE00;
	[tilespmem:s4+$0x2C70] =	vst v0  }
0x23: {  	[tilespmem:s4+$0x2C00] =	vst v0  }
0x24: {  	[tilespmem:s4+$0x2C10] =	vst v0  }
.Ltmp0:
0x25: {  	[tilespmem:s4+$0x2C20] =	vst v0;
	(pc) =	sbr.rel @p6 .LBB2_2-.Ltmp0, $4  }
0x26: {  	[tilespmem:s4+$0x2C30] =	vst v0  }
0x27: {  	[tilespmem:s4+$0x2C40] =	vst v0  }
0x28: {  	[tilespmem:s4+$0x2C50] =	vst v0  }
0x29: {  	[tilespmem:s4+$0x2C60] =	vst v0;
	s4 =	sshra.s32 s7, $0x2;
	s7 =	sadd.s32 $0x200, s7  }
0x2a: {  	[tilespmem:s4+$0x2C70] =	vst v0  }
0x2b: {  	[tilespmem:s4+$0x2C00] =	vst v0  }
0x2c: {  	[tilespmem:s4+$0x2C10] =	vst v0  }
0x2d: {  	[tilespmem:s4+$0x2C20] =	vst v0  }
0x2e: {  	[tilespmem:s4+$0x2C30] =	vst v0  }
0x2f: {  	[tilespmem:s4+$0x2C40] =	vst v0  }
0x30: {  	[tilespmem:s4+$0x2C50] =	vst v0  }
0x31: {  	[tilespmem:s4+$0x2C60] =	vst v0  }
0x32: {  	[tilespmem:$0xAC00] =	vst v0  }
0x33: {  	[tilespmem:$0xAC10] =	vst v0  }
0x34: {  	[tilespmem:$0xAC20] =	vst v0  }
0x35: {  	[tilespmem:$0xAC30] =	vst v0  }
0x36: {  	[tilespmem:$0xAC40] =	vst v0  }
0x37: {  	[tilespmem:$0xAC50] =	vst v0  }
0x38: {  	[tilespmem:$0xAC60] =	vst v0  }
0x39: {  	[tilespmem:$0xAC70] =	vst v0  }
0x3a: {  	[tilespmem:$0xAC80] =	vst v0  }
0x3b: {  	[tilespmem:$0xAC90] =	vst v0  }
0x3c: {  	[tilespmem:$0xACA0] =	vst v0  }
0x3d: {  	[tilespmem:$0xACB0] =	vst v0  }
0x3e: {  	[tilespmem:$0xACC0] =	vst v0  }
0x3f: {  	[tilespmem:$0xACD0] =	vst v0  }
0x40: {  	[tilespmem:$0xACE0] =	vst v0  }
0x41: {  	[tilespmem:$0xACF0] =	vst v0  }
0x42: {  	[tilespmem:$0xAD00] =	vst v0  }
0x43: {  	[tilespmem:$0xAD10] =	vst v0  }
0x44: {  	[tilespmem:$0xAD20] =	vst v0  }
0x45: {  	[tilespmem:$0xAD30] =	vst v0  }
0x46: {  	[tilespmem:$0xAD40] =	vst v0  }
0x47: {  	[tilespmem:$0xAD50] =	vst v0  }
0x48: {  	[tilespmem:$0xAD60] =	vst v0  }
0x49: {  	[tilespmem:$0xAD70] =	vst v0  }
0x4a: {  	[tilespmem:$0xAD80] =	vst v0  }
0x4b: {  	[tilespmem:$0xAD90] =	vst v0  }
0x4c: {  	[tilespmem:$0xADA0] =	vst v0  }
0x4d: {  	[tilespmem:$0xADB0] =	vst v0  }
0x4e: {  	[tilespmem:$0xADC0] =	vst v0  }
0x4f: {  	[tilespmem:$0xADD0] =	vst v0  }
0x50: {  	[tilespmem:$0xADE0] =	vst v0  }
0x51: {  	[tilespmem:$0xADF0] =	vst v0  }
0x52: {  	[tilespmem:$0xAE00] =	vst v0  }
0x53: {  	[tilespmem:$0xAE10] =	vst v0  }
0x54: {  	[tilespmem:$0xAE20] =	vst v0  }
0x55: {  	[tilespmem:$0xAE30] =	vst v0  }
0x56: {  	[tilespmem:$0xAE40] =	vst v0  }
0x57: {  	[tilespmem:$0xAE50] =	vst v0  }
0x58: {  	[tilespmem:$0xAE60] =	vst v0  }
0x59: {  	[tilespmem:$0xAE70] =	vst v0  }
0x5a: {  	[spmem:s22] =	stream.linear.scatter [tilespmem:s31], [sflag:$0x7], $0x4000, $0x38;
	[tilespmem:$0x1ED78] =	vst v63  }
0x5b: {  	_ =	swait.ge [sflag:s0], $0x4000  }
0x5c: {  	[sflag:s0] =	ssyncset.done $0x0  }
0x5d: {  	[sflag:s0] =	ssyncadd.s32 $0xFFFFC000  }
0x5e: {  	[spmem:s23] =	stream.linear.scatter [tilespmem:s31], [sflag:$0x7], $0x4000, $0x38;
	[tilespmem:$0x1ED78] =	vst v63  }
0x5f: {  	_ =	swait.ge [sflag:s0], $0x4000  }
0x60: {  	[sflag:s0] =	ssyncset.done $0x0  }
0x61: {  	[sflag:s0] =	ssyncadd.s32 $0xFFFFC000  }
0x62: {  	[spmem:s10] =	stream.linear.scatter [tilespmem:s31], [sflag:$0x7], $0x4000, $0x38;
	[tilespmem:$0x1ED78] =	vst v63  }
0x63: {  	_ =	swait.ge [sflag:s0], $0x4000  }
0x64: {  	[sflag:s0] =	ssyncset.done $0x0  }
0x65: {  	[sflag:s0] =	ssyncadd.s32 $0xFFFFC000  }
0x66: {  	[spmem:s11] =	stream.linear.scatter [tilespmem:s31], [sflag:$0x7], $0x4000, $0x38;
	[tilespmem:$0x1ED78] =	vst v63  }
0x67: {  	_ =	swait.ge [sflag:s0], $0x4000  }
0x68: {  	[sflag:s0] =	ssyncset.done $0x0  }
0x69: {  	[sflag:s0] =	ssyncadd.s32 $0xFFFFC000  }
0x6a: {  	[spmem:s16] =	stream.linear.scatter [tilespmem:s31], [sflag:$0x7], $0x3C00, $0x38;
	[tilespmem:$0x1ED78] =	vst v63  }
0x6b: {  	_ =	swait.ge [sflag:s0], $0x3C00  }
0x6c: {  	[sflag:s0] =	ssyncset.done $0x0  }
0x6d: {  	s23 =	simm.s32 $0xAC00;
	[sflag:s0] =	ssyncadd.s32 $0xFFFFC400  }
0x6e: {  	[spmem:s17] =	stream.linear.scatter [tilespmem:s23], [sflag:$0x7], $0x278, $0x38;
	[tilespmem:$0x1ED78] =	vst v63  }
0x6f: {  	_ =	swait.ge [sflag:s0], $0x278  }
0x70: {  	[sflag:s0] =	ssyncset.done $0x0  }
0x71: {  	[sflag:s0] =	ssyncadd.s32 $0xFFFFFD88  }
0x72: {  	[tilespmem:$0xAE80] =	vst v1  }
0x73: {  	[tilespmem:$0xAE90] =	vst v1  }
0x74: {  	[tilespmem:$0xAEA0] =	vst v1  }
0x75: {  	[tilespmem:$0xAEB0] =	vst v1  }
0x76: {  	[tilespmem:$0xAEC0] =	vst v1  }
0x77: {  	[tilespmem:$0xAED0] =	vst v1  }
0x78: {  	[tilespmem:$0xAEE0] =	vst v1  }
0x79: {  	[tilespmem:$0xAEF0] =	vst v1  }
0x7a: {  	[bflag:$0x0] =	sbarrier.arrive $0xFFFF  }
0x7b: {  	s25 =	rddreg [dreg:$0xa]  }
0x7c: {  	[tilespmem:s3], [sflag:$0x7] =	stream.linear.gather [hbm4b:s25+s3], $0x1800, $0x38;
	[tilespmem:$0x1ED78] =	vst v63  }
0x7d: {  	_ =	swait.ge [sflag:s0], $0x1800  }
0x7e: {  	[sflag:s0] =	ssyncset.done $0x0  }
0x7f: {  	s7 =	simm.s32 $0x1800;
	s26 =	rddreg [dreg:$0xb];
	[sflag:s0] =	ssyncadd.s32 $0xFFFFE800  }
0x80: {  	[tilespmem:s7], [sflag:$0x7] =	stream.linear.gather [hbm4b:s26+s3], $0x1400, $0x38;
	[tilespmem:$0x1ED78] =	vst v63  }
0x81: {  	_ =	swait.ge [sflag:s0], $0x1400  }
0x82: {  	s14 =	simm.s32 @p1 $0x80;
	[sflag:s0] =	ssyncset.done $0x0  }
0x83: {  	s4 =	simm.s32 @p1 $0x0;
	s15 =	simm.s32 @p1 $0x2C00;
	[sflag:s0] =	ssyncadd.s32 $0xFFFFEC00  }
0x84: {  	[tilespmem:s15], [sflag:$0x1] =	stream.indirect.gather @p1 [hbm4b:s5+s14], $0x80, s4, s14, $0xb8;
	[tilespmem:$0x1ED78] =	vst v63  }
0x85: {  	s18 =	simm.s32 @p1 $0x1;
	s7 =	simm.s32 @p1 $0x6C00  }
0x86: {  	[tilespmem:s7], [sflag:$0x2] =	stream.indirect.gather @p1 [hbm4b:s5+s14], $0x80, s14, s14, $0xb8;
	[tilespmem:$0x1ED78] =	vst v63  }
0x87: {  	_ =	swait.ge @p1 [sflag:s18], $0x4000  }
0x88: {  	[sflag:s18] =	ssyncset.done @p1 $0x0  }
0x89: {  	s19 =	simm.s32 @p1 $0x3;
	s4 =	simm.s32 @p1 $0x1800;
	[sflag:s18] =	ssyncadd.s32 @p1 $0xFFFFC000  }
0x8a: {  	[spmem:s1] =	stream.indirect.scatter.add.f32 @p1 [tilespmem:s15], [sflag:$0x3], $0x80, s4, s14, $0xb8;
	[tilespmem:$0x1ED78] =	vst v63  }
0x8b: {  	_ =	swait.ge @p1 [sflag:s19], $0x4000  }
0x8c: {  	[sflag:s19] =	ssyncset.done @p1 $0x0  }
0x8d: {  	s20 =	simm.s32 @p1 $0x2;
	s4 =	simm.s32 @p1 $0x100;
	[sflag:s19] =	ssyncadd.s32 @p1 $0xFFFFC000  }
0x8e: {  	[tilespmem:s15], [sflag:$0x1] =	stream.indirect.gather @p1 [hbm4b:s5+s14], $0x80, s4, s14, $0xb8;
	[tilespmem:$0x1ED78] =	vst v63  }
0x8f: {  	_ =	swait.ge @p1 [sflag:s20], $0x4000  }
0x90: {  	[sflag:s20] =	ssyncset.done @p1 $0x0  }
0x91: {  	s4 =	simm.s32 @p1 $0x1880;
	[sflag:s20] =	ssyncadd.s32 @p1 $0xFFFFC000  }
0x92: {  	[spmem:s1] =	stream.indirect.scatter.add.f32 @p1 [tilespmem:s7], [sflag:$0x4], $0x80, s4, s14, $0xb8;
	[tilespmem:$0x1ED78] =	vst v63  }
0x93: {  	s21 =	simm.s32 @!p1 $0x80;
	s22 =	simm.s32 @!p1 $0x2C00;
	s4 =	simm.s32 @!p1 $0x0  }
0x94: {  	[tilespmem:s22], [sflag:$0x1] =	stream.indirect.gather @!p1 [hbm4b:s24+s21], $0x80, s4, s21, $0xb8;
	[tilespmem:$0x1ED78] =	vst v63  }
0x95: {  	s23 =	simm.s32 @!p1 $0x6C00;
	s25 =	simm.s32 @!p1 $0x1  }
0x96: {  	[tilespmem:s23], [sflag:$0x2] =	stream.indirect.gather @!p1 [hbm4b:s24+s21], $0x80, s21, s21, $0xb8;
	[tilespmem:$0x1ED78] =	vst v63  }
0x97: {  	_ =	swait.ge @!p1 [sflag:s25], $0x4000  }
0x98: {  	[sflag:s25] =	ssyncset.done @!p1 $0x0  }
0x99: {  	s4 =	simm.s32 @!p1 $0x1800;
	[sflag:s25] =	ssyncadd.s32 @!p1 $0xFFFFC000  }
0x9a: {  	[spmem:s1] =	stream.indirect.scatter.add.f32 @!p1 [tilespmem:s22], [sflag:$0x3], $0x80, s4, s21, $0xb8;
	[tilespmem:$0x1ED78] =	vst v63  }
0x9b: {  	s26 =	simm.s32 @!p1 $0xAE80  }
0x9c: {  	[spmem:s2] =	stream.indirect.scatter.add.f32 @!p1 [tilespmem:s26], [sflag:$0x5], $0x1, s4, s21, $0xb8;
	[tilespmem:$0x1ED78] =	vst v63  }
0x9d: {  	s4 =	simm.s32 @!p1 $0x3  }
0x9e: {  	_ =	swait.ge @!p1 [sflag:s4], $0x4000  }
0x9f: {  	[sflag:s4] =	ssyncset.done @!p1 $0x0  }
0xa0: {  	s28 =	simm.s32 @!p1 $0x5;
	[sflag:s4] =	ssyncadd.s32 @!p1 $0xFFFFC000  }
0xa1: {  	_ =	swait.ge @!p1 [sflag:s28], $0x80  }
0xa2: {  	[sflag:s28] =	ssyncset.done @!p1 $0x0  }
0xa3: {  	s8 =	simm.s32 @!p1 $0x100;
	s29 =	simm.s32 @!p1 $0x2;
	[sflag:s28] =	ssyncadd.s32 @!p1 $0xFFFFFF80  }
0xa4: {  	[tilespmem:s22], [sflag:$0x1] =	stream.indirect.gather @!p1 [hbm4b:s24+s21], $0x80, s8, s21, $0xb8;
	[tilespmem:$0x1ED78] =	vst v63  }
0xa5: {  	_ =	swait.ge @!p1 [sflag:s29], $0x4000  }
0xa6: {  	[sflag:s29] =	ssyncset.done @!p1 $0x0  }
0xa7: {  	s8 =	simm.s32 @!p1 $0x1880;
	[sflag:s29] =	ssyncadd.s32 @!p1 $0xFFFFC000  }
0xa8: {  	[spmem:s1] =	stream.indirect.scatter.add.f32 @!p1 [tilespmem:s23], [sflag:$0x4], $0x80, s8, s21, $0xb8;
	[tilespmem:$0x1ED78] =	vst v63  }
0xa9: {  	_ = 	snop  }
0xaa: {  	[spmem:s2] =	stream.indirect.scatter.add.f32 @!p1 [tilespmem:s26], [sflag:$0x6], $0x1, s8, s21, $0xb8;
	[tilespmem:$0x1ED78] =	vst v63  }
0xab: {  	_ =	swait.ge [sflag:s6], $0x4000  }
0xac: {  	[sflag:s6] =	ssyncset.done $0x0  }
0xad: {  	s8 =	simm.s32 @p1 $0x180;
	[sflag:s6] =	ssyncadd.s32 $0xFFFFC000  }
0xae: {  	[tilespmem:s7], [sflag:$0x2] =	stream.indirect.gather @p1 [hbm4b:s5+s14], $0x80, s8, s14, $0xb8;
	[tilespmem:$0x1ED78] =	vst v63  }
0xaf: {  	_ =	swait.ge @p1 [sflag:s18], $0x4000  }
0xb0: {  	[sflag:s18] =	ssyncset.done @p1 $0x0  }
0xb1: {  	s8 =	simm.s32 @p1 $0x1900;
	[sflag:s18] =	ssyncadd.s32 @p1 $0xFFFFC000  }
0xb2: {  	[spmem:s1] =	stream.indirect.scatter.add.f32 @p1 [tilespmem:s15], [sflag:$0x3], $0x80, s8, s14, $0xb8;
	[tilespmem:$0x1ED78] =	vst v63  }
0xb3: {  	_ =	swait.ge @p1 [sflag:s19], $0x4000  }
0xb4: {  	[sflag:s19] =	ssyncset.done @p1 $0x0  }
0xb5: {  	s8 =	simm.s32 @p1 $0x200;
	[sflag:s19] =	ssyncadd.s32 @p1 $0xFFFFC000  }
0xb6: {  	[tilespmem:s15], [sflag:$0x1] =	stream.indirect.gather @p1 [hbm4b:s5+s14], $0x80, s8, s14, $0xb8;
	[tilespmem:$0x1ED78] =	vst v63  }
0xb7: {  	_ =	swait.ge @p1 [sflag:s20], $0x4000  }
0xb8: {  	[sflag:s20] =	ssyncset.done @p1 $0x0  }
0xb9: {  	s30 =	simm.s32 @!p1 $0x6;
	s8 =	simm.s32 @p1 $0x1980;
	[sflag:s20] =	ssyncadd.s32 @p1 $0xFFFFC000  }
0xba: {  	[spmem:s1] =	stream.indirect.scatter.add.f32 @p1 [tilespmem:s7], [sflag:$0x4], $0x80, s8, s14, $0xb8;
	[tilespmem:$0x1ED78] =	vst v63  }
0xbb: {  	_ =	swait.ge @!p1 [sflag:s30], $0x80  }
0xbc: {  	[sflag:s30] =	ssyncset.done @!p1 $0x0  }
0xbd: {  	s8 =	simm.s32 @!p1 $0x180;
	[sflag:s30] =	ssyncadd.s32 @!p1 $0xFFFFFF80  }
0xbe: {  	[tilespmem:s23], [sflag:$0x2] =	stream.indirect.gather @!p1 [hbm4b:s24+s21], $0x80, s8, s21, $0xb8;
	[tilespmem:$0x1ED78] =	vst v63  }
0xbf: {  	_ =	swait.ge @!p1 [sflag:s25], $0x4000  }
0xc0: {  	[sflag:s25] =	ssyncset.done @!p1 $0x0  }
0xc1: {  	s8 =	simm.s32 @!p1 $0x1900;
	[sflag:s25] =	ssyncadd.s32 @!p1 $0xFFFFC000  }
0xc2: {  	[spmem:s1] =	stream.indirect.scatter.add.f32 @!p1 [tilespmem:s22], [sflag:$0x3], $0x80, s8, s21, $0xb8;
	[tilespmem:$0x1ED78] =	vst v63  }
0xc3: {  	_ = 	snop  }
0xc4: {  	[spmem:s2] =	stream.indirect.scatter.add.f32 @!p1 [tilespmem:s26], [sflag:$0x5], $0x1, s8, s21, $0xb8;
	[tilespmem:$0x1ED78] =	vst v63  }
0xc5: {  	_ =	swait.ge @!p1 [sflag:s4], $0x4000  }
0xc6: {  	[sflag:s4] =	ssyncset.done @!p1 $0x0  }
0xc7: {  	[sflag:s4] =	ssyncadd.s32 @!p1 $0xFFFFC000  }
0xc8: {  	_ =	swait.ge @!p1 [sflag:s28], $0x80  }
0xc9: {  	[sflag:s28] =	ssyncset.done @!p1 $0x0  }
0xca: {  	s8 =	simm.s32 @!p1 $0x200;
	[sflag:s28] =	ssyncadd.s32 @!p1 $0xFFFFFF80  }
0xcb: {  	[tilespmem:s22], [sflag:$0x1] =	stream.indirect.gather @!p1 [hbm4b:s24+s21], $0x80, s8, s21, $0xb8;
	[tilespmem:$0x1ED78] =	vst v63  }
0xcc: {  	_ =	swait.ge @!p1 [sflag:s29], $0x4000  }
0xcd: {  	[sflag:s29] =	ssyncset.done @!p1 $0x0  }
0xce: {  	s9 =	simm.s32 @!p1 $0x1980;
	s8 =	simm.s32 $0xFFFFB800;
	[sflag:s29] =	ssyncadd.s32 @!p1 $0xFFFFC000  }
0xcf: {  	[spmem:s1] =	stream.indirect.scatter.add.f32 @!p1 [tilespmem:s23], [sflag:$0x4], $0x80, s9, s21, $0xb8;
	[tilespmem:$0x1ED78] =	vst v63  }
.LBB2_4:
0xd0: {  	[spmem:s2] =	stream.indirect.scatter.add.f32 @!p1 [tilespmem:s26], [sflag:$0x6], $0x1, s9, s21, $0xb8;
	[tilespmem:$0x1ED78] =	vst v63  }
0xd1: {  	s9 =	smov.u32 s8;
	s8 =	sadd.s32 $0x400, s8;
	_ =	swait.ge [sflag:s6], $0x4000  }
0xd2: {  	s10 =	sshra.s32 @p1 s9, $0x2;
	p6 =	sne.s32 s8, $0x0;
	[sflag:s6] =	ssyncset.done $0x0  }
0xd3: {  	s11 =	sadd.s32 @p1 $0x1480, s10;
	[sflag:s6] =	ssyncadd.s32 $0xFFFFC000  }
0xd4: {  	[tilespmem:s7], [sflag:$0x2] =	stream.indirect.gather @p1 [hbm4b:s5+s14], $0x80, s11, s14, $0xb8;
	[tilespmem:$0x1ED78] =	vst v63  }
0xd5: {  	_ =	swait.ge @p1 [sflag:s18], $0x4000  }
0xd6: {  	[sflag:s18] =	ssyncset.done @p1 $0x0  }
0xd7: {  	s11 =	sadd.s32 @p1 $0x2C00, s10;
	[sflag:s18] =	ssyncadd.s32 @p1 $0xFFFFC000  }
0xd8: {  	[spmem:s1] =	stream.indirect.scatter.add.f32 @p1 [tilespmem:s15], [sflag:$0x3], $0x80, s11, s14, $0xb8;
	[tilespmem:$0x1ED78] =	vst v63  }
0xd9: {  	_ =	swait.ge @p1 [sflag:s19], $0x4000  }
0xda: {  	[sflag:s19] =	ssyncset.done @p1 $0x0  }
0xdb: {  	s11 =	sadd.s32 @p1 $0x1500, s10;
	[sflag:s19] =	ssyncadd.s32 @p1 $0xFFFFC000  }
0xdc: {  	[tilespmem:s15], [sflag:$0x1] =	stream.indirect.gather @p1 [hbm4b:s5+s14], $0x80, s11, s14, $0xb8;
	[tilespmem:$0x1ED78] =	vst v63  }
0xdd: {  	_ =	swait.ge @p1 [sflag:s20], $0x4000  }
0xde: {  	[sflag:s20] =	ssyncset.done @p1 $0x0  }
0xdf: {  	s10 =	sadd.s32 @p1 $0x2C80, s10;
	[sflag:s20] =	ssyncadd.s32 @p1 $0xFFFFC000  }
0xe0: {  	[spmem:s1] =	stream.indirect.scatter.add.f32 @p1 [tilespmem:s7], [sflag:$0x4], $0x80, s10, s14, $0xb8;
	[tilespmem:$0x1ED78] =	vst v63  }
0xe1: {  	_ =	swait.ge @!p1 [sflag:s30], $0x80  }
0xe2: {  	s9 =	sshra.s32 @!p1 s9, $0x2;
	[sflag:s30] =	ssyncset.done @!p1 $0x0  }
0xe3: {  	s10 =	sadd.s32 @!p1 $0x1480, s9;
	[sflag:s30] =	ssyncadd.s32 @!p1 $0xFFFFFF80  }
0xe4: {  	[tilespmem:s23], [sflag:$0x2] =	stream.indirect.gather @!p1 [hbm4b:s24+s21], $0x80, s10, s21, $0xb8;
	[tilespmem:$0x1ED78] =	vst v63  }
0xe5: {  	_ =	swait.ge @!p1 [sflag:s25], $0x4000  }
0xe6: {  	[sflag:s25] =	ssyncset.done @!p1 $0x0  }
0xe7: {  	s10 =	sadd.s32 @!p1 $0x2C00, s9;
	[sflag:s25] =	ssyncadd.s32 @!p1 $0xFFFFC000  }
0xe8: {  	[spmem:s1] =	stream.indirect.scatter.add.f32 @!p1 [tilespmem:s22], [sflag:$0x3], $0x80, s10, s21, $0xb8;
	[tilespmem:$0x1ED78] =	vst v63  }
0xe9: {  	_ = 	snop  }
0xea: {  	[spmem:s2] =	stream.indirect.scatter.add.f32 @!p1 [tilespmem:s26], [sflag:$0x5], $0x1, s10, s21, $0xb8;
	[tilespmem:$0x1ED78] =	vst v63  }
0xeb: {  	_ =	swait.ge @!p1 [sflag:s4], $0x4000  }
0xec: {  	[sflag:s4] =	ssyncset.done @!p1 $0x0  }
0xed: {  	[sflag:s4] =	ssyncadd.s32 @!p1 $0xFFFFC000  }
0xee: {  	_ =	swait.ge @!p1 [sflag:s28], $0x80  }
0xef: {  	[sflag:s28] =	ssyncset.done @!p1 $0x0  }
0xf0: {  	s10 =	sadd.s32 @!p1 $0x1500, s9;
	[sflag:s28] =	ssyncadd.s32 @!p1 $0xFFFFFF80  }
0xf1: {  	[tilespmem:s22], [sflag:$0x1] =	stream.indirect.gather @!p1 [hbm4b:s24+s21], $0x80, s10, s21, $0xb8;
	[tilespmem:$0x1ED78] =	vst v63  }
.Ltmp1:
0xf2: {  	_ = 	snop;
	(pc) =	sbr.rel @p6 .LBB2_4-.Ltmp1, $4  }
0xf3: {  	_ =	swait.ge @!p1 [sflag:s29], $0x4000  }
0xf4: {  	[sflag:s29] =	ssyncset.done @!p1 $0x0  }
0xf5: {  	s9 =	sadd.s32 @!p1 $0x2C80, s9;
	[sflag:s29] =	ssyncadd.s32 @!p1 $0xFFFFC000  }
0xf6: {  	[spmem:s1] =	stream.indirect.scatter.add.f32 @!p1 [tilespmem:s23], [sflag:$0x4], $0x80, s9, s21, $0xb8;
	[tilespmem:$0x1ED78] =	vst v63  }
0xf7: {  	[spmem:s2] =	stream.indirect.scatter.add.f32 @!p1 [tilespmem:s26], [sflag:$0x6], $0x1, s9, s21, $0xb8;
	[tilespmem:$0x1ED78] =	vst v63  }
0xf8: {  	_ =	swait.ge [sflag:s12], $0x4000  }
0xf9: {  	[sflag:s12] =	ssyncset.done $0x0  }
0xfa: {  	[sflag:s12] =	ssyncadd.s32 $0xFFFFC000  }
0xfb: {  	_ =	swait.ge [sflag:s6], $0x4000  }
0xfc: {  	[sflag:s6] =	ssyncset.done $0x0  }
0xfd: {  	[sflag:s6] =	ssyncadd.s32 $0xFFFFC000  }
0xfe: {  	_ =	swait.ge @!p1 [sflag:s30], $0x80  }
0xff: {  	[sflag:s30] =	ssyncset.done @!p1 $0x0  }
0x100: {  	s4 =	rddreg [dreg:$0xc];
	[sflag:s30] =	ssyncadd.s32 @!p1 $0xFFFFFF80  }
0x101: {  	[tilespmem:s3], [sflag:$0x7] =	stream.linear.gather [hbm4b:s4+s3], $0x1800, $0x38;
	[tilespmem:$0x1ED78] =	vst v63  }
0x102: {  	_ =	swait.ge [sflag:s0], $0x1800  }
0x103: {  	[sflag:s0] =	ssyncset.done $0x0  }
0x104: {  	s7 =	simm.s32 $0x1800;
	s26 =	rddreg [dreg:$0xd];
	[sflag:s0] =	ssyncadd.s32 $0xFFFFE800  }
0x105: {  	[tilespmem:s7], [sflag:$0x7] =	stream.linear.gather [hbm4b:s26+s3], $0x1400, $0x38;
	[tilespmem:$0x1ED78] =	vst v63  }
0x106: {  	_ =	swait.ge [sflag:s0], $0x1400  }
0x107: {  	s14 =	simm.s32 @p1 $0x80;
	[sflag:s0] =	ssyncset.done $0x0  }
0x108: {  	s15 =	simm.s32 @p1 $0x2C00;
	s4 =	simm.s32 @p1 $0x0;
	[sflag:s0] =	ssyncadd.s32 $0xFFFFEC00  }
0x109: {  	[tilespmem:s15], [sflag:$0x1] =	stream.indirect.gather @p1 [hbm4b:s5+s14], $0x80, s4, s14, $0xb8;
	[tilespmem:$0x1ED78] =	vst v63  }
0x10a: {  	s18 =	simm.s32 @p1 $0x1;
	s7 =	simm.s32 @p1 $0x6C00  }
0x10b: {  	[tilespmem:s7], [sflag:$0x2] =	stream.indirect.gather @p1 [hbm4b:s5+s14], $0x80, s14, s14, $0xb8;
	[tilespmem:$0x1ED78] =	vst v63  }
0x10c: {  	_ =	swait.ge @p1 [sflag:s18], $0x4000  }
0x10d: {  	[sflag:s18] =	ssyncset.done @p1 $0x0  }
0x10e: {  	s19 =	simm.s32 @p1 $0x3;
	s4 =	simm.s32 @p1 $0x1800;
	[sflag:s18] =	ssyncadd.s32 @p1 $0xFFFFC000  }
0x10f: {  	[spmem:s1] =	stream.indirect.scatter.add.f32 @p1 [tilespmem:s15], [sflag:$0x3], $0x80, s4, s14, $0xb8;
	[tilespmem:$0x1ED78] =	vst v63  }
0x110: {  	_ =	swait.ge @p1 [sflag:s19], $0x4000  }
0x111: {  	[sflag:s19] =	ssyncset.done @p1 $0x0  }
0x112: {  	s20 =	simm.s32 @p1 $0x2;
	s4 =	simm.s32 @p1 $0x100;
	[sflag:s19] =	ssyncadd.s32 @p1 $0xFFFFC000  }
0x113: {  	[tilespmem:s15], [sflag:$0x1] =	stream.indirect.gather @p1 [hbm4b:s5+s14], $0x80, s4, s14, $0xb8;
	[tilespmem:$0x1ED78] =	vst v63  }
0x114: {  	_ =	swait.ge @p1 [sflag:s20], $0x4000  }
0x115: {  	[sflag:s20] =	ssyncset.done @p1 $0x0  }
0x116: {  	s4 =	simm.s32 @p1 $0x1880;
	[sflag:s20] =	ssyncadd.s32 @p1 $0xFFFFC000  }
0x117: {  	[spmem:s1] =	stream.indirect.scatter.add.f32 @p1 [tilespmem:s7], [sflag:$0x4], $0x80, s4, s14, $0xb8;
	[tilespmem:$0x1ED78] =	vst v63  }
0x118: {  	s21 =	simm.s32 @!p1 $0x80;
	s22 =	simm.s32 @!p1 $0x2C00;
	s4 =	simm.s32 @!p1 $0x0  }
0x119: {  	[tilespmem:s22], [sflag:$0x1] =	stream.indirect.gather @!p1 [hbm4b:s24+s21], $0x80, s4, s21, $0xb8;
	[tilespmem:$0x1ED78] =	vst v63  }
0x11a: {  	s23 =	simm.s32 @!p1 $0x6C00;
	s25 =	simm.s32 @!p1 $0x1  }
0x11b: {  	[tilespmem:s23], [sflag:$0x2] =	stream.indirect.gather @!p1 [hbm4b:s24+s21], $0x80, s21, s21, $0xb8;
	[tilespmem:$0x1ED78] =	vst v63  }
0x11c: {  	_ =	swait.ge @!p1 [sflag:s25], $0x4000  }
0x11d: {  	[sflag:s25] =	ssyncset.done @!p1 $0x0  }
0x11e: {  	s4 =	simm.s32 @!p1 $0x1800;
	[sflag:s25] =	ssyncadd.s32 @!p1 $0xFFFFC000  }
0x11f: {  	[spmem:s1] =	stream.indirect.scatter.add.f32 @!p1 [tilespmem:s22], [sflag:$0x3], $0x80, s4, s21, $0xb8;
	[tilespmem:$0x1ED78] =	vst v63  }
0x120: {  	s26 =	simm.s32 @!p1 $0xAE80  }
0x121: {  	[spmem:s2] =	stream.indirect.scatter.add.f32 @!p1 [tilespmem:s26], [sflag:$0x5], $0x1, s4, s21, $0xb8;
	[tilespmem:$0x1ED78] =	vst v63  }
0x122: {  	s4 =	simm.s32 @!p1 $0x3  }
0x123: {  	_ =	swait.ge @!p1 [sflag:s4], $0x4000  }
0x124: {  	[sflag:s4] =	ssyncset.done @!p1 $0x0  }
0x125: {  	s28 =	simm.s32 @!p1 $0x5;
	[sflag:s4] =	ssyncadd.s32 @!p1 $0xFFFFC000  }
0x126: {  	_ =	swait.ge @!p1 [sflag:s28], $0x80  }
0x127: {  	[sflag:s28] =	ssyncset.done @!p1 $0x0  }
0x128: {  	s8 =	simm.s32 @!p1 $0x100;
	s29 =	simm.s32 @!p1 $0x2;
	[sflag:s28] =	ssyncadd.s32 @!p1 $0xFFFFFF80  }
0x129: {  	[tilespmem:s22], [sflag:$0x1] =	stream.indirect.gather @!p1 [hbm4b:s24+s21], $0x80, s8, s21, $0xb8;
	[tilespmem:$0x1ED78] =	vst v63  }
0x12a: {  	_ =	swait.ge @!p1 [sflag:s29], $0x4000  }
0x12b: {  	[sflag:s29] =	ssyncset.done @!p1 $0x0  }
0x12c: {  	s8 =	simm.s32 @!p1 $0x1880;
	[sflag:s29] =	ssyncadd.s32 @!p1 $0xFFFFC000  }
0x12d: {  	[spmem:s1] =	stream.indirect.scatter.add.f32 @!p1 [tilespmem:s23], [sflag:$0x4], $0x80, s8, s21, $0xb8;
	[tilespmem:$0x1ED78] =	vst v63  }
0x12e: {  	_ = 	snop  }
0x12f: {  	[spmem:s2] =	stream.indirect.scatter.add.f32 @!p1 [tilespmem:s26], [sflag:$0x6], $0x1, s8, s21, $0xb8;
	[tilespmem:$0x1ED78] =	vst v63  }
0x130: {  	_ =	swait.ge [sflag:s6], $0x4000  }
0x131: {  	[sflag:s6] =	ssyncset.done $0x0  }
0x132: {  	s8 =	simm.s32 @p1 $0x180;
	[sflag:s6] =	ssyncadd.s32 $0xFFFFC000  }
0x133: {  	[tilespmem:s7], [sflag:$0x2] =	stream.indirect.gather @p1 [hbm4b:s5+s14], $0x80, s8, s14, $0xb8;
	[tilespmem:$0x1ED78] =	vst v63  }
0x134: {  	_ =	swait.ge @p1 [sflag:s18], $0x4000  }
0x135: {  	[sflag:s18] =	ssyncset.done @p1 $0x0  }
0x136: {  	s8 =	simm.s32 @p1 $0x1900;
	[sflag:s18] =	ssyncadd.s32 @p1 $0xFFFFC000  }
0x137: {  	[spmem:s1] =	stream.indirect.scatter.add.f32 @p1 [tilespmem:s15], [sflag:$0x3], $0x80, s8, s14, $0xb8;
	[tilespmem:$0x1ED78] =	vst v63  }
0x138: {  	_ =	swait.ge @p1 [sflag:s19], $0x4000  }
0x139: {  	[sflag:s19] =	ssyncset.done @p1 $0x0  }
0x13a: {  	s8 =	simm.s32 @p1 $0x200;
	[sflag:s19] =	ssyncadd.s32 @p1 $0xFFFFC000  }
0x13b: {  	[tilespmem:s15], [sflag:$0x1] =	stream.indirect.gather @p1 [hbm4b:s5+s14], $0x80, s8, s14, $0xb8;
	[tilespmem:$0x1ED78] =	vst v63  }
0x13c: {  	_ =	swait.ge @p1 [sflag:s20], $0x4000  }
0x13d: {  	[sflag:s20] =	ssyncset.done @p1 $0x0  }
0x13e: {  	s30 =	simm.s32 @!p1 $0x6;
	s8 =	simm.s32 @p1 $0x1980;
	[sflag:s20] =	ssyncadd.s32 @p1 $0xFFFFC000  }
0x13f: {  	[spmem:s1] =	stream.indirect.scatter.add.f32 @p1 [tilespmem:s7], [sflag:$0x4], $0x80, s8, s14, $0xb8;
	[tilespmem:$0x1ED78] =	vst v63  }
0x140: {  	_ =	swait.ge @!p1 [sflag:s30], $0x80  }
0x141: {  	[sflag:s30] =	ssyncset.done @!p1 $0x0  }
0x142: {  	s8 =	simm.s32 @!p1 $0x180;
	[sflag:s30] =	ssyncadd.s32 @!p1 $0xFFFFFF80  }
0x143: {  	[tilespmem:s23], [sflag:$0x2] =	stream.indirect.gather @!p1 [hbm4b:s24+s21], $0x80, s8, s21, $0xb8;
	[tilespmem:$0x1ED78] =	vst v63  }
0x144: {  	_ =	swait.ge @!p1 [sflag:s25], $0x4000  }
0x145: {  	[sflag:s25] =	ssyncset.done @!p1 $0x0  }
0x146: {  	s8 =	simm.s32 @!p1 $0x1900;
	[sflag:s25] =	ssyncadd.s32 @!p1 $0xFFFFC000  }
0x147: {  	[spmem:s1] =	stream.indirect.scatter.add.f32 @!p1 [tilespmem:s22], [sflag:$0x3], $0x80, s8, s21, $0xb8;
	[tilespmem:$0x1ED78] =	vst v63  }
0x148: {  	_ = 	snop  }
0x149: {  	[spmem:s2] =	stream.indirect.scatter.add.f32 @!p1 [tilespmem:s26], [sflag:$0x5], $0x1, s8, s21, $0xb8;
	[tilespmem:$0x1ED78] =	vst v63  }
0x14a: {  	_ =	swait.ge @!p1 [sflag:s4], $0x4000  }
0x14b: {  	[sflag:s4] =	ssyncset.done @!p1 $0x0  }
0x14c: {  	[sflag:s4] =	ssyncadd.s32 @!p1 $0xFFFFC000  }
0x14d: {  	_ =	swait.ge @!p1 [sflag:s28], $0x80  }
0x14e: {  	[sflag:s28] =	ssyncset.done @!p1 $0x0  }
0x14f: {  	s8 =	simm.s32 @!p1 $0x200;
	[sflag:s28] =	ssyncadd.s32 @!p1 $0xFFFFFF80  }
0x150: {  	[tilespmem:s22], [sflag:$0x1] =	stream.indirect.gather @!p1 [hbm4b:s24+s21], $0x80, s8, s21, $0xb8;
	[tilespmem:$0x1ED78] =	vst v63  }
0x151: {  	_ =	swait.ge @!p1 [sflag:s29], $0x4000  }
0x152: {  	[sflag:s29] =	ssyncset.done @!p1 $0x0  }
0x153: {  	s9 =	simm.s32 @!p1 $0x1980;
	s8 =	simm.s32 $0xFFFFB800;
	[sflag:s29] =	ssyncadd.s32 @!p1 $0xFFFFC000  }
0x154: {  	[spmem:s1] =	stream.indirect.scatter.add.f32 @!p1 [tilespmem:s23], [sflag:$0x4], $0x80, s9, s21, $0xb8;
	[tilespmem:$0x1ED78] =	vst v63  }
.LBB2_6:
0x155: {  	[spmem:s2] =	stream.indirect.scatter.add.f32 @!p1 [tilespmem:s26], [sflag:$0x6], $0x1, s9, s21, $0xb8;
	[tilespmem:$0x1ED78] =	vst v63  }
0x156: {  	s9 =	smov.u32 s8;
	s8 =	sadd.s32 $0x400, s8;
	_ =	swait.ge [sflag:s6], $0x4000  }
0x157: {  	s10 =	sshra.s32 @p1 s9, $0x2;
	p6 =	sne.s32 s8, $0x0;
	[sflag:s6] =	ssyncset.done $0x0  }
0x158: {  	s11 =	sadd.s32 @p1 $0x1480, s10;
	[sflag:s6] =	ssyncadd.s32 $0xFFFFC000  }
0x159: {  	[tilespmem:s7], [sflag:$0x2] =	stream.indirect.gather @p1 [hbm4b:s5+s14], $0x80, s11, s14, $0xb8;
	[tilespmem:$0x1ED78] =	vst v63  }
0x15a: {  	_ =	swait.ge @p1 [sflag:s18], $0x4000  }
0x15b: {  	[sflag:s18] =	ssyncset.done @p1 $0x0  }
0x15c: {  	s11 =	sadd.s32 @p1 $0x2C00, s10;
	[sflag:s18] =	ssyncadd.s32 @p1 $0xFFFFC000  }
0x15d: {  	[spmem:s1] =	stream.indirect.scatter.add.f32 @p1 [tilespmem:s15], [sflag:$0x3], $0x80, s11, s14, $0xb8;
	[tilespmem:$0x1ED78] =	vst v63  }
0x15e: {  	_ =	swait.ge @p1 [sflag:s19], $0x4000  }
0x15f: {  	[sflag:s19] =	ssyncset.done @p1 $0x0  }
0x160: {  	s11 =	sadd.s32 @p1 $0x1500, s10;
	[sflag:s19] =	ssyncadd.s32 @p1 $0xFFFFC000  }
0x161: {  	[tilespmem:s15], [sflag:$0x1] =	stream.indirect.gather @p1 [hbm4b:s5+s14], $0x80, s11, s14, $0xb8;
	[tilespmem:$0x1ED78] =	vst v63  }
0x162: {  	_ =	swait.ge @p1 [sflag:s20], $0x4000  }
0x163: {  	[sflag:s20] =	ssyncset.done @p1 $0x0  }
0x164: {  	s10 =	sadd.s32 @p1 $0x2C80, s10;
	[sflag:s20] =	ssyncadd.s32 @p1 $0xFFFFC000  }
0x165: {  	[spmem:s1] =	stream.indirect.scatter.add.f32 @p1 [tilespmem:s7], [sflag:$0x4], $0x80, s10, s14, $0xb8;
	[tilespmem:$0x1ED78] =	vst v63  }
0x166: {  	_ =	swait.ge @!p1 [sflag:s30], $0x80  }
0x167: {  	s9 =	sshra.s32 @!p1 s9, $0x2;
	[sflag:s30] =	ssyncset.done @!p1 $0x0  }
0x168: {  	s10 =	sadd.s32 @!p1 $0x1480, s9;
	[sflag:s30] =	ssyncadd.s32 @!p1 $0xFFFFFF80  }
0x169: {  	[tilespmem:s23], [sflag:$0x2] =	stream.indirect.gather @!p1 [hbm4b:s24+s21], $0x80, s10, s21, $0xb8;
	[tilespmem:$0x1ED78] =	vst v63  }
0x16a: {  	_ =	swait.ge @!p1 [sflag:s25], $0x4000  }
0x16b: {  	[sflag:s25] =	ssyncset.done @!p1 $0x0  }
0x16c: {  	s10 =	sadd.s32 @!p1 $0x2C00, s9;
	[sflag:s25] =	ssyncadd.s32 @!p1 $0xFFFFC000  }
0x16d: {  	[spmem:s1] =	stream.indirect.scatter.add.f32 @!p1 [tilespmem:s22], [sflag:$0x3], $0x80, s10, s21, $0xb8;
	[tilespmem:$0x1ED78] =	vst v63  }
0x16e: {  	_ = 	snop  }
0x16f: {  	[spmem:s2] =	stream.indirect.scatter.add.f32 @!p1 [tilespmem:s26], [sflag:$0x5], $0x1, s10, s21, $0xb8;
	[tilespmem:$0x1ED78] =	vst v63  }
0x170: {  	_ =	swait.ge @!p1 [sflag:s4], $0x4000  }
0x171: {  	[sflag:s4] =	ssyncset.done @!p1 $0x0  }
0x172: {  	[sflag:s4] =	ssyncadd.s32 @!p1 $0xFFFFC000  }
0x173: {  	_ =	swait.ge @!p1 [sflag:s28], $0x80  }
0x174: {  	[sflag:s28] =	ssyncset.done @!p1 $0x0  }
0x175: {  	s10 =	sadd.s32 @!p1 $0x1500, s9;
	[sflag:s28] =	ssyncadd.s32 @!p1 $0xFFFFFF80  }
0x176: {  	[tilespmem:s22], [sflag:$0x1] =	stream.indirect.gather @!p1 [hbm4b:s24+s21], $0x80, s10, s21, $0xb8;
	[tilespmem:$0x1ED78] =	vst v63  }
.Ltmp2:
0x177: {  	_ = 	snop;
	(pc) =	sbr.rel @p6 .LBB2_6-.Ltmp2, $4  }
0x178: {  	_ =	swait.ge @!p1 [sflag:s29], $0x4000  }
0x179: {  	[sflag:s29] =	ssyncset.done @!p1 $0x0  }
0x17a: {  	s9 =	sadd.s32 @!p1 $0x2C80, s9;
	[sflag:s29] =	ssyncadd.s32 @!p1 $0xFFFFC000  }
0x17b: {  	[spmem:s1] =	stream.indirect.scatter.add.f32 @!p1 [tilespmem:s23], [sflag:$0x4], $0x80, s9, s21, $0xb8;
	[tilespmem:$0x1ED78] =	vst v63  }
0x17c: {  	[spmem:s2] =	stream.indirect.scatter.add.f32 @!p1 [tilespmem:s26], [sflag:$0x6], $0x1, s9, s21, $0xb8;
	[tilespmem:$0x1ED78] =	vst v63  }
0x17d: {  	_ =	swait.ge [sflag:s12], $0x4000  }
0x17e: {  	[sflag:s12] =	ssyncset.done $0x0  }
0x17f: {  	[sflag:s12] =	ssyncadd.s32 $0xFFFFC000  }
0x180: {  	_ =	swait.ge [sflag:s6], $0x4000  }
0x181: {  	[sflag:s6] =	ssyncset.done $0x0  }
0x182: {  	[sflag:s6] =	ssyncadd.s32 $0xFFFFC000  }
0x183: {  	_ =	swait.ge @!p1 [sflag:s30], $0x80  }
0x184: {  	[sflag:s30] =	ssyncset.done @!p1 $0x0  }
0x185: {  	[sflag:s30] =	ssyncadd.s32 @!p1 $0xFFFFFF80  }
0x186: {  	[bflag:$0x0] =	sbarrier.arrive $0xFFFF  }
0x187: {  	s22 =	rddreg [dreg:$0x6]  }
0x188: {  	[tilespmem:s31], [sflag:$0x7] =	stream.linear.gather [spmem:s22], $0x4000, $0x38;
	[tilespmem:$0x1ED78] =	vst v63  }
0x189: {  	s4 =	rddreg [dreg:$0x5];
	_ =	swait.ge [sflag:s0], $0x4000  }
0x18a: {  	s7 =	rddreg [dreg:$0x4]  }
0x18b: {  	[sflag:s0] =	ssyncset.done $0x0;
	s25 =	rddreg [dreg:$0x18];
	s4 =	smov.u32 @p1 s7  }
0x18c: {  	[sflag:s0] =	ssyncadd.s32 $0xFFFFC000;
	s7 =	sadd.s32 s4, s25  }
0x18d: {  	[hbm4b:s7+s3] =	stream.linear.scatter [tilespmem:s31], [sflag:$0x7], $0x4000, $0x38;
	[tilespmem:$0x1ED78] =	vst v63  }
0x18e: {  	_ =	swait.ge [sflag:s0], $0x4000  }
0x18f: {  	[sflag:s0] =	ssyncset.done $0x0  }
0x190: {  	s23 =	rddreg [dreg:$0x7];
	[sflag:s0] =	ssyncadd.s32 $0xFFFFC000  }
0x191: {  	[tilespmem:s31], [sflag:$0x7] =	stream.linear.gather [spmem:s23], $0x4000, $0x38;
	[tilespmem:$0x1ED78] =	vst v63  }
0x192: {  	_ =	swait.ge [sflag:s0], $0x4000  }
0x193: {  	[sflag:s0] =	ssyncset.done $0x0;
	s26 =	rddreg [dreg:$0xe]  }
0x194: {  	[sflag:s0] =	ssyncadd.s32 $0xFFFFC000;
	s7 =	sadd.s32 s4, s26  }
0x195: {  	[hbm4b:s7+s3] =	stream.linear.scatter [tilespmem:s31], [sflag:$0x7], $0x4000, $0x38;
	[tilespmem:$0x1ED78] =	vst v63  }
0x196: {  	_ =	swait.ge [sflag:s0], $0x4000  }
0x197: {  	[sflag:s0] =	ssyncset.done $0x0  }
0x198: {  	s10 =	rddreg [dreg:$0x8];
	[sflag:s0] =	ssyncadd.s32 $0xFFFFC000  }
0x199: {  	[tilespmem:s31], [sflag:$0x7] =	stream.linear.gather [spmem:s10], $0x4000, $0x38;
	[tilespmem:$0x1ED78] =	vst v63  }
0x19a: {  	_ =	swait.ge [sflag:s0], $0x4000  }
0x19b: {  	[sflag:s0] =	ssyncset.done $0x0;
	s28 =	rddreg [dreg:$0xf]  }
0x19c: {  	[sflag:s0] =	ssyncadd.s32 $0xFFFFC000;
	s7 =	sadd.s32 s4, s28  }
0x19d: {  	[hbm4b:s7+s3] =	stream.linear.scatter [tilespmem:s31], [sflag:$0x7], $0x4000, $0x38;
	[tilespmem:$0x1ED78] =	vst v63  }
0x19e: {  	_ =	swait.ge [sflag:s0], $0x4000  }
0x19f: {  	[sflag:s0] =	ssyncset.done $0x0  }
0x1a0: {  	s11 =	rddreg [dreg:$0x9];
	[sflag:s0] =	ssyncadd.s32 $0xFFFFC000  }
0x1a1: {  	[tilespmem:s31], [sflag:$0x7] =	stream.linear.gather [spmem:s11], $0x4000, $0x38;
	[tilespmem:$0x1ED78] =	vst v63  }
0x1a2: {  	_ =	swait.ge [sflag:s0], $0x4000  }
0x1a3: {  	[sflag:s0] =	ssyncset.done $0x0;
	s29 =	rddreg [dreg:$0x10]  }
0x1a4: {  	[sflag:s0] =	ssyncadd.s32 $0xFFFFC000;
	s4 =	sadd.s32 s4, s29  }
0x1a5: {  	[hbm4b:s4+s3] =	stream.linear.scatter [tilespmem:s31], [sflag:$0x7], $0x4000, $0x38;
	[tilespmem:$0x1ED78] =	vst v63  }
0x1a6: {  	_ =	swait.ge [sflag:s0], $0x4000  }
0x1a7: {  	[sflag:s0] =	ssyncset.done $0x0  }
0x1a8: {  	s4 =	simm.s32 @p0 $0x2C00;
	[sflag:s0] =	ssyncadd.s32 $0xFFFFC000  }
0x1a9: {  	[tilespmem:s4], [sflag:$0x7] =	stream.linear.gather @p0 [spmem:s16], $0x400, $0x38;
	[tilespmem:$0x1ED78] =	vst v63  }
0x1aa: {  	s4 =	simm.s32 @p0 $0x7  }
0x1ab: {  	_ =	swait.ge @p0 [sflag:s4], $0x400  }
0x1ac: {  	s7 =	simm.s32 @!p2 $0x2C00;
	[sflag:s4] =	ssyncset.done @p0 $0x0  }
0x1ad: {  	s8 =	rddreg [dreg:$0x14];
	[sflag:s4] =	ssyncadd.s32 @p0 $0xFFFFFC00;
	s4 =	simm.s32 @!p2 $0x0  }
0x1ae: {  	[hbm4b:s8+s4] =	stream.linear.scatter @!p2 [tilespmem:s7], [sflag:$0x7], $0x400, $0x38;
	[tilespmem:$0x1ED78] =	vst v63  }
0x1af: {  	s7 =	simm.s32 @!p2 $0x7  }
0x1b0: {  	_ =	swait.ge @!p2 [sflag:s7], $0x400  }
0x1b1: {  	[sflag:s7] =	ssyncset.done @!p2 $0x0  }
0x1b2: {  	s8 =	simm.s32 @!p2 $0xAC00;
	[sflag:s7] =	ssyncadd.s32 @!p2 $0xFFFFFC00  }
0x1b3: {  	[tilespmem:s8], [sflag:$0x7] =	stream.linear.gather @!p2 [spmem:s17], $0x208, $0x38;
	[tilespmem:$0x1ED78] =	vst v63  }
0x1b4: {  	_ =	swait.ge @!p2 [sflag:s7], $0x208  }
0x1b5: {  	[sflag:s7] =	ssyncset.done @!p2 $0x0  }
0x1b6: {  	s9 =	rddreg [dreg:$0x15];
	[sflag:s7] =	ssyncadd.s32 @!p2 $0xFFFFFDF8  }
0x1b7: {  	[hbm4b:s9+s4] =	stream.linear.scatter @!p2 [tilespmem:s8], [sflag:$0x7], $0x208, $0x38;
	[tilespmem:$0x1ED78] =	vst v63  }
0x1b8: {  	_ =	swait.ge @!p2 [sflag:s7], $0x208  }
0x1b9: {  	s4 =	simm.s32 @!p3 $0x0;
	[sflag:s7] =	ssyncset.done @!p2 $0x0  }
0x1ba: {  	s8 =	rddreg [dreg:$0x16];
	[sflag:s7] =	ssyncadd.s32 @!p2 $0xFFFFFDF8;
	s7 =	simm.s32 @!p3 $0x2C00  }
0x1bb: {  	[hbm4b:s8+s4] =	stream.linear.scatter @!p3 [tilespmem:s7], [sflag:$0x7], $0x400, $0x38;
	[tilespmem:$0x1ED78] =	vst v63  }
0x1bc: {  	s4 =	simm.s32 @!p3 $0x7  }
0x1bd: {  	_ =	swait.ge @!p3 [sflag:s4], $0x400  }
0x1be: {  	[sflag:s4] =	ssyncset.done @!p3 $0x0  }
0x1bf: {  	[sflag:s4] =	ssyncadd.s32 @!p3 $0xFFFFFC00;
	s4 =	simm.s32 @!p0 $0x2C00  }
0x1c0: {  	[tilespmem:s4], [sflag:$0x7] =	stream.linear.gather @!p0 [spmem:s16], $0x3C00, $0x38;
	[tilespmem:$0x1ED78] =	vst v63  }
0x1c1: {  	s4 =	simm.s32 @!p0 $0x7  }
0x1c2: {  	_ =	swait.ge @!p0 [sflag:s4], $0x3C00  }
0x1c3: {  	s7 =	simm.s32 @!p4 $0x2C00;
	[sflag:s4] =	ssyncset.done @!p0 $0x0  }
0x1c4: {  	s8 =	rddreg [dreg:$0x11];
	[sflag:s4] =	ssyncadd.s32 @!p0 $0xFFFFC400;
	s4 =	simm.s32 @!p4 $0x0  }
0x1c5: {  	[hbm4b:s8+s4] =	stream.linear.scatter @!p4 [tilespmem:s7], [sflag:$0x7], $0x3C00, $0x38;
	[tilespmem:$0x1ED78] =	vst v63  }
0x1c6: {  	s7 =	simm.s32 @!p4 $0x7  }
0x1c7: {  	_ =	swait.ge @!p4 [sflag:s7], $0x3C00  }
0x1c8: {  	[sflag:s7] =	ssyncset.done @!p4 $0x0  }
0x1c9: {  	s8 =	simm.s32 @!p4 $0xAC00;
	[sflag:s7] =	ssyncadd.s32 @!p4 $0xFFFFC400  }
0x1ca: {  	[tilespmem:s8], [sflag:$0x7] =	stream.linear.gather @!p4 [spmem:s17], $0x278, $0x38;
	[tilespmem:$0x1ED78] =	vst v63  }
0x1cb: {  	_ =	swait.ge @!p4 [sflag:s7], $0x278  }
0x1cc: {  	[sflag:s7] =	ssyncset.done @!p4 $0x0  }
0x1cd: {  	s9 =	rddreg [dreg:$0x12];
	[sflag:s7] =	ssyncadd.s32 @!p4 $0xFFFFFD88  }
0x1ce: {  	[hbm4b:s9+s4] =	stream.linear.scatter @!p4 [tilespmem:s8], [sflag:$0x7], $0x278, $0x38;
	[tilespmem:$0x1ED78] =	vst v63  }
0x1cf: {  	_ =	swait.ge @!p4 [sflag:s7], $0x278  }
0x1d0: {  	s4 =	simm.s32 @!p5 $0x0;
	[sflag:s7] =	ssyncset.done @!p4 $0x0  }
0x1d1: {  	s8 =	rddreg [dreg:$0x13];
	[sflag:s7] =	ssyncadd.s32 @!p4 $0xFFFFFD88;
	s7 =	simm.s32 @!p5 $0x2C00  }
0x1d2: {  	[hbm4b:s8+s4] =	stream.linear.scatter @!p5 [tilespmem:s7], [sflag:$0x7], $0x3C00, $0x38;
	[tilespmem:$0x1ED78] =	vst v63  }
0x1d3: {  	s4 =	simm.s32 @!p5 $0x7  }
0x1d4: {  	_ =	swait.ge @!p5 [sflag:s4], $0x3C00  }
0x1d5: {  	s13 =	sadd.s32 $0x1, s13;
	s30 =	rddreg [dreg:$0x17]  }
0x1d6: {  	p6 =	sne.s32 s13, s30  }
.Ltmp3:
0x1d7: {  	_ = 	snop;
	(pc) =	sbr.rel @p6 .LBB2_1-.Ltmp3, $3  }
0x1d8: {  	_ =	sdelay $0x1  }
0x1d9: {  	[sflag:s4] =	ssyncset.done @!p5 $0x0  }
0x1da: {  	[sflag:s4] =	ssyncadd.s32 @!p5 $0xFFFFC400  }
0x1db: {  	_ =	sfence.sel $0x180000  }
0x1dc: {  	[bflag:$0x0] =	sbarrier.arrive $0xFFFF  }
0x1dd: {  	_ =	strace $0x90000047  }
0x1de: {  	s0 =	stileid.u32;
	[bflag:$0x2] =	sbarrier.arrive $0xFFFF  }
0x1df: {  	p0 =	sne.s32 s0, $0x0;
	s0 =	rddreg [dreg:$0x3]  }
0x1e0: {  	s0 =	sadd.s32 @!p0 $0x100000, s0  }
0x1e1: {  	[sflag:s0] =	ssyncadd.tile.s32 @!p0 $0x1;
	_ =	shalt  }
.Lfunc_end2:
_tile_overlayer_lowered:
.L_overlay_start_2:
0x1e2: {  	(tag) =	ssettag $0x2  }
0x1e3: {  	s0 =	rddreg [dreg:$0x0];
	s2 =	stileid.u32  }
0x1e4: {  	s1 =	rddreg [dreg:$0x1];
	p0 =	sne.s32 s2, $0x0  }
0x1e5: {  	s3 =	rddreg [dreg:$0x2];
	[bflag:$0x3] =	sbarrier.arrive $0xFFFF;
	s2 =	simm.s32 @!p0 $0x1C07  }
0x1e6: {  	[timem:s3], [sflag:s2] =	dma.local @!p0 [hbm:s0], s1  }
0x1e7: {  	s0 =	simm.s32 @!p0 $0x7  }
0x1e8: {  	_ =	swait.ge @!p0 [sflag:s0], s1  }
0x1e9: {  	s1 =	ssub.s32 @!p0 $0x0, s1;
	[sflag:s0] =	ssyncset.done @!p0 $0x0  }
0x1ea: {  	[sflag:s0] =	ssyncadd.s32 @!p0 s1  }
0x1eb: {  	[bflag:$0x3] =	sbarrier.arrive $0xFFFF  }
0x1ec: {  	_ =	shalt  }

</sc_bundles>
